<compile_context>
chip_gen: v7x
topology: tpu7x:2x2x1
jax: 0.10.2.dev20260603
libtpu: 0.0.44.dev20260713+nightly
codegen_flags: <defaults>
</compile_context>

<pallas_src>
import functools

import jax
import jax.numpy as jnp
from jax import lax
from jax.experimental import pallas as pl
from jax.experimental.pallas import tpu as pltpu
from jax.experimental.pallas import tpu_sc as plsc

N = 10000
E = 320000
D = 128
D2 = 2 * D

NC = 2
NS = 16
NW = NC * NS
_SPLITS = ((0, 168960), (168960, 151040))
CH = 80
_RING = 4
NPAD = 10240
RPT = NPAD // NS


@functools.lru_cache(maxsize=None)
def _mesh():
    return plsc.VectorSubcoreMesh(
        core_axis_name="c", subcore_axis_name="s",
        num_cores=NC, num_subcores=NS)


def _sigmoid(v):
    return 1.0 / (1.0 + jnp.exp(-v))


def _softplus(v):
    return jnp.maximum(v, 0.0) + jnp.log(1.0 + jnp.exp(-jnp.abs(v)))


def _pack2(v):
    lo = lax.bitcast_convert_type(v[:, :D].astype(jnp.bfloat16), jnp.uint16)
    hi = lax.bitcast_convert_type(v[:, D:].astype(jnp.bfloat16), jnp.uint16)
    w = lo.astype(jnp.uint32) | (hi.astype(jnp.uint32) << 16)
    return lax.bitcast_convert_type(w, jnp.int32)


_BN = 2000


def _pq_body(x_ref, ws_ref, wd_ref, b_ref, p_ref, q_ref):
    xb = x_ref[...]
    p = jnp.dot(xb, ws_ref[...],
                preferred_element_type=jnp.float32) + b_ref[...]
    q = jnp.dot(xb, wd_ref[...], preferred_element_type=jnp.float32)
    p_ref[...] = _pack2(p)
    q_ref[...] = _pack2(q)


def _pq_call(x, wsrc, wdst, b2):
    return pl.pallas_call(
        _pq_body,
        grid=(N // _BN,),
        in_specs=[
            pl.BlockSpec((_BN, D), lambda i: (i, 0)),
            pl.BlockSpec((D, D2), lambda i: (0, 0)),
            pl.BlockSpec((D, D2), lambda i: (0, 0)),
            pl.BlockSpec((1, D2), lambda i: (0, 0)),
        ],
        out_specs=[
            pl.BlockSpec((_BN, D), lambda i: (i, 0)),
            pl.BlockSpec((_BN, D), lambda i: (i, 0)),
        ],
        out_shape=[
            jax.ShapeDtypeStruct((N, D), jnp.int32),
            jax.ShapeDtypeStruct((N, D), jnp.int32),
        ],
    )(x, wsrc, wdst, b2)


def _ring_pipeline(nchunk, issue, wait_in, consume, wait_out):
    quads = nchunk // _RING
    tail = nchunk % _RING

    for b in range(_RING - 1):
        issue(b, b)

    def quad(i4, carry):
        for b in range(_RING):
            c = i4 * _RING + b
            tb = (b + _RING - 1) % _RING

            @pl.when(c >= 1)
            def _():
                wait_out(tb)

            @pl.when(c + (_RING - 1) < nchunk)
            def _():
                issue(c + (_RING - 1), tb)

            wait_in(b)
            consume(c, b)
        return carry

    lax.fori_loop(0, quads, quad, 0)

    for c in range(quads * _RING, nchunk):
        b = c % _RING
        wait_out((b + _RING - 1) % _RING)
        if c + (_RING - 1) < nchunk:
            issue(c + (_RING - 1), (b + _RING - 1) % _RING)
        wait_in(b)
        consume(c, b)

    wait_out((nchunk - 1) % _RING)


def _make_gather_body(e0, epw):
    nchunk = epw // CH

    def body(p_hbm, q_hbm, src_hbm, dst_hbm, gs_hbm, gd_hbm, *bufs):
        sidx, didx = bufs[0], bufs[1]
        pbs = bufs[2:2 + _RING]
        qbs = bufs[2 + _RING:2 + 2 * _RING]
        gsems = bufs[2 + 2 * _RING:2 + 3 * _RING]
        wsems = bufs[2 + 3 * _RING:2 + 4 * _RING]

        wid = lax.axis_index("s") * NC + lax.axis_index("c")
        lbase = wid * epw
        pltpu.sync_copy(src_hbm.at[pl.ds(e0 + lbase, epw)], sidx)
        pltpu.sync_copy(dst_hbm.at[pl.ds(e0 + lbase, epw)], didx)

        def issue(c, b):
            isl = pl.ds(c * CH, CH)
            pltpu.async_copy(p_hbm.at[sidx.at[isl]], pbs[b], gsems[b])
            pltpu.async_copy(q_hbm.at[didx.at[isl]], qbs[b], gsems[b])

        def wait_in(b):
            pltpu.make_async_copy(p_hbm.at[sidx.at[pl.ds(0, CH)]], pbs[b],
                                  gsems[b]).wait()
            pltpu.make_async_copy(q_hbm.at[didx.at[pl.ds(0, CH)]], qbs[b],
                                  gsems[b]).wait()

        def consume(c, b):
            osl = pl.ds(lbase + c * CH, CH)
            pltpu.async_copy(pbs[b], gs_hbm.at[osl], wsems[b])
            pltpu.async_copy(qbs[b], gd_hbm.at[osl], wsems[b])

        def wait_out(b):
            pltpu.make_async_copy(pbs[b], gs_hbm.at[pl.ds(0, CH)],
                                  wsems[b]).wait()
            pltpu.make_async_copy(qbs[b], gd_hbm.at[pl.ds(0, CH)],
                                  wsems[b]).wait()

        _ring_pipeline(nchunk, issue, wait_in, consume, wait_out)

    return body


@functools.lru_cache(maxsize=None)
def _gather_kernel(h):
    e0, esz = _SPLITS[h]
    return pl.kernel(
        _make_gather_body(e0, esz // NW),
        out_type=[
            jax.ShapeDtypeStruct((esz, D), jnp.int32),
            jax.ShapeDtypeStruct((esz, D), jnp.int32),
        ],
        mesh=_mesh(),
        scratch_types=(
            [pltpu.VMEM((esz // NW,), jnp.int32)] * 2
            + [pltpu.VMEM((CH, D), jnp.int32)] * (2 * _RING)
            + [pltpu.SemaphoreType.DMA] * (2 * _RING)
        ),
    )


_BE = 2560


def _edge_body(ea_ref, gs_ref, gd_ref, we_ref, m_ref):
    ll = jnp.dot(ea_ref[...], we_ref[...], preferred_element_type=jnp.float32)
    gs = gs_ref[...]
    gd = gd_ref[...]
    lf = (lax.bitcast_convert_type(gs << 16, jnp.float32)
          + lax.bitcast_convert_type(gd << 16, jnp.float32))
    ls = (lax.bitcast_convert_type(gs & jnp.int32(-65536), jnp.float32)
          + lax.bitcast_convert_type(gd & jnp.int32(-65536), jnp.float32))
    f = _sigmoid(ll[:, :D] + lf)
    s = _softplus(ll[:, D:] + ls)
    m_ref[...] = f * s


def _edge_call(ea, gs, gd, wea, h):
    e0, esz = _SPLITS[h]
    hoff = e0 // _BE
    return pl.pallas_call(
        _edge_body,
        grid=(esz // _BE,),
        in_specs=[
            pl.BlockSpec((_BE, D), lambda i: (i + hoff, 0)),
            pl.BlockSpec((_BE, D), lambda i: (i, 0)),
            pl.BlockSpec((_BE, D), lambda i: (i, 0)),
            pl.BlockSpec((D, D2), lambda i: (0, 0)),
        ],
        out_specs=pl.BlockSpec((_BE, D), lambda i: (i, 0)),
        out_shape=jax.ShapeDtypeStruct((esz, D), jnp.float32),
    )(ea, gs, gd, wea)


def _make_scatter_body(e0, epw):
    nchunk = epw // CH

    def body(m_hbm, src_hbm, out_hbm, *bufs):
        idxbs = bufs[:_RING]
        mbufs = bufs[_RING:2 * _RING]
        acc_sh = bufs[2 * _RING]
        lsems = bufs[2 * _RING + 1:3 * _RING + 1]
        ssems = bufs[3 * _RING + 1:4 * _RING + 1]

        cid = lax.axis_index("c")
        sid = lax.axis_index("s")
        wid = sid * NC + cid
        lbase = wid * epw

        def zrow(r, c):
            for j in range(D // 16):
                mbufs[0][r, pl.ds(j * 16, 16)] = jnp.zeros((16,), jnp.float32)
            return c

        lax.fori_loop(0, CH, zrow, 0)
        for t in range(RPT // CH):
            pltpu.sync_copy(mbufs[0],
                            acc_sh.at[pl.ds(sid * RPT + t * CH, CH)])
        plsc.subcore_barrier()

        def issue(c, b):
            pltpu.async_copy(m_hbm.at[pl.ds(lbase + c * CH, CH)],
                             mbufs[b], lsems[b])
            pltpu.async_copy(src_hbm.at[pl.ds(e0 + lbase + c * CH, CH)],
                             idxbs[b], lsems[b])

        def wait_in(b):
            pltpu.make_async_copy(m_hbm.at[pl.ds(0, CH)], mbufs[b],
                                  lsems[b]).wait()
            pltpu.make_async_copy(src_hbm.at[pl.ds(0, CH)], idxbs[b],
                                  lsems[b]).wait()

        def consume(c, b):
            pltpu.async_copy(mbufs[b], acc_sh.at[idxbs[b]], ssems[b],
                             add=True)

        def wait_out(b):
            pltpu.make_async_copy(mbufs[b], acc_sh.at[idxbs[b]],
                                  ssems[b]).wait()

        _ring_pipeline(nchunk, issue, wait_in, consume, wait_out)
        plsc.subcore_barrier()

        for t in range(RPT // CH):
            row0 = sid * RPT + t * CH
            pltpu.sync_copy(acc_sh.at[pl.ds(row0, CH)],
                            out_hbm.at[pl.ds(cid * NPAD + row0, CH)])

    return body


@functools.lru_cache(maxsize=None)
def _scatter_kernel(h):
    e0, esz = _SPLITS[h]
    return pl.kernel(
        _make_scatter_body(e0, esz // NW),
        out_type=jax.ShapeDtypeStruct((NC * NPAD, D), jnp.float32),
        mesh=_mesh(),
        scratch_types=(
            [pltpu.VMEM((CH,), jnp.int32)] * _RING
            + [pltpu.VMEM((CH, D), jnp.float32)] * _RING
            + [pltpu.VMEM_SHARED((NPAD, D), jnp.float32)]
            + [pltpu.SemaphoreType.DMA] * (2 * _RING)
        ),
    )


def _final_body(*args):
    mp_refs = args[:len(_SPLITS)]
    x_ref, gam_ref, bet_ref, o_ref = args[len(_SPLITS):]
    msg = mp_refs[0][0:N, :] + mp_refs[0][NPAD:NPAD + N, :]
    for mp in mp_refs[1:]:
        msg = msg + mp[0:N, :] + mp[NPAD:NPAD + N, :]
    mean = jnp.mean(msg, axis=0, keepdims=True)
    var = jnp.mean((msg - mean) ** 2, axis=0, keepdims=True)
    norm = (msg - mean) / jnp.sqrt(var + 1e-5) * gam_ref[...] + bet_ref[...]
    o_ref[...] = _softplus(x_ref[...] + norm)


def _final_call(mps, x, gamma, beta):
    return pl.pallas_call(
        _final_body,
        out_shape=jax.ShapeDtypeStruct((N, D), jnp.float32),
    )(*mps, x, gamma, beta)


def kernel(x, edge_attr, edge_source, edge_target, Wf, bf, Ws, bs, gamma, beta):
    src = edge_source.astype(jnp.int32)
    dst = edge_target.astype(jnp.int32)
    b2 = jnp.concatenate([bf, bs]).reshape(1, D2)
    wsrc = jnp.concatenate([Wf[:, :D].T, Ws[:, :D].T], axis=1)
    wdst = jnp.concatenate([Wf[:, D:2 * D].T, Ws[:, D:2 * D].T], axis=1)
    wea = jnp.concatenate([Wf[:, 2 * D:].T, Ws[:, 2 * D:].T], axis=1)

    p, q = _pq_call(x, wsrc, wdst, b2)
    mps = []
    gg = [_gather_kernel(h)(p, q, src, dst) for h in range(len(_SPLITS))]
    for h, (gs, gd) in enumerate(gg):
        m = _edge_call(edge_attr, gs, gd, wea, h)
        mps.append(_scatter_kernel(h)(m, src))
    return _final_call(mps, x, gamma.reshape(1, D), beta.reshape(1, D))

# --- scband reference (transcript-rebuilt; emitter-appended) ---
"""Pipeline reference for scband-node-convolution-7499012898889 (READ-ONLY COPY).

The authoritative reference and input builder live on the scoring server;
editing this copy changes nothing except your own understanding.
"""

import jax, jax.numpy as jnp
import numpy as np

N_NODES = 10000
N_EDGES = 320000
D = 128


def setup_inputs(seed: int = 0) -> dict:
    key = jax.random.key(seed)
    ks = jax.random.split(key, 10)
    x = jax.random.normal(ks[0], (N_NODES, D), dtype=jnp.float32)
    edge_attr = jax.random.normal(ks[1], (N_EDGES, D), dtype=jnp.float32)
    edge_source = jax.random.randint(ks[2], (N_EDGES,), 0, N_NODES, dtype=jnp.int64 if jax.config.jax_enable_x64 else jnp.int32)
    edge_target = jax.random.randint(ks[3], (N_EDGES,), 0, N_NODES, dtype=jnp.int64 if jax.config.jax_enable_x64 else jnp.int32)
    Wf = jax.random.normal(ks[4], (D, 3 * D), dtype=jnp.float32) * 0.05
    bf = jnp.zeros((D,), dtype=jnp.float32)
    Ws = jax.random.normal(ks[5], (D, 3 * D), dtype=jnp.float32) * 0.05
    bs = jnp.zeros((D,), dtype=jnp.float32)
    gamma = jnp.ones((D,), dtype=jnp.float32)
    beta = jnp.zeros((D,), dtype=jnp.float32)
    return {"x": x, "edge_attr": edge_attr, "edge_source": edge_source, "edge_target": edge_target, "Wf": Wf, "bf": bf, "Ws": Ws, "bs": bs, "gamma": gamma, "beta": beta}


def reference(x, edge_attr, edge_source, edge_target, Wf, bf, Ws, bs, gamma, beta):
    # z = cat([x[src], x[dst], edge_attr], dim=-1)  -> gather (SparseCore)
    z = jnp.concatenate([jnp.take(x, edge_source, axis=0), jnp.take(x, edge_target, axis=0), edge_attr], axis=-1)
    f = jax.nn.sigmoid(z @ Wf.T + bf)
    s = jax.nn.softplus(z @ Ws.T + bs)
    # scatter_sum over edge_source -> segment_sum (SparseCore scatter-add)
    message = jax.ops.segment_sum(f * s, edge_source, num_segments=x.shape[0])
    # BatchNorm1d in training mode: normalize with batch statistics (biased variance)
    mean = jnp.mean(message, axis=0)
    var = jnp.var(message, axis=0)
    message = (message - mean) / jnp.sqrt(var + 1e-5) * gamma + beta
    out = jax.nn.softplus(x + message)
    return out

if __name__ == "__main__":
    import jax
    _d = setup_inputs()
    print(jax.jit(kernel)(*tuple(_d.values())))

</pallas_src>

<mosaic_0001>
#map = affine_map<(d0, d1) -> (0, 0)>
#map1 = affine_map<(d0, d1) -> (0)>
module attributes {stable_mosaic.version = 14 : i64} {
  func.func @body(%arg0: i32, %arg1: i32, %arg2: memref<10000x128xi32, #tpu.memory_space<hbm>>, %arg3: memref<10000x128xi32, #tpu.memory_space<hbm>>, %arg4: memref<320000xi32, #tpu.memory_space<hbm>>, %arg5: memref<320000xi32, #tpu.memory_space<hbm>>, %arg6: memref<151040x128xi32, #tpu.memory_space<hbm>>, %arg7: memref<151040x128xi32, #tpu.memory_space<hbm>>, %arg8: memref<4720xi32, #tpu.memory_space<vmem>>, %arg9: memref<4720xi32, #tpu.memory_space<vmem>>, %arg10: memref<80x128xi32, #tpu.memory_space<vmem>>, %arg11: memref<80x128xi32, #tpu.memory_space<vmem>>, %arg12: memref<80x128xi32, #tpu.memory_space<vmem>>, %arg13: memref<80x128xi32, #tpu.memory_space<vmem>>, %arg14: memref<80x128xi32, #tpu.memory_space<vmem>>, %arg15: memref<80x128xi32, #tpu.memory_space<vmem>>, %arg16: memref<80x128xi32, #tpu.memory_space<vmem>>, %arg17: memref<80x128xi32, #tpu.memory_space<vmem>>, %arg18: memref<!tpu.dma_semaphore, #tpu.memory_space<semaphore_mem>>, %arg19: memref<!tpu.dma_semaphore, #tpu.memory_space<semaphore_mem>>, %arg20: memref<!tpu.dma_semaphore, #tpu.memory_space<semaphore_mem>>, %arg21: memref<!tpu.dma_semaphore, #tpu.memory_space<semaphore_mem>>, %arg22: memref<!tpu.dma_semaphore, #tpu.memory_space<semaphore_mem>>, %arg23: memref<!tpu.dma_semaphore, #tpu.memory_space<semaphore_mem>>, %arg24: memref<!tpu.dma_semaphore, #tpu.memory_space<semaphore_mem>>, %arg25: memref<!tpu.dma_semaphore, #tpu.memory_space<semaphore_mem>>) attributes {dimension_semantics = [#tpu.dimension_semantics<core_parallel>, #tpu.dimension_semantics<subcore_parallel>], iteration_bounds = array<i64: 2, 16>, scalar_prefetch = 0 : i64, scratch_operands = 18 : i64, tpu.core_type = #tpu.core_type<sc_vector_subcore>, window_params = [{transform_indices = #map}, {transform_indices = #map}, {transform_indices = #map1}, {transform_indices = #map1}, {transform_indices = #map}, {transform_indices = #map}]} {
    %mul3A = arith.constant 2 : i32
    %mul3A_0 = arith.muli %arg1, %mul3A : i32
    %add3A = arith.addi %mul3A_0, %arg0 : i32
    %mul3A_1 = arith.constant 4720 : i32
    %mul3A_2 = arith.muli %add3A, %mul3A_1 : i32
    %add3A_3 = arith.constant 168960 : i32
    %add3A_4 = arith.addi %add3A_3, %mul3A_2 : i32
    "tpu.region"() ({
      %run_scoped3A = tpu.sem_alloc : memref<!tpu.dma_semaphore, #tpu.memory_space<semaphore_mem>>
      %dma_start3A_148 = tpu.memref_slice %arg4[%add3A_4] : memref<320000xi32, #tpu.memory_space<hbm>> -> memref<4720xi32, #tpu.memory_space<hbm>>
      %dma_start3A_149 = tpu.memref_slice %arg4[%add3A_4] : memref<320000xi32, #tpu.memory_space<hbm>> -> memref<4720xi32, #tpu.memory_space<hbm>>
      tpu.enqueue_dma source(%dma_start3A_149 : memref<4720xi32, #tpu.memory_space<hbm>>) target(%arg8 : memref<4720xi32, #tpu.memory_space<vmem>>) target_semaphore(%run_scoped3A : memref<!tpu.dma_semaphore, #tpu.memory_space<semaphore_mem>>)
      %dma_wait3A_150 = tpu.memref_slice %arg4[%add3A_4] : memref<320000xi32, #tpu.memory_space<hbm>> -> memref<4720xi32, #tpu.memory_space<hbm>>
      %dma_wait3A_151 = tpu.memref_slice %arg4[%add3A_4] : memref<320000xi32, #tpu.memory_space<hbm>> -> memref<4720xi32, #tpu.memory_space<hbm>>
      tpu.wait_dma2 semaphore(%run_scoped3A : memref<!tpu.dma_semaphore, #tpu.memory_space<semaphore_mem>>) src(%dma_wait3A_151 : memref<4720xi32, #tpu.memory_space<hbm>>) dst(%arg8 : memref<4720xi32, #tpu.memory_space<vmem>>)
      tpu.yield
    }) : () -> ()
    %add3A_5 = arith.constant 168960 : i32
    %add3A_6 = arith.addi %add3A_5, %mul3A_2 : i32
    "tpu.region"() ({
      %run_scoped3A = tpu.sem_alloc : memref<!tpu.dma_semaphore, #tpu.memory_space<semaphore_mem>>
      %dma_start3A_148 = tpu.memref_slice %arg5[%add3A_6] : memref<320000xi32, #tpu.memory_space<hbm>> -> memref<4720xi32, #tpu.memory_space<hbm>>
      %dma_start3A_149 = tpu.memref_slice %arg5[%add3A_6] : memref<320000xi32, #tpu.memory_space<hbm>> -> memref<4720xi32, #tpu.memory_space<hbm>>
      tpu.enqueue_dma source(%dma_start3A_149 : memref<4720xi32, #tpu.memory_space<hbm>>) target(%arg9 : memref<4720xi32, #tpu.memory_space<vmem>>) target_semaphore(%run_scoped3A : memref<!tpu.dma_semaphore, #tpu.memory_space<semaphore_mem>>)
      %dma_wait3A_150 = tpu.memref_slice %arg5[%add3A_6] : memref<320000xi32, #tpu.memory_space<hbm>> -> memref<4720xi32, #tpu.memory_space<hbm>>
      %dma_wait3A_151 = tpu.memref_slice %arg5[%add3A_6] : memref<320000xi32, #tpu.memory_space<hbm>> -> memref<4720xi32, #tpu.memory_space<hbm>>
      tpu.wait_dma2 semaphore(%run_scoped3A : memref<!tpu.dma_semaphore, #tpu.memory_space<semaphore_mem>>) src(%dma_wait3A_151 : memref<4720xi32, #tpu.memory_space<hbm>>) dst(%arg9 : memref<4720xi32, #tpu.memory_space<vmem>>)
      tpu.yield
    }) : () -> ()
    %dma_start3A = arith.constant 0 : i32
    %dma_start3A_7 = tpu.memref_slice %arg8[%dma_start3A] : memref<4720xi32, #tpu.memory_space<vmem>> -> memref<80xi32, #tpu.memory_space<vmem>>
    %dma_start3A_8 = arith.constant 0 : i32
    %dma_start3A_9 = arith.constant 0 : i32
    %dma_start3A_10 = tpu.memref_slice %arg2[%dma_start3A_8, %dma_start3A_9] : memref<10000x128xi32, #tpu.memory_space<hbm>> -> memref<10000x128xi32, #tpu.memory_space<hbm>>
    tpu.enqueue_indirect_dma source(%dma_start3A_10 : memref<10000x128xi32, #tpu.memory_space<hbm>>) target(%arg10 : memref<80x128xi32, #tpu.memory_space<vmem>>) offsets(%dma_start3A_7 : memref<80xi32, #tpu.memory_space<vmem>>) semaphore(%arg18 : memref<!tpu.dma_semaphore, #tpu.memory_space<semaphore_mem>>)
    %dma_start3A_11 = arith.constant 0 : i32
    %dma_start3A_12 = tpu.memref_slice %arg9[%dma_start3A_11] : memref<4720xi32, #tpu.memory_space<vmem>> -> memref<80xi32, #tpu.memory_space<vmem>>
    %dma_start3A_13 = arith.constant 0 : i32
    %dma_start3A_14 = arith.constant 0 : i32
    %dma_start3A_15 = tpu.memref_slice %arg3[%dma_start3A_13, %dma_start3A_14] : memref<10000x128xi32, #tpu.memory_space<hbm>> -> memref<10000x128xi32, #tpu.memory_space<hbm>>
    tpu.enqueue_indirect_dma source(%dma_start3A_15 : memref<10000x128xi32, #tpu.memory_space<hbm>>) target(%arg14 : memref<80x128xi32, #tpu.memory_space<vmem>>) offsets(%dma_start3A_12 : memref<80xi32, #tpu.memory_space<vmem>>) semaphore(%arg18 : memref<!tpu.dma_semaphore, #tpu.memory_space<semaphore_mem>>)
    %dma_start3A_16 = arith.constant 80 : i32
    %dma_start3A_17 = tpu.memref_slice %arg8[%dma_start3A_16] : memref<4720xi32, #tpu.memory_space<vmem>> -> memref<80xi32, #tpu.memory_space<vmem>>
    %dma_start3A_18 = arith.constant 0 : i32
    %dma_start3A_19 = arith.constant 0 : i32
    %dma_start3A_20 = tpu.memref_slice %arg2[%dma_start3A_18, %dma_start3A_19] : memref<10000x128xi32, #tpu.memory_space<hbm>> -> memref<10000x128xi32, #tpu.memory_space<hbm>>
    tpu.enqueue_indirect_dma source(%dma_start3A_20 : memref<10000x128xi32, #tpu.memory_space<hbm>>) target(%arg11 : memref<80x128xi32, #tpu.memory_space<vmem>>) offsets(%dma_start3A_17 : memref<80xi32, #tpu.memory_space<vmem>>) semaphore(%arg19 : memref<!tpu.dma_semaphore, #tpu.memory_space<semaphore_mem>>)
    %dma_start3A_21 = arith.constant 80 : i32
    %dma_start3A_22 = tpu.memref_slice %arg9[%dma_start3A_21] : memref<4720xi32, #tpu.memory_space<vmem>> -> memref<80xi32, #tpu.memory_space<vmem>>
    %dma_start3A_23 = arith.constant 0 : i32
    %dma_start3A_24 = arith.constant 0 : i32
    %dma_start3A_25 = tpu.memref_slice %arg3[%dma_start3A_23, %dma_start3A_24] : memref<10000x128xi32, #tpu.memory_space<hbm>> -> memref<10000x128xi32, #tpu.memory_space<hbm>>
    tpu.enqueue_indirect_dma source(%dma_start3A_25 : memref<10000x128xi32, #tpu.memory_space<hbm>>) target(%arg15 : memref<80x128xi32, #tpu.memory_space<vmem>>) offsets(%dma_start3A_22 : memref<80xi32, #tpu.memory_space<vmem>>) semaphore(%arg19 : memref<!tpu.dma_semaphore, #tpu.memory_space<semaphore_mem>>)
    %dma_start3A_26 = arith.constant 160 : i32
    %dma_start3A_27 = tpu.memref_slice %arg8[%dma_start3A_26] : memref<4720xi32, #tpu.memory_space<vmem>> -> memref<80xi32, #tpu.memory_space<vmem>>
    %dma_start3A_28 = arith.constant 0 : i32
    %dma_start3A_29 = arith.constant 0 : i32
    %dma_start3A_30 = tpu.memref_slice %arg2[%dma_start3A_28, %dma_start3A_29] : memref<10000x128xi32, #tpu.memory_space<hbm>> -> memref<10000x128xi32, #tpu.memory_space<hbm>>
    tpu.enqueue_indirect_dma source(%dma_start3A_30 : memref<10000x128xi32, #tpu.memory_space<hbm>>) target(%arg12 : memref<80x128xi32, #tpu.memory_space<vmem>>) offsets(%dma_start3A_27 : memref<80xi32, #tpu.memory_space<vmem>>) semaphore(%arg20 : memref<!tpu.dma_semaphore, #tpu.memory_space<semaphore_mem>>)
    %dma_start3A_31 = arith.constant 160 : i32
    %dma_start3A_32 = tpu.memref_slice %arg9[%dma_start3A_31] : memref<4720xi32, #tpu.memory_space<vmem>> -> memref<80xi32, #tpu.memory_space<vmem>>
    %dma_start3A_33 = arith.constant 0 : i32
    %dma_start3A_34 = arith.constant 0 : i32
    %dma_start3A_35 = tpu.memref_slice %arg3[%dma_start3A_33, %dma_start3A_34] : memref<10000x128xi32, #tpu.memory_space<hbm>> -> memref<10000x128xi32, #tpu.memory_space<hbm>>
    tpu.enqueue_indirect_dma source(%dma_start3A_35 : memref<10000x128xi32, #tpu.memory_space<hbm>>) target(%arg16 : memref<80x128xi32, #tpu.memory_space<vmem>>) offsets(%dma_start3A_32 : memref<80xi32, #tpu.memory_space<vmem>>) semaphore(%arg20 : memref<!tpu.dma_semaphore, #tpu.memory_space<semaphore_mem>>)
    %scan3A = arith.constant 0 : i32
    %scan3A_36 = arith.constant 0 : i32
    %scan3A_37 = arith.constant 14 : i32
    %scan3A_38 = arith.addi %scan3A_36, %scan3A_37 : i32
    %scan3A_39 = arith.constant 1 : i32
    scf.for %scan3A_148 = %scan3A_36 to %scan3A_38 step %scan3A_39  : i32 {
      %mul3A_149 = arith.constant 4 : i32
      %mul3A_150 = arith.muli %scan3A_148, %mul3A_149 : i32
      %add3A_151 = arith.constant 0 : i32
      %add3A_152 = arith.addi %mul3A_150, %add3A_151 : i32
      %ge3A = arith.constant 1 : i32
      %ge3A_153 = arith.cmpi sge, %add3A_152, %ge3A : i32
      %convert_element_type3A = arith.extui %ge3A_153 : i1 to i32
      %cond3A = arith.constant 0 : i32
      %cond3A_154 = arith.cmpi ne, %convert_element_type3A, %cond3A : i32
      scf.if %cond3A_154 {
        %dma_wait3A_293 = arith.constant 0 : i32
        %dma_wait3A_294 = arith.constant 0 : i32
        %dma_wait3A_295 = tpu.memref_slice %arg6[%dma_wait3A_293, %dma_wait3A_294] : memref<151040x128xi32, #tpu.memory_space<hbm>> -> memref<80x128xi32, #tpu.memory_space<hbm>>
        %dma_wait3A_296 = arith.constant 0 : i32
        %dma_wait3A_297 = arith.constant 0 : i32
        %dma_wait3A_298 = tpu.memref_slice %arg6[%dma_wait3A_296, %dma_wait3A_297] : memref<151040x128xi32, #tpu.memory_space<hbm>> -> memref<80x128xi32, #tpu.memory_space<hbm>>
        tpu.wait_dma2 semaphore(%arg25 : memref<!tpu.dma_semaphore, #tpu.memory_space<semaphore_mem>>) src(%arg13 : memref<80x128xi32, #tpu.memory_space<vmem>>) dst(%dma_wait3A_298 : memref<80x128xi32, #tpu.memory_space<hbm>>)
        %dma_wait3A_299 = arith.constant 0 : i32
        %dma_wait3A_300 = arith.constant 0 : i32
        %dma_wait3A_301 = tpu.memref_slice %arg7[%dma_wait3A_299, %dma_wait3A_300] : memref<151040x128xi32, #tpu.memory_space<hbm>> -> memref<80x128xi32, #tpu.memory_space<hbm>>
        %dma_wait3A_302 = arith.constant 0 : i32
        %dma_wait3A_303 = arith.constant 0 : i32
        %dma_wait3A_304 = tpu.memref_slice %arg7[%dma_wait3A_302, %dma_wait3A_303] : memref<151040x128xi32, #tpu.memory_space<hbm>> -> memref<80x128xi32, #tpu.memory_space<hbm>>
        tpu.wait_dma2 semaphore(%arg25 : memref<!tpu.dma_semaphore, #tpu.memory_space<semaphore_mem>>) src(%arg17 : memref<80x128xi32, #tpu.memory_space<vmem>>) dst(%dma_wait3A_304 : memref<80x128xi32, #tpu.memory_space<hbm>>)
      } else {
      }
      %add3A_155 = arith.constant 3 : i32
      %add3A_156 = arith.addi %add3A_152, %add3A_155 : i32
      %lt3A = arith.constant 59 : i32
      %lt3A_157 = arith.cmpi slt, %add3A_156, %lt3A : i32
      %convert_element_type3A_158 = arith.extui %lt3A_157 : i1 to i32
      %cond3A_159 = arith.constant 0 : i32
      %cond3A_160 = arith.cmpi ne, %convert_element_type3A_158, %cond3A_159 : i32
      scf.if %cond3A_160 {
        %add3A_293 = arith.constant 3 : i32
        %add3A_294 = arith.addi %add3A_152, %add3A_293 : i32
        %mul3A_295 = arith.constant 80 : i32
        %mul3A_296 = arith.muli %add3A_294, %mul3A_295 : i32
        %dma_start3A_297 = tpu.memref_slice %arg8[%mul3A_296] : memref<4720xi32, #tpu.memory_space<vmem>> -> memref<80xi32, #tpu.memory_space<vmem>>
        %dma_start3A_298 = arith.constant 0 : i32
        %dma_start3A_299 = arith.constant 0 : i32
        %dma_start3A_300 = tpu.memref_slice %arg2[%dma_start3A_298, %dma_start3A_299] : memref<10000x128xi32, #tpu.memory_space<hbm>> -> memref<10000x128xi32, #tpu.memory_space<hbm>>
        tpu.enqueue_indirect_dma source(%dma_start3A_300 : memref<10000x128xi32, #tpu.memory_space<hbm>>) target(%arg13 : memref<80x128xi32, #tpu.memory_space<vmem>>) offsets(%dma_start3A_297 : memref<80xi32, #tpu.memory_space<vmem>>) semaphore(%arg21 : memref<!tpu.dma_semaphore, #tpu.memory_space<semaphore_mem>>)
        %dma_start3A_301 = tpu.memref_slice %arg9[%mul3A_296] : memref<4720xi32, #tpu.memory_space<vmem>> -> memref<80xi32, #tpu.memory_space<vmem>>
        %dma_start3A_302 = arith.constant 0 : i32
        %dma_start3A_303 = arith.constant 0 : i32
        %dma_start3A_304 = tpu.memref_slice %arg3[%dma_start3A_302, %dma_start3A_303] : memref<10000x128xi32, #tpu.memory_space<hbm>> -> memref<10000x128xi32, #tpu.memory_space<hbm>>
        tpu.enqueue_indirect_dma source(%dma_start3A_304 : memref<10000x128xi32, #tpu.memory_space<hbm>>) target(%arg17 : memref<80x128xi32, #tpu.memory_space<vmem>>) offsets(%dma_start3A_301 : memref<80xi32, #tpu.memory_space<vmem>>) semaphore(%arg21 : memref<!tpu.dma_semaphore, #tpu.memory_space<semaphore_mem>>)
      } else {
      }
      %dma_wait3A_161 = arith.constant 0 : i32
      %dma_wait3A_162 = tpu.memref_slice %arg8[%dma_wait3A_161] : memref<4720xi32, #tpu.memory_space<vmem>> -> memref<80xi32, #tpu.memory_space<vmem>>
      %dma_wait3A_163 = arith.constant 0 : i32
      %dma_wait3A_164 = arith.constant 0 : i32
      %dma_wait3A_165 = tpu.memref_slice %arg2[%dma_wait3A_163, %dma_wait3A_164] : memref<10000x128xi32, #tpu.memory_space<hbm>> -> memref<10000x128xi32, #tpu.memory_space<hbm>>
      tpu.wait_indirect_dma semaphore(%arg18 : memref<!tpu.dma_semaphore, #tpu.memory_space<semaphore_mem>>) src(%dma_wait3A_165 : memref<10000x128xi32, #tpu.memory_space<hbm>>) dst(%arg10 : memref<80x128xi32, #tpu.memory_space<vmem>>)
      %dma_wait3A_166 = arith.constant 0 : i32
      %dma_wait3A_167 = tpu.memref_slice %arg9[%dma_wait3A_166] : memref<4720xi32, #tpu.memory_space<vmem>> -> memref<80xi32, #tpu.memory_space<vmem>>
      %dma_wait3A_168 = arith.constant 0 : i32
      %dma_wait3A_169 = arith.constant 0 : i32
      %dma_wait3A_170 = tpu.memref_slice %arg3[%dma_wait3A_168, %dma_wait3A_169] : memref<10000x128xi32, #tpu.memory_space<hbm>> -> memref<10000x128xi32, #tpu.memory_space<hbm>>
      tpu.wait_indirect_dma semaphore(%arg18 : memref<!tpu.dma_semaphore, #tpu.memory_space<semaphore_mem>>) src(%dma_wait3A_170 : memref<10000x128xi32, #tpu.memory_space<hbm>>) dst(%arg14 : memref<80x128xi32, #tpu.memory_space<vmem>>)
      %mul3A_171 = arith.constant 80 : i32
      %mul3A_172 = arith.muli %add3A_152, %mul3A_171 : i32
      %add3A_173 = arith.addi %mul3A_2, %mul3A_172 : i32
      %dma_start3A_174 = arith.constant 0 : i32
      %dma_start3A_175 = tpu.memref_slice %arg6[%add3A_173, %dma_start3A_174] : memref<151040x128xi32, #tpu.memory_space<hbm>> -> memref<80x128xi32, #tpu.memory_space<hbm>>
      %dma_start3A_176 = arith.constant 0 : i32
      %dma_start3A_177 = tpu.memref_slice %arg6[%add3A_173, %dma_start3A_176] : memref<151040x128xi32, #tpu.memory_space<hbm>> -> memref<80x128xi32, #tpu.memory_space<hbm>>
      tpu.enqueue_dma source(%arg10 : memref<80x128xi32, #tpu.memory_space<vmem>>) target(%dma_start3A_177 : memref<80x128xi32, #tpu.memory_space<hbm>>) target_semaphore(%arg22 : memref<!tpu.dma_semaphore, #tpu.memory_space<semaphore_mem>>)
      %dma_start3A_178 = arith.constant 0 : i32
      %dma_start3A_179 = tpu.memref_slice %arg7[%add3A_173, %dma_start3A_178] : memref<151040x128xi32, #tpu.memory_space<hbm>> -> memref<80x128xi32, #tpu.memory_space<hbm>>
      %dma_start3A_180 = arith.constant 0 : i32
      %dma_start3A_181 = tpu.memref_slice %arg7[%add3A_173, %dma_start3A_180] : memref<151040x128xi32, #tpu.memory_space<hbm>> -> memref<80x128xi32, #tpu.memory_space<hbm>>
      tpu.enqueue_dma source(%arg14 : memref<80x128xi32, #tpu.memory_space<vmem>>) target(%dma_start3A_181 : memref<80x128xi32, #tpu.memory_space<hbm>>) target_semaphore(%arg22 : memref<!tpu.dma_semaphore, #tpu.memory_space<semaphore_mem>>)
      %mul3A_182 = arith.constant 4 : i32
      %mul3A_183 = arith.muli %scan3A_148, %mul3A_182 : i32
      %add3A_184 = arith.constant 1 : i32
      %add3A_185 = arith.addi %mul3A_183, %add3A_184 : i32
      %ge3A_186 = arith.constant 1 : i32
      %ge3A_187 = arith.cmpi sge, %add3A_185, %ge3A_186 : i32
      %convert_element_type3A_188 = arith.extui %ge3A_187 : i1 to i32
      %cond3A_189 = arith.constant 0 : i32
      %cond3A_190 = arith.cmpi ne, %convert_element_type3A_188, %cond3A_189 : i32
      scf.if %cond3A_190 {
        %dma_wait3A_293 = arith.constant 0 : i32
        %dma_wait3A_294 = arith.constant 0 : i32
        %dma_wait3A_295 = tpu.memref_slice %arg6[%dma_wait3A_293, %dma_wait3A_294] : memref<151040x128xi32, #tpu.memory_space<hbm>> -> memref<80x128xi32, #tpu.memory_space<hbm>>
        %dma_wait3A_296 = arith.constant 0 : i32
        %dma_wait3A_297 = arith.constant 0 : i32
        %dma_wait3A_298 = tpu.memref_slice %arg6[%dma_wait3A_296, %dma_wait3A_297] : memref<151040x128xi32, #tpu.memory_space<hbm>> -> memref<80x128xi32, #tpu.memory_space<hbm>>
        tpu.wait_dma2 semaphore(%arg22 : memref<!tpu.dma_semaphore, #tpu.memory_space<semaphore_mem>>) src(%arg10 : memref<80x128xi32, #tpu.memory_space<vmem>>) dst(%dma_wait3A_298 : memref<80x128xi32, #tpu.memory_space<hbm>>)
        %dma_wait3A_299 = arith.constant 0 : i32
        %dma_wait3A_300 = arith.constant 0 : i32
        %dma_wait3A_301 = tpu.memref_slice %arg7[%dma_wait3A_299, %dma_wait3A_300] : memref<151040x128xi32, #tpu.memory_space<hbm>> -> memref<80x128xi32, #tpu.memory_space<hbm>>
        %dma_wait3A_302 = arith.constant 0 : i32
        %dma_wait3A_303 = arith.constant 0 : i32
        %dma_wait3A_304 = tpu.memref_slice %arg7[%dma_wait3A_302, %dma_wait3A_303] : memref<151040x128xi32, #tpu.memory_space<hbm>> -> memref<80x128xi32, #tpu.memory_space<hbm>>
        tpu.wait_dma2 semaphore(%arg22 : memref<!tpu.dma_semaphore, #tpu.memory_space<semaphore_mem>>) src(%arg14 : memref<80x128xi32, #tpu.memory_space<vmem>>) dst(%dma_wait3A_304 : memref<80x128xi32, #tpu.memory_space<hbm>>)
      } else {
      }
      %add3A_191 = arith.constant 3 : i32
      %add3A_192 = arith.addi %add3A_185, %add3A_191 : i32
      %lt3A_193 = arith.constant 59 : i32
      %lt3A_194 = arith.cmpi slt, %add3A_192, %lt3A_193 : i32
      %convert_element_type3A_195 = arith.extui %lt3A_194 : i1 to i32
      %cond3A_196 = arith.constant 0 : i32
      %cond3A_197 = arith.cmpi ne, %convert_element_type3A_195, %cond3A_196 : i32
      scf.if %cond3A_197 {
        %add3A_293 = arith.constant 3 : i32
        %add3A_294 = arith.addi %add3A_185, %add3A_293 : i32
        %mul3A_295 = arith.constant 80 : i32
        %mul3A_296 = arith.muli %add3A_294, %mul3A_295 : i32
        %dma_start3A_297 = tpu.memref_slice %arg8[%mul3A_296] : memref<4720xi32, #tpu.memory_space<vmem>> -> memref<80xi32, #tpu.memory_space<vmem>>
        %dma_start3A_298 = arith.constant 0 : i32
        %dma_start3A_299 = arith.constant 0 : i32
        %dma_start3A_300 = tpu.memref_slice %arg2[%dma_start3A_298, %dma_start3A_299] : memref<10000x128xi32, #tpu.memory_space<hbm>> -> memref<10000x128xi32, #tpu.memory_space<hbm>>
        tpu.enqueue_indirect_dma source(%dma_start3A_300 : memref<10000x128xi32, #tpu.memory_space<hbm>>) target(%arg10 : memref<80x128xi32, #tpu.memory_space<vmem>>) offsets(%dma_start3A_297 : memref<80xi32, #tpu.memory_space<vmem>>) semaphore(%arg18 : memref<!tpu.dma_semaphore, #tpu.memory_space<semaphore_mem>>)
        %dma_start3A_301 = tpu.memref_slice %arg9[%mul3A_296] : memref<4720xi32, #tpu.memory_space<vmem>> -> memref<80xi32, #tpu.memory_space<vmem>>
        %dma_start3A_302 = arith.constant 0 : i32
        %dma_start3A_303 = arith.constant 0 : i32
        %dma_start3A_304 = tpu.memref_slice %arg3[%dma_start3A_302, %dma_start3A_303] : memref<10000x128xi32, #tpu.memory_space<hbm>> -> memref<10000x128xi32, #tpu.memory_space<hbm>>
        tpu.enqueue_indirect_dma source(%dma_start3A_304 : memref<10000x128xi32, #tpu.memory_space<hbm>>) target(%arg14 : memref<80x128xi32, #tpu.memory_space<vmem>>) offsets(%dma_start3A_301 : memref<80xi32, #tpu.memory_space<vmem>>) semaphore(%arg18 : memref<!tpu.dma_semaphore, #tpu.memory_space<semaphore_mem>>)
      } else {
      }
      %dma_wait3A_198 = arith.constant 0 : i32
      %dma_wait3A_199 = tpu.memref_slice %arg8[%dma_wait3A_198] : memref<4720xi32, #tpu.memory_space<vmem>> -> memref<80xi32, #tpu.memory_space<vmem>>
      %dma_wait3A_200 = arith.constant 0 : i32
      %dma_wait3A_201 = arith.constant 0 : i32
      %dma_wait3A_202 = tpu.memref_slice %arg2[%dma_wait3A_200, %dma_wait3A_201] : memref<10000x128xi32, #tpu.memory_space<hbm>> -> memref<10000x128xi32, #tpu.memory_space<hbm>>
      tpu.wait_indirect_dma semaphore(%arg19 : memref<!tpu.dma_semaphore, #tpu.memory_space<semaphore_mem>>) src(%dma_wait3A_202 : memref<10000x128xi32, #tpu.memory_space<hbm>>) dst(%arg11 : memref<80x128xi32, #tpu.memory_space<vmem>>)
      %dma_wait3A_203 = arith.constant 0 : i32
      %dma_wait3A_204 = tpu.memref_slice %arg9[%dma_wait3A_203] : memref<4720xi32, #tpu.memory_space<vmem>> -> memref<80xi32, #tpu.memory_space<vmem>>
      %dma_wait3A_205 = arith.constant 0 : i32
      %dma_wait3A_206 = arith.constant 0 : i32
      %dma_wait3A_207 = tpu.memref_slice %arg3[%dma_wait3A_205, %dma_wait3A_206] : memref<10000x128xi32, #tpu.memory_space<hbm>> -> memref<10000x128xi32, #tpu.memory_space<hbm>>
      tpu.wait_indirect_dma semaphore(%arg19 : memref<!tpu.dma_semaphore, #tpu.memory_space<semaphore_mem>>) src(%dma_wait3A_207 : memref<10000x128xi32, #tpu.memory_space<hbm>>) dst(%arg15 : memref<80x128xi32, #tpu.memory_space<vmem>>)
      %mul3A_208 = arith.constant 80 : i32
      %mul3A_209 = arith.muli %add3A_185, %mul3A_208 : i32
      %add3A_210 = arith.addi %mul3A_2, %mul3A_209 : i32
      %dma_start3A_211 = arith.constant 0 : i32
      %dma_start3A_212 = tpu.memref_slice %arg6[%add3A_210, %dma_start3A_211] : memref<151040x128xi32, #tpu.memory_space<hbm>> -> memref<80x128xi32, #tpu.memory_space<hbm>>
      %dma_start3A_213 = arith.constant 0 : i32
      %dma_start3A_214 = tpu.memref_slice %arg6[%add3A_210, %dma_start3A_213] : memref<151040x128xi32, #tpu.memory_space<hbm>> -> memref<80x128xi32, #tpu.memory_space<hbm>>
      tpu.enqueue_dma source(%arg11 : memref<80x128xi32, #tpu.memory_space<vmem>>) target(%dma_start3A_214 : memref<80x128xi32, #tpu.memory_space<hbm>>) target_semaphore(%arg23 : memref<!tpu.dma_semaphore, #tpu.memory_space<semaphore_mem>>)
      %dma_start3A_215 = arith.constant 0 : i32
      %dma_start3A_216 = tpu.memref_slice %arg7[%add3A_210, %dma_start3A_215] : memref<151040x128xi32, #tpu.memory_space<hbm>> -> memref<80x128xi32, #tpu.memory_space<hbm>>
      %dma_start3A_217 = arith.constant 0 : i32
      %dma_start3A_218 = tpu.memref_slice %arg7[%add3A_210, %dma_start3A_217] : memref<151040x128xi32, #tpu.memory_space<hbm>> -> memref<80x128xi32, #tpu.memory_space<hbm>>
      tpu.enqueue_dma source(%arg15 : memref<80x128xi32, #tpu.memory_space<vmem>>) target(%dma_start3A_218 : memref<80x128xi32, #tpu.memory_space<hbm>>) target_semaphore(%arg23 : memref<!tpu.dma_semaphore, #tpu.memory_space<semaphore_mem>>)
      %mul3A_219 = arith.constant 4 : i32
      %mul3A_220 = arith.muli %scan3A_148, %mul3A_219 : i32
      %add3A_221 = arith.constant 2 : i32
      %add3A_222 = arith.addi %mul3A_220, %add3A_221 : i32
      %ge3A_223 = arith.constant 1 : i32
      %ge3A_224 = arith.cmpi sge, %add3A_222, %ge3A_223 : i32
      %convert_element_type3A_225 = arith.extui %ge3A_224 : i1 to i32
      %cond3A_226 = arith.constant 0 : i32
      %cond3A_227 = arith.cmpi ne, %convert_element_type3A_225, %cond3A_226 : i32
      scf.if %cond3A_227 {
        %dma_wait3A_293 = arith.constant 0 : i32
        %dma_wait3A_294 = arith.constant 0 : i32
        %dma_wait3A_295 = tpu.memref_slice %arg6[%dma_wait3A_293, %dma_wait3A_294] : memref<151040x128xi32, #tpu.memory_space<hbm>> -> memref<80x128xi32, #tpu.memory_space<hbm>>
        %dma_wait3A_296 = arith.constant 0 : i32
        %dma_wait3A_297 = arith.constant 0 : i32
        %dma_wait3A_298 = tpu.memref_slice %arg6[%dma_wait3A_296, %dma_wait3A_297] : memref<151040x128xi32, #tpu.memory_space<hbm>> -> memref<80x128xi32, #tpu.memory_space<hbm>>
        tpu.wait_dma2 semaphore(%arg23 : memref<!tpu.dma_semaphore, #tpu.memory_space<semaphore_mem>>) src(%arg11 : memref<80x128xi32, #tpu.memory_space<vmem>>) dst(%dma_wait3A_298 : memref<80x128xi32, #tpu.memory_space<hbm>>)
        %dma_wait3A_299 = arith.constant 0 : i32
        %dma_wait3A_300 = arith.constant 0 : i32
        %dma_wait3A_301 = tpu.memref_slice %arg7[%dma_wait3A_299, %dma_wait3A_300] : memref<151040x128xi32, #tpu.memory_space<hbm>> -> memref<80x128xi32, #tpu.memory_space<hbm>>
        %dma_wait3A_302 = arith.constant 0 : i32
        %dma_wait3A_303 = arith.constant 0 : i32
        %dma_wait3A_304 = tpu.memref_slice %arg7[%dma_wait3A_302, %dma_wait3A_303] : memref<151040x128xi32, #tpu.memory_space<hbm>> -> memref<80x128xi32, #tpu.memory_space<hbm>>
        tpu.wait_dma2 semaphore(%arg23 : memref<!tpu.dma_semaphore, #tpu.memory_space<semaphore_mem>>) src(%arg15 : memref<80x128xi32, #tpu.memory_space<vmem>>) dst(%dma_wait3A_304 : memref<80x128xi32, #tpu.memory_space<hbm>>)
      } else {
      }
      %add3A_228 = arith.constant 3 : i32
      %add3A_229 = arith.addi %add3A_222, %add3A_228 : i32
      %lt3A_230 = arith.constant 59 : i32
      %lt3A_231 = arith.cmpi slt, %add3A_229, %lt3A_230 : i32
      %convert_element_type3A_232 = arith.extui %lt3A_231 : i1 to i32
      %cond3A_233 = arith.constant 0 : i32
      %cond3A_234 = arith.cmpi ne, %convert_element_type3A_232, %cond3A_233 : i32
      scf.if %cond3A_234 {
        %add3A_293 = arith.constant 3 : i32
        %add3A_294 = arith.addi %add3A_222, %add3A_293 : i32
        %mul3A_295 = arith.constant 80 : i32
        %mul3A_296 = arith.muli %add3A_294, %mul3A_295 : i32
        %dma_start3A_297 = tpu.memref_slice %arg8[%mul3A_296] : memref<4720xi32, #tpu.memory_space<vmem>> -> memref<80xi32, #tpu.memory_space<vmem>>
        %dma_start3A_298 = arith.constant 0 : i32
        %dma_start3A_299 = arith.constant 0 : i32
        %dma_start3A_300 = tpu.memref_slice %arg2[%dma_start3A_298, %dma_start3A_299] : memref<10000x128xi32, #tpu.memory_space<hbm>> -> memref<10000x128xi32, #tpu.memory_space<hbm>>
        tpu.enqueue_indirect_dma source(%dma_start3A_300 : memref<10000x128xi32, #tpu.memory_space<hbm>>) target(%arg11 : memref<80x128xi32, #tpu.memory_space<vmem>>) offsets(%dma_start3A_297 : memref<80xi32, #tpu.memory_space<vmem>>) semaphore(%arg19 : memref<!tpu.dma_semaphore, #tpu.memory_space<semaphore_mem>>)
        %dma_start3A_301 = tpu.memref_slice %arg9[%mul3A_296] : memref<4720xi32, #tpu.memory_space<vmem>> -> memref<80xi32, #tpu.memory_space<vmem>>
        %dma_start3A_302 = arith.constant 0 : i32
        %dma_start3A_303 = arith.constant 0 : i32
        %dma_start3A_304 = tpu.memref_slice %arg3[%dma_start3A_302, %dma_start3A_303] : memref<10000x128xi32, #tpu.memory_space<hbm>> -> memref<10000x128xi32, #tpu.memory_space<hbm>>
        tpu.enqueue_indirect_dma source(%dma_start3A_304 : memref<10000x128xi32, #tpu.memory_space<hbm>>) target(%arg15 : memref<80x128xi32, #tpu.memory_space<vmem>>) offsets(%dma_start3A_301 : memref<80xi32, #tpu.memory_space<vmem>>) semaphore(%arg19 : memref<!tpu.dma_semaphore, #tpu.memory_space<semaphore_mem>>)
      } else {
      }
      %dma_wait3A_235 = arith.constant 0 : i32
      %dma_wait3A_236 = tpu.memref_slice %arg8[%dma_wait3A_235] : memref<4720xi32, #tpu.memory_space<vmem>> -> memref<80xi32, #tpu.memory_space<vmem>>
      %dma_wait3A_237 = arith.constant 0 : i32
      %dma_wait3A_238 = arith.constant 0 : i32
      %dma_wait3A_239 = tpu.memref_slice %arg2[%dma_wait3A_237, %dma_wait3A_238] : memref<10000x128xi32, #tpu.memory_space<hbm>> -> memref<10000x128xi32, #tpu.memory_space<hbm>>
      tpu.wait_indirect_dma semaphore(%arg20 : memref<!tpu.dma_semaphore, #tpu.memory_space<semaphore_mem>>) src(%dma_wait3A_239 : memref<10000x128xi32, #tpu.memory_space<hbm>>) dst(%arg12 : memref<80x128xi32, #tpu.memory_space<vmem>>)
      %dma_wait3A_240 = arith.constant 0 : i32
      %dma_wait3A_241 = tpu.memref_slice %arg9[%dma_wait3A_240] : memref<4720xi32, #tpu.memory_space<vmem>> -> memref<80xi32, #tpu.memory_space<vmem>>
      %dma_wait3A_242 = arith.constant 0 : i32
      %dma_wait3A_243 = arith.constant 0 : i32
      %dma_wait3A_244 = tpu.memref_slice %arg3[%dma_wait3A_242, %dma_wait3A_243] : memref<10000x128xi32, #tpu.memory_space<hbm>> -> memref<10000x128xi32, #tpu.memory_space<hbm>>
      tpu.wait_indirect_dma semaphore(%arg20 : memref<!tpu.dma_semaphore, #tpu.memory_space<semaphore_mem>>) src(%dma_wait3A_244 : memref<10000x128xi32, #tpu.memory_space<hbm>>) dst(%arg16 : memref<80x128xi32, #tpu.memory_space<vmem>>)
      %mul3A_245 = arith.constant 80 : i32
      %mul3A_246 = arith.muli %add3A_222, %mul3A_245 : i32
      %add3A_247 = arith.addi %mul3A_2, %mul3A_246 : i32
      %dma_start3A_248 = arith.constant 0 : i32
      %dma_start3A_249 = tpu.memref_slice %arg6[%add3A_247, %dma_start3A_248] : memref<151040x128xi32, #tpu.memory_space<hbm>> -> memref<80x128xi32, #tpu.memory_space<hbm>>
      %dma_start3A_250 = arith.constant 0 : i32
      %dma_start3A_251 = tpu.memref_slice %arg6[%add3A_247, %dma_start3A_250] : memref<151040x128xi32, #tpu.memory_space<hbm>> -> memref<80x128xi32, #tpu.memory_space<hbm>>
      tpu.enqueue_dma source(%arg12 : memref<80x128xi32, #tpu.memory_space<vmem>>) target(%dma_start3A_251 : memref<80x128xi32, #tpu.memory_space<hbm>>) target_semaphore(%arg24 : memref<!tpu.dma_semaphore, #tpu.memory_space<semaphore_mem>>)
      %dma_start3A_252 = arith.constant 0 : i32
      %dma_start3A_253 = tpu.memref_slice %arg7[%add3A_247, %dma_start3A_252] : memref<151040x128xi32, #tpu.memory_space<hbm>> -> memref<80x128xi32, #tpu.memory_space<hbm>>
      %dma_start3A_254 = arith.constant 0 : i32
      %dma_start3A_255 = tpu.memref_slice %arg7[%add3A_247, %dma_start3A_254] : memref<151040x128xi32, #tpu.memory_space<hbm>> -> memref<80x128xi32, #tpu.memory_space<hbm>>
      tpu.enqueue_dma source(%arg16 : memref<80x128xi32, #tpu.memory_space<vmem>>) target(%dma_start3A_255 : memref<80x128xi32, #tpu.memory_space<hbm>>) target_semaphore(%arg24 : memref<!tpu.dma_semaphore, #tpu.memory_space<semaphore_mem>>)
      %mul3A_256 = arith.constant 4 : i32
      %mul3A_257 = arith.muli %scan3A_148, %mul3A_256 : i32
      %add3A_258 = arith.constant 3 : i32
      %add3A_259 = arith.addi %mul3A_257, %add3A_258 : i32
      %ge3A_260 = arith.constant 1 : i32
      %ge3A_261 = arith.cmpi sge, %add3A_259, %ge3A_260 : i32
      %convert_element_type3A_262 = arith.extui %ge3A_261 : i1 to i32
      %cond3A_263 = arith.constant 0 : i32
      %cond3A_264 = arith.cmpi ne, %convert_element_type3A_262, %cond3A_263 : i32
      scf.if %cond3A_264 {
        %dma_wait3A_293 = arith.constant 0 : i32
        %dma_wait3A_294 = arith.constant 0 : i32
        %dma_wait3A_295 = tpu.memref_slice %arg6[%dma_wait3A_293, %dma_wait3A_294] : memref<151040x128xi32, #tpu.memory_space<hbm>> -> memref<80x128xi32, #tpu.memory_space<hbm>>
        %dma_wait3A_296 = arith.constant 0 : i32
        %dma_wait3A_297 = arith.constant 0 : i32
        %dma_wait3A_298 = tpu.memref_slice %arg6[%dma_wait3A_296, %dma_wait3A_297] : memref<151040x128xi32, #tpu.memory_space<hbm>> -> memref<80x128xi32, #tpu.memory_space<hbm>>
        tpu.wait_dma2 semaphore(%arg24 : memref<!tpu.dma_semaphore, #tpu.memory_space<semaphore_mem>>) src(%arg12 : memref<80x128xi32, #tpu.memory_space<vmem>>) dst(%dma_wait3A_298 : memref<80x128xi32, #tpu.memory_space<hbm>>)
        %dma_wait3A_299 = arith.constant 0 : i32
        %dma_wait3A_300 = arith.constant 0 : i32
        %dma_wait3A_301 = tpu.memref_slice %arg7[%dma_wait3A_299, %dma_wait3A_300] : memref<151040x128xi32, #tpu.memory_space<hbm>> -> memref<80x128xi32, #tpu.memory_space<hbm>>
        %dma_wait3A_302 = arith.constant 0 : i32
        %dma_wait3A_303 = arith.constant 0 : i32
        %dma_wait3A_304 = tpu.memref_slice %arg7[%dma_wait3A_302, %dma_wait3A_303] : memref<151040x128xi32, #tpu.memory_space<hbm>> -> memref<80x128xi32, #tpu.memory_space<hbm>>
        tpu.wait_dma2 semaphore(%arg24 : memref<!tpu.dma_semaphore, #tpu.memory_space<semaphore_mem>>) src(%arg16 : memref<80x128xi32, #tpu.memory_space<vmem>>) dst(%dma_wait3A_304 : memref<80x128xi32, #tpu.memory_space<hbm>>)
      } else {
      }
      %add3A_265 = arith.constant 3 : i32
      %add3A_266 = arith.addi %add3A_259, %add3A_265 : i32
      %lt3A_267 = arith.constant 59 : i32
      %lt3A_268 = arith.cmpi slt, %add3A_266, %lt3A_267 : i32
      %convert_element_type3A_269 = arith.extui %lt3A_268 : i1 to i32
      %cond3A_270 = arith.constant 0 : i32
      %cond3A_271 = arith.cmpi ne, %convert_element_type3A_269, %cond3A_270 : i32
      scf.if %cond3A_271 {
        %add3A_293 = arith.constant 3 : i32
        %add3A_294 = arith.addi %add3A_259, %add3A_293 : i32
        %mul3A_295 = arith.constant 80 : i32
        %mul3A_296 = arith.muli %add3A_294, %mul3A_295 : i32
        %dma_start3A_297 = tpu.memref_slice %arg8[%mul3A_296] : memref<4720xi32, #tpu.memory_space<vmem>> -> memref<80xi32, #tpu.memory_space<vmem>>
        %dma_start3A_298 = arith.constant 0 : i32
        %dma_start3A_299 = arith.constant 0 : i32
        %dma_start3A_300 = tpu.memref_slice %arg2[%dma_start3A_298, %dma_start3A_299] : memref<10000x128xi32, #tpu.memory_space<hbm>> -> memref<10000x128xi32, #tpu.memory_space<hbm>>
        tpu.enqueue_indirect_dma source(%dma_start3A_300 : memref<10000x128xi32, #tpu.memory_space<hbm>>) target(%arg12 : memref<80x128xi32, #tpu.memory_space<vmem>>) offsets(%dma_start3A_297 : memref<80xi32, #tpu.memory_space<vmem>>) semaphore(%arg20 : memref<!tpu.dma_semaphore, #tpu.memory_space<semaphore_mem>>)
        %dma_start3A_301 = tpu.memref_slice %arg9[%mul3A_296] : memref<4720xi32, #tpu.memory_space<vmem>> -> memref<80xi32, #tpu.memory_space<vmem>>
        %dma_start3A_302 = arith.constant 0 : i32
        %dma_start3A_303 = arith.constant 0 : i32
        %dma_start3A_304 = tpu.memref_slice %arg3[%dma_start3A_302, %dma_start3A_303] : memref<10000x128xi32, #tpu.memory_space<hbm>> -> memref<10000x128xi32, #tpu.memory_space<hbm>>
        tpu.enqueue_indirect_dma source(%dma_start3A_304 : memref<10000x128xi32, #tpu.memory_space<hbm>>) target(%arg16 : memref<80x128xi32, #tpu.memory_space<vmem>>) offsets(%dma_start3A_301 : memref<80xi32, #tpu.memory_space<vmem>>) semaphore(%arg20 : memref<!tpu.dma_semaphore, #tpu.memory_space<semaphore_mem>>)
      } else {
      }
      %dma_wait3A_272 = arith.constant 0 : i32
      %dma_wait3A_273 = tpu.memref_slice %arg8[%dma_wait3A_272] : memref<4720xi32, #tpu.memory_space<vmem>> -> memref<80xi32, #tpu.memory_space<vmem>>
      %dma_wait3A_274 = arith.constant 0 : i32
      %dma_wait3A_275 = arith.constant 0 : i32
      %dma_wait3A_276 = tpu.memref_slice %arg2[%dma_wait3A_274, %dma_wait3A_275] : memref<10000x128xi32, #tpu.memory_space<hbm>> -> memref<10000x128xi32, #tpu.memory_space<hbm>>
      tpu.wait_indirect_dma semaphore(%arg21 : memref<!tpu.dma_semaphore, #tpu.memory_space<semaphore_mem>>) src(%dma_wait3A_276 : memref<10000x128xi32, #tpu.memory_space<hbm>>) dst(%arg13 : memref<80x128xi32, #tpu.memory_space<vmem>>)
      %dma_wait3A_277 = arith.constant 0 : i32
      %dma_wait3A_278 = tpu.memref_slice %arg9[%dma_wait3A_277] : memref<4720xi32, #tpu.memory_space<vmem>> -> memref<80xi32, #tpu.memory_space<vmem>>
      %dma_wait3A_279 = arith.constant 0 : i32
      %dma_wait3A_280 = arith.constant 0 : i32
      %dma_wait3A_281 = tpu.memref_slice %arg3[%dma_wait3A_279, %dma_wait3A_280] : memref<10000x128xi32, #tpu.memory_space<hbm>> -> memref<10000x128xi32, #tpu.memory_space<hbm>>
      tpu.wait_indirect_dma semaphore(%arg21 : memref<!tpu.dma_semaphore, #tpu.memory_space<semaphore_mem>>) src(%dma_wait3A_281 : memref<10000x128xi32, #tpu.memory_space<hbm>>) dst(%arg17 : memref<80x128xi32, #tpu.memory_space<vmem>>)
      %mul3A_282 = arith.constant 80 : i32
      %mul3A_283 = arith.muli %add3A_259, %mul3A_282 : i32
      %add3A_284 = arith.addi %mul3A_2, %mul3A_283 : i32
      %dma_start3A_285 = arith.constant 0 : i32
      %dma_start3A_286 = tpu.memref_slice %arg6[%add3A_284, %dma_start3A_285] : memref<151040x128xi32, #tpu.memory_space<hbm>> -> memref<80x128xi32, #tpu.memory_space<hbm>>
      %dma_start3A_287 = arith.constant 0 : i32
      %dma_start3A_288 = tpu.memref_slice %arg6[%add3A_284, %dma_start3A_287] : memref<151040x128xi32, #tpu.memory_space<hbm>> -> memref<80x128xi32, #tpu.memory_space<hbm>>
      tpu.enqueue_dma source(%arg13 : memref<80x128xi32, #tpu.memory_space<vmem>>) target(%dma_start3A_288 : memref<80x128xi32, #tpu.memory_space<hbm>>) target_semaphore(%arg25 : memref<!tpu.dma_semaphore, #tpu.memory_space<semaphore_mem>>)
      %dma_start3A_289 = arith.constant 0 : i32
      %dma_start3A_290 = tpu.memref_slice %arg7[%add3A_284, %dma_start3A_289] : memref<151040x128xi32, #tpu.memory_space<hbm>> -> memref<80x128xi32, #tpu.memory_space<hbm>>
      %dma_start3A_291 = arith.constant 0 : i32
      %dma_start3A_292 = tpu.memref_slice %arg7[%add3A_284, %dma_start3A_291] : memref<151040x128xi32, #tpu.memory_space<hbm>> -> memref<80x128xi32, #tpu.memory_space<hbm>>
      tpu.enqueue_dma source(%arg17 : memref<80x128xi32, #tpu.memory_space<vmem>>) target(%dma_start3A_292 : memref<80x128xi32, #tpu.memory_space<hbm>>) target_semaphore(%arg25 : memref<!tpu.dma_semaphore, #tpu.memory_space<semaphore_mem>>)
    }
    %scan3A_40 = arith.constant 14 : i32
    %dma_wait3A = arith.constant 0 : i32
    %dma_wait3A_41 = arith.constant 0 : i32
    %dma_wait3A_42 = tpu.memref_slice %arg6[%dma_wait3A, %dma_wait3A_41] : memref<151040x128xi32, #tpu.memory_space<hbm>> -> memref<80x128xi32, #tpu.memory_space<hbm>>
    %dma_wait3A_43 = arith.constant 0 : i32
    %dma_wait3A_44 = arith.constant 0 : i32
    %dma_wait3A_45 = tpu.memref_slice %arg6[%dma_wait3A_43, %dma_wait3A_44] : memref<151040x128xi32, #tpu.memory_space<hbm>> -> memref<80x128xi32, #tpu.memory_space<hbm>>
    tpu.wait_dma2 semaphore(%arg25 : memref<!tpu.dma_semaphore, #tpu.memory_space<semaphore_mem>>) src(%arg13 : memref<80x128xi32, #tpu.memory_space<vmem>>) dst(%dma_wait3A_45 : memref<80x128xi32, #tpu.memory_space<hbm>>)
    %dma_wait3A_46 = arith.constant 0 : i32
    %dma_wait3A_47 = arith.constant 0 : i32
    %dma_wait3A_48 = tpu.memref_slice %arg7[%dma_wait3A_46, %dma_wait3A_47] : memref<151040x128xi32, #tpu.memory_space<hbm>> -> memref<80x128xi32, #tpu.memory_space<hbm>>
    %dma_wait3A_49 = arith.constant 0 : i32
    %dma_wait3A_50 = arith.constant 0 : i32
    %dma_wait3A_51 = tpu.memref_slice %arg7[%dma_wait3A_49, %dma_wait3A_50] : memref<151040x128xi32, #tpu.memory_space<hbm>> -> memref<80x128xi32, #tpu.memory_space<hbm>>
    tpu.wait_dma2 semaphore(%arg25 : memref<!tpu.dma_semaphore, #tpu.memory_space<semaphore_mem>>) src(%arg17 : memref<80x128xi32, #tpu.memory_space<vmem>>) dst(%dma_wait3A_51 : memref<80x128xi32, #tpu.memory_space<hbm>>)
    %dma_wait3A_52 = arith.constant 0 : i32
    %dma_wait3A_53 = tpu.memref_slice %arg8[%dma_wait3A_52] : memref<4720xi32, #tpu.memory_space<vmem>> -> memref<80xi32, #tpu.memory_space<vmem>>
    %dma_wait3A_54 = arith.constant 0 : i32
    %dma_wait3A_55 = arith.constant 0 : i32
    %dma_wait3A_56 = tpu.memref_slice %arg2[%dma_wait3A_54, %dma_wait3A_55] : memref<10000x128xi32, #tpu.memory_space<hbm>> -> memref<10000x128xi32, #tpu.memory_space<hbm>>
    tpu.wait_indirect_dma semaphore(%arg18 : memref<!tpu.dma_semaphore, #tpu.memory_space<semaphore_mem>>) src(%dma_wait3A_56 : memref<10000x128xi32, #tpu.memory_space<hbm>>) dst(%arg10 : memref<80x128xi32, #tpu.memory_space<vmem>>)
    %dma_wait3A_57 = arith.constant 0 : i32
    %dma_wait3A_58 = tpu.memref_slice %arg9[%dma_wait3A_57] : memref<4720xi32, #tpu.memory_space<vmem>> -> memref<80xi32, #tpu.memory_space<vmem>>
    %dma_wait3A_59 = arith.constant 0 : i32
    %dma_wait3A_60 = arith.constant 0 : i32
    %dma_wait3A_61 = tpu.memref_slice %arg3[%dma_wait3A_59, %dma_wait3A_60] : memref<10000x128xi32, #tpu.memory_space<hbm>> -> memref<10000x128xi32, #tpu.memory_space<hbm>>
    tpu.wait_indirect_dma semaphore(%arg18 : memref<!tpu.dma_semaphore, #tpu.memory_space<semaphore_mem>>) src(%dma_wait3A_61 : memref<10000x128xi32, #tpu.memory_space<hbm>>) dst(%arg14 : memref<80x128xi32, #tpu.memory_space<vmem>>)
    %add3A_62 = arith.constant 4480 : i32
    %add3A_63 = arith.addi %mul3A_2, %add3A_62 : i32
    %dma_start3A_64 = arith.constant 0 : i32
    %dma_start3A_65 = tpu.memref_slice %arg6[%add3A_63, %dma_start3A_64] : memref<151040x128xi32, #tpu.memory_space<hbm>> -> memref<80x128xi32, #tpu.memory_space<hbm>>
    %dma_start3A_66 = arith.constant 0 : i32
    %dma_start3A_67 = tpu.memref_slice %arg6[%add3A_63, %dma_start3A_66] : memref<151040x128xi32, #tpu.memory_space<hbm>> -> memref<80x128xi32, #tpu.memory_space<hbm>>
    tpu.enqueue_dma source(%arg10 : memref<80x128xi32, #tpu.memory_space<vmem>>) target(%dma_start3A_67 : memref<80x128xi32, #tpu.memory_space<hbm>>) target_semaphore(%arg22 : memref<!tpu.dma_semaphore, #tpu.memory_space<semaphore_mem>>)
    %dma_start3A_68 = arith.constant 0 : i32
    %dma_start3A_69 = tpu.memref_slice %arg7[%add3A_63, %dma_start3A_68] : memref<151040x128xi32, #tpu.memory_space<hbm>> -> memref<80x128xi32, #tpu.memory_space<hbm>>
    %dma_start3A_70 = arith.constant 0 : i32
    %dma_start3A_71 = tpu.memref_slice %arg7[%add3A_63, %dma_start3A_70] : memref<151040x128xi32, #tpu.memory_space<hbm>> -> memref<80x128xi32, #tpu.memory_space<hbm>>
    tpu.enqueue_dma source(%arg14 : memref<80x128xi32, #tpu.memory_space<vmem>>) target(%dma_start3A_71 : memref<80x128xi32, #tpu.memory_space<hbm>>) target_semaphore(%arg22 : memref<!tpu.dma_semaphore, #tpu.memory_space<semaphore_mem>>)
    %dma_wait3A_72 = arith.constant 0 : i32
    %dma_wait3A_73 = arith.constant 0 : i32
    %dma_wait3A_74 = tpu.memref_slice %arg6[%dma_wait3A_72, %dma_wait3A_73] : memref<151040x128xi32, #tpu.memory_space<hbm>> -> memref<80x128xi32, #tpu.memory_space<hbm>>
    %dma_wait3A_75 = arith.constant 0 : i32
    %dma_wait3A_76 = arith.constant 0 : i32
    %dma_wait3A_77 = tpu.memref_slice %arg6[%dma_wait3A_75, %dma_wait3A_76] : memref<151040x128xi32, #tpu.memory_space<hbm>> -> memref<80x128xi32, #tpu.memory_space<hbm>>
    tpu.wait_dma2 semaphore(%arg22 : memref<!tpu.dma_semaphore, #tpu.memory_space<semaphore_mem>>) src(%arg10 : memref<80x128xi32, #tpu.memory_space<vmem>>) dst(%dma_wait3A_77 : memref<80x128xi32, #tpu.memory_space<hbm>>)
    %dma_wait3A_78 = arith.constant 0 : i32
    %dma_wait3A_79 = arith.constant 0 : i32
    %dma_wait3A_80 = tpu.memref_slice %arg7[%dma_wait3A_78, %dma_wait3A_79] : memref<151040x128xi32, #tpu.memory_space<hbm>> -> memref<80x128xi32, #tpu.memory_space<hbm>>
    %dma_wait3A_81 = arith.constant 0 : i32
    %dma_wait3A_82 = arith.constant 0 : i32
    %dma_wait3A_83 = tpu.memref_slice %arg7[%dma_wait3A_81, %dma_wait3A_82] : memref<151040x128xi32, #tpu.memory_space<hbm>> -> memref<80x128xi32, #tpu.memory_space<hbm>>
    tpu.wait_dma2 semaphore(%arg22 : memref<!tpu.dma_semaphore, #tpu.memory_space<semaphore_mem>>) src(%arg14 : memref<80x128xi32, #tpu.memory_space<vmem>>) dst(%dma_wait3A_83 : memref<80x128xi32, #tpu.memory_space<hbm>>)
    %dma_wait3A_84 = arith.constant 0 : i32
    %dma_wait3A_85 = tpu.memref_slice %arg8[%dma_wait3A_84] : memref<4720xi32, #tpu.memory_space<vmem>> -> memref<80xi32, #tpu.memory_space<vmem>>
    %dma_wait3A_86 = arith.constant 0 : i32
    %dma_wait3A_87 = arith.constant 0 : i32
    %dma_wait3A_88 = tpu.memref_slice %arg2[%dma_wait3A_86, %dma_wait3A_87] : memref<10000x128xi32, #tpu.memory_space<hbm>> -> memref<10000x128xi32, #tpu.memory_space<hbm>>
    tpu.wait_indirect_dma semaphore(%arg19 : memref<!tpu.dma_semaphore, #tpu.memory_space<semaphore_mem>>) src(%dma_wait3A_88 : memref<10000x128xi32, #tpu.memory_space<hbm>>) dst(%arg11 : memref<80x128xi32, #tpu.memory_space<vmem>>)
    %dma_wait3A_89 = arith.constant 0 : i32
    %dma_wait3A_90 = tpu.memref_slice %arg9[%dma_wait3A_89] : memref<4720xi32, #tpu.memory_space<vmem>> -> memref<80xi32, #tpu.memory_space<vmem>>
    %dma_wait3A_91 = arith.constant 0 : i32
    %dma_wait3A_92 = arith.constant 0 : i32
    %dma_wait3A_93 = tpu.memref_slice %arg3[%dma_wait3A_91, %dma_wait3A_92] : memref<10000x128xi32, #tpu.memory_space<hbm>> -> memref<10000x128xi32, #tpu.memory_space<hbm>>
    tpu.wait_indirect_dma semaphore(%arg19 : memref<!tpu.dma_semaphore, #tpu.memory_space<semaphore_mem>>) src(%dma_wait3A_93 : memref<10000x128xi32, #tpu.memory_space<hbm>>) dst(%arg15 : memref<80x128xi32, #tpu.memory_space<vmem>>)
    %add3A_94 = arith.constant 4560 : i32
    %add3A_95 = arith.addi %mul3A_2, %add3A_94 : i32
    %dma_start3A_96 = arith.constant 0 : i32
    %dma_start3A_97 = tpu.memref_slice %arg6[%add3A_95, %dma_start3A_96] : memref<151040x128xi32, #tpu.memory_space<hbm>> -> memref<80x128xi32, #tpu.memory_space<hbm>>
    %dma_start3A_98 = arith.constant 0 : i32
    %dma_start3A_99 = tpu.memref_slice %arg6[%add3A_95, %dma_start3A_98] : memref<151040x128xi32, #tpu.memory_space<hbm>> -> memref<80x128xi32, #tpu.memory_space<hbm>>
    tpu.enqueue_dma source(%arg11 : memref<80x128xi32, #tpu.memory_space<vmem>>) target(%dma_start3A_99 : memref<80x128xi32, #tpu.memory_space<hbm>>) target_semaphore(%arg23 : memref<!tpu.dma_semaphore, #tpu.memory_space<semaphore_mem>>)
    %dma_start3A_100 = arith.constant 0 : i32
    %dma_start3A_101 = tpu.memref_slice %arg7[%add3A_95, %dma_start3A_100] : memref<151040x128xi32, #tpu.memory_space<hbm>> -> memref<80x128xi32, #tpu.memory_space<hbm>>
    %dma_start3A_102 = arith.constant 0 : i32
    %dma_start3A_103 = tpu.memref_slice %arg7[%add3A_95, %dma_start3A_102] : memref<151040x128xi32, #tpu.memory_space<hbm>> -> memref<80x128xi32, #tpu.memory_space<hbm>>
    tpu.enqueue_dma source(%arg15 : memref<80x128xi32, #tpu.memory_space<vmem>>) target(%dma_start3A_103 : memref<80x128xi32, #tpu.memory_space<hbm>>) target_semaphore(%arg23 : memref<!tpu.dma_semaphore, #tpu.memory_space<semaphore_mem>>)
    %dma_wait3A_104 = arith.constant 0 : i32
    %dma_wait3A_105 = arith.constant 0 : i32
    %dma_wait3A_106 = tpu.memref_slice %arg6[%dma_wait3A_104, %dma_wait3A_105] : memref<151040x128xi32, #tpu.memory_space<hbm>> -> memref<80x128xi32, #tpu.memory_space<hbm>>
    %dma_wait3A_107 = arith.constant 0 : i32
    %dma_wait3A_108 = arith.constant 0 : i32
    %dma_wait3A_109 = tpu.memref_slice %arg6[%dma_wait3A_107, %dma_wait3A_108] : memref<151040x128xi32, #tpu.memory_space<hbm>> -> memref<80x128xi32, #tpu.memory_space<hbm>>
    tpu.wait_dma2 semaphore(%arg23 : memref<!tpu.dma_semaphore, #tpu.memory_space<semaphore_mem>>) src(%arg11 : memref<80x128xi32, #tpu.memory_space<vmem>>) dst(%dma_wait3A_109 : memref<80x128xi32, #tpu.memory_space<hbm>>)
    %dma_wait3A_110 = arith.constant 0 : i32
    %dma_wait3A_111 = arith.constant 0 : i32
    %dma_wait3A_112 = tpu.memref_slice %arg7[%dma_wait3A_110, %dma_wait3A_111] : memref<151040x128xi32, #tpu.memory_space<hbm>> -> memref<80x128xi32, #tpu.memory_space<hbm>>
    %dma_wait3A_113 = arith.constant 0 : i32
    %dma_wait3A_114 = arith.constant 0 : i32
    %dma_wait3A_115 = tpu.memref_slice %arg7[%dma_wait3A_113, %dma_wait3A_114] : memref<151040x128xi32, #tpu.memory_space<hbm>> -> memref<80x128xi32, #tpu.memory_space<hbm>>
    tpu.wait_dma2 semaphore(%arg23 : memref<!tpu.dma_semaphore, #tpu.memory_space<semaphore_mem>>) src(%arg15 : memref<80x128xi32, #tpu.memory_space<vmem>>) dst(%dma_wait3A_115 : memref<80x128xi32, #tpu.memory_space<hbm>>)
    %dma_wait3A_116 = arith.constant 0 : i32
    %dma_wait3A_117 = tpu.memref_slice %arg8[%dma_wait3A_116] : memref<4720xi32, #tpu.memory_space<vmem>> -> memref<80xi32, #tpu.memory_space<vmem>>
    %dma_wait3A_118 = arith.constant 0 : i32
    %dma_wait3A_119 = arith.constant 0 : i32
    %dma_wait3A_120 = tpu.memref_slice %arg2[%dma_wait3A_118, %dma_wait3A_119] : memref<10000x128xi32, #tpu.memory_space<hbm>> -> memref<10000x128xi32, #tpu.memory_space<hbm>>
    tpu.wait_indirect_dma semaphore(%arg20 : memref<!tpu.dma_semaphore, #tpu.memory_space<semaphore_mem>>) src(%dma_wait3A_120 : memref<10000x128xi32, #tpu.memory_space<hbm>>) dst(%arg12 : memref<80x128xi32, #tpu.memory_space<vmem>>)
    %dma_wait3A_121 = arith.constant 0 : i32
    %dma_wait3A_122 = tpu.memref_slice %arg9[%dma_wait3A_121] : memref<4720xi32, #tpu.memory_space<vmem>> -> memref<80xi32, #tpu.memory_space<vmem>>
    %dma_wait3A_123 = arith.constant 0 : i32
    %dma_wait3A_124 = arith.constant 0 : i32
    %dma_wait3A_125 = tpu.memref_slice %arg3[%dma_wait3A_123, %dma_wait3A_124] : memref<10000x128xi32, #tpu.memory_space<hbm>> -> memref<10000x128xi32, #tpu.memory_space<hbm>>
    tpu.wait_indirect_dma semaphore(%arg20 : memref<!tpu.dma_semaphore, #tpu.memory_space<semaphore_mem>>) src(%dma_wait3A_125 : memref<10000x128xi32, #tpu.memory_space<hbm>>) dst(%arg16 : memref<80x128xi32, #tpu.memory_space<vmem>>)
    %add3A_126 = arith.constant 4640 : i32
    %add3A_127 = arith.addi %mul3A_2, %add3A_126 : i32
    %dma_start3A_128 = arith.constant 0 : i32
    %dma_start3A_129 = tpu.memref_slice %arg6[%add3A_127, %dma_start3A_128] : memref<151040x128xi32, #tpu.memory_space<hbm>> -> memref<80x128xi32, #tpu.memory_space<hbm>>
    %dma_start3A_130 = arith.constant 0 : i32
    %dma_start3A_131 = tpu.memref_slice %arg6[%add3A_127, %dma_start3A_130] : memref<151040x128xi32, #tpu.memory_space<hbm>> -> memref<80x128xi32, #tpu.memory_space<hbm>>
    tpu.enqueue_dma source(%arg12 : memref<80x128xi32, #tpu.memory_space<vmem>>) target(%dma_start3A_131 : memref<80x128xi32, #tpu.memory_space<hbm>>) target_semaphore(%arg24 : memref<!tpu.dma_semaphore, #tpu.memory_space<semaphore_mem>>)
    %dma_start3A_132 = arith.constant 0 : i32
    %dma_start3A_133 = tpu.memref_slice %arg7[%add3A_127, %dma_start3A_132] : memref<151040x128xi32, #tpu.memory_space<hbm>> -> memref<80x128xi32, #tpu.memory_space<hbm>>
    %dma_start3A_134 = arith.constant 0 : i32
    %dma_start3A_135 = tpu.memref_slice %arg7[%add3A_127, %dma_start3A_134] : memref<151040x128xi32, #tpu.memory_space<hbm>> -> memref<80x128xi32, #tpu.memory_space<hbm>>
    tpu.enqueue_dma source(%arg16 : memref<80x128xi32, #tpu.memory_space<vmem>>) target(%dma_start3A_135 : memref<80x128xi32, #tpu.memory_space<hbm>>) target_semaphore(%arg24 : memref<!tpu.dma_semaphore, #tpu.memory_space<semaphore_mem>>)
    %dma_wait3A_136 = arith.constant 0 : i32
    %dma_wait3A_137 = arith.constant 0 : i32
    %dma_wait3A_138 = tpu.memref_slice %arg6[%dma_wait3A_136, %dma_wait3A_137] : memref<151040x128xi32, #tpu.memory_space<hbm>> -> memref<80x128xi32, #tpu.memory_space<hbm>>
    %dma_wait3A_139 = arith.constant 0 : i32
    %dma_wait3A_140 = arith.constant 0 : i32
    %dma_wait3A_141 = tpu.memref_slice %arg6[%dma_wait3A_139, %dma_wait3A_140] : memref<151040x128xi32, #tpu.memory_space<hbm>> -> memref<80x128xi32, #tpu.memory_space<hbm>>
    tpu.wait_dma2 semaphore(%arg24 : memref<!tpu.dma_semaphore, #tpu.memory_space<semaphore_mem>>) src(%arg12 : memref<80x128xi32, #tpu.memory_space<vmem>>) dst(%dma_wait3A_141 : memref<80x128xi32, #tpu.memory_space<hbm>>)
    %dma_wait3A_142 = arith.constant 0 : i32
    %dma_wait3A_143 = arith.constant 0 : i32
    %dma_wait3A_144 = tpu.memref_slice %arg7[%dma_wait3A_142, %dma_wait3A_143] : memref<151040x128xi32, #tpu.memory_space<hbm>> -> memref<80x128xi32, #tpu.memory_space<hbm>>
    %dma_wait3A_145 = arith.constant 0 : i32
    %dma_wait3A_146 = arith.constant 0 : i32
    %dma_wait3A_147 = tpu.memref_slice %arg7[%dma_wait3A_145, %dma_wait3A_146] : memref<151040x128xi32, #tpu.memory_space<hbm>> -> memref<80x128xi32, #tpu.memory_space<hbm>>
    tpu.wait_dma2 semaphore(%arg24 : memref<!tpu.dma_semaphore, #tpu.memory_space<semaphore_mem>>) src(%arg16 : memref<80x128xi32, #tpu.memory_space<vmem>>) dst(%dma_wait3A_147 : memref<80x128xi32, #tpu.memory_space<hbm>>)
    return
  }
}

#map = affine_map<(d0, d1) -> (0, 0)>
#map1 = affine_map<(d0, d1) -> (0)>
module attributes {stable_mosaic.version = 14 : i64} {
  func.func @body(%arg0: i32, %arg1: i32, %arg2: memref<151040x128xf32, #tpu.memory_space<hbm>>, %arg3: memref<320000xi32, #tpu.memory_space<hbm>>, %arg4: memref<20480x128xf32, #tpu.memory_space<hbm>>, %arg5: memref<80xi32, #tpu.memory_space<vmem>>, %arg6: memref<80xi32, #tpu.memory_space<vmem>>, %arg7: memref<80xi32, #tpu.memory_space<vmem>>, %arg8: memref<80xi32, #tpu.memory_space<vmem>>, %arg9: memref<80x128xf32, #tpu.memory_space<vmem>>, %arg10: memref<80x128xf32, #tpu.memory_space<vmem>>, %arg11: memref<80x128xf32, #tpu.memory_space<vmem>>, %arg12: memref<80x128xf32, #tpu.memory_space<vmem>>, %arg13: memref<10240x128xf32, #tpu.memory_space<vmem_shared>>, %arg14: memref<!tpu.dma_semaphore, #tpu.memory_space<semaphore_mem>>, %arg15: memref<!tpu.dma_semaphore, #tpu.memory_space<semaphore_mem>>, %arg16: memref<!tpu.dma_semaphore, #tpu.memory_space<semaphore_mem>>, %arg17: memref<!tpu.dma_semaphore, #tpu.memory_space<semaphore_mem>>, %arg18: memref<!tpu.dma_semaphore, #tpu.memory_space<semaphore_mem>>, %arg19: memref<!tpu.dma_semaphore, #tpu.memory_space<semaphore_mem>>, %arg20: memref<!tpu.dma_semaphore, #tpu.memory_space<semaphore_mem>>, %arg21: memref<!tpu.dma_semaphore, #tpu.memory_space<semaphore_mem>>) attributes {dimension_semantics = [#tpu.dimension_semantics<core_parallel>, #tpu.dimension_semantics<subcore_parallel>], iteration_bounds = array<i64: 2, 16>, scalar_prefetch = 0 : i64, scratch_operands = 17 : i64, tpu.core_type = #tpu.core_type<sc_vector_subcore>, window_params = [{transform_indices = #map}, {transform_indices = #map1}, {transform_indices = #map}]} {
    %mul3A = arith.constant 2 : i32
    %mul3A_0 = arith.muli %arg1, %mul3A : i32
    %add3A = arith.addi %mul3A_0, %arg0 : i32
    %mul3A_1 = arith.constant 4720 : i32
    %mul3A_2 = arith.muli %add3A, %mul3A_1 : i32
    %scan3A = arith.constant 0 : i32
    %scan3A_3 = arith.constant 0 : i32
    %scan3A_4 = arith.constant 80 : i32
    %scan3A_5 = arith.addi %scan3A_3, %scan3A_4 : i32
    %scan3A_6 = arith.constant 1 : i32
    scf.for %scan3A_188 = %scan3A_3 to %scan3A_5 step %scan3A_6  : i32 {
      %broadcast_in_dim3A = arith.constant 0.000000e+00 : f32
      %broadcast_in_dim3A_189 = vector.broadcast %broadcast_in_dim3A : f32 to vector<16xf32>
      %swap3A = arith.index_cast %scan3A_188 : i32 to index
      %swap3A_190 = arith.constant 0 : index
      %swap3A_191 = tpu.vector_load %arg9[%swap3A, %swap3A_190] {strides = array<i32>} : memref<80x128xf32, #tpu.memory_space<vmem>>, vector<1x16xf32>,
      %swap3A_192 = vector.shape_cast %swap3A_191 : vector<1x16xf32> to vector<16xf32>
      %swap3A_193 = vector.shape_cast %broadcast_in_dim3A_189 : vector<16xf32> to vector<1x16xf32>
      tpu.vector_store %arg9[%swap3A, %swap3A_190], %swap3A_193 {strides = array<i32>} : memref<80x128xf32, #tpu.memory_space<vmem>>, vector<1x16xf32>,
      %broadcast_in_dim3A_194 = arith.constant 0.000000e+00 : f32
      %broadcast_in_dim3A_195 = vector.broadcast %broadcast_in_dim3A_194 : f32 to vector<16xf32>
      %swap3A_196 = arith.index_cast %scan3A_188 : i32 to index
      %swap3A_197 = arith.constant 16 : index
      %swap3A_198 = tpu.vector_load %arg9[%swap3A_196, %swap3A_197] {strides = array<i32>} : memref<80x128xf32, #tpu.memory_space<vmem>>, vector<1x16xf32>,
      %swap3A_199 = vector.shape_cast %swap3A_198 : vector<1x16xf32> to vector<16xf32>
      %swap3A_200 = vector.shape_cast %broadcast_in_dim3A_195 : vector<16xf32> to vector<1x16xf32>
      tpu.vector_store %arg9[%swap3A_196, %swap3A_197], %swap3A_200 {strides = array<i32>} : memref<80x128xf32, #tpu.memory_space<vmem>>, vector<1x16xf32>,
      %broadcast_in_dim3A_201 = arith.constant 0.000000e+00 : f32
      %broadcast_in_dim3A_202 = vector.broadcast %broadcast_in_dim3A_201 : f32 to vector<16xf32>
      %swap3A_203 = arith.index_cast %scan3A_188 : i32 to index
      %swap3A_204 = arith.constant 32 : index
      %swap3A_205 = tpu.vector_load %arg9[%swap3A_203, %swap3A_204] {strides = array<i32>} : memref<80x128xf32, #tpu.memory_space<vmem>>, vector<1x16xf32>,
      %swap3A_206 = vector.shape_cast %swap3A_205 : vector<1x16xf32> to vector<16xf32>
      %swap3A_207 = vector.shape_cast %broadcast_in_dim3A_202 : vector<16xf32> to vector<1x16xf32>
      tpu.vector_store %arg9[%swap3A_203, %swap3A_204], %swap3A_207 {strides = array<i32>} : memref<80x128xf32, #tpu.memory_space<vmem>>, vector<1x16xf32>,
      %broadcast_in_dim3A_208 = arith.constant 0.000000e+00 : f32
      %broadcast_in_dim3A_209 = vector.broadcast %broadcast_in_dim3A_208 : f32 to vector<16xf32>
      %swap3A_210 = arith.index_cast %scan3A_188 : i32 to index
      %swap3A_211 = arith.constant 48 : index
      %swap3A_212 = tpu.vector_load %arg9[%swap3A_210, %swap3A_211] {strides = array<i32>} : memref<80x128xf32, #tpu.memory_space<vmem>>, vector<1x16xf32>,
      %swap3A_213 = vector.shape_cast %swap3A_212 : vector<1x16xf32> to vector<16xf32>
      %swap3A_214 = vector.shape_cast %broadcast_in_dim3A_209 : vector<16xf32> to vector<1x16xf32>
      tpu.vector_store %arg9[%swap3A_210, %swap3A_211], %swap3A_214 {strides = array<i32>} : memref<80x128xf32, #tpu.memory_space<vmem>>, vector<1x16xf32>,
      %broadcast_in_dim3A_215 = arith.constant 0.000000e+00 : f32
      %broadcast_in_dim3A_216 = vector.broadcast %broadcast_in_dim3A_215 : f32 to vector<16xf32>
      %swap3A_217 = arith.index_cast %scan3A_188 : i32 to index
      %swap3A_218 = arith.constant 64 : index
      %swap3A_219 = tpu.vector_load %arg9[%swap3A_217, %swap3A_218] {strides = array<i32>} : memref<80x128xf32, #tpu.memory_space<vmem>>, vector<1x16xf32>,
      %swap3A_220 = vector.shape_cast %swap3A_219 : vector<1x16xf32> to vector<16xf32>
      %swap3A_221 = vector.shape_cast %broadcast_in_dim3A_216 : vector<16xf32> to vector<1x16xf32>
      tpu.vector_store %arg9[%swap3A_217, %swap3A_218], %swap3A_221 {strides = array<i32>} : memref<80x128xf32, #tpu.memory_space<vmem>>, vector<1x16xf32>,
      %broadcast_in_dim3A_222 = arith.constant 0.000000e+00 : f32
      %broadcast_in_dim3A_223 = vector.broadcast %broadcast_in_dim3A_222 : f32 to vector<16xf32>
      %swap3A_224 = arith.index_cast %scan3A_188 : i32 to index
      %swap3A_225 = arith.constant 80 : index
      %swap3A_226 = tpu.vector_load %arg9[%swap3A_224, %swap3A_225] {strides = array<i32>} : memref<80x128xf32, #tpu.memory_space<vmem>>, vector<1x16xf32>,
      %swap3A_227 = vector.shape_cast %swap3A_226 : vector<1x16xf32> to vector<16xf32>
      %swap3A_228 = vector.shape_cast %broadcast_in_dim3A_223 : vector<16xf32> to vector<1x16xf32>
      tpu.vector_store %arg9[%swap3A_224, %swap3A_225], %swap3A_228 {strides = array<i32>} : memref<80x128xf32, #tpu.memory_space<vmem>>, vector<1x16xf32>,
      %broadcast_in_dim3A_229 = arith.constant 0.000000e+00 : f32
      %broadcast_in_dim3A_230 = vector.broadcast %broadcast_in_dim3A_229 : f32 to vector<16xf32>
      %swap3A_231 = arith.index_cast %scan3A_188 : i32 to index
      %swap3A_232 = arith.constant 96 : index
      %swap3A_233 = tpu.vector_load %arg9[%swap3A_231, %swap3A_232] {strides = array<i32>} : memref<80x128xf32, #tpu.memory_space<vmem>>, vector<1x16xf32>,
      %swap3A_234 = vector.shape_cast %swap3A_233 : vector<1x16xf32> to vector<16xf32>
      %swap3A_235 = vector.shape_cast %broadcast_in_dim3A_230 : vector<16xf32> to vector<1x16xf32>
      tpu.vector_store %arg9[%swap3A_231, %swap3A_232], %swap3A_235 {strides = array<i32>} : memref<80x128xf32, #tpu.memory_space<vmem>>, vector<1x16xf32>,
      %broadcast_in_dim3A_236 = arith.constant 0.000000e+00 : f32
      %broadcast_in_dim3A_237 = vector.broadcast %broadcast_in_dim3A_236 : f32 to vector<16xf32>
      %swap3A_238 = arith.index_cast %scan3A_188 : i32 to index
      %swap3A_239 = arith.constant 112 : index
      %swap3A_240 = tpu.vector_load %arg9[%swap3A_238, %swap3A_239] {strides = array<i32>} : memref<80x128xf32, #tpu.memory_space<vmem>>, vector<1x16xf32>,
      %swap3A_241 = vector.shape_cast %swap3A_240 : vector<1x16xf32> to vector<16xf32>
      %swap3A_242 = vector.shape_cast %broadcast_in_dim3A_237 : vector<16xf32> to vector<1x16xf32>
      tpu.vector_store %arg9[%swap3A_238, %swap3A_239], %swap3A_242 {strides = array<i32>} : memref<80x128xf32, #tpu.memory_space<vmem>>, vector<1x16xf32>,
    }
    %scan3A_7 = arith.constant 80 : i32
    %mul3A_8 = arith.constant 640 : i32
    %mul3A_9 = arith.muli %arg1, %mul3A_8 : i32
    %add3A_10 = arith.constant 0 : i32
    %add3A_11 = arith.addi %mul3A_9, %add3A_10 : i32
    "tpu.region"() ({
      %run_scoped3A = tpu.sem_alloc : memref<!tpu.dma_semaphore, #tpu.memory_space<semaphore_mem>>
      %dma_start3A_188 = arith.constant 0 : i32
      %dma_start3A_189 = tpu.memref_slice %arg13[%add3A_11, %dma_start3A_188] : memref<10240x128xf32, #tpu.memory_space<vmem_shared>> -> memref<80x128xf32, #tpu.memory_space<vmem_shared>>
      %dma_start3A_190 = arith.constant 0 : i32
      %dma_start3A_191 = tpu.memref_slice %arg13[%add3A_11, %dma_start3A_190] : memref<10240x128xf32, #tpu.memory_space<vmem_shared>> -> memref<80x128xf32, #tpu.memory_space<vmem_shared>>
      tpu.enqueue_dma source(%arg9 : memref<80x128xf32, #tpu.memory_space<vmem>>) target(%dma_start3A_191 : memref<80x128xf32, #tpu.memory_space<vmem_shared>>) target_semaphore(%run_scoped3A : memref<!tpu.dma_semaphore, #tpu.memory_space<semaphore_mem>>)
      %dma_wait3A_192 = arith.constant 0 : i32
      %dma_wait3A_193 = tpu.memref_slice %arg13[%add3A_11, %dma_wait3A_192] : memref<10240x128xf32, #tpu.memory_space<vmem_shared>> -> memref<80x128xf32, #tpu.memory_space<vmem_shared>>
      %dma_wait3A_194 = arith.constant 0 : i32
      %dma_wait3A_195 = tpu.memref_slice %arg13[%add3A_11, %dma_wait3A_194] : memref<10240x128xf32, #tpu.memory_space<vmem_shared>> -> memref<80x128xf32, #tpu.memory_space<vmem_shared>>
      tpu.wait_dma2 semaphore(%run_scoped3A : memref<!tpu.dma_semaphore, #tpu.memory_space<semaphore_mem>>) src(%arg9 : memref<80x128xf32, #tpu.memory_space<vmem>>) dst(%dma_wait3A_195 : memref<80x128xf32, #tpu.memory_space<vmem_shared>>)
      tpu.yield
    }) : () -> ()
    %mul3A_12 = arith.constant 640 : i32
    %mul3A_13 = arith.muli %arg1, %mul3A_12 : i32
    %add3A_14 = arith.constant 80 : i32
    %add3A_15 = arith.addi %mul3A_13, %add3A_14 : i32
    "tpu.region"() ({
      %run_scoped3A = tpu.sem_alloc : memref<!tpu.dma_semaphore, #tpu.memory_space<semaphore_mem>>
      %dma_start3A_188 = arith.constant 0 : i32
      %dma_start3A_189 = tpu.memref_slice %arg13[%add3A_15, %dma_start3A_188] : memref<10240x128xf32, #tpu.memory_space<vmem_shared>> -> memref<80x128xf32, #tpu.memory_space<vmem_shared>>
      %dma_start3A_190 = arith.constant 0 : i32
      %dma_start3A_191 = tpu.memref_slice %arg13[%add3A_15, %dma_start3A_190] : memref<10240x128xf32, #tpu.memory_space<vmem_shared>> -> memref<80x128xf32, #tpu.memory_space<vmem_shared>>
      tpu.enqueue_dma source(%arg9 : memref<80x128xf32, #tpu.memory_space<vmem>>) target(%dma_start3A_191 : memref<80x128xf32, #tpu.memory_space<vmem_shared>>) target_semaphore(%run_scoped3A : memref<!tpu.dma_semaphore, #tpu.memory_space<semaphore_mem>>)
      %dma_wait3A_192 = arith.constant 0 : i32
      %dma_wait3A_193 = tpu.memref_slice %arg13[%add3A_15, %dma_wait3A_192] : memref<10240x128xf32, #tpu.memory_space<vmem_shared>> -> memref<80x128xf32, #tpu.memory_space<vmem_shared>>
      %dma_wait3A_194 = arith.constant 0 : i32
      %dma_wait3A_195 = tpu.memref_slice %arg13[%add3A_15, %dma_wait3A_194] : memref<10240x128xf32, #tpu.memory_space<vmem_shared>> -> memref<80x128xf32, #tpu.memory_space<vmem_shared>>
      tpu.wait_dma2 semaphore(%run_scoped3A : memref<!tpu.dma_semaphore, #tpu.memory_space<semaphore_mem>>) src(%arg9 : memref<80x128xf32, #tpu.memory_space<vmem>>) dst(%dma_wait3A_195 : memref<80x128xf32, #tpu.memory_space<vmem_shared>>)
      tpu.yield
    }) : () -> ()
    %mul3A_16 = arith.constant 640 : i32
    %mul3A_17 = arith.muli %arg1, %mul3A_16 : i32
    %add3A_18 = arith.constant 160 : i32
    %add3A_19 = arith.addi %mul3A_17, %add3A_18 : i32
    "tpu.region"() ({
      %run_scoped3A = tpu.sem_alloc : memref<!tpu.dma_semaphore, #tpu.memory_space<semaphore_mem>>
      %dma_start3A_188 = arith.constant 0 : i32
      %dma_start3A_189 = tpu.memref_slice %arg13[%add3A_19, %dma_start3A_188] : memref<10240x128xf32, #tpu.memory_space<vmem_shared>> -> memref<80x128xf32, #tpu.memory_space<vmem_shared>>
      %dma_start3A_190 = arith.constant 0 : i32
      %dma_start3A_191 = tpu.memref_slice %arg13[%add3A_19, %dma_start3A_190] : memref<10240x128xf32, #tpu.memory_space<vmem_shared>> -> memref<80x128xf32, #tpu.memory_space<vmem_shared>>
      tpu.enqueue_dma source(%arg9 : memref<80x128xf32, #tpu.memory_space<vmem>>) target(%dma_start3A_191 : memref<80x128xf32, #tpu.memory_space<vmem_shared>>) target_semaphore(%run_scoped3A : memref<!tpu.dma_semaphore, #tpu.memory_space<semaphore_mem>>)
      %dma_wait3A_192 = arith.constant 0 : i32
      %dma_wait3A_193 = tpu.memref_slice %arg13[%add3A_19, %dma_wait3A_192] : memref<10240x128xf32, #tpu.memory_space<vmem_shared>> -> memref<80x128xf32, #tpu.memory_space<vmem_shared>>
      %dma_wait3A_194 = arith.constant 0 : i32
      %dma_wait3A_195 = tpu.memref_slice %arg13[%add3A_19, %dma_wait3A_194] : memref<10240x128xf32, #tpu.memory_space<vmem_shared>> -> memref<80x128xf32, #tpu.memory_space<vmem_shared>>
      tpu.wait_dma2 semaphore(%run_scoped3A : memref<!tpu.dma_semaphore, #tpu.memory_space<semaphore_mem>>) src(%arg9 : memref<80x128xf32, #tpu.memory_space<vmem>>) dst(%dma_wait3A_195 : memref<80x128xf32, #tpu.memory_space<vmem_shared>>)
      tpu.yield
    }) : () -> ()
    %mul3A_20 = arith.constant 640 : i32
    %mul3A_21 = arith.muli %arg1, %mul3A_20 : i32
    %add3A_22 = arith.constant 240 : i32
    %add3A_23 = arith.addi %mul3A_21, %add3A_22 : i32
    "tpu.region"() ({
      %run_scoped3A = tpu.sem_alloc : memref<!tpu.dma_semaphore, #tpu.memory_space<semaphore_mem>>
      %dma_start3A_188 = arith.constant 0 : i32
      %dma_start3A_189 = tpu.memref_slice %arg13[%add3A_23, %dma_start3A_188] : memref<10240x128xf32, #tpu.memory_space<vmem_shared>> -> memref<80x128xf32, #tpu.memory_space<vmem_shared>>
      %dma_start3A_190 = arith.constant 0 : i32
      %dma_start3A_191 = tpu.memref_slice %arg13[%add3A_23, %dma_start3A_190] : memref<10240x128xf32, #tpu.memory_space<vmem_shared>> -> memref<80x128xf32, #tpu.memory_space<vmem_shared>>
      tpu.enqueue_dma source(%arg9 : memref<80x128xf32, #tpu.memory_space<vmem>>) target(%dma_start3A_191 : memref<80x128xf32, #tpu.memory_space<vmem_shared>>) target_semaphore(%run_scoped3A : memref<!tpu.dma_semaphore, #tpu.memory_space<semaphore_mem>>)
      %dma_wait3A_192 = arith.constant 0 : i32
      %dma_wait3A_193 = tpu.memref_slice %arg13[%add3A_23, %dma_wait3A_192] : memref<10240x128xf32, #tpu.memory_space<vmem_shared>> -> memref<80x128xf32, #tpu.memory_space<vmem_shared>>
      %dma_wait3A_194 = arith.constant 0 : i32
      %dma_wait3A_195 = tpu.memref_slice %arg13[%add3A_23, %dma_wait3A_194] : memref<10240x128xf32, #tpu.memory_space<vmem_shared>> -> memref<80x128xf32, #tpu.memory_space<vmem_shared>>
      tpu.wait_dma2 semaphore(%run_scoped3A : memref<!tpu.dma_semaphore, #tpu.memory_space<semaphore_mem>>) src(%arg9 : memref<80x128xf32, #tpu.memory_space<vmem>>) dst(%dma_wait3A_195 : memref<80x128xf32, #tpu.memory_space<vmem_shared>>)
      tpu.yield
    }) : () -> ()
    %mul3A_24 = arith.constant 640 : i32
    %mul3A_25 = arith.muli %arg1, %mul3A_24 : i32
    %add3A_26 = arith.constant 320 : i32
    %add3A_27 = arith.addi %mul3A_25, %add3A_26 : i32
    "tpu.region"() ({
      %run_scoped3A = tpu.sem_alloc : memref<!tpu.dma_semaphore, #tpu.memory_space<semaphore_mem>>
      %dma_start3A_188 = arith.constant 0 : i32
      %dma_start3A_189 = tpu.memref_slice %arg13[%add3A_27, %dma_start3A_188] : memref<10240x128xf32, #tpu.memory_space<vmem_shared>> -> memref<80x128xf32, #tpu.memory_space<vmem_shared>>
      %dma_start3A_190 = arith.constant 0 : i32
      %dma_start3A_191 = tpu.memref_slice %arg13[%add3A_27, %dma_start3A_190] : memref<10240x128xf32, #tpu.memory_space<vmem_shared>> -> memref<80x128xf32, #tpu.memory_space<vmem_shared>>
      tpu.enqueue_dma source(%arg9 : memref<80x128xf32, #tpu.memory_space<vmem>>) target(%dma_start3A_191 : memref<80x128xf32, #tpu.memory_space<vmem_shared>>) target_semaphore(%run_scoped3A : memref<!tpu.dma_semaphore, #tpu.memory_space<semaphore_mem>>)
      %dma_wait3A_192 = arith.constant 0 : i32
      %dma_wait3A_193 = tpu.memref_slice %arg13[%add3A_27, %dma_wait3A_192] : memref<10240x128xf32, #tpu.memory_space<vmem_shared>> -> memref<80x128xf32, #tpu.memory_space<vmem_shared>>
      %dma_wait3A_194 = arith.constant 0 : i32
      %dma_wait3A_195 = tpu.memref_slice %arg13[%add3A_27, %dma_wait3A_194] : memref<10240x128xf32, #tpu.memory_space<vmem_shared>> -> memref<80x128xf32, #tpu.memory_space<vmem_shared>>
      tpu.wait_dma2 semaphore(%run_scoped3A : memref<!tpu.dma_semaphore, #tpu.memory_space<semaphore_mem>>) src(%arg9 : memref<80x128xf32, #tpu.memory_space<vmem>>) dst(%dma_wait3A_195 : memref<80x128xf32, #tpu.memory_space<vmem_shared>>)
      tpu.yield
    }) : () -> ()
    %mul3A_28 = arith.constant 640 : i32
    %mul3A_29 = arith.muli %arg1, %mul3A_28 : i32
    %add3A_30 = arith.constant 400 : i32
    %add3A_31 = arith.addi %mul3A_29, %add3A_30 : i32
    "tpu.region"() ({
      %run_scoped3A = tpu.sem_alloc : memref<!tpu.dma_semaphore, #tpu.memory_space<semaphore_mem>>
      %dma_start3A_188 = arith.constant 0 : i32
      %dma_start3A_189 = tpu.memref_slice %arg13[%add3A_31, %dma_start3A_188] : memref<10240x128xf32, #tpu.memory_space<vmem_shared>> -> memref<80x128xf32, #tpu.memory_space<vmem_shared>>
      %dma_start3A_190 = arith.constant 0 : i32
      %dma_start3A_191 = tpu.memref_slice %arg13[%add3A_31, %dma_start3A_190] : memref<10240x128xf32, #tpu.memory_space<vmem_shared>> -> memref<80x128xf32, #tpu.memory_space<vmem_shared>>
      tpu.enqueue_dma source(%arg9 : memref<80x128xf32, #tpu.memory_space<vmem>>) target(%dma_start3A_191 : memref<80x128xf32, #tpu.memory_space<vmem_shared>>) target_semaphore(%run_scoped3A : memref<!tpu.dma_semaphore, #tpu.memory_space<semaphore_mem>>)
      %dma_wait3A_192 = arith.constant 0 : i32
      %dma_wait3A_193 = tpu.memref_slice %arg13[%add3A_31, %dma_wait3A_192] : memref<10240x128xf32, #tpu.memory_space<vmem_shared>> -> memref<80x128xf32, #tpu.memory_space<vmem_shared>>
      %dma_wait3A_194 = arith.constant 0 : i32
      %dma_wait3A_195 = tpu.memref_slice %arg13[%add3A_31, %dma_wait3A_194] : memref<10240x128xf32, #tpu.memory_space<vmem_shared>> -> memref<80x128xf32, #tpu.memory_space<vmem_shared>>
      tpu.wait_dma2 semaphore(%run_scoped3A : memref<!tpu.dma_semaphore, #tpu.memory_space<semaphore_mem>>) src(%arg9 : memref<80x128xf32, #tpu.memory_space<vmem>>) dst(%dma_wait3A_195 : memref<80x128xf32, #tpu.memory_space<vmem_shared>>)
      tpu.yield
    }) : () -> ()
    %mul3A_32 = arith.constant 640 : i32
    %mul3A_33 = arith.muli %arg1, %mul3A_32 : i32
    %add3A_34 = arith.constant 480 : i32
    %add3A_35 = arith.addi %mul3A_33, %add3A_34 : i32
    "tpu.region"() ({
      %run_scoped3A = tpu.sem_alloc : memref<!tpu.dma_semaphore, #tpu.memory_space<semaphore_mem>>
      %dma_start3A_188 = arith.constant 0 : i32
      %dma_start3A_189 = tpu.memref_slice %arg13[%add3A_35, %dma_start3A_188] : memref<10240x128xf32, #tpu.memory_space<vmem_shared>> -> memref<80x128xf32, #tpu.memory_space<vmem_shared>>
      %dma_start3A_190 = arith.constant 0 : i32
      %dma_start3A_191 = tpu.memref_slice %arg13[%add3A_35, %dma_start3A_190] : memref<10240x128xf32, #tpu.memory_space<vmem_shared>> -> memref<80x128xf32, #tpu.memory_space<vmem_shared>>
      tpu.enqueue_dma source(%arg9 : memref<80x128xf32, #tpu.memory_space<vmem>>) target(%dma_start3A_191 : memref<80x128xf32, #tpu.memory_space<vmem_shared>>) target_semaphore(%run_scoped3A : memref<!tpu.dma_semaphore, #tpu.memory_space<semaphore_mem>>)
      %dma_wait3A_192 = arith.constant 0 : i32
      %dma_wait3A_193 = tpu.memref_slice %arg13[%add3A_35, %dma_wait3A_192] : memref<10240x128xf32, #tpu.memory_space<vmem_shared>> -> memref<80x128xf32, #tpu.memory_space<vmem_shared>>
      %dma_wait3A_194 = arith.constant 0 : i32
      %dma_wait3A_195 = tpu.memref_slice %arg13[%add3A_35, %dma_wait3A_194] : memref<10240x128xf32, #tpu.memory_space<vmem_shared>> -> memref<80x128xf32, #tpu.memory_space<vmem_shared>>
      tpu.wait_dma2 semaphore(%run_scoped3A : memref<!tpu.dma_semaphore, #tpu.memory_space<semaphore_mem>>) src(%arg9 : memref<80x128xf32, #tpu.memory_space<vmem>>) dst(%dma_wait3A_195 : memref<80x128xf32, #tpu.memory_space<vmem_shared>>)
      tpu.yield
    }) : () -> ()
    %mul3A_36 = arith.constant 640 : i32
    %mul3A_37 = arith.muli %arg1, %mul3A_36 : i32
    %add3A_38 = arith.constant 560 : i32
    %add3A_39 = arith.addi %mul3A_37, %add3A_38 : i32
    "tpu.region"() ({
      %run_scoped3A = tpu.sem_alloc : memref<!tpu.dma_semaphore, #tpu.memory_space<semaphore_mem>>
      %dma_start3A_188 = arith.constant 0 : i32
      %dma_start3A_189 = tpu.memref_slice %arg13[%add3A_39, %dma_start3A_188] : memref<10240x128xf32, #tpu.memory_space<vmem_shared>> -> memref<80x128xf32, #tpu.memory_space<vmem_shared>>
      %dma_start3A_190 = arith.constant 0 : i32
      %dma_start3A_191 = tpu.memref_slice %arg13[%add3A_39, %dma_start3A_190] : memref<10240x128xf32, #tpu.memory_space<vmem_shared>> -> memref<80x128xf32, #tpu.memory_space<vmem_shared>>
      tpu.enqueue_dma source(%arg9 : memref<80x128xf32, #tpu.memory_space<vmem>>) target(%dma_start3A_191 : memref<80x128xf32, #tpu.memory_space<vmem_shared>>) target_semaphore(%run_scoped3A : memref<!tpu.dma_semaphore, #tpu.memory_space<semaphore_mem>>)
      %dma_wait3A_192 = arith.constant 0 : i32
      %dma_wait3A_193 = tpu.memref_slice %arg13[%add3A_39, %dma_wait3A_192] : memref<10240x128xf32, #tpu.memory_space<vmem_shared>> -> memref<80x128xf32, #tpu.memory_space<vmem_shared>>
      %dma_wait3A_194 = arith.constant 0 : i32
      %dma_wait3A_195 = tpu.memref_slice %arg13[%add3A_39, %dma_wait3A_194] : memref<10240x128xf32, #tpu.memory_space<vmem_shared>> -> memref<80x128xf32, #tpu.memory_space<vmem_shared>>
      tpu.wait_dma2 semaphore(%run_scoped3A : memref<!tpu.dma_semaphore, #tpu.memory_space<semaphore_mem>>) src(%arg9 : memref<80x128xf32, #tpu.memory_space<vmem>>) dst(%dma_wait3A_195 : memref<80x128xf32, #tpu.memory_space<vmem_shared>>)
      tpu.yield
    }) : () -> ()
    %barrier3A = arith.constant 0 : index
    tpu.barrier barrier_id(%barrier3A)
    %add3A_40 = arith.constant 0 : i32
    %add3A_41 = arith.addi %mul3A_2, %add3A_40 : i32
    %dma_start3A = arith.constant 0 : i32
    %dma_start3A_42 = tpu.memref_slice %arg2[%add3A_41, %dma_start3A] : memref<151040x128xf32, #tpu.memory_space<hbm>> -> memref<80x128xf32, #tpu.memory_space<hbm>>
    %dma_start3A_43 = arith.constant 0 : i32
    %dma_start3A_44 = tpu.memref_slice %arg2[%add3A_41, %dma_start3A_43] : memref<151040x128xf32, #tpu.memory_space<hbm>> -> memref<80x128xf32, #tpu.memory_space<hbm>>
    tpu.enqueue_dma source(%dma_start3A_44 : memref<80x128xf32, #tpu.memory_space<hbm>>) target(%arg9 : memref<80x128xf32, #tpu.memory_space<vmem>>) target_semaphore(%arg14 : memref<!tpu.dma_semaphore, #tpu.memory_space<semaphore_mem>>)
    %add3A_45 = arith.constant 168960 : i32
    %add3A_46 = arith.addi %add3A_45, %mul3A_2 : i32
    %add3A_47 = arith.constant 0 : i32
    %add3A_48 = arith.addi %add3A_46, %add3A_47 : i32
    %dma_start3A_49 = tpu.memref_slice %arg3[%add3A_48] : memref<320000xi32, #tpu.memory_space<hbm>> -> memref<80xi32, #tpu.memory_space<hbm>>
    %dma_start3A_50 = tpu.memref_slice %arg3[%add3A_48] : memref<320000xi32, #tpu.memory_space<hbm>> -> memref<80xi32, #tpu.memory_space<hbm>>
    tpu.enqueue_dma source(%dma_start3A_50 : memref<80xi32, #tpu.memory_space<hbm>>) target(%arg5 : memref<80xi32, #tpu.memory_space<vmem>>) target_semaphore(%arg14 : memref<!tpu.dma_semaphore, #tpu.memory_space<semaphore_mem>>)
    %add3A_51 = arith.constant 80 : i32
    %add3A_52 = arith.addi %mul3A_2, %add3A_51 : i32
    %dma_start3A_53 = arith.constant 0 : i32
    %dma_start3A_54 = tpu.memref_slice %arg2[%add3A_52, %dma_start3A_53] : memref<151040x128xf32, #tpu.memory_space<hbm>> -> memref<80x128xf32, #tpu.memory_space<hbm>>
    %dma_start3A_55 = arith.constant 0 : i32
    %dma_start3A_56 = tpu.memref_slice %arg2[%add3A_52, %dma_start3A_55] : memref<151040x128xf32, #tpu.memory_space<hbm>> -> memref<80x128xf32, #tpu.memory_space<hbm>>
    tpu.enqueue_dma source(%dma_start3A_56 : memref<80x128xf32, #tpu.memory_space<hbm>>) target(%arg10 : memref<80x128xf32, #tpu.memory_space<vmem>>) target_semaphore(%arg15 : memref<!tpu.dma_semaphore, #tpu.memory_space<semaphore_mem>>)
    %add3A_57 = arith.constant 168960 : i32
    %add3A_58 = arith.addi %add3A_57, %mul3A_2 : i32
    %add3A_59 = arith.constant 80 : i32
    %add3A_60 = arith.addi %add3A_58, %add3A_59 : i32
    %dma_start3A_61 = tpu.memref_slice %arg3[%add3A_60] : memref<320000xi32, #tpu.memory_space<hbm>> -> memref<80xi32, #tpu.memory_space<hbm>>
    %dma_start3A_62 = tpu.memref_slice %arg3[%add3A_60] : memref<320000xi32, #tpu.memory_space<hbm>> -> memref<80xi32, #tpu.memory_space<hbm>>
    tpu.enqueue_dma source(%dma_start3A_62 : memref<80xi32, #tpu.memory_space<hbm>>) target(%arg6 : memref<80xi32, #tpu.memory_space<vmem>>) target_semaphore(%arg15 : memref<!tpu.dma_semaphore, #tpu.memory_space<semaphore_mem>>)
    %add3A_63 = arith.constant 160 : i32
    %add3A_64 = arith.addi %mul3A_2, %add3A_63 : i32
    %dma_start3A_65 = arith.constant 0 : i32
    %dma_start3A_66 = tpu.memref_slice %arg2[%add3A_64, %dma_start3A_65] : memref<151040x128xf32, #tpu.memory_space<hbm>> -> memref<80x128xf32, #tpu.memory_space<hbm>>
    %dma_start3A_67 = arith.constant 0 : i32
    %dma_start3A_68 = tpu.memref_slice %arg2[%add3A_64, %dma_start3A_67] : memref<151040x128xf32, #tpu.memory_space<hbm>> -> memref<80x128xf32, #tpu.memory_space<hbm>>
    tpu.enqueue_dma source(%dma_start3A_68 : memref<80x128xf32, #tpu.memory_space<hbm>>) target(%arg11 : memref<80x128xf32, #tpu.memory_space<vmem>>) target_semaphore(%arg16 : memref<!tpu.dma_semaphore, #tpu.memory_space<semaphore_mem>>)
    %add3A_69 = arith.constant 168960 : i32
    %add3A_70 = arith.addi %add3A_69, %mul3A_2 : i32
    %add3A_71 = arith.constant 160 : i32
    %add3A_72 = arith.addi %add3A_70, %add3A_71 : i32
    %dma_start3A_73 = tpu.memref_slice %arg3[%add3A_72] : memref<320000xi32, #tpu.memory_space<hbm>> -> memref<80xi32, #tpu.memory_space<hbm>>
    %dma_start3A_74 = tpu.memref_slice %arg3[%add3A_72] : memref<320000xi32, #tpu.memory_space<hbm>> -> memref<80xi32, #tpu.memory_space<hbm>>
    tpu.enqueue_dma source(%dma_start3A_74 : memref<80xi32, #tpu.memory_space<hbm>>) target(%arg7 : memref<80xi32, #tpu.memory_space<vmem>>) target_semaphore(%arg16 : memref<!tpu.dma_semaphore, #tpu.memory_space<semaphore_mem>>)
    %scan3A_75 = arith.constant 0 : i32
    %scan3A_76 = arith.constant 0 : i32
    %scan3A_77 = arith.constant 14 : i32
    %scan3A_78 = arith.addi %scan3A_76, %scan3A_77 : i32
    %scan3A_79 = arith.constant 1 : i32
    scf.for %scan3A_188 = %scan3A_76 to %scan3A_78 step %scan3A_79  : i32 {
      %mul3A_189 = arith.constant 4 : i32
      %mul3A_190 = arith.muli %scan3A_188, %mul3A_189 : i32
      %add3A_191 = arith.constant 0 : i32
      %add3A_192 = arith.addi %mul3A_190, %add3A_191 : i32
      %ge3A = arith.constant 1 : i32
      %ge3A_193 = arith.cmpi sge, %add3A_192, %ge3A : i32
      %convert_element_type3A = arith.extui %ge3A_193 : i1 to i32
      %cond3A = arith.constant 0 : i32
      %cond3A_194 = arith.cmpi ne, %convert_element_type3A, %cond3A : i32
      scf.if %cond3A_194 {
        %dma_wait3A_301 = arith.constant 0 : i32
        %dma_wait3A_302 = arith.constant 0 : i32
        %dma_wait3A_303 = tpu.memref_slice %arg13[%dma_wait3A_301, %dma_wait3A_302] : memref<10240x128xf32, #tpu.memory_space<vmem_shared>> -> memref<10240x128xf32, #tpu.memory_space<vmem_shared>>
        tpu.wait_indirect_dma semaphore(%arg21 : memref<!tpu.dma_semaphore, #tpu.memory_space<semaphore_mem>>) src(%arg12 : memref<80x128xf32, #tpu.memory_space<vmem>>) dst(%dma_wait3A_303 : memref<10240x128xf32, #tpu.memory_space<vmem_shared>>)
      } else {
      }
      %add3A_195 = arith.constant 3 : i32
      %add3A_196 = arith.addi %add3A_192, %add3A_195 : i32
      %lt3A = arith.constant 59 : i32
      %lt3A_197 = arith.cmpi slt, %add3A_196, %lt3A : i32
      %convert_element_type3A_198 = arith.extui %lt3A_197 : i1 to i32
      %cond3A_199 = arith.constant 0 : i32
      %cond3A_200 = arith.cmpi ne, %convert_element_type3A_198, %cond3A_199 : i32
      scf.if %cond3A_200 {
        %add3A_301 = arith.constant 3 : i32
        %add3A_302 = arith.addi %add3A_192, %add3A_301 : i32
        %mul3A_303 = arith.constant 80 : i32
        %mul3A_304 = arith.muli %add3A_302, %mul3A_303 : i32
        %add3A_305 = arith.addi %mul3A_2, %mul3A_304 : i32
        %dma_start3A_306 = arith.constant 0 : i32
        %dma_start3A_307 = tpu.memref_slice %arg2[%add3A_305, %dma_start3A_306] : memref<151040x128xf32, #tpu.memory_space<hbm>> -> memref<80x128xf32, #tpu.memory_space<hbm>>
        %dma_start3A_308 = arith.constant 0 : i32
        %dma_start3A_309 = tpu.memref_slice %arg2[%add3A_305, %dma_start3A_308] : memref<151040x128xf32, #tpu.memory_space<hbm>> -> memref<80x128xf32, #tpu.memory_space<hbm>>
        tpu.enqueue_dma source(%dma_start3A_309 : memref<80x128xf32, #tpu.memory_space<hbm>>) target(%arg12 : memref<80x128xf32, #tpu.memory_space<vmem>>) target_semaphore(%arg17 : memref<!tpu.dma_semaphore, #tpu.memory_space<semaphore_mem>>)
        %add3A_310 = arith.constant 168960 : i32
        %add3A_311 = arith.addi %add3A_310, %mul3A_2 : i32
        %mul3A_312 = arith.constant 80 : i32
        %mul3A_313 = arith.muli %add3A_302, %mul3A_312 : i32
        %add3A_314 = arith.addi %add3A_311, %mul3A_313 : i32
        %dma_start3A_315 = tpu.memref_slice %arg3[%add3A_314] : memref<320000xi32, #tpu.memory_space<hbm>> -> memref<80xi32, #tpu.memory_space<hbm>>
        %dma_start3A_316 = tpu.memref_slice %arg3[%add3A_314] : memref<320000xi32, #tpu.memory_space<hbm>> -> memref<80xi32, #tpu.memory_space<hbm>>
        tpu.enqueue_dma source(%dma_start3A_316 : memref<80xi32, #tpu.memory_space<hbm>>) target(%arg8 : memref<80xi32, #tpu.memory_space<vmem>>) target_semaphore(%arg17 : memref<!tpu.dma_semaphore, #tpu.memory_space<semaphore_mem>>)
      } else {
      }
      %dma_wait3A_201 = arith.constant 0 : i32
      %dma_wait3A_202 = arith.constant 0 : i32
      %dma_wait3A_203 = tpu.memref_slice %arg2[%dma_wait3A_201, %dma_wait3A_202] : memref<151040x128xf32, #tpu.memory_space<hbm>> -> memref<80x128xf32, #tpu.memory_space<hbm>>
      %dma_wait3A_204 = arith.constant 0 : i32
      %dma_wait3A_205 = arith.constant 0 : i32
      %dma_wait3A_206 = tpu.memref_slice %arg2[%dma_wait3A_204, %dma_wait3A_205] : memref<151040x128xf32, #tpu.memory_space<hbm>> -> memref<80x128xf32, #tpu.memory_space<hbm>>
      tpu.wait_dma2 semaphore(%arg14 : memref<!tpu.dma_semaphore, #tpu.memory_space<semaphore_mem>>) src(%dma_wait3A_206 : memref<80x128xf32, #tpu.memory_space<hbm>>) dst(%arg9 : memref<80x128xf32, #tpu.memory_space<vmem>>)
      %dma_wait3A_207 = arith.constant 0 : i32
      %dma_wait3A_208 = tpu.memref_slice %arg3[%dma_wait3A_207] : memref<320000xi32, #tpu.memory_space<hbm>> -> memref<80xi32, #tpu.memory_space<hbm>>
      %dma_wait3A_209 = arith.constant 0 : i32
      %dma_wait3A_210 = tpu.memref_slice %arg3[%dma_wait3A_209] : memref<320000xi32, #tpu.memory_space<hbm>> -> memref<80xi32, #tpu.memory_space<hbm>>
      tpu.wait_dma2 semaphore(%arg14 : memref<!tpu.dma_semaphore, #tpu.memory_space<semaphore_mem>>) src(%dma_wait3A_210 : memref<80xi32, #tpu.memory_space<hbm>>) dst(%arg5 : memref<80xi32, #tpu.memory_space<vmem>>)
      %dma_start3A_211 = arith.constant 0 : i32
      %dma_start3A_212 = arith.constant 0 : i32
      %dma_start3A_213 = tpu.memref_slice %arg13[%dma_start3A_211, %dma_start3A_212] : memref<10240x128xf32, #tpu.memory_space<vmem_shared>> -> memref<10240x128xf32, #tpu.memory_space<vmem_shared>>
      tpu.enqueue_indirect_dma source(%arg9 : memref<80x128xf32, #tpu.memory_space<vmem>>) target(%dma_start3A_213 : memref<10240x128xf32, #tpu.memory_space<vmem_shared>>) offsets(%arg5 : memref<80xi32, #tpu.memory_space<vmem>>) semaphore(%arg18 : memref<!tpu.dma_semaphore, #tpu.memory_space<semaphore_mem>>) {add = true}
      %mul3A_214 = arith.constant 4 : i32
      %mul3A_215 = arith.muli %scan3A_188, %mul3A_214 : i32
      %add3A_216 = arith.constant 1 : i32
      %add3A_217 = arith.addi %mul3A_215, %add3A_216 : i32
      %ge3A_218 = arith.constant 1 : i32
      %ge3A_219 = arith.cmpi sge, %add3A_217, %ge3A_218 : i32
      %convert_element_type3A_220 = arith.extui %ge3A_219 : i1 to i32
      %cond3A_221 = arith.constant 0 : i32
      %cond3A_222 = arith.cmpi ne, %convert_element_type3A_220, %cond3A_221 : i32
      scf.if %cond3A_222 {
        %dma_wait3A_301 = arith.constant 0 : i32
        %dma_wait3A_302 = arith.constant 0 : i32
        %dma_wait3A_303 = tpu.memref_slice %arg13[%dma_wait3A_301, %dma_wait3A_302] : memref<10240x128xf32, #tpu.memory_space<vmem_shared>> -> memref<10240x128xf32, #tpu.memory_space<vmem_shared>>
        tpu.wait_indirect_dma semaphore(%arg18 : memref<!tpu.dma_semaphore, #tpu.memory_space<semaphore_mem>>) src(%arg9 : memref<80x128xf32, #tpu.memory_space<vmem>>) dst(%dma_wait3A_303 : memref<10240x128xf32, #tpu.memory_space<vmem_shared>>)
      } else {
      }
      %add3A_223 = arith.constant 3 : i32
      %add3A_224 = arith.addi %add3A_217, %add3A_223 : i32
      %lt3A_225 = arith.constant 59 : i32
      %lt3A_226 = arith.cmpi slt, %add3A_224, %lt3A_225 : i32
      %convert_element_type3A_227 = arith.extui %lt3A_226 : i1 to i32
      %cond3A_228 = arith.constant 0 : i32
      %cond3A_229 = arith.cmpi ne, %convert_element_type3A_227, %cond3A_228 : i32
      scf.if %cond3A_229 {
        %add3A_301 = arith.constant 3 : i32
        %add3A_302 = arith.addi %add3A_217, %add3A_301 : i32
        %mul3A_303 = arith.constant 80 : i32
        %mul3A_304 = arith.muli %add3A_302, %mul3A_303 : i32
        %add3A_305 = arith.addi %mul3A_2, %mul3A_304 : i32
        %dma_start3A_306 = arith.constant 0 : i32
        %dma_start3A_307 = tpu.memref_slice %arg2[%add3A_305, %dma_start3A_306] : memref<151040x128xf32, #tpu.memory_space<hbm>> -> memref<80x128xf32, #tpu.memory_space<hbm>>
        %dma_start3A_308 = arith.constant 0 : i32
        %dma_start3A_309 = tpu.memref_slice %arg2[%add3A_305, %dma_start3A_308] : memref<151040x128xf32, #tpu.memory_space<hbm>> -> memref<80x128xf32, #tpu.memory_space<hbm>>
        tpu.enqueue_dma source(%dma_start3A_309 : memref<80x128xf32, #tpu.memory_space<hbm>>) target(%arg9 : memref<80x128xf32, #tpu.memory_space<vmem>>) target_semaphore(%arg14 : memref<!tpu.dma_semaphore, #tpu.memory_space<semaphore_mem>>)
        %add3A_310 = arith.constant 168960 : i32
        %add3A_311 = arith.addi %add3A_310, %mul3A_2 : i32
        %mul3A_312 = arith.constant 80 : i32
        %mul3A_313 = arith.muli %add3A_302, %mul3A_312 : i32
        %add3A_314 = arith.addi %add3A_311, %mul3A_313 : i32
        %dma_start3A_315 = tpu.memref_slice %arg3[%add3A_314] : memref<320000xi32, #tpu.memory_space<hbm>> -> memref<80xi32, #tpu.memory_space<hbm>>
        %dma_start3A_316 = tpu.memref_slice %arg3[%add3A_314] : memref<320000xi32, #tpu.memory_space<hbm>> -> memref<80xi32, #tpu.memory_space<hbm>>
        tpu.enqueue_dma source(%dma_start3A_316 : memref<80xi32, #tpu.memory_space<hbm>>) target(%arg5 : memref<80xi32, #tpu.memory_space<vmem>>) target_semaphore(%arg14 : memref<!tpu.dma_semaphore, #tpu.memory_space<semaphore_mem>>)
      } else {
      }
      %dma_wait3A_230 = arith.constant 0 : i32
      %dma_wait3A_231 = arith.constant 0 : i32
      %dma_wait3A_232 = tpu.memref_slice %arg2[%dma_wait3A_230, %dma_wait3A_231] : memref<151040x128xf32, #tpu.memory_space<hbm>> -> memref<80x128xf32, #tpu.memory_space<hbm>>
      %dma_wait3A_233 = arith.constant 0 : i32
      %dma_wait3A_234 = arith.constant 0 : i32
      %dma_wait3A_235 = tpu.memref_slice %arg2[%dma_wait3A_233, %dma_wait3A_234] : memref<151040x128xf32, #tpu.memory_space<hbm>> -> memref<80x128xf32, #tpu.memory_space<hbm>>
      tpu.wait_dma2 semaphore(%arg15 : memref<!tpu.dma_semaphore, #tpu.memory_space<semaphore_mem>>) src(%dma_wait3A_235 : memref<80x128xf32, #tpu.memory_space<hbm>>) dst(%arg10 : memref<80x128xf32, #tpu.memory_space<vmem>>)
      %dma_wait3A_236 = arith.constant 0 : i32
      %dma_wait3A_237 = tpu.memref_slice %arg3[%dma_wait3A_236] : memref<320000xi32, #tpu.memory_space<hbm>> -> memref<80xi32, #tpu.memory_space<hbm>>
      %dma_wait3A_238 = arith.constant 0 : i32
      %dma_wait3A_239 = tpu.memref_slice %arg3[%dma_wait3A_238] : memref<320000xi32, #tpu.memory_space<hbm>> -> memref<80xi32, #tpu.memory_space<hbm>>
      tpu.wait_dma2 semaphore(%arg15 : memref<!tpu.dma_semaphore, #tpu.memory_space<semaphore_mem>>) src(%dma_wait3A_239 : memref<80xi32, #tpu.memory_space<hbm>>) dst(%arg6 : memref<80xi32, #tpu.memory_space<vmem>>)
      %dma_start3A_240 = arith.constant 0 : i32
      %dma_start3A_241 = arith.constant 0 : i32
      %dma_start3A_242 = tpu.memref_slice %arg13[%dma_start3A_240, %dma_start3A_241] : memref<10240x128xf32, #tpu.memory_space<vmem_shared>> -> memref<10240x128xf32, #tpu.memory_space<vmem_shared>>
      tpu.enqueue_indirect_dma source(%arg10 : memref<80x128xf32, #tpu.memory_space<vmem>>) target(%dma_start3A_242 : memref<10240x128xf32, #tpu.memory_space<vmem_shared>>) offsets(%arg6 : memref<80xi32, #tpu.memory_space<vmem>>) semaphore(%arg19 : memref<!tpu.dma_semaphore, #tpu.memory_space<semaphore_mem>>) {add = true}
      %mul3A_243 = arith.constant 4 : i32
      %mul3A_244 = arith.muli %scan3A_188, %mul3A_243 : i32
      %add3A_245 = arith.constant 2 : i32
      %add3A_246 = arith.addi %mul3A_244, %add3A_245 : i32
      %ge3A_247 = arith.constant 1 : i32
      %ge3A_248 = arith.cmpi sge, %add3A_246, %ge3A_247 : i32
      %convert_element_type3A_249 = arith.extui %ge3A_248 : i1 to i32
      %cond3A_250 = arith.constant 0 : i32
      %cond3A_251 = arith.cmpi ne, %convert_element_type3A_249, %cond3A_250 : i32
      scf.if %cond3A_251 {
        %dma_wait3A_301 = arith.constant 0 : i32
        %dma_wait3A_302 = arith.constant 0 : i32
        %dma_wait3A_303 = tpu.memref_slice %arg13[%dma_wait3A_301, %dma_wait3A_302] : memref<10240x128xf32, #tpu.memory_space<vmem_shared>> -> memref<10240x128xf32, #tpu.memory_space<vmem_shared>>
        tpu.wait_indirect_dma semaphore(%arg19 : memref<!tpu.dma_semaphore, #tpu.memory_space<semaphore_mem>>) src(%arg10 : memref<80x128xf32, #tpu.memory_space<vmem>>) dst(%dma_wait3A_303 : memref<10240x128xf32, #tpu.memory_space<vmem_shared>>)
      } else {
      }
      %add3A_252 = arith.constant 3 : i32
      %add3A_253 = arith.addi %add3A_246, %add3A_252 : i32
      %lt3A_254 = arith.constant 59 : i32
      %lt3A_255 = arith.cmpi slt, %add3A_253, %lt3A_254 : i32
      %convert_element_type3A_256 = arith.extui %lt3A_255 : i1 to i32
      %cond3A_257 = arith.constant 0 : i32
      %cond3A_258 = arith.cmpi ne, %convert_element_type3A_256, %cond3A_257 : i32
      scf.if %cond3A_258 {
        %add3A_301 = arith.constant 3 : i32
        %add3A_302 = arith.addi %add3A_246, %add3A_301 : i32
        %mul3A_303 = arith.constant 80 : i32
        %mul3A_304 = arith.muli %add3A_302, %mul3A_303 : i32
        %add3A_305 = arith.addi %mul3A_2, %mul3A_304 : i32
        %dma_start3A_306 = arith.constant 0 : i32
        %dma_start3A_307 = tpu.memref_slice %arg2[%add3A_305, %dma_start3A_306] : memref<151040x128xf32, #tpu.memory_space<hbm>> -> memref<80x128xf32, #tpu.memory_space<hbm>>
        %dma_start3A_308 = arith.constant 0 : i32
        %dma_start3A_309 = tpu.memref_slice %arg2[%add3A_305, %dma_start3A_308] : memref<151040x128xf32, #tpu.memory_space<hbm>> -> memref<80x128xf32, #tpu.memory_space<hbm>>
        tpu.enqueue_dma source(%dma_start3A_309 : memref<80x128xf32, #tpu.memory_space<hbm>>) target(%arg10 : memref<80x128xf32, #tpu.memory_space<vmem>>) target_semaphore(%arg15 : memref<!tpu.dma_semaphore, #tpu.memory_space<semaphore_mem>>)
        %add3A_310 = arith.constant 168960 : i32
        %add3A_311 = arith.addi %add3A_310, %mul3A_2 : i32
        %mul3A_312 = arith.constant 80 : i32
        %mul3A_313 = arith.muli %add3A_302, %mul3A_312 : i32
        %add3A_314 = arith.addi %add3A_311, %mul3A_313 : i32
        %dma_start3A_315 = tpu.memref_slice %arg3[%add3A_314] : memref<320000xi32, #tpu.memory_space<hbm>> -> memref<80xi32, #tpu.memory_space<hbm>>
        %dma_start3A_316 = tpu.memref_slice %arg3[%add3A_314] : memref<320000xi32, #tpu.memory_space<hbm>> -> memref<80xi32, #tpu.memory_space<hbm>>
        tpu.enqueue_dma source(%dma_start3A_316 : memref<80xi32, #tpu.memory_space<hbm>>) target(%arg6 : memref<80xi32, #tpu.memory_space<vmem>>) target_semaphore(%arg15 : memref<!tpu.dma_semaphore, #tpu.memory_space<semaphore_mem>>)
      } else {
      }
      %dma_wait3A_259 = arith.constant 0 : i32
      %dma_wait3A_260 = arith.constant 0 : i32
      %dma_wait3A_261 = tpu.memref_slice %arg2[%dma_wait3A_259, %dma_wait3A_260] : memref<151040x128xf32, #tpu.memory_space<hbm>> -> memref<80x128xf32, #tpu.memory_space<hbm>>
      %dma_wait3A_262 = arith.constant 0 : i32
      %dma_wait3A_263 = arith.constant 0 : i32
      %dma_wait3A_264 = tpu.memref_slice %arg2[%dma_wait3A_262, %dma_wait3A_263] : memref<151040x128xf32, #tpu.memory_space<hbm>> -> memref<80x128xf32, #tpu.memory_space<hbm>>
      tpu.wait_dma2 semaphore(%arg16 : memref<!tpu.dma_semaphore, #tpu.memory_space<semaphore_mem>>) src(%dma_wait3A_264 : memref<80x128xf32, #tpu.memory_space<hbm>>) dst(%arg11 : memref<80x128xf32, #tpu.memory_space<vmem>>)
      %dma_wait3A_265 = arith.constant 0 : i32
      %dma_wait3A_266 = tpu.memref_slice %arg3[%dma_wait3A_265] : memref<320000xi32, #tpu.memory_space<hbm>> -> memref<80xi32, #tpu.memory_space<hbm>>
      %dma_wait3A_267 = arith.constant 0 : i32
      %dma_wait3A_268 = tpu.memref_slice %arg3[%dma_wait3A_267] : memref<320000xi32, #tpu.memory_space<hbm>> -> memref<80xi32, #tpu.memory_space<hbm>>
      tpu.wait_dma2 semaphore(%arg16 : memref<!tpu.dma_semaphore, #tpu.memory_space<semaphore_mem>>) src(%dma_wait3A_268 : memref<80xi32, #tpu.memory_space<hbm>>) dst(%arg7 : memref<80xi32, #tpu.memory_space<vmem>>)
      %dma_start3A_269 = arith.constant 0 : i32
      %dma_start3A_270 = arith.constant 0 : i32
      %dma_start3A_271 = tpu.memref_slice %arg13[%dma_start3A_269, %dma_start3A_270] : memref<10240x128xf32, #tpu.memory_space<vmem_shared>> -> memref<10240x128xf32, #tpu.memory_space<vmem_shared>>
      tpu.enqueue_indirect_dma source(%arg11 : memref<80x128xf32, #tpu.memory_space<vmem>>) target(%dma_start3A_271 : memref<10240x128xf32, #tpu.memory_space<vmem_shared>>) offsets(%arg7 : memref<80xi32, #tpu.memory_space<vmem>>) semaphore(%arg20 : memref<!tpu.dma_semaphore, #tpu.memory_space<semaphore_mem>>) {add = true}
      %mul3A_272 = arith.constant 4 : i32
      %mul3A_273 = arith.muli %scan3A_188, %mul3A_272 : i32
      %add3A_274 = arith.constant 3 : i32
      %add3A_275 = arith.addi %mul3A_273, %add3A_274 : i32
      %ge3A_276 = arith.constant 1 : i32
      %ge3A_277 = arith.cmpi sge, %add3A_275, %ge3A_276 : i32
      %convert_element_type3A_278 = arith.extui %ge3A_277 : i1 to i32
      %cond3A_279 = arith.constant 0 : i32
      %cond3A_280 = arith.cmpi ne, %convert_element_type3A_278, %cond3A_279 : i32
      scf.if %cond3A_280 {
        %dma_wait3A_301 = arith.constant 0 : i32
        %dma_wait3A_302 = arith.constant 0 : i32
        %dma_wait3A_303 = tpu.memref_slice %arg13[%dma_wait3A_301, %dma_wait3A_302] : memref<10240x128xf32, #tpu.memory_space<vmem_shared>> -> memref<10240x128xf32, #tpu.memory_space<vmem_shared>>
        tpu.wait_indirect_dma semaphore(%arg20 : memref<!tpu.dma_semaphore, #tpu.memory_space<semaphore_mem>>) src(%arg11 : memref<80x128xf32, #tpu.memory_space<vmem>>) dst(%dma_wait3A_303 : memref<10240x128xf32, #tpu.memory_space<vmem_shared>>)
      } else {
      }
      %add3A_281 = arith.constant 3 : i32
      %add3A_282 = arith.addi %add3A_275, %add3A_281 : i32
      %lt3A_283 = arith.constant 59 : i32
      %lt3A_284 = arith.cmpi slt, %add3A_282, %lt3A_283 : i32
      %convert_element_type3A_285 = arith.extui %lt3A_284 : i1 to i32
      %cond3A_286 = arith.constant 0 : i32
      %cond3A_287 = arith.cmpi ne, %convert_element_type3A_285, %cond3A_286 : i32
      scf.if %cond3A_287 {
        %add3A_301 = arith.constant 3 : i32
        %add3A_302 = arith.addi %add3A_275, %add3A_301 : i32
        %mul3A_303 = arith.constant 80 : i32
        %mul3A_304 = arith.muli %add3A_302, %mul3A_303 : i32
        %add3A_305 = arith.addi %mul3A_2, %mul3A_304 : i32
        %dma_start3A_306 = arith.constant 0 : i32
        %dma_start3A_307 = tpu.memref_slice %arg2[%add3A_305, %dma_start3A_306] : memref<151040x128xf32, #tpu.memory_space<hbm>> -> memref<80x128xf32, #tpu.memory_space<hbm>>
        %dma_start3A_308 = arith.constant 0 : i32
        %dma_start3A_309 = tpu.memref_slice %arg2[%add3A_305, %dma_start3A_308] : memref<151040x128xf32, #tpu.memory_space<hbm>> -> memref<80x128xf32, #tpu.memory_space<hbm>>
        tpu.enqueue_dma source(%dma_start3A_309 : memref<80x128xf32, #tpu.memory_space<hbm>>) target(%arg11 : memref<80x128xf32, #tpu.memory_space<vmem>>) target_semaphore(%arg16 : memref<!tpu.dma_semaphore, #tpu.memory_space<semaphore_mem>>)
        %add3A_310 = arith.constant 168960 : i32
        %add3A_311 = arith.addi %add3A_310, %mul3A_2 : i32
        %mul3A_312 = arith.constant 80 : i32
        %mul3A_313 = arith.muli %add3A_302, %mul3A_312 : i32
        %add3A_314 = arith.addi %add3A_311, %mul3A_313 : i32
        %dma_start3A_315 = tpu.memref_slice %arg3[%add3A_314] : memref<320000xi32, #tpu.memory_space<hbm>> -> memref<80xi32, #tpu.memory_space<hbm>>
        %dma_start3A_316 = tpu.memref_slice %arg3[%add3A_314] : memref<320000xi32, #tpu.memory_space<hbm>> -> memref<80xi32, #tpu.memory_space<hbm>>
        tpu.enqueue_dma source(%dma_start3A_316 : memref<80xi32, #tpu.memory_space<hbm>>) target(%arg7 : memref<80xi32, #tpu.memory_space<vmem>>) target_semaphore(%arg16 : memref<!tpu.dma_semaphore, #tpu.memory_space<semaphore_mem>>)
      } else {
      }
      %dma_wait3A_288 = arith.constant 0 : i32
      %dma_wait3A_289 = arith.constant 0 : i32
      %dma_wait3A_290 = tpu.memref_slice %arg2[%dma_wait3A_288, %dma_wait3A_289] : memref<151040x128xf32, #tpu.memory_space<hbm>> -> memref<80x128xf32, #tpu.memory_space<hbm>>
      %dma_wait3A_291 = arith.constant 0 : i32
      %dma_wait3A_292 = arith.constant 0 : i32
      %dma_wait3A_293 = tpu.memref_slice %arg2[%dma_wait3A_291, %dma_wait3A_292] : memref<151040x128xf32, #tpu.memory_space<hbm>> -> memref<80x128xf32, #tpu.memory_space<hbm>>
      tpu.wait_dma2 semaphore(%arg17 : memref<!tpu.dma_semaphore, #tpu.memory_space<semaphore_mem>>) src(%dma_wait3A_293 : memref<80x128xf32, #tpu.memory_space<hbm>>) dst(%arg12 : memref<80x128xf32, #tpu.memory_space<vmem>>)
      %dma_wait3A_294 = arith.constant 0 : i32
      %dma_wait3A_295 = tpu.memref_slice %arg3[%dma_wait3A_294] : memref<320000xi32, #tpu.memory_space<hbm>> -> memref<80xi32, #tpu.memory_space<hbm>>
      %dma_wait3A_296 = arith.constant 0 : i32
      %dma_wait3A_297 = tpu.memref_slice %arg3[%dma_wait3A_296] : memref<320000xi32, #tpu.memory_space<hbm>> -> memref<80xi32, #tpu.memory_space<hbm>>
      tpu.wait_dma2 semaphore(%arg17 : memref<!tpu.dma_semaphore, #tpu.memory_space<semaphore_mem>>) src(%dma_wait3A_297 : memref<80xi32, #tpu.memory_space<hbm>>) dst(%arg8 : memref<80xi32, #tpu.memory_space<vmem>>)
      %dma_start3A_298 = arith.constant 0 : i32
      %dma_start3A_299 = arith.constant 0 : i32
      %dma_start3A_300 = tpu.memref_slice %arg13[%dma_start3A_298, %dma_start3A_299] : memref<10240x128xf32, #tpu.memory_space<vmem_shared>> -> memref<10240x128xf32, #tpu.memory_space<vmem_shared>>
      tpu.enqueue_indirect_dma source(%arg12 : memref<80x128xf32, #tpu.memory_space<vmem>>) target(%dma_start3A_300 : memref<10240x128xf32, #tpu.memory_space<vmem_shared>>) offsets(%arg8 : memref<80xi32, #tpu.memory_space<vmem>>) semaphore(%arg21 : memref<!tpu.dma_semaphore, #tpu.memory_space<semaphore_mem>>) {add = true}
    }
    %scan3A_80 = arith.constant 14 : i32
    %dma_wait3A = arith.constant 0 : i32
    %dma_wait3A_81 = arith.constant 0 : i32
    %dma_wait3A_82 = tpu.memref_slice %arg13[%dma_wait3A, %dma_wait3A_81] : memref<10240x128xf32, #tpu.memory_space<vmem_shared>> -> memref<10240x128xf32, #tpu.memory_space<vmem_shared>>
    tpu.wait_indirect_dma semaphore(%arg21 : memref<!tpu.dma_semaphore, #tpu.memory_space<semaphore_mem>>) src(%arg12 : memref<80x128xf32, #tpu.memory_space<vmem>>) dst(%dma_wait3A_82 : memref<10240x128xf32, #tpu.memory_space<vmem_shared>>)
    %dma_wait3A_83 = arith.constant 0 : i32
    %dma_wait3A_84 = arith.constant 0 : i32
    %dma_wait3A_85 = tpu.memref_slice %arg2[%dma_wait3A_83, %dma_wait3A_84] : memref<151040x128xf32, #tpu.memory_space<hbm>> -> memref<80x128xf32, #tpu.memory_space<hbm>>
    %dma_wait3A_86 = arith.constant 0 : i32
    %dma_wait3A_87 = arith.constant 0 : i32
    %dma_wait3A_88 = tpu.memref_slice %arg2[%dma_wait3A_86, %dma_wait3A_87] : memref<151040x128xf32, #tpu.memory_space<hbm>> -> memref<80x128xf32, #tpu.memory_space<hbm>>
    tpu.wait_dma2 semaphore(%arg14 : memref<!tpu.dma_semaphore, #tpu.memory_space<semaphore_mem>>) src(%dma_wait3A_88 : memref<80x128xf32, #tpu.memory_space<hbm>>) dst(%arg9 : memref<80x128xf32, #tpu.memory_space<vmem>>)
    %dma_wait3A_89 = arith.constant 0 : i32
    %dma_wait3A_90 = tpu.memref_slice %arg3[%dma_wait3A_89] : memref<320000xi32, #tpu.memory_space<hbm>> -> memref<80xi32, #tpu.memory_space<hbm>>
    %dma_wait3A_91 = arith.constant 0 : i32
    %dma_wait3A_92 = tpu.memref_slice %arg3[%dma_wait3A_91] : memref<320000xi32, #tpu.memory_space<hbm>> -> memref<80xi32, #tpu.memory_space<hbm>>
    tpu.wait_dma2 semaphore(%arg14 : memref<!tpu.dma_semaphore, #tpu.memory_space<semaphore_mem>>) src(%dma_wait3A_92 : memref<80xi32, #tpu.memory_space<hbm>>) dst(%arg5 : memref<80xi32, #tpu.memory_space<vmem>>)
    %dma_start3A_93 = arith.constant 0 : i32
    %dma_start3A_94 = arith.constant 0 : i32
    %dma_start3A_95 = tpu.memref_slice %arg13[%dma_start3A_93, %dma_start3A_94] : memref<10240x128xf32, #tpu.memory_space<vmem_shared>> -> memref<10240x128xf32, #tpu.memory_space<vmem_shared>>
    tpu.enqueue_indirect_dma source(%arg9 : memref<80x128xf32, #tpu.memory_space<vmem>>) target(%dma_start3A_95 : memref<10240x128xf32, #tpu.memory_space<vmem_shared>>) offsets(%arg5 : memref<80xi32, #tpu.memory_space<vmem>>) semaphore(%arg18 : memref<!tpu.dma_semaphore, #tpu.memory_space<semaphore_mem>>) {add = true}
    %dma_wait3A_96 = arith.constant 0 : i32
    %dma_wait3A_97 = arith.constant 0 : i32
    %dma_wait3A_98 = tpu.memref_slice %arg13[%dma_wait3A_96, %dma_wait3A_97] : memref<10240x128xf32, #tpu.memory_space<vmem_shared>> -> memref<10240x128xf32, #tpu.memory_space<vmem_shared>>
    tpu.wait_indirect_dma semaphore(%arg18 : memref<!tpu.dma_semaphore, #tpu.memory_space<semaphore_mem>>) src(%arg9 : memref<80x128xf32, #tpu.memory_space<vmem>>) dst(%dma_wait3A_98 : memref<10240x128xf32, #tpu.memory_space<vmem_shared>>)
    %dma_wait3A_99 = arith.constant 0 : i32
    %dma_wait3A_100 = arith.constant 0 : i32
    %dma_wait3A_101 = tpu.memref_slice %arg2[%dma_wait3A_99, %dma_wait3A_100] : memref<151040x128xf32, #tpu.memory_space<hbm>> -> memref<80x128xf32, #tpu.memory_space<hbm>>
    %dma_wait3A_102 = arith.constant 0 : i32
    %dma_wait3A_103 = arith.constant 0 : i32
    %dma_wait3A_104 = tpu.memref_slice %arg2[%dma_wait3A_102, %dma_wait3A_103] : memref<151040x128xf32, #tpu.memory_space<hbm>> -> memref<80x128xf32, #tpu.memory_space<hbm>>
    tpu.wait_dma2 semaphore(%arg15 : memref<!tpu.dma_semaphore, #tpu.memory_space<semaphore_mem>>) src(%dma_wait3A_104 : memref<80x128xf32, #tpu.memory_space<hbm>>) dst(%arg10 : memref<80x128xf32, #tpu.memory_space<vmem>>)
    %dma_wait3A_105 = arith.constant 0 : i32
    %dma_wait3A_106 = tpu.memref_slice %arg3[%dma_wait3A_105] : memref<320000xi32, #tpu.memory_space<hbm>> -> memref<80xi32, #tpu.memory_space<hbm>>
    %dma_wait3A_107 = arith.constant 0 : i32
    %dma_wait3A_108 = tpu.memref_slice %arg3[%dma_wait3A_107] : memref<320000xi32, #tpu.memory_space<hbm>> -> memref<80xi32, #tpu.memory_space<hbm>>
    tpu.wait_dma2 semaphore(%arg15 : memref<!tpu.dma_semaphore, #tpu.memory_space<semaphore_mem>>) src(%dma_wait3A_108 : memref<80xi32, #tpu.memory_space<hbm>>) dst(%arg6 : memref<80xi32, #tpu.memory_space<vmem>>)
    %dma_start3A_109 = arith.constant 0 : i32
    %dma_start3A_110 = arith.constant 0 : i32
    %dma_start3A_111 = tpu.memref_slice %arg13[%dma_start3A_109, %dma_start3A_110] : memref<10240x128xf32, #tpu.memory_space<vmem_shared>> -> memref<10240x128xf32, #tpu.memory_space<vmem_shared>>
    tpu.enqueue_indirect_dma source(%arg10 : memref<80x128xf32, #tpu.memory_space<vmem>>) target(%dma_start3A_111 : memref<10240x128xf32, #tpu.memory_space<vmem_shared>>) offsets(%arg6 : memref<80xi32, #tpu.memory_space<vmem>>) semaphore(%arg19 : memref<!tpu.dma_semaphore, #tpu.memory_space<semaphore_mem>>) {add = true}
    %dma_wait3A_112 = arith.constant 0 : i32
    %dma_wait3A_113 = arith.constant 0 : i32
    %dma_wait3A_114 = tpu.memref_slice %arg13[%dma_wait3A_112, %dma_wait3A_113] : memref<10240x128xf32, #tpu.memory_space<vmem_shared>> -> memref<10240x128xf32, #tpu.memory_space<vmem_shared>>
    tpu.wait_indirect_dma semaphore(%arg19 : memref<!tpu.dma_semaphore, #tpu.memory_space<semaphore_mem>>) src(%arg10 : memref<80x128xf32, #tpu.memory_space<vmem>>) dst(%dma_wait3A_114 : memref<10240x128xf32, #tpu.memory_space<vmem_shared>>)
    %dma_wait3A_115 = arith.constant 0 : i32
    %dma_wait3A_116 = arith.constant 0 : i32
    %dma_wait3A_117 = tpu.memref_slice %arg2[%dma_wait3A_115, %dma_wait3A_116] : memref<151040x128xf32, #tpu.memory_space<hbm>> -> memref<80x128xf32, #tpu.memory_space<hbm>>
    %dma_wait3A_118 = arith.constant 0 : i32
    %dma_wait3A_119 = arith.constant 0 : i32
    %dma_wait3A_120 = tpu.memref_slice %arg2[%dma_wait3A_118, %dma_wait3A_119] : memref<151040x128xf32, #tpu.memory_space<hbm>> -> memref<80x128xf32, #tpu.memory_space<hbm>>
    tpu.wait_dma2 semaphore(%arg16 : memref<!tpu.dma_semaphore, #tpu.memory_space<semaphore_mem>>) src(%dma_wait3A_120 : memref<80x128xf32, #tpu.memory_space<hbm>>) dst(%arg11 : memref<80x128xf32, #tpu.memory_space<vmem>>)
    %dma_wait3A_121 = arith.constant 0 : i32
    %dma_wait3A_122 = tpu.memref_slice %arg3[%dma_wait3A_121] : memref<320000xi32, #tpu.memory_space<hbm>> -> memref<80xi32, #tpu.memory_space<hbm>>
    %dma_wait3A_123 = arith.constant 0 : i32
    %dma_wait3A_124 = tpu.memref_slice %arg3[%dma_wait3A_123] : memref<320000xi32, #tpu.memory_space<hbm>> -> memref<80xi32, #tpu.memory_space<hbm>>
    tpu.wait_dma2 semaphore(%arg16 : memref<!tpu.dma_semaphore, #tpu.memory_space<semaphore_mem>>) src(%dma_wait3A_124 : memref<80xi32, #tpu.memory_space<hbm>>) dst(%arg7 : memref<80xi32, #tpu.memory_space<vmem>>)
    %dma_start3A_125 = arith.constant 0 : i32
    %dma_start3A_126 = arith.constant 0 : i32
    %dma_start3A_127 = tpu.memref_slice %arg13[%dma_start3A_125, %dma_start3A_126] : memref<10240x128xf32, #tpu.memory_space<vmem_shared>> -> memref<10240x128xf32, #tpu.memory_space<vmem_shared>>
    tpu.enqueue_indirect_dma source(%arg11 : memref<80x128xf32, #tpu.memory_space<vmem>>) target(%dma_start3A_127 : memref<10240x128xf32, #tpu.memory_space<vmem_shared>>) offsets(%arg7 : memref<80xi32, #tpu.memory_space<vmem>>) semaphore(%arg20 : memref<!tpu.dma_semaphore, #tpu.memory_space<semaphore_mem>>) {add = true}
    %dma_wait3A_128 = arith.constant 0 : i32
    %dma_wait3A_129 = arith.constant 0 : i32
    %dma_wait3A_130 = tpu.memref_slice %arg13[%dma_wait3A_128, %dma_wait3A_129] : memref<10240x128xf32, #tpu.memory_space<vmem_shared>> -> memref<10240x128xf32, #tpu.memory_space<vmem_shared>>
    tpu.wait_indirect_dma semaphore(%arg20 : memref<!tpu.dma_semaphore, #tpu.memory_space<semaphore_mem>>) src(%arg11 : memref<80x128xf32, #tpu.memory_space<vmem>>) dst(%dma_wait3A_130 : memref<10240x128xf32, #tpu.memory_space<vmem_shared>>)
    %barrier3A_131 = arith.constant 0 : index
    tpu.barrier barrier_id(%barrier3A_131)
    %mul3A_132 = arith.constant 640 : i32
    %mul3A_133 = arith.muli %arg1, %mul3A_132 : i32
    %add3A_134 = arith.constant 0 : i32
    %add3A_135 = arith.addi %mul3A_133, %add3A_134 : i32
    %mul3A_136 = arith.constant 10240 : i32
    %mul3A_137 = arith.muli %arg0, %mul3A_136 : i32
    %add3A_138 = arith.addi %mul3A_137, %add3A_135 : i32
    "tpu.region"() ({
      %run_scoped3A = tpu.sem_alloc : memref<!tpu.dma_semaphore, #tpu.memory_space<semaphore_mem>>
      %dma_start3A_188 = arith.constant 0 : i32
      %dma_start3A_189 = tpu.memref_slice %arg4[%add3A_138, %dma_start3A_188] : memref<20480x128xf32, #tpu.memory_space<hbm>> -> memref<80x128xf32, #tpu.memory_space<hbm>>
      %dma_start3A_190 = arith.constant 0 : i32
      %dma_start3A_191 = tpu.memref_slice %arg13[%add3A_135, %dma_start3A_190] : memref<10240x128xf32, #tpu.memory_space<vmem_shared>> -> memref<80x128xf32, #tpu.memory_space<vmem_shared>>
      tpu.enqueue_dma source(%dma_start3A_191 : memref<80x128xf32, #tpu.memory_space<vmem_shared>>) target(%dma_start3A_189 : memref<80x128xf32, #tpu.memory_space<hbm>>) target_semaphore(%run_scoped3A : memref<!tpu.dma_semaphore, #tpu.memory_space<semaphore_mem>>)
      %dma_wait3A_192 = arith.constant 0 : i32
      %dma_wait3A_193 = tpu.memref_slice %arg4[%add3A_138, %dma_wait3A_192] : memref<20480x128xf32, #tpu.memory_space<hbm>> -> memref<80x128xf32, #tpu.memory_space<hbm>>
      %dma_wait3A_194 = arith.constant 0 : i32
      %dma_wait3A_195 = tpu.memref_slice %arg13[%add3A_135, %dma_wait3A_194] : memref<10240x128xf32, #tpu.memory_space<vmem_shared>> -> memref<80x128xf32, #tpu.memory_space<vmem_shared>>
      tpu.wait_dma2 semaphore(%run_scoped3A : memref<!tpu.dma_semaphore, #tpu.memory_space<semaphore_mem>>) src(%dma_wait3A_195 : memref<80x128xf32, #tpu.memory_space<vmem_shared>>) dst(%dma_wait3A_193 : memref<80x128xf32, #tpu.memory_space<hbm>>)
      tpu.yield
    }) : () -> ()
    %mul3A_139 = arith.constant 640 : i32
    %mul3A_140 = arith.muli %arg1, %mul3A_139 : i32
    %add3A_141 = arith.constant 80 : i32
    %add3A_142 = arith.addi %mul3A_140, %add3A_141 : i32
    %mul3A_143 = arith.constant 10240 : i32
    %mul3A_144 = arith.muli %arg0, %mul3A_143 : i32
    %add3A_145 = arith.addi %mul3A_144, %add3A_142 : i32
    "tpu.region"() ({
      %run_scoped3A = tpu.sem_alloc : memref<!tpu.dma_semaphore, #tpu.memory_space<semaphore_mem>>
      %dma_start3A_188 = arith.constant 0 : i32
      %dma_start3A_189 = tpu.memref_slice %arg4[%add3A_145, %dma_start3A_188] : memref<20480x128xf32, #tpu.memory_space<hbm>> -> memref<80x128xf32, #tpu.memory_space<hbm>>
      %dma_start3A_190 = arith.constant 0 : i32
      %dma_start3A_191 = tpu.memref_slice %arg13[%add3A_142, %dma_start3A_190] : memref<10240x128xf32, #tpu.memory_space<vmem_shared>> -> memref<80x128xf32, #tpu.memory_space<vmem_shared>>
      tpu.enqueue_dma source(%dma_start3A_191 : memref<80x128xf32, #tpu.memory_space<vmem_shared>>) target(%dma_start3A_189 : memref<80x128xf32, #tpu.memory_space<hbm>>) target_semaphore(%run_scoped3A : memref<!tpu.dma_semaphore, #tpu.memory_space<semaphore_mem>>)
      %dma_wait3A_192 = arith.constant 0 : i32
      %dma_wait3A_193 = tpu.memref_slice %arg4[%add3A_145, %dma_wait3A_192] : memref<20480x128xf32, #tpu.memory_space<hbm>> -> memref<80x128xf32, #tpu.memory_space<hbm>>
      %dma_wait3A_194 = arith.constant 0 : i32
      %dma_wait3A_195 = tpu.memref_slice %arg13[%add3A_142, %dma_wait3A_194] : memref<10240x128xf32, #tpu.memory_space<vmem_shared>> -> memref<80x128xf32, #tpu.memory_space<vmem_shared>>
      tpu.wait_dma2 semaphore(%run_scoped3A : memref<!tpu.dma_semaphore, #tpu.memory_space<semaphore_mem>>) src(%dma_wait3A_195 : memref<80x128xf32, #tpu.memory_space<vmem_shared>>) dst(%dma_wait3A_193 : memref<80x128xf32, #tpu.memory_space<hbm>>)
      tpu.yield
    }) : () -> ()
    %mul3A_146 = arith.constant 640 : i32
    %mul3A_147 = arith.muli %arg1, %mul3A_146 : i32
    %add3A_148 = arith.constant 160 : i32
    %add3A_149 = arith.addi %mul3A_147, %add3A_148 : i32
    %mul3A_150 = arith.constant 10240 : i32
    %mul3A_151 = arith.muli %arg0, %mul3A_150 : i32
    %add3A_152 = arith.addi %mul3A_151, %add3A_149 : i32
    "tpu.region"() ({
      %run_scoped3A = tpu.sem_alloc : memref<!tpu.dma_semaphore, #tpu.memory_space<semaphore_mem>>
      %dma_start3A_188 = arith.constant 0 : i32
      %dma_start3A_189 = tpu.memref_slice %arg4[%add3A_152, %dma_start3A_188] : memref<20480x128xf32, #tpu.memory_space<hbm>> -> memref<80x128xf32, #tpu.memory_space<hbm>>
      %dma_start3A_190 = arith.constant 0 : i32
      %dma_start3A_191 = tpu.memref_slice %arg13[%add3A_149, %dma_start3A_190] : memref<10240x128xf32, #tpu.memory_space<vmem_shared>> -> memref<80x128xf32, #tpu.memory_space<vmem_shared>>
      tpu.enqueue_dma source(%dma_start3A_191 : memref<80x128xf32, #tpu.memory_space<vmem_shared>>) target(%dma_start3A_189 : memref<80x128xf32, #tpu.memory_space<hbm>>) target_semaphore(%run_scoped3A : memref<!tpu.dma_semaphore, #tpu.memory_space<semaphore_mem>>)
      %dma_wait3A_192 = arith.constant 0 : i32
      %dma_wait3A_193 = tpu.memref_slice %arg4[%add3A_152, %dma_wait3A_192] : memref<20480x128xf32, #tpu.memory_space<hbm>> -> memref<80x128xf32, #tpu.memory_space<hbm>>
      %dma_wait3A_194 = arith.constant 0 : i32
      %dma_wait3A_195 = tpu.memref_slice %arg13[%add3A_149, %dma_wait3A_194] : memref<10240x128xf32, #tpu.memory_space<vmem_shared>> -> memref<80x128xf32, #tpu.memory_space<vmem_shared>>
      tpu.wait_dma2 semaphore(%run_scoped3A : memref<!tpu.dma_semaphore, #tpu.memory_space<semaphore_mem>>) src(%dma_wait3A_195 : memref<80x128xf32, #tpu.memory_space<vmem_shared>>) dst(%dma_wait3A_193 : memref<80x128xf32, #tpu.memory_space<hbm>>)
      tpu.yield
    }) : () -> ()
    %mul3A_153 = arith.constant 640 : i32
    %mul3A_154 = arith.muli %arg1, %mul3A_153 : i32
    %add3A_155 = arith.constant 240 : i32
    %add3A_156 = arith.addi %mul3A_154, %add3A_155 : i32
    %mul3A_157 = arith.constant 10240 : i32
    %mul3A_158 = arith.muli %arg0, %mul3A_157 : i32
    %add3A_159 = arith.addi %mul3A_158, %add3A_156 : i32
    "tpu.region"() ({
      %run_scoped3A = tpu.sem_alloc : memref<!tpu.dma_semaphore, #tpu.memory_space<semaphore_mem>>
      %dma_start3A_188 = arith.constant 0 : i32
      %dma_start3A_189 = tpu.memref_slice %arg4[%add3A_159, %dma_start3A_188] : memref<20480x128xf32, #tpu.memory_space<hbm>> -> memref<80x128xf32, #tpu.memory_space<hbm>>
      %dma_start3A_190 = arith.constant 0 : i32
      %dma_start3A_191 = tpu.memref_slice %arg13[%add3A_156, %dma_start3A_190] : memref<10240x128xf32, #tpu.memory_space<vmem_shared>> -> memref<80x128xf32, #tpu.memory_space<vmem_shared>>
      tpu.enqueue_dma source(%dma_start3A_191 : memref<80x128xf32, #tpu.memory_space<vmem_shared>>) target(%dma_start3A_189 : memref<80x128xf32, #tpu.memory_space<hbm>>) target_semaphore(%run_scoped3A : memref<!tpu.dma_semaphore, #tpu.memory_space<semaphore_mem>>)
      %dma_wait3A_192 = arith.constant 0 : i32
      %dma_wait3A_193 = tpu.memref_slice %arg4[%add3A_159, %dma_wait3A_192] : memref<20480x128xf32, #tpu.memory_space<hbm>> -> memref<80x128xf32, #tpu.memory_space<hbm>>
      %dma_wait3A_194 = arith.constant 0 : i32
      %dma_wait3A_195 = tpu.memref_slice %arg13[%add3A_156, %dma_wait3A_194] : memref<10240x128xf32, #tpu.memory_space<vmem_shared>> -> memref<80x128xf32, #tpu.memory_space<vmem_shared>>
      tpu.wait_dma2 semaphore(%run_scoped3A : memref<!tpu.dma_semaphore, #tpu.memory_space<semaphore_mem>>) src(%dma_wait3A_195 : memref<80x128xf32, #tpu.memory_space<vmem_shared>>) dst(%dma_wait3A_193 : memref<80x128xf32, #tpu.memory_space<hbm>>)
      tpu.yield
    }) : () -> ()
    %mul3A_160 = arith.constant 640 : i32
    %mul3A_161 = arith.muli %arg1, %mul3A_160 : i32
    %add3A_162 = arith.constant 320 : i32
    %add3A_163 = arith.addi %mul3A_161, %add3A_162 : i32
    %mul3A_164 = arith.constant 10240 : i32
    %mul3A_165 = arith.muli %arg0, %mul3A_164 : i32
    %add3A_166 = arith.addi %mul3A_165, %add3A_163 : i32
    "tpu.region"() ({
      %run_scoped3A = tpu.sem_alloc : memref<!tpu.dma_semaphore, #tpu.memory_space<semaphore_mem>>
      %dma_start3A_188 = arith.constant 0 : i32
      %dma_start3A_189 = tpu.memref_slice %arg4[%add3A_166, %dma_start3A_188] : memref<20480x128xf32, #tpu.memory_space<hbm>> -> memref<80x128xf32, #tpu.memory_space<hbm>>
      %dma_start3A_190 = arith.constant 0 : i32
      %dma_start3A_191 = tpu.memref_slice %arg13[%add3A_163, %dma_start3A_190] : memref<10240x128xf32, #tpu.memory_space<vmem_shared>> -> memref<80x128xf32, #tpu.memory_space<vmem_shared>>
      tpu.enqueue_dma source(%dma_start3A_191 : memref<80x128xf32, #tpu.memory_space<vmem_shared>>) target(%dma_start3A_189 : memref<80x128xf32, #tpu.memory_space<hbm>>) target_semaphore(%run_scoped3A : memref<!tpu.dma_semaphore, #tpu.memory_space<semaphore_mem>>)
      %dma_wait3A_192 = arith.constant 0 : i32
      %dma_wait3A_193 = tpu.memref_slice %arg4[%add3A_166, %dma_wait3A_192] : memref<20480x128xf32, #tpu.memory_space<hbm>> -> memref<80x128xf32, #tpu.memory_space<hbm>>
      %dma_wait3A_194 = arith.constant 0 : i32
      %dma_wait3A_195 = tpu.memref_slice %arg13[%add3A_163, %dma_wait3A_194] : memref<10240x128xf32, #tpu.memory_space<vmem_shared>> -> memref<80x128xf32, #tpu.memory_space<vmem_shared>>
      tpu.wait_dma2 semaphore(%run_scoped3A : memref<!tpu.dma_semaphore, #tpu.memory_space<semaphore_mem>>) src(%dma_wait3A_195 : memref<80x128xf32, #tpu.memory_space<vmem_shared>>) dst(%dma_wait3A_193 : memref<80x128xf32, #tpu.memory_space<hbm>>)
      tpu.yield
    }) : () -> ()
    %mul3A_167 = arith.constant 640 : i32
    %mul3A_168 = arith.muli %arg1, %mul3A_167 : i32
    %add3A_169 = arith.constant 400 : i32
    %add3A_170 = arith.addi %mul3A_168, %add3A_169 : i32
    %mul3A_171 = arith.constant 10240 : i32
    %mul3A_172 = arith.muli %arg0, %mul3A_171 : i32
    %add3A_173 = arith.addi %mul3A_172, %add3A_170 : i32
    "tpu.region"() ({
      %run_scoped3A = tpu.sem_alloc : memref<!tpu.dma_semaphore, #tpu.memory_space<semaphore_mem>>
      %dma_start3A_188 = arith.constant 0 : i32
      %dma_start3A_189 = tpu.memref_slice %arg4[%add3A_173, %dma_start3A_188] : memref<20480x128xf32, #tpu.memory_space<hbm>> -> memref<80x128xf32, #tpu.memory_space<hbm>>
      %dma_start3A_190 = arith.constant 0 : i32
      %dma_start3A_191 = tpu.memref_slice %arg13[%add3A_170, %dma_start3A_190] : memref<10240x128xf32, #tpu.memory_space<vmem_shared>> -> memref<80x128xf32, #tpu.memory_space<vmem_shared>>
      tpu.enqueue_dma source(%dma_start3A_191 : memref<80x128xf32, #tpu.memory_space<vmem_shared>>) target(%dma_start3A_189 : memref<80x128xf32, #tpu.memory_space<hbm>>) target_semaphore(%run_scoped3A : memref<!tpu.dma_semaphore, #tpu.memory_space<semaphore_mem>>)
      %dma_wait3A_192 = arith.constant 0 : i32
      %dma_wait3A_193 = tpu.memref_slice %arg4[%add3A_173, %dma_wait3A_192] : memref<20480x128xf32, #tpu.memory_space<hbm>> -> memref<80x128xf32, #tpu.memory_space<hbm>>
      %dma_wait3A_194 = arith.constant 0 : i32
      %dma_wait3A_195 = tpu.memref_slice %arg13[%add3A_170, %dma_wait3A_194] : memref<10240x128xf32, #tpu.memory_space<vmem_shared>> -> memref<80x128xf32, #tpu.memory_space<vmem_shared>>
      tpu.wait_dma2 semaphore(%run_scoped3A : memref<!tpu.dma_semaphore, #tpu.memory_space<semaphore_mem>>) src(%dma_wait3A_195 : memref<80x128xf32, #tpu.memory_space<vmem_shared>>) dst(%dma_wait3A_193 : memref<80x128xf32, #tpu.memory_space<hbm>>)
      tpu.yield
    }) : () -> ()
    %mul3A_174 = arith.constant 640 : i32
    %mul3A_175 = arith.muli %arg1, %mul3A_174 : i32
    %add3A_176 = arith.constant 480 : i32
    %add3A_177 = arith.addi %mul3A_175, %add3A_176 : i32
    %mul3A_178 = arith.constant 10240 : i32
    %mul3A_179 = arith.muli %arg0, %mul3A_178 : i32
    %add3A_180 = arith.addi %mul3A_179, %add3A_177 : i32
    "tpu.region"() ({
      %run_scoped3A = tpu.sem_alloc : memref<!tpu.dma_semaphore, #tpu.memory_space<semaphore_mem>>
      %dma_start3A_188 = arith.constant 0 : i32
      %dma_start3A_189 = tpu.memref_slice %arg4[%add3A_180, %dma_start3A_188] : memref<20480x128xf32, #tpu.memory_space<hbm>> -> memref<80x128xf32, #tpu.memory_space<hbm>>
      %dma_start3A_190 = arith.constant 0 : i32
      %dma_start3A_191 = tpu.memref_slice %arg13[%add3A_177, %dma_start3A_190] : memref<10240x128xf32, #tpu.memory_space<vmem_shared>> -> memref<80x128xf32, #tpu.memory_space<vmem_shared>>
      tpu.enqueue_dma source(%dma_start3A_191 : memref<80x128xf32, #tpu.memory_space<vmem_shared>>) target(%dma_start3A_189 : memref<80x128xf32, #tpu.memory_space<hbm>>) target_semaphore(%run_scoped3A : memref<!tpu.dma_semaphore, #tpu.memory_space<semaphore_mem>>)
      %dma_wait3A_192 = arith.constant 0 : i32
      %dma_wait3A_193 = tpu.memref_slice %arg4[%add3A_180, %dma_wait3A_192] : memref<20480x128xf32, #tpu.memory_space<hbm>> -> memref<80x128xf32, #tpu.memory_space<hbm>>
      %dma_wait3A_194 = arith.constant 0 : i32
      %dma_wait3A_195 = tpu.memref_slice %arg13[%add3A_177, %dma_wait3A_194] : memref<10240x128xf32, #tpu.memory_space<vmem_shared>> -> memref<80x128xf32, #tpu.memory_space<vmem_shared>>
      tpu.wait_dma2 semaphore(%run_scoped3A : memref<!tpu.dma_semaphore, #tpu.memory_space<semaphore_mem>>) src(%dma_wait3A_195 : memref<80x128xf32, #tpu.memory_space<vmem_shared>>) dst(%dma_wait3A_193 : memref<80x128xf32, #tpu.memory_space<hbm>>)
      tpu.yield
    }) : () -> ()
    %mul3A_181 = arith.constant 640 : i32
    %mul3A_182 = arith.muli %arg1, %mul3A_181 : i32
    %add3A_183 = arith.constant 560 : i32
    %add3A_184 = arith.addi %mul3A_182, %add3A_183 : i32
    %mul3A_185 = arith.constant 10240 : i32
    %mul3A_186 = arith.muli %arg0, %mul3A_185 : i32
    %add3A_187 = arith.addi %mul3A_186, %add3A_184 : i32
    "tpu.region"() ({
      %run_scoped3A = tpu.sem_alloc : memref<!tpu.dma_semaphore, #tpu.memory_space<semaphore_mem>>
      %dma_start3A_188 = arith.constant 0 : i32
      %dma_start3A_189 = tpu.memref_slice %arg4[%add3A_187, %dma_start3A_188] : memref<20480x128xf32, #tpu.memory_space<hbm>> -> memref<80x128xf32, #tpu.memory_space<hbm>>
      %dma_start3A_190 = arith.constant 0 : i32
      %dma_start3A_191 = tpu.memref_slice %arg13[%add3A_184, %dma_start3A_190] : memref<10240x128xf32, #tpu.memory_space<vmem_shared>> -> memref<80x128xf32, #tpu.memory_space<vmem_shared>>
      tpu.enqueue_dma source(%dma_start3A_191 : memref<80x128xf32, #tpu.memory_space<vmem_shared>>) target(%dma_start3A_189 : memref<80x128xf32, #tpu.memory_space<hbm>>) target_semaphore(%run_scoped3A : memref<!tpu.dma_semaphore, #tpu.memory_space<semaphore_mem>>)
      %dma_wait3A_192 = arith.constant 0 : i32
      %dma_wait3A_193 = tpu.memref_slice %arg4[%add3A_187, %dma_wait3A_192] : memref<20480x128xf32, #tpu.memory_space<hbm>> -> memref<80x128xf32, #tpu.memory_space<hbm>>
      %dma_wait3A_194 = arith.constant 0 : i32
      %dma_wait3A_195 = tpu.memref_slice %arg13[%add3A_184, %dma_wait3A_194] : memref<10240x128xf32, #tpu.memory_space<vmem_shared>> -> memref<80x128xf32, #tpu.memory_space<vmem_shared>>
      tpu.wait_dma2 semaphore(%run_scoped3A : memref<!tpu.dma_semaphore, #tpu.memory_space<semaphore_mem>>) src(%dma_wait3A_195 : memref<80x128xf32, #tpu.memory_space<vmem_shared>>) dst(%dma_wait3A_193 : memref<80x128xf32, #tpu.memory_space<hbm>>)
      tpu.yield
    }) : () -> ()
    return
  }
}

#map = affine_map<(d0, d1) -> (0, 0)>
#map1 = affine_map<(d0, d1) -> (0)>
module attributes {stable_mosaic.version = 14 : i64} {
  func.func @body(%arg0: i32, %arg1: i32, %arg2: memref<10000x128xi32, #tpu.memory_space<hbm>>, %arg3: memref<10000x128xi32, #tpu.memory_space<hbm>>, %arg4: memref<320000xi32, #tpu.memory_space<hbm>>, %arg5: memref<320000xi32, #tpu.memory_space<hbm>>, %arg6: memref<168960x128xi32, #tpu.memory_space<hbm>>, %arg7: memref<168960x128xi32, #tpu.memory_space<hbm>>, %arg8: memref<5280xi32, #tpu.memory_space<vmem>>, %arg9: memref<5280xi32, #tpu.memory_space<vmem>>, %arg10: memref<80x128xi32, #tpu.memory_space<vmem>>, %arg11: memref<80x128xi32, #tpu.memory_space<vmem>>, %arg12: memref<80x128xi32, #tpu.memory_space<vmem>>, %arg13: memref<80x128xi32, #tpu.memory_space<vmem>>, %arg14: memref<80x128xi32, #tpu.memory_space<vmem>>, %arg15: memref<80x128xi32, #tpu.memory_space<vmem>>, %arg16: memref<80x128xi32, #tpu.memory_space<vmem>>, %arg17: memref<80x128xi32, #tpu.memory_space<vmem>>, %arg18: memref<!tpu.dma_semaphore, #tpu.memory_space<semaphore_mem>>, %arg19: memref<!tpu.dma_semaphore, #tpu.memory_space<semaphore_mem>>, %arg20: memref<!tpu.dma_semaphore, #tpu.memory_space<semaphore_mem>>, %arg21: memref<!tpu.dma_semaphore, #tpu.memory_space<semaphore_mem>>, %arg22: memref<!tpu.dma_semaphore, #tpu.memory_space<semaphore_mem>>, %arg23: memref<!tpu.dma_semaphore, #tpu.memory_space<semaphore_mem>>, %arg24: memref<!tpu.dma_semaphore, #tpu.memory_space<semaphore_mem>>, %arg25: memref<!tpu.dma_semaphore, #tpu.memory_space<semaphore_mem>>) attributes {dimension_semantics = [#tpu.dimension_semantics<core_parallel>, #tpu.dimension_semantics<subcore_parallel>], iteration_bounds = array<i64: 2, 16>, scalar_prefetch = 0 : i64, scratch_operands = 18 : i64, tpu.core_type = #tpu.core_type<sc_vector_subcore>, window_params = [{transform_indices = #map}, {transform_indices = #map}, {transform_indices = #map1}, {transform_indices = #map1}, {transform_indices = #map}, {transform_indices = #map}]} {
    %mul3A = arith.constant 2 : i32
    %mul3A_0 = arith.muli %arg1, %mul3A : i32
    %add3A = arith.addi %mul3A_0, %arg0 : i32
    %mul3A_1 = arith.constant 5280 : i32
    %mul3A_2 = arith.muli %add3A, %mul3A_1 : i32
    %add3A_3 = arith.constant 0 : i32
    %add3A_4 = arith.addi %add3A_3, %mul3A_2 : i32
    "tpu.region"() ({
      %run_scoped3A = tpu.sem_alloc : memref<!tpu.dma_semaphore, #tpu.memory_space<semaphore_mem>>
      %dma_start3A_116 = tpu.memref_slice %arg4[%add3A_4] : memref<320000xi32, #tpu.memory_space<hbm>> -> memref<5280xi32, #tpu.memory_space<hbm>>
      %dma_start3A_117 = tpu.memref_slice %arg4[%add3A_4] : memref<320000xi32, #tpu.memory_space<hbm>> -> memref<5280xi32, #tpu.memory_space<hbm>>
      tpu.enqueue_dma source(%dma_start3A_117 : memref<5280xi32, #tpu.memory_space<hbm>>) target(%arg8 : memref<5280xi32, #tpu.memory_space<vmem>>) target_semaphore(%run_scoped3A : memref<!tpu.dma_semaphore, #tpu.memory_space<semaphore_mem>>)
      %dma_wait3A_118 = tpu.memref_slice %arg4[%add3A_4] : memref<320000xi32, #tpu.memory_space<hbm>> -> memref<5280xi32, #tpu.memory_space<hbm>>
      %dma_wait3A_119 = tpu.memref_slice %arg4[%add3A_4] : memref<320000xi32, #tpu.memory_space<hbm>> -> memref<5280xi32, #tpu.memory_space<hbm>>
      tpu.wait_dma2 semaphore(%run_scoped3A : memref<!tpu.dma_semaphore, #tpu.memory_space<semaphore_mem>>) src(%dma_wait3A_119 : memref<5280xi32, #tpu.memory_space<hbm>>) dst(%arg8 : memref<5280xi32, #tpu.memory_space<vmem>>)
      tpu.yield
    }) : () -> ()
    %add3A_5 = arith.constant 0 : i32
    %add3A_6 = arith.addi %add3A_5, %mul3A_2 : i32
    "tpu.region"() ({
      %run_scoped3A = tpu.sem_alloc : memref<!tpu.dma_semaphore, #tpu.memory_space<semaphore_mem>>
      %dma_start3A_116 = tpu.memref_slice %arg5[%add3A_6] : memref<320000xi32, #tpu.memory_space<hbm>> -> memref<5280xi32, #tpu.memory_space<hbm>>
      %dma_start3A_117 = tpu.memref_slice %arg5[%add3A_6] : memref<320000xi32, #tpu.memory_space<hbm>> -> memref<5280xi32, #tpu.memory_space<hbm>>
      tpu.enqueue_dma source(%dma_start3A_117 : memref<5280xi32, #tpu.memory_space<hbm>>) target(%arg9 : memref<5280xi32, #tpu.memory_space<vmem>>) target_semaphore(%run_scoped3A : memref<!tpu.dma_semaphore, #tpu.memory_space<semaphore_mem>>)
      %dma_wait3A_118 = tpu.memref_slice %arg5[%add3A_6] : memref<320000xi32, #tpu.memory_space<hbm>> -> memref<5280xi32, #tpu.memory_space<hbm>>
      %dma_wait3A_119 = tpu.memref_slice %arg5[%add3A_6] : memref<320000xi32, #tpu.memory_space<hbm>> -> memref<5280xi32, #tpu.memory_space<hbm>>
      tpu.wait_dma2 semaphore(%run_scoped3A : memref<!tpu.dma_semaphore, #tpu.memory_space<semaphore_mem>>) src(%dma_wait3A_119 : memref<5280xi32, #tpu.memory_space<hbm>>) dst(%arg9 : memref<5280xi32, #tpu.memory_space<vmem>>)
      tpu.yield
    }) : () -> ()
    %dma_start3A = arith.constant 0 : i32
    %dma_start3A_7 = tpu.memref_slice %arg8[%dma_start3A] : memref<5280xi32, #tpu.memory_space<vmem>> -> memref<80xi32, #tpu.memory_space<vmem>>
    %dma_start3A_8 = arith.constant 0 : i32
    %dma_start3A_9 = arith.constant 0 : i32
    %dma_start3A_10 = tpu.memref_slice %arg2[%dma_start3A_8, %dma_start3A_9] : memref<10000x128xi32, #tpu.memory_space<hbm>> -> memref<10000x128xi32, #tpu.memory_space<hbm>>
    tpu.enqueue_indirect_dma source(%dma_start3A_10 : memref<10000x128xi32, #tpu.memory_space<hbm>>) target(%arg10 : memref<80x128xi32, #tpu.memory_space<vmem>>) offsets(%dma_start3A_7 : memref<80xi32, #tpu.memory_space<vmem>>) semaphore(%arg18 : memref<!tpu.dma_semaphore, #tpu.memory_space<semaphore_mem>>)
    %dma_start3A_11 = arith.constant 0 : i32
    %dma_start3A_12 = tpu.memref_slice %arg9[%dma_start3A_11] : memref<5280xi32, #tpu.memory_space<vmem>> -> memref<80xi32, #tpu.memory_space<vmem>>
    %dma_start3A_13 = arith.constant 0 : i32
    %dma_start3A_14 = arith.constant 0 : i32
    %dma_start3A_15 = tpu.memref_slice %arg3[%dma_start3A_13, %dma_start3A_14] : memref<10000x128xi32, #tpu.memory_space<hbm>> -> memref<10000x128xi32, #tpu.memory_space<hbm>>
    tpu.enqueue_indirect_dma source(%dma_start3A_15 : memref<10000x128xi32, #tpu.memory_space<hbm>>) target(%arg14 : memref<80x128xi32, #tpu.memory_space<vmem>>) offsets(%dma_start3A_12 : memref<80xi32, #tpu.memory_space<vmem>>) semaphore(%arg18 : memref<!tpu.dma_semaphore, #tpu.memory_space<semaphore_mem>>)
    %dma_start3A_16 = arith.constant 80 : i32
    %dma_start3A_17 = tpu.memref_slice %arg8[%dma_start3A_16] : memref<5280xi32, #tpu.memory_space<vmem>> -> memref<80xi32, #tpu.memory_space<vmem>>
    %dma_start3A_18 = arith.constant 0 : i32
    %dma_start3A_19 = arith.constant 0 : i32
    %dma_start3A_20 = tpu.memref_slice %arg2[%dma_start3A_18, %dma_start3A_19] : memref<10000x128xi32, #tpu.memory_space<hbm>> -> memref<10000x128xi32, #tpu.memory_space<hbm>>
    tpu.enqueue_indirect_dma source(%dma_start3A_20 : memref<10000x128xi32, #tpu.memory_space<hbm>>) target(%arg11 : memref<80x128xi32, #tpu.memory_space<vmem>>) offsets(%dma_start3A_17 : memref<80xi32, #tpu.memory_space<vmem>>) semaphore(%arg19 : memref<!tpu.dma_semaphore, #tpu.memory_space<semaphore_mem>>)
    %dma_start3A_21 = arith.constant 80 : i32
    %dma_start3A_22 = tpu.memref_slice %arg9[%dma_start3A_21] : memref<5280xi32, #tpu.memory_space<vmem>> -> memref<80xi32, #tpu.memory_space<vmem>>
    %dma_start3A_23 = arith.constant 0 : i32
    %dma_start3A_24 = arith.constant 0 : i32
    %dma_start3A_25 = tpu.memref_slice %arg3[%dma_start3A_23, %dma_start3A_24] : memref<10000x128xi32, #tpu.memory_space<hbm>> -> memref<10000x128xi32, #tpu.memory_space<hbm>>
    tpu.enqueue_indirect_dma source(%dma_start3A_25 : memref<10000x128xi32, #tpu.memory_space<hbm>>) target(%arg15 : memref<80x128xi32, #tpu.memory_space<vmem>>) offsets(%dma_start3A_22 : memref<80xi32, #tpu.memory_space<vmem>>) semaphore(%arg19 : memref<!tpu.dma_semaphore, #tpu.memory_space<semaphore_mem>>)
    %dma_start3A_26 = arith.constant 160 : i32
    %dma_start3A_27 = tpu.memref_slice %arg8[%dma_start3A_26] : memref<5280xi32, #tpu.memory_space<vmem>> -> memref<80xi32, #tpu.memory_space<vmem>>
    %dma_start3A_28 = arith.constant 0 : i32
    %dma_start3A_29 = arith.constant 0 : i32
    %dma_start3A_30 = tpu.memref_slice %arg2[%dma_start3A_28, %dma_start3A_29] : memref<10000x128xi32, #tpu.memory_space<hbm>> -> memref<10000x128xi32, #tpu.memory_space<hbm>>
    tpu.enqueue_indirect_dma source(%dma_start3A_30 : memref<10000x128xi32, #tpu.memory_space<hbm>>) target(%arg12 : memref<80x128xi32, #tpu.memory_space<vmem>>) offsets(%dma_start3A_27 : memref<80xi32, #tpu.memory_space<vmem>>) semaphore(%arg20 : memref<!tpu.dma_semaphore, #tpu.memory_space<semaphore_mem>>)
    %dma_start3A_31 = arith.constant 160 : i32
    %dma_start3A_32 = tpu.memref_slice %arg9[%dma_start3A_31] : memref<5280xi32, #tpu.memory_space<vmem>> -> memref<80xi32, #tpu.memory_space<vmem>>
    %dma_start3A_33 = arith.constant 0 : i32
    %dma_start3A_34 = arith.constant 0 : i32
    %dma_start3A_35 = tpu.memref_slice %arg3[%dma_start3A_33, %dma_start3A_34] : memref<10000x128xi32, #tpu.memory_space<hbm>> -> memref<10000x128xi32, #tpu.memory_space<hbm>>
    tpu.enqueue_indirect_dma source(%dma_start3A_35 : memref<10000x128xi32, #tpu.memory_space<hbm>>) target(%arg16 : memref<80x128xi32, #tpu.memory_space<vmem>>) offsets(%dma_start3A_32 : memref<80xi32, #tpu.memory_space<vmem>>) semaphore(%arg20 : memref<!tpu.dma_semaphore, #tpu.memory_space<semaphore_mem>>)
    %scan3A = arith.constant 0 : i32
    %scan3A_36 = arith.constant 0 : i32
    %scan3A_37 = arith.constant 16 : i32
    %scan3A_38 = arith.addi %scan3A_36, %scan3A_37 : i32
    %scan3A_39 = arith.constant 1 : i32
    scf.for %scan3A_116 = %scan3A_36 to %scan3A_38 step %scan3A_39  : i32 {
      %mul3A_117 = arith.constant 4 : i32
      %mul3A_118 = arith.muli %scan3A_116, %mul3A_117 : i32
      %add3A_119 = arith.constant 0 : i32
      %add3A_120 = arith.addi %mul3A_118, %add3A_119 : i32
      %ge3A = arith.constant 1 : i32
      %ge3A_121 = arith.cmpi sge, %add3A_120, %ge3A : i32
      %convert_element_type3A = arith.extui %ge3A_121 : i1 to i32
      %cond3A = arith.constant 0 : i32
      %cond3A_122 = arith.cmpi ne, %convert_element_type3A, %cond3A : i32
      scf.if %cond3A_122 {
        %dma_wait3A_261 = arith.constant 0 : i32
        %dma_wait3A_262 = arith.constant 0 : i32
        %dma_wait3A_263 = tpu.memref_slice %arg6[%dma_wait3A_261, %dma_wait3A_262] : memref<168960x128xi32, #tpu.memory_space<hbm>> -> memref<80x128xi32, #tpu.memory_space<hbm>>
        %dma_wait3A_264 = arith.constant 0 : i32
        %dma_wait3A_265 = arith.constant 0 : i32
        %dma_wait3A_266 = tpu.memref_slice %arg6[%dma_wait3A_264, %dma_wait3A_265] : memref<168960x128xi32, #tpu.memory_space<hbm>> -> memref<80x128xi32, #tpu.memory_space<hbm>>
        tpu.wait_dma2 semaphore(%arg25 : memref<!tpu.dma_semaphore, #tpu.memory_space<semaphore_mem>>) src(%arg13 : memref<80x128xi32, #tpu.memory_space<vmem>>) dst(%dma_wait3A_266 : memref<80x128xi32, #tpu.memory_space<hbm>>)
        %dma_wait3A_267 = arith.constant 0 : i32
        %dma_wait3A_268 = arith.constant 0 : i32
        %dma_wait3A_269 = tpu.memref_slice %arg7[%dma_wait3A_267, %dma_wait3A_268] : memref<168960x128xi32, #tpu.memory_space<hbm>> -> memref<80x128xi32, #tpu.memory_space<hbm>>
        %dma_wait3A_270 = arith.constant 0 : i32
        %dma_wait3A_271 = arith.constant 0 : i32
        %dma_wait3A_272 = tpu.memref_slice %arg7[%dma_wait3A_270, %dma_wait3A_271] : memref<168960x128xi32, #tpu.memory_space<hbm>> -> memref<80x128xi32, #tpu.memory_space<hbm>>
        tpu.wait_dma2 semaphore(%arg25 : memref<!tpu.dma_semaphore, #tpu.memory_space<semaphore_mem>>) src(%arg17 : memref<80x128xi32, #tpu.memory_space<vmem>>) dst(%dma_wait3A_272 : memref<80x128xi32, #tpu.memory_space<hbm>>)
      } else {
      }
      %add3A_123 = arith.constant 3 : i32
      %add3A_124 = arith.addi %add3A_120, %add3A_123 : i32
      %lt3A = arith.constant 66 : i32
      %lt3A_125 = arith.cmpi slt, %add3A_124, %lt3A : i32
      %convert_element_type3A_126 = arith.extui %lt3A_125 : i1 to i32
      %cond3A_127 = arith.constant 0 : i32
      %cond3A_128 = arith.cmpi ne, %convert_element_type3A_126, %cond3A_127 : i32
      scf.if %cond3A_128 {
        %add3A_261 = arith.constant 3 : i32
        %add3A_262 = arith.addi %add3A_120, %add3A_261 : i32
        %mul3A_263 = arith.constant 80 : i32
        %mul3A_264 = arith.muli %add3A_262, %mul3A_263 : i32
        %dma_start3A_265 = tpu.memref_slice %arg8[%mul3A_264] : memref<5280xi32, #tpu.memory_space<vmem>> -> memref<80xi32, #tpu.memory_space<vmem>>
        %dma_start3A_266 = arith.constant 0 : i32
        %dma_start3A_267 = arith.constant 0 : i32
        %dma_start3A_268 = tpu.memref_slice %arg2[%dma_start3A_266, %dma_start3A_267] : memref<10000x128xi32, #tpu.memory_space<hbm>> -> memref<10000x128xi32, #tpu.memory_space<hbm>>
        tpu.enqueue_indirect_dma source(%dma_start3A_268 : memref<10000x128xi32, #tpu.memory_space<hbm>>) target(%arg13 : memref<80x128xi32, #tpu.memory_space<vmem>>) offsets(%dma_start3A_265 : memref<80xi32, #tpu.memory_space<vmem>>) semaphore(%arg21 : memref<!tpu.dma_semaphore, #tpu.memory_space<semaphore_mem>>)
        %dma_start3A_269 = tpu.memref_slice %arg9[%mul3A_264] : memref<5280xi32, #tpu.memory_space<vmem>> -> memref<80xi32, #tpu.memory_space<vmem>>
        %dma_start3A_270 = arith.constant 0 : i32
        %dma_start3A_271 = arith.constant 0 : i32
        %dma_start3A_272 = tpu.memref_slice %arg3[%dma_start3A_270, %dma_start3A_271] : memref<10000x128xi32, #tpu.memory_space<hbm>> -> memref<10000x128xi32, #tpu.memory_space<hbm>>
        tpu.enqueue_indirect_dma source(%dma_start3A_272 : memref<10000x128xi32, #tpu.memory_space<hbm>>) target(%arg17 : memref<80x128xi32, #tpu.memory_space<vmem>>) offsets(%dma_start3A_269 : memref<80xi32, #tpu.memory_space<vmem>>) semaphore(%arg21 : memref<!tpu.dma_semaphore, #tpu.memory_space<semaphore_mem>>)
      } else {
      }
      %dma_wait3A_129 = arith.constant 0 : i32
      %dma_wait3A_130 = tpu.memref_slice %arg8[%dma_wait3A_129] : memref<5280xi32, #tpu.memory_space<vmem>> -> memref<80xi32, #tpu.memory_space<vmem>>
      %dma_wait3A_131 = arith.constant 0 : i32
      %dma_wait3A_132 = arith.constant 0 : i32
      %dma_wait3A_133 = tpu.memref_slice %arg2[%dma_wait3A_131, %dma_wait3A_132] : memref<10000x128xi32, #tpu.memory_space<hbm>> -> memref<10000x128xi32, #tpu.memory_space<hbm>>
      tpu.wait_indirect_dma semaphore(%arg18 : memref<!tpu.dma_semaphore, #tpu.memory_space<semaphore_mem>>) src(%dma_wait3A_133 : memref<10000x128xi32, #tpu.memory_space<hbm>>) dst(%arg10 : memref<80x128xi32, #tpu.memory_space<vmem>>)
      %dma_wait3A_134 = arith.constant 0 : i32
      %dma_wait3A_135 = tpu.memref_slice %arg9[%dma_wait3A_134] : memref<5280xi32, #tpu.memory_space<vmem>> -> memref<80xi32, #tpu.memory_space<vmem>>
      %dma_wait3A_136 = arith.constant 0 : i32
      %dma_wait3A_137 = arith.constant 0 : i32
      %dma_wait3A_138 = tpu.memref_slice %arg3[%dma_wait3A_136, %dma_wait3A_137] : memref<10000x128xi32, #tpu.memory_space<hbm>> -> memref<10000x128xi32, #tpu.memory_space<hbm>>
      tpu.wait_indirect_dma semaphore(%arg18 : memref<!tpu.dma_semaphore, #tpu.memory_space<semaphore_mem>>) src(%dma_wait3A_138 : memref<10000x128xi32, #tpu.memory_space<hbm>>) dst(%arg14 : memref<80x128xi32, #tpu.memory_space<vmem>>)
      %mul3A_139 = arith.constant 80 : i32
      %mul3A_140 = arith.muli %add3A_120, %mul3A_139 : i32
      %add3A_141 = arith.addi %mul3A_2, %mul3A_140 : i32
      %dma_start3A_142 = arith.constant 0 : i32
      %dma_start3A_143 = tpu.memref_slice %arg6[%add3A_141, %dma_start3A_142] : memref<168960x128xi32, #tpu.memory_space<hbm>> -> memref<80x128xi32, #tpu.memory_space<hbm>>
      %dma_start3A_144 = arith.constant 0 : i32
      %dma_start3A_145 = tpu.memref_slice %arg6[%add3A_141, %dma_start3A_144] : memref<168960x128xi32, #tpu.memory_space<hbm>> -> memref<80x128xi32, #tpu.memory_space<hbm>>
      tpu.enqueue_dma source(%arg10 : memref<80x128xi32, #tpu.memory_space<vmem>>) target(%dma_start3A_145 : memref<80x128xi32, #tpu.memory_space<hbm>>) target_semaphore(%arg22 : memref<!tpu.dma_semaphore, #tpu.memory_space<semaphore_mem>>)
      %dma_start3A_146 = arith.constant 0 : i32
      %dma_start3A_147 = tpu.memref_slice %arg7[%add3A_141, %dma_start3A_146] : memref<168960x128xi32, #tpu.memory_space<hbm>> -> memref<80x128xi32, #tpu.memory_space<hbm>>
      %dma_start3A_148 = arith.constant 0 : i32
      %dma_start3A_149 = tpu.memref_slice %arg7[%add3A_141, %dma_start3A_148] : memref<168960x128xi32, #tpu.memory_space<hbm>> -> memref<80x128xi32, #tpu.memory_space<hbm>>
      tpu.enqueue_dma source(%arg14 : memref<80x128xi32, #tpu.memory_space<vmem>>) target(%dma_start3A_149 : memref<80x128xi32, #tpu.memory_space<hbm>>) target_semaphore(%arg22 : memref<!tpu.dma_semaphore, #tpu.memory_space<semaphore_mem>>)
      %mul3A_150 = arith.constant 4 : i32
      %mul3A_151 = arith.muli %scan3A_116, %mul3A_150 : i32
      %add3A_152 = arith.constant 1 : i32
      %add3A_153 = arith.addi %mul3A_151, %add3A_152 : i32
      %ge3A_154 = arith.constant 1 : i32
      %ge3A_155 = arith.cmpi sge, %add3A_153, %ge3A_154 : i32
      %convert_element_type3A_156 = arith.extui %ge3A_155 : i1 to i32
      %cond3A_157 = arith.constant 0 : i32
      %cond3A_158 = arith.cmpi ne, %convert_element_type3A_156, %cond3A_157 : i32
      scf.if %cond3A_158 {
        %dma_wait3A_261 = arith.constant 0 : i32
        %dma_wait3A_262 = arith.constant 0 : i32
        %dma_wait3A_263 = tpu.memref_slice %arg6[%dma_wait3A_261, %dma_wait3A_262] : memref<168960x128xi32, #tpu.memory_space<hbm>> -> memref<80x128xi32, #tpu.memory_space<hbm>>
        %dma_wait3A_264 = arith.constant 0 : i32
        %dma_wait3A_265 = arith.constant 0 : i32
        %dma_wait3A_266 = tpu.memref_slice %arg6[%dma_wait3A_264, %dma_wait3A_265] : memref<168960x128xi32, #tpu.memory_space<hbm>> -> memref<80x128xi32, #tpu.memory_space<hbm>>
        tpu.wait_dma2 semaphore(%arg22 : memref<!tpu.dma_semaphore, #tpu.memory_space<semaphore_mem>>) src(%arg10 : memref<80x128xi32, #tpu.memory_space<vmem>>) dst(%dma_wait3A_266 : memref<80x128xi32, #tpu.memory_space<hbm>>)
        %dma_wait3A_267 = arith.constant 0 : i32
        %dma_wait3A_268 = arith.constant 0 : i32
        %dma_wait3A_269 = tpu.memref_slice %arg7[%dma_wait3A_267, %dma_wait3A_268] : memref<168960x128xi32, #tpu.memory_space<hbm>> -> memref<80x128xi32, #tpu.memory_space<hbm>>
        %dma_wait3A_270 = arith.constant 0 : i32
        %dma_wait3A_271 = arith.constant 0 : i32
        %dma_wait3A_272 = tpu.memref_slice %arg7[%dma_wait3A_270, %dma_wait3A_271] : memref<168960x128xi32, #tpu.memory_space<hbm>> -> memref<80x128xi32, #tpu.memory_space<hbm>>
        tpu.wait_dma2 semaphore(%arg22 : memref<!tpu.dma_semaphore, #tpu.memory_space<semaphore_mem>>) src(%arg14 : memref<80x128xi32, #tpu.memory_space<vmem>>) dst(%dma_wait3A_272 : memref<80x128xi32, #tpu.memory_space<hbm>>)
      } else {
      }
      %add3A_159 = arith.constant 3 : i32
      %add3A_160 = arith.addi %add3A_153, %add3A_159 : i32
      %lt3A_161 = arith.constant 66 : i32
      %lt3A_162 = arith.cmpi slt, %add3A_160, %lt3A_161 : i32
      %convert_element_type3A_163 = arith.extui %lt3A_162 : i1 to i32
      %cond3A_164 = arith.constant 0 : i32
      %cond3A_165 = arith.cmpi ne, %convert_element_type3A_163, %cond3A_164 : i32
      scf.if %cond3A_165 {
        %add3A_261 = arith.constant 3 : i32
        %add3A_262 = arith.addi %add3A_153, %add3A_261 : i32
        %mul3A_263 = arith.constant 80 : i32
        %mul3A_264 = arith.muli %add3A_262, %mul3A_263 : i32
        %dma_start3A_265 = tpu.memref_slice %arg8[%mul3A_264] : memref<5280xi32, #tpu.memory_space<vmem>> -> memref<80xi32, #tpu.memory_space<vmem>>
        %dma_start3A_266 = arith.constant 0 : i32
        %dma_start3A_267 = arith.constant 0 : i32
        %dma_start3A_268 = tpu.memref_slice %arg2[%dma_start3A_266, %dma_start3A_267] : memref<10000x128xi32, #tpu.memory_space<hbm>> -> memref<10000x128xi32, #tpu.memory_space<hbm>>
        tpu.enqueue_indirect_dma source(%dma_start3A_268 : memref<10000x128xi32, #tpu.memory_space<hbm>>) target(%arg10 : memref<80x128xi32, #tpu.memory_space<vmem>>) offsets(%dma_start3A_265 : memref<80xi32, #tpu.memory_space<vmem>>) semaphore(%arg18 : memref<!tpu.dma_semaphore, #tpu.memory_space<semaphore_mem>>)
        %dma_start3A_269 = tpu.memref_slice %arg9[%mul3A_264] : memref<5280xi32, #tpu.memory_space<vmem>> -> memref<80xi32, #tpu.memory_space<vmem>>
        %dma_start3A_270 = arith.constant 0 : i32
        %dma_start3A_271 = arith.constant 0 : i32
        %dma_start3A_272 = tpu.memref_slice %arg3[%dma_start3A_270, %dma_start3A_271] : memref<10000x128xi32, #tpu.memory_space<hbm>> -> memref<10000x128xi32, #tpu.memory_space<hbm>>
        tpu.enqueue_indirect_dma source(%dma_start3A_272 : memref<10000x128xi32, #tpu.memory_space<hbm>>) target(%arg14 : memref<80x128xi32, #tpu.memory_space<vmem>>) offsets(%dma_start3A_269 : memref<80xi32, #tpu.memory_space<vmem>>) semaphore(%arg18 : memref<!tpu.dma_semaphore, #tpu.memory_space<semaphore_mem>>)
      } else {
      }
      %dma_wait3A_166 = arith.constant 0 : i32
      %dma_wait3A_167 = tpu.memref_slice %arg8[%dma_wait3A_166] : memref<5280xi32, #tpu.memory_space<vmem>> -> memref<80xi32, #tpu.memory_space<vmem>>
      %dma_wait3A_168 = arith.constant 0 : i32
      %dma_wait3A_169 = arith.constant 0 : i32
      %dma_wait3A_170 = tpu.memref_slice %arg2[%dma_wait3A_168, %dma_wait3A_169] : memref<10000x128xi32, #tpu.memory_space<hbm>> -> memref<10000x128xi32, #tpu.memory_space<hbm>>
      tpu.wait_indirect_dma semaphore(%arg19 : memref<!tpu.dma_semaphore, #tpu.memory_space<semaphore_mem>>) src(%dma_wait3A_170 : memref<10000x128xi32, #tpu.memory_space<hbm>>) dst(%arg11 : memref<80x128xi32, #tpu.memory_space<vmem>>)
      %dma_wait3A_171 = arith.constant 0 : i32
      %dma_wait3A_172 = tpu.memref_slice %arg9[%dma_wait3A_171] : memref<5280xi32, #tpu.memory_space<vmem>> -> memref<80xi32, #tpu.memory_space<vmem>>
      %dma_wait3A_173 = arith.constant 0 : i32
      %dma_wait3A_174 = arith.constant 0 : i32
      %dma_wait3A_175 = tpu.memref_slice %arg3[%dma_wait3A_173, %dma_wait3A_174] : memref<10000x128xi32, #tpu.memory_space<hbm>> -> memref<10000x128xi32, #tpu.memory_space<hbm>>
      tpu.wait_indirect_dma semaphore(%arg19 : memref<!tpu.dma_semaphore, #tpu.memory_space<semaphore_mem>>) src(%dma_wait3A_175 : memref<10000x128xi32, #tpu.memory_space<hbm>>) dst(%arg15 : memref<80x128xi32, #tpu.memory_space<vmem>>)
      %mul3A_176 = arith.constant 80 : i32
      %mul3A_177 = arith.muli %add3A_153, %mul3A_176 : i32
      %add3A_178 = arith.addi %mul3A_2, %mul3A_177 : i32
      %dma_start3A_179 = arith.constant 0 : i32
      %dma_start3A_180 = tpu.memref_slice %arg6[%add3A_178, %dma_start3A_179] : memref<168960x128xi32, #tpu.memory_space<hbm>> -> memref<80x128xi32, #tpu.memory_space<hbm>>
      %dma_start3A_181 = arith.constant 0 : i32
      %dma_start3A_182 = tpu.memref_slice %arg6[%add3A_178, %dma_start3A_181] : memref<168960x128xi32, #tpu.memory_space<hbm>> -> memref<80x128xi32, #tpu.memory_space<hbm>>
      tpu.enqueue_dma source(%arg11 : memref<80x128xi32, #tpu.memory_space<vmem>>) target(%dma_start3A_182 : memref<80x128xi32, #tpu.memory_space<hbm>>) target_semaphore(%arg23 : memref<!tpu.dma_semaphore, #tpu.memory_space<semaphore_mem>>)
      %dma_start3A_183 = arith.constant 0 : i32
      %dma_start3A_184 = tpu.memref_slice %arg7[%add3A_178, %dma_start3A_183] : memref<168960x128xi32, #tpu.memory_space<hbm>> -> memref<80x128xi32, #tpu.memory_space<hbm>>
      %dma_start3A_185 = arith.constant 0 : i32
      %dma_start3A_186 = tpu.memref_slice %arg7[%add3A_178, %dma_start3A_185] : memref<168960x128xi32, #tpu.memory_space<hbm>> -> memref<80x128xi32, #tpu.memory_space<hbm>>
      tpu.enqueue_dma source(%arg15 : memref<80x128xi32, #tpu.memory_space<vmem>>) target(%dma_start3A_186 : memref<80x128xi32, #tpu.memory_space<hbm>>) target_semaphore(%arg23 : memref<!tpu.dma_semaphore, #tpu.memory_space<semaphore_mem>>)
      %mul3A_187 = arith.constant 4 : i32
      %mul3A_188 = arith.muli %scan3A_116, %mul3A_187 : i32
      %add3A_189 = arith.constant 2 : i32
      %add3A_190 = arith.addi %mul3A_188, %add3A_189 : i32
      %ge3A_191 = arith.constant 1 : i32
      %ge3A_192 = arith.cmpi sge, %add3A_190, %ge3A_191 : i32
      %convert_element_type3A_193 = arith.extui %ge3A_192 : i1 to i32
      %cond3A_194 = arith.constant 0 : i32
      %cond3A_195 = arith.cmpi ne, %convert_element_type3A_193, %cond3A_194 : i32
      scf.if %cond3A_195 {
        %dma_wait3A_261 = arith.constant 0 : i32
        %dma_wait3A_262 = arith.constant 0 : i32
        %dma_wait3A_263 = tpu.memref_slice %arg6[%dma_wait3A_261, %dma_wait3A_262] : memref<168960x128xi32, #tpu.memory_space<hbm>> -> memref<80x128xi32, #tpu.memory_space<hbm>>
        %dma_wait3A_264 = arith.constant 0 : i32
        %dma_wait3A_265 = arith.constant 0 : i32
        %dma_wait3A_266 = tpu.memref_slice %arg6[%dma_wait3A_264, %dma_wait3A_265] : memref<168960x128xi32, #tpu.memory_space<hbm>> -> memref<80x128xi32, #tpu.memory_space<hbm>>
        tpu.wait_dma2 semaphore(%arg23 : memref<!tpu.dma_semaphore, #tpu.memory_space<semaphore_mem>>) src(%arg11 : memref<80x128xi32, #tpu.memory_space<vmem>>) dst(%dma_wait3A_266 : memref<80x128xi32, #tpu.memory_space<hbm>>)
        %dma_wait3A_267 = arith.constant 0 : i32
        %dma_wait3A_268 = arith.constant 0 : i32
        %dma_wait3A_269 = tpu.memref_slice %arg7[%dma_wait3A_267, %dma_wait3A_268] : memref<168960x128xi32, #tpu.memory_space<hbm>> -> memref<80x128xi32, #tpu.memory_space<hbm>>
        %dma_wait3A_270 = arith.constant 0 : i32
        %dma_wait3A_271 = arith.constant 0 : i32
        %dma_wait3A_272 = tpu.memref_slice %arg7[%dma_wait3A_270, %dma_wait3A_271] : memref<168960x128xi32, #tpu.memory_space<hbm>> -> memref<80x128xi32, #tpu.memory_space<hbm>>
        tpu.wait_dma2 semaphore(%arg23 : memref<!tpu.dma_semaphore, #tpu.memory_space<semaphore_mem>>) src(%arg15 : memref<80x128xi32, #tpu.memory_space<vmem>>) dst(%dma_wait3A_272 : memref<80x128xi32, #tpu.memory_space<hbm>>)
      } else {
      }
      %add3A_196 = arith.constant 3 : i32
      %add3A_197 = arith.addi %add3A_190, %add3A_196 : i32
      %lt3A_198 = arith.constant 66 : i32
      %lt3A_199 = arith.cmpi slt, %add3A_197, %lt3A_198 : i32
      %convert_element_type3A_200 = arith.extui %lt3A_199 : i1 to i32
      %cond3A_201 = arith.constant 0 : i32
      %cond3A_202 = arith.cmpi ne, %convert_element_type3A_200, %cond3A_201 : i32
      scf.if %cond3A_202 {
        %add3A_261 = arith.constant 3 : i32
        %add3A_262 = arith.addi %add3A_190, %add3A_261 : i32
        %mul3A_263 = arith.constant 80 : i32
        %mul3A_264 = arith.muli %add3A_262, %mul3A_263 : i32
        %dma_start3A_265 = tpu.memref_slice %arg8[%mul3A_264] : memref<5280xi32, #tpu.memory_space<vmem>> -> memref<80xi32, #tpu.memory_space<vmem>>
        %dma_start3A_266 = arith.constant 0 : i32
        %dma_start3A_267 = arith.constant 0 : i32
        %dma_start3A_268 = tpu.memref_slice %arg2[%dma_start3A_266, %dma_start3A_267] : memref<10000x128xi32, #tpu.memory_space<hbm>> -> memref<10000x128xi32, #tpu.memory_space<hbm>>
        tpu.enqueue_indirect_dma source(%dma_start3A_268 : memref<10000x128xi32, #tpu.memory_space<hbm>>) target(%arg11 : memref<80x128xi32, #tpu.memory_space<vmem>>) offsets(%dma_start3A_265 : memref<80xi32, #tpu.memory_space<vmem>>) semaphore(%arg19 : memref<!tpu.dma_semaphore, #tpu.memory_space<semaphore_mem>>)
        %dma_start3A_269 = tpu.memref_slice %arg9[%mul3A_264] : memref<5280xi32, #tpu.memory_space<vmem>> -> memref<80xi32, #tpu.memory_space<vmem>>
        %dma_start3A_270 = arith.constant 0 : i32
        %dma_start3A_271 = arith.constant 0 : i32
        %dma_start3A_272 = tpu.memref_slice %arg3[%dma_start3A_270, %dma_start3A_271] : memref<10000x128xi32, #tpu.memory_space<hbm>> -> memref<10000x128xi32, #tpu.memory_space<hbm>>
        tpu.enqueue_indirect_dma source(%dma_start3A_272 : memref<10000x128xi32, #tpu.memory_space<hbm>>) target(%arg15 : memref<80x128xi32, #tpu.memory_space<vmem>>) offsets(%dma_start3A_269 : memref<80xi32, #tpu.memory_space<vmem>>) semaphore(%arg19 : memref<!tpu.dma_semaphore, #tpu.memory_space<semaphore_mem>>)
      } else {
      }
      %dma_wait3A_203 = arith.constant 0 : i32
      %dma_wait3A_204 = tpu.memref_slice %arg8[%dma_wait3A_203] : memref<5280xi32, #tpu.memory_space<vmem>> -> memref<80xi32, #tpu.memory_space<vmem>>
      %dma_wait3A_205 = arith.constant 0 : i32
      %dma_wait3A_206 = arith.constant 0 : i32
      %dma_wait3A_207 = tpu.memref_slice %arg2[%dma_wait3A_205, %dma_wait3A_206] : memref<10000x128xi32, #tpu.memory_space<hbm>> -> memref<10000x128xi32, #tpu.memory_space<hbm>>
      tpu.wait_indirect_dma semaphore(%arg20 : memref<!tpu.dma_semaphore, #tpu.memory_space<semaphore_mem>>) src(%dma_wait3A_207 : memref<10000x128xi32, #tpu.memory_space<hbm>>) dst(%arg12 : memref<80x128xi32, #tpu.memory_space<vmem>>)
      %dma_wait3A_208 = arith.constant 0 : i32
      %dma_wait3A_209 = tpu.memref_slice %arg9[%dma_wait3A_208] : memref<5280xi32, #tpu.memory_space<vmem>> -> memref<80xi32, #tpu.memory_space<vmem>>
      %dma_wait3A_210 = arith.constant 0 : i32
      %dma_wait3A_211 = arith.constant 0 : i32
      %dma_wait3A_212 = tpu.memref_slice %arg3[%dma_wait3A_210, %dma_wait3A_211] : memref<10000x128xi32, #tpu.memory_space<hbm>> -> memref<10000x128xi32, #tpu.memory_space<hbm>>
      tpu.wait_indirect_dma semaphore(%arg20 : memref<!tpu.dma_semaphore, #tpu.memory_space<semaphore_mem>>) src(%dma_wait3A_212 : memref<10000x128xi32, #tpu.memory_space<hbm>>) dst(%arg16 : memref<80x128xi32, #tpu.memory_space<vmem>>)
      %mul3A_213 = arith.constant 80 : i32
      %mul3A_214 = arith.muli %add3A_190, %mul3A_213 : i32
      %add3A_215 = arith.addi %mul3A_2, %mul3A_214 : i32
      %dma_start3A_216 = arith.constant 0 : i32
      %dma_start3A_217 = tpu.memref_slice %arg6[%add3A_215, %dma_start3A_216] : memref<168960x128xi32, #tpu.memory_space<hbm>> -> memref<80x128xi32, #tpu.memory_space<hbm>>
      %dma_start3A_218 = arith.constant 0 : i32
      %dma_start3A_219 = tpu.memref_slice %arg6[%add3A_215, %dma_start3A_218] : memref<168960x128xi32, #tpu.memory_space<hbm>> -> memref<80x128xi32, #tpu.memory_space<hbm>>
      tpu.enqueue_dma source(%arg12 : memref<80x128xi32, #tpu.memory_space<vmem>>) target(%dma_start3A_219 : memref<80x128xi32, #tpu.memory_space<hbm>>) target_semaphore(%arg24 : memref<!tpu.dma_semaphore, #tpu.memory_space<semaphore_mem>>)
      %dma_start3A_220 = arith.constant 0 : i32
      %dma_start3A_221 = tpu.memref_slice %arg7[%add3A_215, %dma_start3A_220] : memref<168960x128xi32, #tpu.memory_space<hbm>> -> memref<80x128xi32, #tpu.memory_space<hbm>>
      %dma_start3A_222 = arith.constant 0 : i32
      %dma_start3A_223 = tpu.memref_slice %arg7[%add3A_215, %dma_start3A_222] : memref<168960x128xi32, #tpu.memory_space<hbm>> -> memref<80x128xi32, #tpu.memory_space<hbm>>
      tpu.enqueue_dma source(%arg16 : memref<80x128xi32, #tpu.memory_space<vmem>>) target(%dma_start3A_223 : memref<80x128xi32, #tpu.memory_space<hbm>>) target_semaphore(%arg24 : memref<!tpu.dma_semaphore, #tpu.memory_space<semaphore_mem>>)
      %mul3A_224 = arith.constant 4 : i32
      %mul3A_225 = arith.muli %scan3A_116, %mul3A_224 : i32
      %add3A_226 = arith.constant 3 : i32
      %add3A_227 = arith.addi %mul3A_225, %add3A_226 : i32
      %ge3A_228 = arith.constant 1 : i32
      %ge3A_229 = arith.cmpi sge, %add3A_227, %ge3A_228 : i32
      %convert_element_type3A_230 = arith.extui %ge3A_229 : i1 to i32
      %cond3A_231 = arith.constant 0 : i32
      %cond3A_232 = arith.cmpi ne, %convert_element_type3A_230, %cond3A_231 : i32
      scf.if %cond3A_232 {
        %dma_wait3A_261 = arith.constant 0 : i32
        %dma_wait3A_262 = arith.constant 0 : i32
        %dma_wait3A_263 = tpu.memref_slice %arg6[%dma_wait3A_261, %dma_wait3A_262] : memref<168960x128xi32, #tpu.memory_space<hbm>> -> memref<80x128xi32, #tpu.memory_space<hbm>>
        %dma_wait3A_264 = arith.constant 0 : i32
        %dma_wait3A_265 = arith.constant 0 : i32
        %dma_wait3A_266 = tpu.memref_slice %arg6[%dma_wait3A_264, %dma_wait3A_265] : memref<168960x128xi32, #tpu.memory_space<hbm>> -> memref<80x128xi32, #tpu.memory_space<hbm>>
        tpu.wait_dma2 semaphore(%arg24 : memref<!tpu.dma_semaphore, #tpu.memory_space<semaphore_mem>>) src(%arg12 : memref<80x128xi32, #tpu.memory_space<vmem>>) dst(%dma_wait3A_266 : memref<80x128xi32, #tpu.memory_space<hbm>>)
        %dma_wait3A_267 = arith.constant 0 : i32
        %dma_wait3A_268 = arith.constant 0 : i32
        %dma_wait3A_269 = tpu.memref_slice %arg7[%dma_wait3A_267, %dma_wait3A_268] : memref<168960x128xi32, #tpu.memory_space<hbm>> -> memref<80x128xi32, #tpu.memory_space<hbm>>
        %dma_wait3A_270 = arith.constant 0 : i32
        %dma_wait3A_271 = arith.constant 0 : i32
        %dma_wait3A_272 = tpu.memref_slice %arg7[%dma_wait3A_270, %dma_wait3A_271] : memref<168960x128xi32, #tpu.memory_space<hbm>> -> memref<80x128xi32, #tpu.memory_space<hbm>>
        tpu.wait_dma2 semaphore(%arg24 : memref<!tpu.dma_semaphore, #tpu.memory_space<semaphore_mem>>) src(%arg16 : memref<80x128xi32, #tpu.memory_space<vmem>>) dst(%dma_wait3A_272 : memref<80x128xi32, #tpu.memory_space<hbm>>)
      } else {
      }
      %add3A_233 = arith.constant 3 : i32
      %add3A_234 = arith.addi %add3A_227, %add3A_233 : i32
      %lt3A_235 = arith.constant 66 : i32
      %lt3A_236 = arith.cmpi slt, %add3A_234, %lt3A_235 : i32
      %convert_element_type3A_237 = arith.extui %lt3A_236 : i1 to i32
      %cond3A_238 = arith.constant 0 : i32
      %cond3A_239 = arith.cmpi ne, %convert_element_type3A_237, %cond3A_238 : i32
      scf.if %cond3A_239 {
        %add3A_261 = arith.constant 3 : i32
        %add3A_262 = arith.addi %add3A_227, %add3A_261 : i32
        %mul3A_263 = arith.constant 80 : i32
        %mul3A_264 = arith.muli %add3A_262, %mul3A_263 : i32
        %dma_start3A_265 = tpu.memref_slice %arg8[%mul3A_264] : memref<5280xi32, #tpu.memory_space<vmem>> -> memref<80xi32, #tpu.memory_space<vmem>>
        %dma_start3A_266 = arith.constant 0 : i32
        %dma_start3A_267 = arith.constant 0 : i32
        %dma_start3A_268 = tpu.memref_slice %arg2[%dma_start3A_266, %dma_start3A_267] : memref<10000x128xi32, #tpu.memory_space<hbm>> -> memref<10000x128xi32, #tpu.memory_space<hbm>>
        tpu.enqueue_indirect_dma source(%dma_start3A_268 : memref<10000x128xi32, #tpu.memory_space<hbm>>) target(%arg12 : memref<80x128xi32, #tpu.memory_space<vmem>>) offsets(%dma_start3A_265 : memref<80xi32, #tpu.memory_space<vmem>>) semaphore(%arg20 : memref<!tpu.dma_semaphore, #tpu.memory_space<semaphore_mem>>)
        %dma_start3A_269 = tpu.memref_slice %arg9[%mul3A_264] : memref<5280xi32, #tpu.memory_space<vmem>> -> memref<80xi32, #tpu.memory_space<vmem>>
        %dma_start3A_270 = arith.constant 0 : i32
        %dma_start3A_271 = arith.constant 0 : i32
        %dma_start3A_272 = tpu.memref_slice %arg3[%dma_start3A_270, %dma_start3A_271] : memref<10000x128xi32, #tpu.memory_space<hbm>> -> memref<10000x128xi32, #tpu.memory_space<hbm>>
        tpu.enqueue_indirect_dma source(%dma_start3A_272 : memref<10000x128xi32, #tpu.memory_space<hbm>>) target(%arg16 : memref<80x128xi32, #tpu.memory_space<vmem>>) offsets(%dma_start3A_269 : memref<80xi32, #tpu.memory_space<vmem>>) semaphore(%arg20 : memref<!tpu.dma_semaphore, #tpu.memory_space<semaphore_mem>>)
      } else {
      }
      %dma_wait3A_240 = arith.constant 0 : i32
      %dma_wait3A_241 = tpu.memref_slice %arg8[%dma_wait3A_240] : memref<5280xi32, #tpu.memory_space<vmem>> -> memref<80xi32, #tpu.memory_space<vmem>>
      %dma_wait3A_242 = arith.constant 0 : i32
      %dma_wait3A_243 = arith.constant 0 : i32
      %dma_wait3A_244 = tpu.memref_slice %arg2[%dma_wait3A_242, %dma_wait3A_243] : memref<10000x128xi32, #tpu.memory_space<hbm>> -> memref<10000x128xi32, #tpu.memory_space<hbm>>
      tpu.wait_indirect_dma semaphore(%arg21 : memref<!tpu.dma_semaphore, #tpu.memory_space<semaphore_mem>>) src(%dma_wait3A_244 : memref<10000x128xi32, #tpu.memory_space<hbm>>) dst(%arg13 : memref<80x128xi32, #tpu.memory_space<vmem>>)
      %dma_wait3A_245 = arith.constant 0 : i32
      %dma_wait3A_246 = tpu.memref_slice %arg9[%dma_wait3A_245] : memref<5280xi32, #tpu.memory_space<vmem>> -> memref<80xi32, #tpu.memory_space<vmem>>
      %dma_wait3A_247 = arith.constant 0 : i32
      %dma_wait3A_248 = arith.constant 0 : i32
      %dma_wait3A_249 = tpu.memref_slice %arg3[%dma_wait3A_247, %dma_wait3A_248] : memref<10000x128xi32, #tpu.memory_space<hbm>> -> memref<10000x128xi32, #tpu.memory_space<hbm>>
      tpu.wait_indirect_dma semaphore(%arg21 : memref<!tpu.dma_semaphore, #tpu.memory_space<semaphore_mem>>) src(%dma_wait3A_249 : memref<10000x128xi32, #tpu.memory_space<hbm>>) dst(%arg17 : memref<80x128xi32, #tpu.memory_space<vmem>>)
      %mul3A_250 = arith.constant 80 : i32
      %mul3A_251 = arith.muli %add3A_227, %mul3A_250 : i32
      %add3A_252 = arith.addi %mul3A_2, %mul3A_251 : i32
      %dma_start3A_253 = arith.constant 0 : i32
      %dma_start3A_254 = tpu.memref_slice %arg6[%add3A_252, %dma_start3A_253] : memref<168960x128xi32, #tpu.memory_space<hbm>> -> memref<80x128xi32, #tpu.memory_space<hbm>>
      %dma_start3A_255 = arith.constant 0 : i32
      %dma_start3A_256 = tpu.memref_slice %arg6[%add3A_252, %dma_start3A_255] : memref<168960x128xi32, #tpu.memory_space<hbm>> -> memref<80x128xi32, #tpu.memory_space<hbm>>
      tpu.enqueue_dma source(%arg13 : memref<80x128xi32, #tpu.memory_space<vmem>>) target(%dma_start3A_256 : memref<80x128xi32, #tpu.memory_space<hbm>>) target_semaphore(%arg25 : memref<!tpu.dma_semaphore, #tpu.memory_space<semaphore_mem>>)
      %dma_start3A_257 = arith.constant 0 : i32
      %dma_start3A_258 = tpu.memref_slice %arg7[%add3A_252, %dma_start3A_257] : memref<168960x128xi32, #tpu.memory_space<hbm>> -> memref<80x128xi32, #tpu.memory_space<hbm>>
      %dma_start3A_259 = arith.constant 0 : i32
      %dma_start3A_260 = tpu.memref_slice %arg7[%add3A_252, %dma_start3A_259] : memref<168960x128xi32, #tpu.memory_space<hbm>> -> memref<80x128xi32, #tpu.memory_space<hbm>>
      tpu.enqueue_dma source(%arg17 : memref<80x128xi32, #tpu.memory_space<vmem>>) target(%dma_start3A_260 : memref<80x128xi32, #tpu.memory_space<hbm>>) target_semaphore(%arg25 : memref<!tpu.dma_semaphore, #tpu.memory_space<semaphore_mem>>)
    }
    %scan3A_40 = arith.constant 16 : i32
    %dma_wait3A = arith.constant 0 : i32
    %dma_wait3A_41 = arith.constant 0 : i32
    %dma_wait3A_42 = tpu.memref_slice %arg6[%dma_wait3A, %dma_wait3A_41] : memref<168960x128xi32, #tpu.memory_space<hbm>> -> memref<80x128xi32, #tpu.memory_space<hbm>>
    %dma_wait3A_43 = arith.constant 0 : i32
    %dma_wait3A_44 = arith.constant 0 : i32
    %dma_wait3A_45 = tpu.memref_slice %arg6[%dma_wait3A_43, %dma_wait3A_44] : memref<168960x128xi32, #tpu.memory_space<hbm>> -> memref<80x128xi32, #tpu.memory_space<hbm>>
    tpu.wait_dma2 semaphore(%arg25 : memref<!tpu.dma_semaphore, #tpu.memory_space<semaphore_mem>>) src(%arg13 : memref<80x128xi32, #tpu.memory_space<vmem>>) dst(%dma_wait3A_45 : memref<80x128xi32, #tpu.memory_space<hbm>>)
    %dma_wait3A_46 = arith.constant 0 : i32
    %dma_wait3A_47 = arith.constant 0 : i32
    %dma_wait3A_48 = tpu.memref_slice %arg7[%dma_wait3A_46, %dma_wait3A_47] : memref<168960x128xi32, #tpu.memory_space<hbm>> -> memref<80x128xi32, #tpu.memory_space<hbm>>
    %dma_wait3A_49 = arith.constant 0 : i32
    %dma_wait3A_50 = arith.constant 0 : i32
    %dma_wait3A_51 = tpu.memref_slice %arg7[%dma_wait3A_49, %dma_wait3A_50] : memref<168960x128xi32, #tpu.memory_space<hbm>> -> memref<80x128xi32, #tpu.memory_space<hbm>>
    tpu.wait_dma2 semaphore(%arg25 : memref<!tpu.dma_semaphore, #tpu.memory_space<semaphore_mem>>) src(%arg17 : memref<80x128xi32, #tpu.memory_space<vmem>>) dst(%dma_wait3A_51 : memref<80x128xi32, #tpu.memory_space<hbm>>)
    %dma_wait3A_52 = arith.constant 0 : i32
    %dma_wait3A_53 = tpu.memref_slice %arg8[%dma_wait3A_52] : memref<5280xi32, #tpu.memory_space<vmem>> -> memref<80xi32, #tpu.memory_space<vmem>>
    %dma_wait3A_54 = arith.constant 0 : i32
    %dma_wait3A_55 = arith.constant 0 : i32
    %dma_wait3A_56 = tpu.memref_slice %arg2[%dma_wait3A_54, %dma_wait3A_55] : memref<10000x128xi32, #tpu.memory_space<hbm>> -> memref<10000x128xi32, #tpu.memory_space<hbm>>
    tpu.wait_indirect_dma semaphore(%arg18 : memref<!tpu.dma_semaphore, #tpu.memory_space<semaphore_mem>>) src(%dma_wait3A_56 : memref<10000x128xi32, #tpu.memory_space<hbm>>) dst(%arg10 : memref<80x128xi32, #tpu.memory_space<vmem>>)
    %dma_wait3A_57 = arith.constant 0 : i32
    %dma_wait3A_58 = tpu.memref_slice %arg9[%dma_wait3A_57] : memref<5280xi32, #tpu.memory_space<vmem>> -> memref<80xi32, #tpu.memory_space<vmem>>
    %dma_wait3A_59 = arith.constant 0 : i32
    %dma_wait3A_60 = arith.constant 0 : i32
    %dma_wait3A_61 = tpu.memref_slice %arg3[%dma_wait3A_59, %dma_wait3A_60] : memref<10000x128xi32, #tpu.memory_space<hbm>> -> memref<10000x128xi32, #tpu.memory_space<hbm>>
    tpu.wait_indirect_dma semaphore(%arg18 : memref<!tpu.dma_semaphore, #tpu.memory_space<semaphore_mem>>) src(%dma_wait3A_61 : memref<10000x128xi32, #tpu.memory_space<hbm>>) dst(%arg14 : memref<80x128xi32, #tpu.memory_space<vmem>>)
    %add3A_62 = arith.constant 5120 : i32
    %add3A_63 = arith.addi %mul3A_2, %add3A_62 : i32
    %dma_start3A_64 = arith.constant 0 : i32
    %dma_start3A_65 = tpu.memref_slice %arg6[%add3A_63, %dma_start3A_64] : memref<168960x128xi32, #tpu.memory_space<hbm>> -> memref<80x128xi32, #tpu.memory_space<hbm>>
    %dma_start3A_66 = arith.constant 0 : i32
    %dma_start3A_67 = tpu.memref_slice %arg6[%add3A_63, %dma_start3A_66] : memref<168960x128xi32, #tpu.memory_space<hbm>> -> memref<80x128xi32, #tpu.memory_space<hbm>>
    tpu.enqueue_dma source(%arg10 : memref<80x128xi32, #tpu.memory_space<vmem>>) target(%dma_start3A_67 : memref<80x128xi32, #tpu.memory_space<hbm>>) target_semaphore(%arg22 : memref<!tpu.dma_semaphore, #tpu.memory_space<semaphore_mem>>)
    %dma_start3A_68 = arith.constant 0 : i32
    %dma_start3A_69 = tpu.memref_slice %arg7[%add3A_63, %dma_start3A_68] : memref<168960x128xi32, #tpu.memory_space<hbm>> -> memref<80x128xi32, #tpu.memory_space<hbm>>
    %dma_start3A_70 = arith.constant 0 : i32
    %dma_start3A_71 = tpu.memref_slice %arg7[%add3A_63, %dma_start3A_70] : memref<168960x128xi32, #tpu.memory_space<hbm>> -> memref<80x128xi32, #tpu.memory_space<hbm>>
    tpu.enqueue_dma source(%arg14 : memref<80x128xi32, #tpu.memory_space<vmem>>) target(%dma_start3A_71 : memref<80x128xi32, #tpu.memory_space<hbm>>) target_semaphore(%arg22 : memref<!tpu.dma_semaphore, #tpu.memory_space<semaphore_mem>>)
    %dma_wait3A_72 = arith.constant 0 : i32
    %dma_wait3A_73 = arith.constant 0 : i32
    %dma_wait3A_74 = tpu.memref_slice %arg6[%dma_wait3A_72, %dma_wait3A_73] : memref<168960x128xi32, #tpu.memory_space<hbm>> -> memref<80x128xi32, #tpu.memory_space<hbm>>
    %dma_wait3A_75 = arith.constant 0 : i32
    %dma_wait3A_76 = arith.constant 0 : i32
    %dma_wait3A_77 = tpu.memref_slice %arg6[%dma_wait3A_75, %dma_wait3A_76] : memref<168960x128xi32, #tpu.memory_space<hbm>> -> memref<80x128xi32, #tpu.memory_space<hbm>>
    tpu.wait_dma2 semaphore(%arg22 : memref<!tpu.dma_semaphore, #tpu.memory_space<semaphore_mem>>) src(%arg10 : memref<80x128xi32, #tpu.memory_space<vmem>>) dst(%dma_wait3A_77 : memref<80x128xi32, #tpu.memory_space<hbm>>)
    %dma_wait3A_78 = arith.constant 0 : i32
    %dma_wait3A_79 = arith.constant 0 : i32
    %dma_wait3A_80 = tpu.memref_slice %arg7[%dma_wait3A_78, %dma_wait3A_79] : memref<168960x128xi32, #tpu.memory_space<hbm>> -> memref<80x128xi32, #tpu.memory_space<hbm>>
    %dma_wait3A_81 = arith.constant 0 : i32
    %dma_wait3A_82 = arith.constant 0 : i32
    %dma_wait3A_83 = tpu.memref_slice %arg7[%dma_wait3A_81, %dma_wait3A_82] : memref<168960x128xi32, #tpu.memory_space<hbm>> -> memref<80x128xi32, #tpu.memory_space<hbm>>
    tpu.wait_dma2 semaphore(%arg22 : memref<!tpu.dma_semaphore, #tpu.memory_space<semaphore_mem>>) src(%arg14 : memref<80x128xi32, #tpu.memory_space<vmem>>) dst(%dma_wait3A_83 : memref<80x128xi32, #tpu.memory_space<hbm>>)
    %dma_wait3A_84 = arith.constant 0 : i32
    %dma_wait3A_85 = tpu.memref_slice %arg8[%dma_wait3A_84] : memref<5280xi32, #tpu.memory_space<vmem>> -> memref<80xi32, #tpu.memory_space<vmem>>
    %dma_wait3A_86 = arith.constant 0 : i32
    %dma_wait3A_87 = arith.constant 0 : i32
    %dma_wait3A_88 = tpu.memref_slice %arg2[%dma_wait3A_86, %dma_wait3A_87] : memref<10000x128xi32, #tpu.memory_space<hbm>> -> memref<10000x128xi32, #tpu.memory_space<hbm>>
    tpu.wait_indirect_dma semaphore(%arg19 : memref<!tpu.dma_semaphore, #tpu.memory_space<semaphore_mem>>) src(%dma_wait3A_88 : memref<10000x128xi32, #tpu.memory_space<hbm>>) dst(%arg11 : memref<80x128xi32, #tpu.memory_space<vmem>>)
    %dma_wait3A_89 = arith.constant 0 : i32
    %dma_wait3A_90 = tpu.memref_slice %arg9[%dma_wait3A_89] : memref<5280xi32, #tpu.memory_space<vmem>> -> memref<80xi32, #tpu.memory_space<vmem>>
    %dma_wait3A_91 = arith.constant 0 : i32
    %dma_wait3A_92 = arith.constant 0 : i32
    %dma_wait3A_93 = tpu.memref_slice %arg3[%dma_wait3A_91, %dma_wait3A_92] : memref<10000x128xi32, #tpu.memory_space<hbm>> -> memref<10000x128xi32, #tpu.memory_space<hbm>>
    tpu.wait_indirect_dma semaphore(%arg19 : memref<!tpu.dma_semaphore, #tpu.memory_space<semaphore_mem>>) src(%dma_wait3A_93 : memref<10000x128xi32, #tpu.memory_space<hbm>>) dst(%arg15 : memref<80x128xi32, #tpu.memory_space<vmem>>)
    %add3A_94 = arith.constant 5200 : i32
    %add3A_95 = arith.addi %mul3A_2, %add3A_94 : i32
    %dma_start3A_96 = arith.constant 0 : i32
    %dma_start3A_97 = tpu.memref_slice %arg6[%add3A_95, %dma_start3A_96] : memref<168960x128xi32, #tpu.memory_space<hbm>> -> memref<80x128xi32, #tpu.memory_space<hbm>>
    %dma_start3A_98 = arith.constant 0 : i32
    %dma_start3A_99 = tpu.memref_slice %arg6[%add3A_95, %dma_start3A_98] : memref<168960x128xi32, #tpu.memory_space<hbm>> -> memref<80x128xi32, #tpu.memory_space<hbm>>
    tpu.enqueue_dma source(%arg11 : memref<80x128xi32, #tpu.memory_space<vmem>>) target(%dma_start3A_99 : memref<80x128xi32, #tpu.memory_space<hbm>>) target_semaphore(%arg23 : memref<!tpu.dma_semaphore, #tpu.memory_space<semaphore_mem>>)
    %dma_start3A_100 = arith.constant 0 : i32
    %dma_start3A_101 = tpu.memref_slice %arg7[%add3A_95, %dma_start3A_100] : memref<168960x128xi32, #tpu.memory_space<hbm>> -> memref<80x128xi32, #tpu.memory_space<hbm>>
    %dma_start3A_102 = arith.constant 0 : i32
    %dma_start3A_103 = tpu.memref_slice %arg7[%add3A_95, %dma_start3A_102] : memref<168960x128xi32, #tpu.memory_space<hbm>> -> memref<80x128xi32, #tpu.memory_space<hbm>>
    tpu.enqueue_dma source(%arg15 : memref<80x128xi32, #tpu.memory_space<vmem>>) target(%dma_start3A_103 : memref<80x128xi32, #tpu.memory_space<hbm>>) target_semaphore(%arg23 : memref<!tpu.dma_semaphore, #tpu.memory_space<semaphore_mem>>)
    %dma_wait3A_104 = arith.constant 0 : i32
    %dma_wait3A_105 = arith.constant 0 : i32
    %dma_wait3A_106 = tpu.memref_slice %arg6[%dma_wait3A_104, %dma_wait3A_105] : memref<168960x128xi32, #tpu.memory_space<hbm>> -> memref<80x128xi32, #tpu.memory_space<hbm>>
    %dma_wait3A_107 = arith.constant 0 : i32
    %dma_wait3A_108 = arith.constant 0 : i32
    %dma_wait3A_109 = tpu.memref_slice %arg6[%dma_wait3A_107, %dma_wait3A_108] : memref<168960x128xi32, #tpu.memory_space<hbm>> -> memref<80x128xi32, #tpu.memory_space<hbm>>
    tpu.wait_dma2 semaphore(%arg23 : memref<!tpu.dma_semaphore, #tpu.memory_space<semaphore_mem>>) src(%arg11 : memref<80x128xi32, #tpu.memory_space<vmem>>) dst(%dma_wait3A_109 : memref<80x128xi32, #tpu.memory_space<hbm>>)
    %dma_wait3A_110 = arith.constant 0 : i32
    %dma_wait3A_111 = arith.constant 0 : i32
    %dma_wait3A_112 = tpu.memref_slice %arg7[%dma_wait3A_110, %dma_wait3A_111] : memref<168960x128xi32, #tpu.memory_space<hbm>> -> memref<80x128xi32, #tpu.memory_space<hbm>>
    %dma_wait3A_113 = arith.constant 0 : i32
    %dma_wait3A_114 = arith.constant 0 : i32
    %dma_wait3A_115 = tpu.memref_slice %arg7[%dma_wait3A_113, %dma_wait3A_114] : memref<168960x128xi32, #tpu.memory_space<hbm>> -> memref<80x128xi32, #tpu.memory_space<hbm>>
    tpu.wait_dma2 semaphore(%arg23 : memref<!tpu.dma_semaphore, #tpu.memory_space<semaphore_mem>>) src(%arg15 : memref<80x128xi32, #tpu.memory_space<vmem>>) dst(%dma_wait3A_115 : memref<80x128xi32, #tpu.memory_space<hbm>>)
    return
  }
}

#map = affine_map<(d0, d1) -> (0, 0)>
#map1 = affine_map<(d0, d1) -> (0)>
module attributes {stable_mosaic.version = 14 : i64} {
  func.func @body(%arg0: i32, %arg1: i32, %arg2: memref<168960x128xf32, #tpu.memory_space<hbm>>, %arg3: memref<320000xi32, #tpu.memory_space<hbm>>, %arg4: memref<20480x128xf32, #tpu.memory_space<hbm>>, %arg5: memref<80xi32, #tpu.memory_space<vmem>>, %arg6: memref<80xi32, #tpu.memory_space<vmem>>, %arg7: memref<80xi32, #tpu.memory_space<vmem>>, %arg8: memref<80xi32, #tpu.memory_space<vmem>>, %arg9: memref<80x128xf32, #tpu.memory_space<vmem>>, %arg10: memref<80x128xf32, #tpu.memory_space<vmem>>, %arg11: memref<80x128xf32, #tpu.memory_space<vmem>>, %arg12: memref<80x128xf32, #tpu.memory_space<vmem>>, %arg13: memref<10240x128xf32, #tpu.memory_space<vmem_shared>>, %arg14: memref<!tpu.dma_semaphore, #tpu.memory_space<semaphore_mem>>, %arg15: memref<!tpu.dma_semaphore, #tpu.memory_space<semaphore_mem>>, %arg16: memref<!tpu.dma_semaphore, #tpu.memory_space<semaphore_mem>>, %arg17: memref<!tpu.dma_semaphore, #tpu.memory_space<semaphore_mem>>, %arg18: memref<!tpu.dma_semaphore, #tpu.memory_space<semaphore_mem>>, %arg19: memref<!tpu.dma_semaphore, #tpu.memory_space<semaphore_mem>>, %arg20: memref<!tpu.dma_semaphore, #tpu.memory_space<semaphore_mem>>, %arg21: memref<!tpu.dma_semaphore, #tpu.memory_space<semaphore_mem>>) attributes {dimension_semantics = [#tpu.dimension_semantics<core_parallel>, #tpu.dimension_semantics<subcore_parallel>], iteration_bounds = array<i64: 2, 16>, scalar_prefetch = 0 : i64, scratch_operands = 17 : i64, tpu.core_type = #tpu.core_type<sc_vector_subcore>, window_params = [{transform_indices = #map}, {transform_indices = #map1}, {transform_indices = #map}]} {
    %mul3A = arith.constant 2 : i32
    %mul3A_0 = arith.muli %arg1, %mul3A : i32
    %add3A = arith.addi %mul3A_0, %arg0 : i32
    %mul3A_1 = arith.constant 5280 : i32
    %mul3A_2 = arith.muli %add3A, %mul3A_1 : i32
    %scan3A = arith.constant 0 : i32
    %scan3A_3 = arith.constant 0 : i32
    %scan3A_4 = arith.constant 80 : i32
    %scan3A_5 = arith.addi %scan3A_3, %scan3A_4 : i32
    %scan3A_6 = arith.constant 1 : i32
    scf.for %scan3A_172 = %scan3A_3 to %scan3A_5 step %scan3A_6  : i32 {
      %broadcast_in_dim3A = arith.constant 0.000000e+00 : f32
      %broadcast_in_dim3A_173 = vector.broadcast %broadcast_in_dim3A : f32 to vector<16xf32>
      %swap3A = arith.index_cast %scan3A_172 : i32 to index
      %swap3A_174 = arith.constant 0 : index
      %swap3A_175 = tpu.vector_load %arg9[%swap3A, %swap3A_174] {strides = array<i32>} : memref<80x128xf32, #tpu.memory_space<vmem>>, vector<1x16xf32>,
      %swap3A_176 = vector.shape_cast %swap3A_175 : vector<1x16xf32> to vector<16xf32>
      %swap3A_177 = vector.shape_cast %broadcast_in_dim3A_173 : vector<16xf32> to vector<1x16xf32>
      tpu.vector_store %arg9[%swap3A, %swap3A_174], %swap3A_177 {strides = array<i32>} : memref<80x128xf32, #tpu.memory_space<vmem>>, vector<1x16xf32>,
      %broadcast_in_dim3A_178 = arith.constant 0.000000e+00 : f32
      %broadcast_in_dim3A_179 = vector.broadcast %broadcast_in_dim3A_178 : f32 to vector<16xf32>
      %swap3A_180 = arith.index_cast %scan3A_172 : i32 to index
      %swap3A_181 = arith.constant 16 : index
      %swap3A_182 = tpu.vector_load %arg9[%swap3A_180, %swap3A_181] {strides = array<i32>} : memref<80x128xf32, #tpu.memory_space<vmem>>, vector<1x16xf32>,
      %swap3A_183 = vector.shape_cast %swap3A_182 : vector<1x16xf32> to vector<16xf32>
      %swap3A_184 = vector.shape_cast %broadcast_in_dim3A_179 : vector<16xf32> to vector<1x16xf32>
      tpu.vector_store %arg9[%swap3A_180, %swap3A_181], %swap3A_184 {strides = array<i32>} : memref<80x128xf32, #tpu.memory_space<vmem>>, vector<1x16xf32>,
      %broadcast_in_dim3A_185 = arith.constant 0.000000e+00 : f32
      %broadcast_in_dim3A_186 = vector.broadcast %broadcast_in_dim3A_185 : f32 to vector<16xf32>
      %swap3A_187 = arith.index_cast %scan3A_172 : i32 to index
      %swap3A_188 = arith.constant 32 : index
      %swap3A_189 = tpu.vector_load %arg9[%swap3A_187, %swap3A_188] {strides = array<i32>} : memref<80x128xf32, #tpu.memory_space<vmem>>, vector<1x16xf32>,
      %swap3A_190 = vector.shape_cast %swap3A_189 : vector<1x16xf32> to vector<16xf32>
      %swap3A_191 = vector.shape_cast %broadcast_in_dim3A_186 : vector<16xf32> to vector<1x16xf32>
      tpu.vector_store %arg9[%swap3A_187, %swap3A_188], %swap3A_191 {strides = array<i32>} : memref<80x128xf32, #tpu.memory_space<vmem>>, vector<1x16xf32>,
      %broadcast_in_dim3A_192 = arith.constant 0.000000e+00 : f32
      %broadcast_in_dim3A_193 = vector.broadcast %broadcast_in_dim3A_192 : f32 to vector<16xf32>
      %swap3A_194 = arith.index_cast %scan3A_172 : i32 to index
      %swap3A_195 = arith.constant 48 : index
      %swap3A_196 = tpu.vector_load %arg9[%swap3A_194, %swap3A_195] {strides = array<i32>} : memref<80x128xf32, #tpu.memory_space<vmem>>, vector<1x16xf32>,
      %swap3A_197 = vector.shape_cast %swap3A_196 : vector<1x16xf32> to vector<16xf32>
      %swap3A_198 = vector.shape_cast %broadcast_in_dim3A_193 : vector<16xf32> to vector<1x16xf32>
      tpu.vector_store %arg9[%swap3A_194, %swap3A_195], %swap3A_198 {strides = array<i32>} : memref<80x128xf32, #tpu.memory_space<vmem>>, vector<1x16xf32>,
      %broadcast_in_dim3A_199 = arith.constant 0.000000e+00 : f32
      %broadcast_in_dim3A_200 = vector.broadcast %broadcast_in_dim3A_199 : f32 to vector<16xf32>
      %swap3A_201 = arith.index_cast %scan3A_172 : i32 to index
      %swap3A_202 = arith.constant 64 : index
      %swap3A_203 = tpu.vector_load %arg9[%swap3A_201, %swap3A_202] {strides = array<i32>} : memref<80x128xf32, #tpu.memory_space<vmem>>, vector<1x16xf32>,
      %swap3A_204 = vector.shape_cast %swap3A_203 : vector<1x16xf32> to vector<16xf32>
      %swap3A_205 = vector.shape_cast %broadcast_in_dim3A_200 : vector<16xf32> to vector<1x16xf32>
      tpu.vector_store %arg9[%swap3A_201, %swap3A_202], %swap3A_205 {strides = array<i32>} : memref<80x128xf32, #tpu.memory_space<vmem>>, vector<1x16xf32>,
      %broadcast_in_dim3A_206 = arith.constant 0.000000e+00 : f32
      %broadcast_in_dim3A_207 = vector.broadcast %broadcast_in_dim3A_206 : f32 to vector<16xf32>
      %swap3A_208 = arith.index_cast %scan3A_172 : i32 to index
      %swap3A_209 = arith.constant 80 : index
      %swap3A_210 = tpu.vector_load %arg9[%swap3A_208, %swap3A_209] {strides = array<i32>} : memref<80x128xf32, #tpu.memory_space<vmem>>, vector<1x16xf32>,
      %swap3A_211 = vector.shape_cast %swap3A_210 : vector<1x16xf32> to vector<16xf32>
      %swap3A_212 = vector.shape_cast %broadcast_in_dim3A_207 : vector<16xf32> to vector<1x16xf32>
      tpu.vector_store %arg9[%swap3A_208, %swap3A_209], %swap3A_212 {strides = array<i32>} : memref<80x128xf32, #tpu.memory_space<vmem>>, vector<1x16xf32>,
      %broadcast_in_dim3A_213 = arith.constant 0.000000e+00 : f32
      %broadcast_in_dim3A_214 = vector.broadcast %broadcast_in_dim3A_213 : f32 to vector<16xf32>
      %swap3A_215 = arith.index_cast %scan3A_172 : i32 to index
      %swap3A_216 = arith.constant 96 : index
      %swap3A_217 = tpu.vector_load %arg9[%swap3A_215, %swap3A_216] {strides = array<i32>} : memref<80x128xf32, #tpu.memory_space<vmem>>, vector<1x16xf32>,
      %swap3A_218 = vector.shape_cast %swap3A_217 : vector<1x16xf32> to vector<16xf32>
      %swap3A_219 = vector.shape_cast %broadcast_in_dim3A_214 : vector<16xf32> to vector<1x16xf32>
      tpu.vector_store %arg9[%swap3A_215, %swap3A_216], %swap3A_219 {strides = array<i32>} : memref<80x128xf32, #tpu.memory_space<vmem>>, vector<1x16xf32>,
      %broadcast_in_dim3A_220 = arith.constant 0.000000e+00 : f32
      %broadcast_in_dim3A_221 = vector.broadcast %broadcast_in_dim3A_220 : f32 to vector<16xf32>
      %swap3A_222 = arith.index_cast %scan3A_172 : i32 to index
      %swap3A_223 = arith.constant 112 : index
      %swap3A_224 = tpu.vector_load %arg9[%swap3A_222, %swap3A_223] {strides = array<i32>} : memref<80x128xf32, #tpu.memory_space<vmem>>, vector<1x16xf32>,
      %swap3A_225 = vector.shape_cast %swap3A_224 : vector<1x16xf32> to vector<16xf32>
      %swap3A_226 = vector.shape_cast %broadcast_in_dim3A_221 : vector<16xf32> to vector<1x16xf32>
      tpu.vector_store %arg9[%swap3A_222, %swap3A_223], %swap3A_226 {strides = array<i32>} : memref<80x128xf32, #tpu.memory_space<vmem>>, vector<1x16xf32>,
    }
    %scan3A_7 = arith.constant 80 : i32
    %mul3A_8 = arith.constant 640 : i32
    %mul3A_9 = arith.muli %arg1, %mul3A_8 : i32
    %add3A_10 = arith.constant 0 : i32
    %add3A_11 = arith.addi %mul3A_9, %add3A_10 : i32
    "tpu.region"() ({
      %run_scoped3A = tpu.sem_alloc : memref<!tpu.dma_semaphore, #tpu.memory_space<semaphore_mem>>
      %dma_start3A_172 = arith.constant 0 : i32
      %dma_start3A_173 = tpu.memref_slice %arg13[%add3A_11, %dma_start3A_172] : memref<10240x128xf32, #tpu.memory_space<vmem_shared>> -> memref<80x128xf32, #tpu.memory_space<vmem_shared>>
      %dma_start3A_174 = arith.constant 0 : i32
      %dma_start3A_175 = tpu.memref_slice %arg13[%add3A_11, %dma_start3A_174] : memref<10240x128xf32, #tpu.memory_space<vmem_shared>> -> memref<80x128xf32, #tpu.memory_space<vmem_shared>>
      tpu.enqueue_dma source(%arg9 : memref<80x128xf32, #tpu.memory_space<vmem>>) target(%dma_start3A_175 : memref<80x128xf32, #tpu.memory_space<vmem_shared>>) target_semaphore(%run_scoped3A : memref<!tpu.dma_semaphore, #tpu.memory_space<semaphore_mem>>)
      %dma_wait3A_176 = arith.constant 0 : i32
      %dma_wait3A_177 = tpu.memref_slice %arg13[%add3A_11, %dma_wait3A_176] : memref<10240x128xf32, #tpu.memory_space<vmem_shared>> -> memref<80x128xf32, #tpu.memory_space<vmem_shared>>
      %dma_wait3A_178 = arith.constant 0 : i32
      %dma_wait3A_179 = tpu.memref_slice %arg13[%add3A_11, %dma_wait3A_178] : memref<10240x128xf32, #tpu.memory_space<vmem_shared>> -> memref<80x128xf32, #tpu.memory_space<vmem_shared>>
      tpu.wait_dma2 semaphore(%run_scoped3A : memref<!tpu.dma_semaphore, #tpu.memory_space<semaphore_mem>>) src(%arg9 : memref<80x128xf32, #tpu.memory_space<vmem>>) dst(%dma_wait3A_179 : memref<80x128xf32, #tpu.memory_space<vmem_shared>>)
      tpu.yield
    }) : () -> ()
    %mul3A_12 = arith.constant 640 : i32
    %mul3A_13 = arith.muli %arg1, %mul3A_12 : i32
    %add3A_14 = arith.constant 80 : i32
    %add3A_15 = arith.addi %mul3A_13, %add3A_14 : i32
    "tpu.region"() ({
      %run_scoped3A = tpu.sem_alloc : memref<!tpu.dma_semaphore, #tpu.memory_space<semaphore_mem>>
      %dma_start3A_172 = arith.constant 0 : i32
      %dma_start3A_173 = tpu.memref_slice %arg13[%add3A_15, %dma_start3A_172] : memref<10240x128xf32, #tpu.memory_space<vmem_shared>> -> memref<80x128xf32, #tpu.memory_space<vmem_shared>>
      %dma_start3A_174 = arith.constant 0 : i32
      %dma_start3A_175 = tpu.memref_slice %arg13[%add3A_15, %dma_start3A_174] : memref<10240x128xf32, #tpu.memory_space<vmem_shared>> -> memref<80x128xf32, #tpu.memory_space<vmem_shared>>
      tpu.enqueue_dma source(%arg9 : memref<80x128xf32, #tpu.memory_space<vmem>>) target(%dma_start3A_175 : memref<80x128xf32, #tpu.memory_space<vmem_shared>>) target_semaphore(%run_scoped3A : memref<!tpu.dma_semaphore, #tpu.memory_space<semaphore_mem>>)
      %dma_wait3A_176 = arith.constant 0 : i32
      %dma_wait3A_177 = tpu.memref_slice %arg13[%add3A_15, %dma_wait3A_176] : memref<10240x128xf32, #tpu.memory_space<vmem_shared>> -> memref<80x128xf32, #tpu.memory_space<vmem_shared>>
      %dma_wait3A_178 = arith.constant 0 : i32
      %dma_wait3A_179 = tpu.memref_slice %arg13[%add3A_15, %dma_wait3A_178] : memref<10240x128xf32, #tpu.memory_space<vmem_shared>> -> memref<80x128xf32, #tpu.memory_space<vmem_shared>>
      tpu.wait_dma2 semaphore(%run_scoped3A : memref<!tpu.dma_semaphore, #tpu.memory_space<semaphore_mem>>) src(%arg9 : memref<80x128xf32, #tpu.memory_space<vmem>>) dst(%dma_wait3A_179 : memref<80x128xf32, #tpu.memory_space<vmem_shared>>)
      tpu.yield
    }) : () -> ()
    %mul3A_16 = arith.constant 640 : i32
    %mul3A_17 = arith.muli %arg1, %mul3A_16 : i32
    %add3A_18 = arith.constant 160 : i32
    %add3A_19 = arith.addi %mul3A_17, %add3A_18 : i32
    "tpu.region"() ({
      %run_scoped3A = tpu.sem_alloc : memref<!tpu.dma_semaphore, #tpu.memory_space<semaphore_mem>>
      %dma_start3A_172 = arith.constant 0 : i32
      %dma_start3A_173 = tpu.memref_slice %arg13[%add3A_19, %dma_start3A_172] : memref<10240x128xf32, #tpu.memory_space<vmem_shared>> -> memref<80x128xf32, #tpu.memory_space<vmem_shared>>
      %dma_start3A_174 = arith.constant 0 : i32
      %dma_start3A_175 = tpu.memref_slice %arg13[%add3A_19, %dma_start3A_174] : memref<10240x128xf32, #tpu.memory_space<vmem_shared>> -> memref<80x128xf32, #tpu.memory_space<vmem_shared>>
      tpu.enqueue_dma source(%arg9 : memref<80x128xf32, #tpu.memory_space<vmem>>) target(%dma_start3A_175 : memref<80x128xf32, #tpu.memory_space<vmem_shared>>) target_semaphore(%run_scoped3A : memref<!tpu.dma_semaphore, #tpu.memory_space<semaphore_mem>>)
      %dma_wait3A_176 = arith.constant 0 : i32
      %dma_wait3A_177 = tpu.memref_slice %arg13[%add3A_19, %dma_wait3A_176] : memref<10240x128xf32, #tpu.memory_space<vmem_shared>> -> memref<80x128xf32, #tpu.memory_space<vmem_shared>>
      %dma_wait3A_178 = arith.constant 0 : i32
      %dma_wait3A_179 = tpu.memref_slice %arg13[%add3A_19, %dma_wait3A_178] : memref<10240x128xf32, #tpu.memory_space<vmem_shared>> -> memref<80x128xf32, #tpu.memory_space<vmem_shared>>
      tpu.wait_dma2 semaphore(%run_scoped3A : memref<!tpu.dma_semaphore, #tpu.memory_space<semaphore_mem>>) src(%arg9 : memref<80x128xf32, #tpu.memory_space<vmem>>) dst(%dma_wait3A_179 : memref<80x128xf32, #tpu.memory_space<vmem_shared>>)
      tpu.yield
    }) : () -> ()
    %mul3A_20 = arith.constant 640 : i32
    %mul3A_21 = arith.muli %arg1, %mul3A_20 : i32
    %add3A_22 = arith.constant 240 : i32
    %add3A_23 = arith.addi %mul3A_21, %add3A_22 : i32
    "tpu.region"() ({
      %run_scoped3A = tpu.sem_alloc : memref<!tpu.dma_semaphore, #tpu.memory_space<semaphore_mem>>
      %dma_start3A_172 = arith.constant 0 : i32
      %dma_start3A_173 = tpu.memref_slice %arg13[%add3A_23, %dma_start3A_172] : memref<10240x128xf32, #tpu.memory_space<vmem_shared>> -> memref<80x128xf32, #tpu.memory_space<vmem_shared>>
      %dma_start3A_174 = arith.constant 0 : i32
      %dma_start3A_175 = tpu.memref_slice %arg13[%add3A_23, %dma_start3A_174] : memref<10240x128xf32, #tpu.memory_space<vmem_shared>> -> memref<80x128xf32, #tpu.memory_space<vmem_shared>>
      tpu.enqueue_dma source(%arg9 : memref<80x128xf32, #tpu.memory_space<vmem>>) target(%dma_start3A_175 : memref<80x128xf32, #tpu.memory_space<vmem_shared>>) target_semaphore(%run_scoped3A : memref<!tpu.dma_semaphore, #tpu.memory_space<semaphore_mem>>)
      %dma_wait3A_176 = arith.constant 0 : i32
      %dma_wait3A_177 = tpu.memref_slice %arg13[%add3A_23, %dma_wait3A_176] : memref<10240x128xf32, #tpu.memory_space<vmem_shared>> -> memref<80x128xf32, #tpu.memory_space<vmem_shared>>
      %dma_wait3A_178 = arith.constant 0 : i32
      %dma_wait3A_179 = tpu.memref_slice %arg13[%add3A_23, %dma_wait3A_178] : memref<10240x128xf32, #tpu.memory_space<vmem_shared>> -> memref<80x128xf32, #tpu.memory_space<vmem_shared>>
      tpu.wait_dma2 semaphore(%run_scoped3A : memref<!tpu.dma_semaphore, #tpu.memory_space<semaphore_mem>>) src(%arg9 : memref<80x128xf32, #tpu.memory_space<vmem>>) dst(%dma_wait3A_179 : memref<80x128xf32, #tpu.memory_space<vmem_shared>>)
      tpu.yield
    }) : () -> ()
    %mul3A_24 = arith.constant 640 : i32
    %mul3A_25 = arith.muli %arg1, %mul3A_24 : i32
    %add3A_26 = arith.constant 320 : i32
    %add3A_27 = arith.addi %mul3A_25, %add3A_26 : i32
    "tpu.region"() ({
      %run_scoped3A = tpu.sem_alloc : memref<!tpu.dma_semaphore, #tpu.memory_space<semaphore_mem>>
      %dma_start3A_172 = arith.constant 0 : i32
      %dma_start3A_173 = tpu.memref_slice %arg13[%add3A_27, %dma_start3A_172] : memref<10240x128xf32, #tpu.memory_space<vmem_shared>> -> memref<80x128xf32, #tpu.memory_space<vmem_shared>>
      %dma_start3A_174 = arith.constant 0 : i32
      %dma_start3A_175 = tpu.memref_slice %arg13[%add3A_27, %dma_start3A_174] : memref<10240x128xf32, #tpu.memory_space<vmem_shared>> -> memref<80x128xf32, #tpu.memory_space<vmem_shared>>
      tpu.enqueue_dma source(%arg9 : memref<80x128xf32, #tpu.memory_space<vmem>>) target(%dma_start3A_175 : memref<80x128xf32, #tpu.memory_space<vmem_shared>>) target_semaphore(%run_scoped3A : memref<!tpu.dma_semaphore, #tpu.memory_space<semaphore_mem>>)
      %dma_wait3A_176 = arith.constant 0 : i32
      %dma_wait3A_177 = tpu.memref_slice %arg13[%add3A_27, %dma_wait3A_176] : memref<10240x128xf32, #tpu.memory_space<vmem_shared>> -> memref<80x128xf32, #tpu.memory_space<vmem_shared>>
      %dma_wait3A_178 = arith.constant 0 : i32
      %dma_wait3A_179 = tpu.memref_slice %arg13[%add3A_27, %dma_wait3A_178] : memref<10240x128xf32, #tpu.memory_space<vmem_shared>> -> memref<80x128xf32, #tpu.memory_space<vmem_shared>>
      tpu.wait_dma2 semaphore(%run_scoped3A : memref<!tpu.dma_semaphore, #tpu.memory_space<semaphore_mem>>) src(%arg9 : memref<80x128xf32, #tpu.memory_space<vmem>>) dst(%dma_wait3A_179 : memref<80x128xf32, #tpu.memory_space<vmem_shared>>)
      tpu.yield
    }) : () -> ()
    %mul3A_28 = arith.constant 640 : i32
    %mul3A_29 = arith.muli %arg1, %mul3A_28 : i32
    %add3A_30 = arith.constant 400 : i32
    %add3A_31 = arith.addi %mul3A_29, %add3A_30 : i32
    "tpu.region"() ({
      %run_scoped3A = tpu.sem_alloc : memref<!tpu.dma_semaphore, #tpu.memory_space<semaphore_mem>>
      %dma_start3A_172 = arith.constant 0 : i32
      %dma_start3A_173 = tpu.memref_slice %arg13[%add3A_31, %dma_start3A_172] : memref<10240x128xf32, #tpu.memory_space<vmem_shared>> -> memref<80x128xf32, #tpu.memory_space<vmem_shared>>
      %dma_start3A_174 = arith.constant 0 : i32
      %dma_start3A_175 = tpu.memref_slice %arg13[%add3A_31, %dma_start3A_174] : memref<10240x128xf32, #tpu.memory_space<vmem_shared>> -> memref<80x128xf32, #tpu.memory_space<vmem_shared>>
      tpu.enqueue_dma source(%arg9 : memref<80x128xf32, #tpu.memory_space<vmem>>) target(%dma_start3A_175 : memref<80x128xf32, #tpu.memory_space<vmem_shared>>) target_semaphore(%run_scoped3A : memref<!tpu.dma_semaphore, #tpu.memory_space<semaphore_mem>>)
      %dma_wait3A_176 = arith.constant 0 : i32
      %dma_wait3A_177 = tpu.memref_slice %arg13[%add3A_31, %dma_wait3A_176] : memref<10240x128xf32, #tpu.memory_space<vmem_shared>> -> memref<80x128xf32, #tpu.memory_space<vmem_shared>>
      %dma_wait3A_178 = arith.constant 0 : i32
      %dma_wait3A_179 = tpu.memref_slice %arg13[%add3A_31, %dma_wait3A_178] : memref<10240x128xf32, #tpu.memory_space<vmem_shared>> -> memref<80x128xf32, #tpu.memory_space<vmem_shared>>
      tpu.wait_dma2 semaphore(%run_scoped3A : memref<!tpu.dma_semaphore, #tpu.memory_space<semaphore_mem>>) src(%arg9 : memref<80x128xf32, #tpu.memory_space<vmem>>) dst(%dma_wait3A_179 : memref<80x128xf32, #tpu.memory_space<vmem_shared>>)
      tpu.yield
    }) : () -> ()
    %mul3A_32 = arith.constant 640 : i32
    %mul3A_33 = arith.muli %arg1, %mul3A_32 : i32
    %add3A_34 = arith.constant 480 : i32
    %add3A_35 = arith.addi %mul3A_33, %add3A_34 : i32
    "tpu.region"() ({
      %run_scoped3A = tpu.sem_alloc : memref<!tpu.dma_semaphore, #tpu.memory_space<semaphore_mem>>
      %dma_start3A_172 = arith.constant 0 : i32
      %dma_start3A_173 = tpu.memref_slice %arg13[%add3A_35, %dma_start3A_172] : memref<10240x128xf32, #tpu.memory_space<vmem_shared>> -> memref<80x128xf32, #tpu.memory_space<vmem_shared>>
      %dma_start3A_174 = arith.constant 0 : i32
      %dma_start3A_175 = tpu.memref_slice %arg13[%add3A_35, %dma_start3A_174] : memref<10240x128xf32, #tpu.memory_space<vmem_shared>> -> memref<80x128xf32, #tpu.memory_space<vmem_shared>>
      tpu.enqueue_dma source(%arg9 : memref<80x128xf32, #tpu.memory_space<vmem>>) target(%dma_start3A_175 : memref<80x128xf32, #tpu.memory_space<vmem_shared>>) target_semaphore(%run_scoped3A : memref<!tpu.dma_semaphore, #tpu.memory_space<semaphore_mem>>)
      %dma_wait3A_176 = arith.constant 0 : i32
      %dma_wait3A_177 = tpu.memref_slice %arg13[%add3A_35, %dma_wait3A_176] : memref<10240x128xf32, #tpu.memory_space<vmem_shared>> -> memref<80x128xf32, #tpu.memory_space<vmem_shared>>
      %dma_wait3A_178 = arith.constant 0 : i32
      %dma_wait3A_179 = tpu.memref_slice %arg13[%add3A_35, %dma_wait3A_178] : memref<10240x128xf32, #tpu.memory_space<vmem_shared>> -> memref<80x128xf32, #tpu.memory_space<vmem_shared>>
      tpu.wait_dma2 semaphore(%run_scoped3A : memref<!tpu.dma_semaphore, #tpu.memory_space<semaphore_mem>>) src(%arg9 : memref<80x128xf32, #tpu.memory_space<vmem>>) dst(%dma_wait3A_179 : memref<80x128xf32, #tpu.memory_space<vmem_shared>>)
      tpu.yield
    }) : () -> ()
    %mul3A_36 = arith.constant 640 : i32
    %mul3A_37 = arith.muli %arg1, %mul3A_36 : i32
    %add3A_38 = arith.constant 560 : i32
    %add3A_39 = arith.addi %mul3A_37, %add3A_38 : i32
    "tpu.region"() ({
      %run_scoped3A = tpu.sem_alloc : memref<!tpu.dma_semaphore, #tpu.memory_space<semaphore_mem>>
      %dma_start3A_172 = arith.constant 0 : i32
      %dma_start3A_173 = tpu.memref_slice %arg13[%add3A_39, %dma_start3A_172] : memref<10240x128xf32, #tpu.memory_space<vmem_shared>> -> memref<80x128xf32, #tpu.memory_space<vmem_shared>>
      %dma_start3A_174 = arith.constant 0 : i32
      %dma_start3A_175 = tpu.memref_slice %arg13[%add3A_39, %dma_start3A_174] : memref<10240x128xf32, #tpu.memory_space<vmem_shared>> -> memref<80x128xf32, #tpu.memory_space<vmem_shared>>
      tpu.enqueue_dma source(%arg9 : memref<80x128xf32, #tpu.memory_space<vmem>>) target(%dma_start3A_175 : memref<80x128xf32, #tpu.memory_space<vmem_shared>>) target_semaphore(%run_scoped3A : memref<!tpu.dma_semaphore, #tpu.memory_space<semaphore_mem>>)
      %dma_wait3A_176 = arith.constant 0 : i32
      %dma_wait3A_177 = tpu.memref_slice %arg13[%add3A_39, %dma_wait3A_176] : memref<10240x128xf32, #tpu.memory_space<vmem_shared>> -> memref<80x128xf32, #tpu.memory_space<vmem_shared>>
      %dma_wait3A_178 = arith.constant 0 : i32
      %dma_wait3A_179 = tpu.memref_slice %arg13[%add3A_39, %dma_wait3A_178] : memref<10240x128xf32, #tpu.memory_space<vmem_shared>> -> memref<80x128xf32, #tpu.memory_space<vmem_shared>>
      tpu.wait_dma2 semaphore(%run_scoped3A : memref<!tpu.dma_semaphore, #tpu.memory_space<semaphore_mem>>) src(%arg9 : memref<80x128xf32, #tpu.memory_space<vmem>>) dst(%dma_wait3A_179 : memref<80x128xf32, #tpu.memory_space<vmem_shared>>)
      tpu.yield
    }) : () -> ()
    %barrier3A = arith.constant 0 : index
    tpu.barrier barrier_id(%barrier3A)
    %add3A_40 = arith.constant 0 : i32
    %add3A_41 = arith.addi %mul3A_2, %add3A_40 : i32
    %dma_start3A = arith.constant 0 : i32
    %dma_start3A_42 = tpu.memref_slice %arg2[%add3A_41, %dma_start3A] : memref<168960x128xf32, #tpu.memory_space<hbm>> -> memref<80x128xf32, #tpu.memory_space<hbm>>
    %dma_start3A_43 = arith.constant 0 : i32
    %dma_start3A_44 = tpu.memref_slice %arg2[%add3A_41, %dma_start3A_43] : memref<168960x128xf32, #tpu.memory_space<hbm>> -> memref<80x128xf32, #tpu.memory_space<hbm>>
    tpu.enqueue_dma source(%dma_start3A_44 : memref<80x128xf32, #tpu.memory_space<hbm>>) target(%arg9 : memref<80x128xf32, #tpu.memory_space<vmem>>) target_semaphore(%arg14 : memref<!tpu.dma_semaphore, #tpu.memory_space<semaphore_mem>>)
    %add3A_45 = arith.constant 0 : i32
    %add3A_46 = arith.addi %add3A_45, %mul3A_2 : i32
    %add3A_47 = arith.constant 0 : i32
    %add3A_48 = arith.addi %add3A_46, %add3A_47 : i32
    %dma_start3A_49 = tpu.memref_slice %arg3[%add3A_48] : memref<320000xi32, #tpu.memory_space<hbm>> -> memref<80xi32, #tpu.memory_space<hbm>>
    %dma_start3A_50 = tpu.memref_slice %arg3[%add3A_48] : memref<320000xi32, #tpu.memory_space<hbm>> -> memref<80xi32, #tpu.memory_space<hbm>>
    tpu.enqueue_dma source(%dma_start3A_50 : memref<80xi32, #tpu.memory_space<hbm>>) target(%arg5 : memref<80xi32, #tpu.memory_space<vmem>>) target_semaphore(%arg14 : memref<!tpu.dma_semaphore, #tpu.memory_space<semaphore_mem>>)
    %add3A_51 = arith.constant 80 : i32
    %add3A_52 = arith.addi %mul3A_2, %add3A_51 : i32
    %dma_start3A_53 = arith.constant 0 : i32
    %dma_start3A_54 = tpu.memref_slice %arg2[%add3A_52, %dma_start3A_53] : memref<168960x128xf32, #tpu.memory_space<hbm>> -> memref<80x128xf32, #tpu.memory_space<hbm>>
    %dma_start3A_55 = arith.constant 0 : i32
    %dma_start3A_56 = tpu.memref_slice %arg2[%add3A_52, %dma_start3A_55] : memref<168960x128xf32, #tpu.memory_space<hbm>> -> memref<80x128xf32, #tpu.memory_space<hbm>>
    tpu.enqueue_dma source(%dma_start3A_56 : memref<80x128xf32, #tpu.memory_space<hbm>>) target(%arg10 : memref<80x128xf32, #tpu.memory_space<vmem>>) target_semaphore(%arg15 : memref<!tpu.dma_semaphore, #tpu.memory_space<semaphore_mem>>)
    %add3A_57 = arith.constant 0 : i32
    %add3A_58 = arith.addi %add3A_57, %mul3A_2 : i32
    %add3A_59 = arith.constant 80 : i32
    %add3A_60 = arith.addi %add3A_58, %add3A_59 : i32
    %dma_start3A_61 = tpu.memref_slice %arg3[%add3A_60] : memref<320000xi32, #tpu.memory_space<hbm>> -> memref<80xi32, #tpu.memory_space<hbm>>
    %dma_start3A_62 = tpu.memref_slice %arg3[%add3A_60] : memref<320000xi32, #tpu.memory_space<hbm>> -> memref<80xi32, #tpu.memory_space<hbm>>
    tpu.enqueue_dma source(%dma_start3A_62 : memref<80xi32, #tpu.memory_space<hbm>>) target(%arg6 : memref<80xi32, #tpu.memory_space<vmem>>) target_semaphore(%arg15 : memref<!tpu.dma_semaphore, #tpu.memory_space<semaphore_mem>>)
    %add3A_63 = arith.constant 160 : i32
    %add3A_64 = arith.addi %mul3A_2, %add3A_63 : i32
    %dma_start3A_65 = arith.constant 0 : i32
    %dma_start3A_66 = tpu.memref_slice %arg2[%add3A_64, %dma_start3A_65] : memref<168960x128xf32, #tpu.memory_space<hbm>> -> memref<80x128xf32, #tpu.memory_space<hbm>>
    %dma_start3A_67 = arith.constant 0 : i32
    %dma_start3A_68 = tpu.memref_slice %arg2[%add3A_64, %dma_start3A_67] : memref<168960x128xf32, #tpu.memory_space<hbm>> -> memref<80x128xf32, #tpu.memory_space<hbm>>
    tpu.enqueue_dma source(%dma_start3A_68 : memref<80x128xf32, #tpu.memory_space<hbm>>) target(%arg11 : memref<80x128xf32, #tpu.memory_space<vmem>>) target_semaphore(%arg16 : memref<!tpu.dma_semaphore, #tpu.memory_space<semaphore_mem>>)
    %add3A_69 = arith.constant 0 : i32
    %add3A_70 = arith.addi %add3A_69, %mul3A_2 : i32
    %add3A_71 = arith.constant 160 : i32
    %add3A_72 = arith.addi %add3A_70, %add3A_71 : i32
    %dma_start3A_73 = tpu.memref_slice %arg3[%add3A_72] : memref<320000xi32, #tpu.memory_space<hbm>> -> memref<80xi32, #tpu.memory_space<hbm>>
    %dma_start3A_74 = tpu.memref_slice %arg3[%add3A_72] : memref<320000xi32, #tpu.memory_space<hbm>> -> memref<80xi32, #tpu.memory_space<hbm>>
    tpu.enqueue_dma source(%dma_start3A_74 : memref<80xi32, #tpu.memory_space<hbm>>) target(%arg7 : memref<80xi32, #tpu.memory_space<vmem>>) target_semaphore(%arg16 : memref<!tpu.dma_semaphore, #tpu.memory_space<semaphore_mem>>)
    %scan3A_75 = arith.constant 0 : i32
    %scan3A_76 = arith.constant 0 : i32
    %scan3A_77 = arith.constant 16 : i32
    %scan3A_78 = arith.addi %scan3A_76, %scan3A_77 : i32
    %scan3A_79 = arith.constant 1 : i32
    scf.for %scan3A_172 = %scan3A_76 to %scan3A_78 step %scan3A_79  : i32 {
      %mul3A_173 = arith.constant 4 : i32
      %mul3A_174 = arith.muli %scan3A_172, %mul3A_173 : i32
      %add3A_175 = arith.constant 0 : i32
      %add3A_176 = arith.addi %mul3A_174, %add3A_175 : i32
      %ge3A = arith.constant 1 : i32
      %ge3A_177 = arith.cmpi sge, %add3A_176, %ge3A : i32
      %convert_element_type3A = arith.extui %ge3A_177 : i1 to i32
      %cond3A = arith.constant 0 : i32
      %cond3A_178 = arith.cmpi ne, %convert_element_type3A, %cond3A : i32
      scf.if %cond3A_178 {
        %dma_wait3A_285 = arith.constant 0 : i32
        %dma_wait3A_286 = arith.constant 0 : i32
        %dma_wait3A_287 = tpu.memref_slice %arg13[%dma_wait3A_285, %dma_wait3A_286] : memref<10240x128xf32, #tpu.memory_space<vmem_shared>> -> memref<10240x128xf32, #tpu.memory_space<vmem_shared>>
        tpu.wait_indirect_dma semaphore(%arg21 : memref<!tpu.dma_semaphore, #tpu.memory_space<semaphore_mem>>) src(%arg12 : memref<80x128xf32, #tpu.memory_space<vmem>>) dst(%dma_wait3A_287 : memref<10240x128xf32, #tpu.memory_space<vmem_shared>>)
      } else {
      }
      %add3A_179 = arith.constant 3 : i32
      %add3A_180 = arith.addi %add3A_176, %add3A_179 : i32
      %lt3A = arith.constant 66 : i32
      %lt3A_181 = arith.cmpi slt, %add3A_180, %lt3A : i32
      %convert_element_type3A_182 = arith.extui %lt3A_181 : i1 to i32
      %cond3A_183 = arith.constant 0 : i32
      %cond3A_184 = arith.cmpi ne, %convert_element_type3A_182, %cond3A_183 : i32
      scf.if %cond3A_184 {
        %add3A_285 = arith.constant 3 : i32
        %add3A_286 = arith.addi %add3A_176, %add3A_285 : i32
        %mul3A_287 = arith.constant 80 : i32
        %mul3A_288 = arith.muli %add3A_286, %mul3A_287 : i32
        %add3A_289 = arith.addi %mul3A_2, %mul3A_288 : i32
        %dma_start3A_290 = arith.constant 0 : i32
        %dma_start3A_291 = tpu.memref_slice %arg2[%add3A_289, %dma_start3A_290] : memref<168960x128xf32, #tpu.memory_space<hbm>> -> memref<80x128xf32, #tpu.memory_space<hbm>>
        %dma_start3A_292 = arith.constant 0 : i32
        %dma_start3A_293 = tpu.memref_slice %arg2[%add3A_289, %dma_start3A_292] : memref<168960x128xf32, #tpu.memory_space<hbm>> -> memref<80x128xf32, #tpu.memory_space<hbm>>
        tpu.enqueue_dma source(%dma_start3A_293 : memref<80x128xf32, #tpu.memory_space<hbm>>) target(%arg12 : memref<80x128xf32, #tpu.memory_space<vmem>>) target_semaphore(%arg17 : memref<!tpu.dma_semaphore, #tpu.memory_space<semaphore_mem>>)
        %add3A_294 = arith.constant 0 : i32
        %add3A_295 = arith.addi %add3A_294, %mul3A_2 : i32
        %mul3A_296 = arith.constant 80 : i32
        %mul3A_297 = arith.muli %add3A_286, %mul3A_296 : i32
        %add3A_298 = arith.addi %add3A_295, %mul3A_297 : i32
        %dma_start3A_299 = tpu.memref_slice %arg3[%add3A_298] : memref<320000xi32, #tpu.memory_space<hbm>> -> memref<80xi32, #tpu.memory_space<hbm>>
        %dma_start3A_300 = tpu.memref_slice %arg3[%add3A_298] : memref<320000xi32, #tpu.memory_space<hbm>> -> memref<80xi32, #tpu.memory_space<hbm>>
        tpu.enqueue_dma source(%dma_start3A_300 : memref<80xi32, #tpu.memory_space<hbm>>) target(%arg8 : memref<80xi32, #tpu.memory_space<vmem>>) target_semaphore(%arg17 : memref<!tpu.dma_semaphore, #tpu.memory_space<semaphore_mem>>)
      } else {
      }
      %dma_wait3A_185 = arith.constant 0 : i32
      %dma_wait3A_186 = arith.constant 0 : i32
      %dma_wait3A_187 = tpu.memref_slice %arg2[%dma_wait3A_185, %dma_wait3A_186] : memref<168960x128xf32, #tpu.memory_space<hbm>> -> memref<80x128xf32, #tpu.memory_space<hbm>>
      %dma_wait3A_188 = arith.constant 0 : i32
      %dma_wait3A_189 = arith.constant 0 : i32
      %dma_wait3A_190 = tpu.memref_slice %arg2[%dma_wait3A_188, %dma_wait3A_189] : memref<168960x128xf32, #tpu.memory_space<hbm>> -> memref<80x128xf32, #tpu.memory_space<hbm>>
      tpu.wait_dma2 semaphore(%arg14 : memref<!tpu.dma_semaphore, #tpu.memory_space<semaphore_mem>>) src(%dma_wait3A_190 : memref<80x128xf32, #tpu.memory_space<hbm>>) dst(%arg9 : memref<80x128xf32, #tpu.memory_space<vmem>>)
      %dma_wait3A_191 = arith.constant 0 : i32
      %dma_wait3A_192 = tpu.memref_slice %arg3[%dma_wait3A_191] : memref<320000xi32, #tpu.memory_space<hbm>> -> memref<80xi32, #tpu.memory_space<hbm>>
      %dma_wait3A_193 = arith.constant 0 : i32
      %dma_wait3A_194 = tpu.memref_slice %arg3[%dma_wait3A_193] : memref<320000xi32, #tpu.memory_space<hbm>> -> memref<80xi32, #tpu.memory_space<hbm>>
      tpu.wait_dma2 semaphore(%arg14 : memref<!tpu.dma_semaphore, #tpu.memory_space<semaphore_mem>>) src(%dma_wait3A_194 : memref<80xi32, #tpu.memory_space<hbm>>) dst(%arg5 : memref<80xi32, #tpu.memory_space<vmem>>)
      %dma_start3A_195 = arith.constant 0 : i32
      %dma_start3A_196 = arith.constant 0 : i32
      %dma_start3A_197 = tpu.memref_slice %arg13[%dma_start3A_195, %dma_start3A_196] : memref<10240x128xf32, #tpu.memory_space<vmem_shared>> -> memref<10240x128xf32, #tpu.memory_space<vmem_shared>>
      tpu.enqueue_indirect_dma source(%arg9 : memref<80x128xf32, #tpu.memory_space<vmem>>) target(%dma_start3A_197 : memref<10240x128xf32, #tpu.memory_space<vmem_shared>>) offsets(%arg5 : memref<80xi32, #tpu.memory_space<vmem>>) semaphore(%arg18 : memref<!tpu.dma_semaphore, #tpu.memory_space<semaphore_mem>>) {add = true}
      %mul3A_198 = arith.constant 4 : i32
      %mul3A_199 = arith.muli %scan3A_172, %mul3A_198 : i32
      %add3A_200 = arith.constant 1 : i32
      %add3A_201 = arith.addi %mul3A_199, %add3A_200 : i32
      %ge3A_202 = arith.constant 1 : i32
      %ge3A_203 = arith.cmpi sge, %add3A_201, %ge3A_202 : i32
      %convert_element_type3A_204 = arith.extui %ge3A_203 : i1 to i32
      %cond3A_205 = arith.constant 0 : i32
      %cond3A_206 = arith.cmpi ne, %convert_element_type3A_204, %cond3A_205 : i32
      scf.if %cond3A_206 {
        %dma_wait3A_285 = arith.constant 0 : i32
        %dma_wait3A_286 = arith.constant 0 : i32
        %dma_wait3A_287 = tpu.memref_slice %arg13[%dma_wait3A_285, %dma_wait3A_286] : memref<10240x128xf32, #tpu.memory_space<vmem_shared>> -> memref<10240x128xf32, #tpu.memory_space<vmem_shared>>
        tpu.wait_indirect_dma semaphore(%arg18 : memref<!tpu.dma_semaphore, #tpu.memory_space<semaphore_mem>>) src(%arg9 : memref<80x128xf32, #tpu.memory_space<vmem>>) dst(%dma_wait3A_287 : memref<10240x128xf32, #tpu.memory_space<vmem_shared>>)
      } else {
      }
      %add3A_207 = arith.constant 3 : i32
      %add3A_208 = arith.addi %add3A_201, %add3A_207 : i32
      %lt3A_209 = arith.constant 66 : i32
      %lt3A_210 = arith.cmpi slt, %add3A_208, %lt3A_209 : i32
      %convert_element_type3A_211 = arith.extui %lt3A_210 : i1 to i32
      %cond3A_212 = arith.constant 0 : i32
      %cond3A_213 = arith.cmpi ne, %convert_element_type3A_211, %cond3A_212 : i32
      scf.if %cond3A_213 {
        %add3A_285 = arith.constant 3 : i32
        %add3A_286 = arith.addi %add3A_201, %add3A_285 : i32
        %mul3A_287 = arith.constant 80 : i32
        %mul3A_288 = arith.muli %add3A_286, %mul3A_287 : i32
        %add3A_289 = arith.addi %mul3A_2, %mul3A_288 : i32
        %dma_start3A_290 = arith.constant 0 : i32
        %dma_start3A_291 = tpu.memref_slice %arg2[%add3A_289, %dma_start3A_290] : memref<168960x128xf32, #tpu.memory_space<hbm>> -> memref<80x128xf32, #tpu.memory_space<hbm>>
        %dma_start3A_292 = arith.constant 0 : i32
        %dma_start3A_293 = tpu.memref_slice %arg2[%add3A_289, %dma_start3A_292] : memref<168960x128xf32, #tpu.memory_space<hbm>> -> memref<80x128xf32, #tpu.memory_space<hbm>>
        tpu.enqueue_dma source(%dma_start3A_293 : memref<80x128xf32, #tpu.memory_space<hbm>>) target(%arg9 : memref<80x128xf32, #tpu.memory_space<vmem>>) target_semaphore(%arg14 : memref<!tpu.dma_semaphore, #tpu.memory_space<semaphore_mem>>)
        %add3A_294 = arith.constant 0 : i32
        %add3A_295 = arith.addi %add3A_294, %mul3A_2 : i32
        %mul3A_296 = arith.constant 80 : i32
        %mul3A_297 = arith.muli %add3A_286, %mul3A_296 : i32
        %add3A_298 = arith.addi %add3A_295, %mul3A_297 : i32
        %dma_start3A_299 = tpu.memref_slice %arg3[%add3A_298] : memref<320000xi32, #tpu.memory_space<hbm>> -> memref<80xi32, #tpu.memory_space<hbm>>
        %dma_start3A_300 = tpu.memref_slice %arg3[%add3A_298] : memref<320000xi32, #tpu.memory_space<hbm>> -> memref<80xi32, #tpu.memory_space<hbm>>
        tpu.enqueue_dma source(%dma_start3A_300 : memref<80xi32, #tpu.memory_space<hbm>>) target(%arg5 : memref<80xi32, #tpu.memory_space<vmem>>) target_semaphore(%arg14 : memref<!tpu.dma_semaphore, #tpu.memory_space<semaphore_mem>>)
      } else {
      }
      %dma_wait3A_214 = arith.constant 0 : i32
      %dma_wait3A_215 = arith.constant 0 : i32
      %dma_wait3A_216 = tpu.memref_slice %arg2[%dma_wait3A_214, %dma_wait3A_215] : memref<168960x128xf32, #tpu.memory_space<hbm>> -> memref<80x128xf32, #tpu.memory_space<hbm>>
      %dma_wait3A_217 = arith.constant 0 : i32
      %dma_wait3A_218 = arith.constant 0 : i32
      %dma_wait3A_219 = tpu.memref_slice %arg2[%dma_wait3A_217, %dma_wait3A_218] : memref<168960x128xf32, #tpu.memory_space<hbm>> -> memref<80x128xf32, #tpu.memory_space<hbm>>
      tpu.wait_dma2 semaphore(%arg15 : memref<!tpu.dma_semaphore, #tpu.memory_space<semaphore_mem>>) src(%dma_wait3A_219 : memref<80x128xf32, #tpu.memory_space<hbm>>) dst(%arg10 : memref<80x128xf32, #tpu.memory_space<vmem>>)
      %dma_wait3A_220 = arith.constant 0 : i32
      %dma_wait3A_221 = tpu.memref_slice %arg3[%dma_wait3A_220] : memref<320000xi32, #tpu.memory_space<hbm>> -> memref<80xi32, #tpu.memory_space<hbm>>
      %dma_wait3A_222 = arith.constant 0 : i32
      %dma_wait3A_223 = tpu.memref_slice %arg3[%dma_wait3A_222] : memref<320000xi32, #tpu.memory_space<hbm>> -> memref<80xi32, #tpu.memory_space<hbm>>
      tpu.wait_dma2 semaphore(%arg15 : memref<!tpu.dma_semaphore, #tpu.memory_space<semaphore_mem>>) src(%dma_wait3A_223 : memref<80xi32, #tpu.memory_space<hbm>>) dst(%arg6 : memref<80xi32, #tpu.memory_space<vmem>>)
      %dma_start3A_224 = arith.constant 0 : i32
      %dma_start3A_225 = arith.constant 0 : i32
      %dma_start3A_226 = tpu.memref_slice %arg13[%dma_start3A_224, %dma_start3A_225] : memref<10240x128xf32, #tpu.memory_space<vmem_shared>> -> memref<10240x128xf32, #tpu.memory_space<vmem_shared>>
      tpu.enqueue_indirect_dma source(%arg10 : memref<80x128xf32, #tpu.memory_space<vmem>>) target(%dma_start3A_226 : memref<10240x128xf32, #tpu.memory_space<vmem_shared>>) offsets(%arg6 : memref<80xi32, #tpu.memory_space<vmem>>) semaphore(%arg19 : memref<!tpu.dma_semaphore, #tpu.memory_space<semaphore_mem>>) {add = true}
      %mul3A_227 = arith.constant 4 : i32
      %mul3A_228 = arith.muli %scan3A_172, %mul3A_227 : i32
      %add3A_229 = arith.constant 2 : i32
      %add3A_230 = arith.addi %mul3A_228, %add3A_229 : i32
      %ge3A_231 = arith.constant 1 : i32
      %ge3A_232 = arith.cmpi sge, %add3A_230, %ge3A_231 : i32
      %convert_element_type3A_233 = arith.extui %ge3A_232 : i1 to i32
      %cond3A_234 = arith.constant 0 : i32
      %cond3A_235 = arith.cmpi ne, %convert_element_type3A_233, %cond3A_234 : i32
      scf.if %cond3A_235 {
        %dma_wait3A_285 = arith.constant 0 : i32
        %dma_wait3A_286 = arith.constant 0 : i32
        %dma_wait3A_287 = tpu.memref_slice %arg13[%dma_wait3A_285, %dma_wait3A_286] : memref<10240x128xf32, #tpu.memory_space<vmem_shared>> -> memref<10240x128xf32, #tpu.memory_space<vmem_shared>>
        tpu.wait_indirect_dma semaphore(%arg19 : memref<!tpu.dma_semaphore, #tpu.memory_space<semaphore_mem>>) src(%arg10 : memref<80x128xf32, #tpu.memory_space<vmem>>) dst(%dma_wait3A_287 : memref<10240x128xf32, #tpu.memory_space<vmem_shared>>)
      } else {
      }
      %add3A_236 = arith.constant 3 : i32
      %add3A_237 = arith.addi %add3A_230, %add3A_236 : i32
      %lt3A_238 = arith.constant 66 : i32
      %lt3A_239 = arith.cmpi slt, %add3A_237, %lt3A_238 : i32
      %convert_element_type3A_240 = arith.extui %lt3A_239 : i1 to i32
      %cond3A_241 = arith.constant 0 : i32
      %cond3A_242 = arith.cmpi ne, %convert_element_type3A_240, %cond3A_241 : i32
      scf.if %cond3A_242 {
        %add3A_285 = arith.constant 3 : i32
        %add3A_286 = arith.addi %add3A_230, %add3A_285 : i32
        %mul3A_287 = arith.constant 80 : i32
        %mul3A_288 = arith.muli %add3A_286, %mul3A_287 : i32
        %add3A_289 = arith.addi %mul3A_2, %mul3A_288 : i32
        %dma_start3A_290 = arith.constant 0 : i32
        %dma_start3A_291 = tpu.memref_slice %arg2[%add3A_289, %dma_start3A_290] : memref<168960x128xf32, #tpu.memory_space<hbm>> -> memref<80x128xf32, #tpu.memory_space<hbm>>
        %dma_start3A_292 = arith.constant 0 : i32
        %dma_start3A_293 = tpu.memref_slice %arg2[%add3A_289, %dma_start3A_292] : memref<168960x128xf32, #tpu.memory_space<hbm>> -> memref<80x128xf32, #tpu.memory_space<hbm>>
        tpu.enqueue_dma source(%dma_start3A_293 : memref<80x128xf32, #tpu.memory_space<hbm>>) target(%arg10 : memref<80x128xf32, #tpu.memory_space<vmem>>) target_semaphore(%arg15 : memref<!tpu.dma_semaphore, #tpu.memory_space<semaphore_mem>>)
        %add3A_294 = arith.constant 0 : i32
        %add3A_295 = arith.addi %add3A_294, %mul3A_2 : i32
        %mul3A_296 = arith.constant 80 : i32
        %mul3A_297 = arith.muli %add3A_286, %mul3A_296 : i32
        %add3A_298 = arith.addi %add3A_295, %mul3A_297 : i32
        %dma_start3A_299 = tpu.memref_slice %arg3[%add3A_298] : memref<320000xi32, #tpu.memory_space<hbm>> -> memref<80xi32, #tpu.memory_space<hbm>>
        %dma_start3A_300 = tpu.memref_slice %arg3[%add3A_298] : memref<320000xi32, #tpu.memory_space<hbm>> -> memref<80xi32, #tpu.memory_space<hbm>>
        tpu.enqueue_dma source(%dma_start3A_300 : memref<80xi32, #tpu.memory_space<hbm>>) target(%arg6 : memref<80xi32, #tpu.memory_space<vmem>>) target_semaphore(%arg15 : memref<!tpu.dma_semaphore, #tpu.memory_space<semaphore_mem>>)
      } else {
      }
      %dma_wait3A_243 = arith.constant 0 : i32
      %dma_wait3A_244 = arith.constant 0 : i32
      %dma_wait3A_245 = tpu.memref_slice %arg2[%dma_wait3A_243, %dma_wait3A_244] : memref<168960x128xf32, #tpu.memory_space<hbm>> -> memref<80x128xf32, #tpu.memory_space<hbm>>
      %dma_wait3A_246 = arith.constant 0 : i32
      %dma_wait3A_247 = arith.constant 0 : i32
      %dma_wait3A_248 = tpu.memref_slice %arg2[%dma_wait3A_246, %dma_wait3A_247] : memref<168960x128xf32, #tpu.memory_space<hbm>> -> memref<80x128xf32, #tpu.memory_space<hbm>>
      tpu.wait_dma2 semaphore(%arg16 : memref<!tpu.dma_semaphore, #tpu.memory_space<semaphore_mem>>) src(%dma_wait3A_248 : memref<80x128xf32, #tpu.memory_space<hbm>>) dst(%arg11 : memref<80x128xf32, #tpu.memory_space<vmem>>)
      %dma_wait3A_249 = arith.constant 0 : i32
      %dma_wait3A_250 = tpu.memref_slice %arg3[%dma_wait3A_249] : memref<320000xi32, #tpu.memory_space<hbm>> -> memref<80xi32, #tpu.memory_space<hbm>>
      %dma_wait3A_251 = arith.constant 0 : i32
      %dma_wait3A_252 = tpu.memref_slice %arg3[%dma_wait3A_251] : memref<320000xi32, #tpu.memory_space<hbm>> -> memref<80xi32, #tpu.memory_space<hbm>>
      tpu.wait_dma2 semaphore(%arg16 : memref<!tpu.dma_semaphore, #tpu.memory_space<semaphore_mem>>) src(%dma_wait3A_252 : memref<80xi32, #tpu.memory_space<hbm>>) dst(%arg7 : memref<80xi32, #tpu.memory_space<vmem>>)
      %dma_start3A_253 = arith.constant 0 : i32
      %dma_start3A_254 = arith.constant 0 : i32
      %dma_start3A_255 = tpu.memref_slice %arg13[%dma_start3A_253, %dma_start3A_254] : memref<10240x128xf32, #tpu.memory_space<vmem_shared>> -> memref<10240x128xf32, #tpu.memory_space<vmem_shared>>
      tpu.enqueue_indirect_dma source(%arg11 : memref<80x128xf32, #tpu.memory_space<vmem>>) target(%dma_start3A_255 : memref<10240x128xf32, #tpu.memory_space<vmem_shared>>) offsets(%arg7 : memref<80xi32, #tpu.memory_space<vmem>>) semaphore(%arg20 : memref<!tpu.dma_semaphore, #tpu.memory_space<semaphore_mem>>) {add = true}
      %mul3A_256 = arith.constant 4 : i32
      %mul3A_257 = arith.muli %scan3A_172, %mul3A_256 : i32
      %add3A_258 = arith.constant 3 : i32
      %add3A_259 = arith.addi %mul3A_257, %add3A_258 : i32
      %ge3A_260 = arith.constant 1 : i32
      %ge3A_261 = arith.cmpi sge, %add3A_259, %ge3A_260 : i32
      %convert_element_type3A_262 = arith.extui %ge3A_261 : i1 to i32
      %cond3A_263 = arith.constant 0 : i32
      %cond3A_264 = arith.cmpi ne, %convert_element_type3A_262, %cond3A_263 : i32
      scf.if %cond3A_264 {
        %dma_wait3A_285 = arith.constant 0 : i32
        %dma_wait3A_286 = arith.constant 0 : i32
        %dma_wait3A_287 = tpu.memref_slice %arg13[%dma_wait3A_285, %dma_wait3A_286] : memref<10240x128xf32, #tpu.memory_space<vmem_shared>> -> memref<10240x128xf32, #tpu.memory_space<vmem_shared>>
        tpu.wait_indirect_dma semaphore(%arg20 : memref<!tpu.dma_semaphore, #tpu.memory_space<semaphore_mem>>) src(%arg11 : memref<80x128xf32, #tpu.memory_space<vmem>>) dst(%dma_wait3A_287 : memref<10240x128xf32, #tpu.memory_space<vmem_shared>>)
      } else {
      }
      %add3A_265 = arith.constant 3 : i32
      %add3A_266 = arith.addi %add3A_259, %add3A_265 : i32
      %lt3A_267 = arith.constant 66 : i32
      %lt3A_268 = arith.cmpi slt, %add3A_266, %lt3A_267 : i32
      %convert_element_type3A_269 = arith.extui %lt3A_268 : i1 to i32
      %cond3A_270 = arith.constant 0 : i32
      %cond3A_271 = arith.cmpi ne, %convert_element_type3A_269, %cond3A_270 : i32
      scf.if %cond3A_271 {
        %add3A_285 = arith.constant 3 : i32
        %add3A_286 = arith.addi %add3A_259, %add3A_285 : i32
        %mul3A_287 = arith.constant 80 : i32
        %mul3A_288 = arith.muli %add3A_286, %mul3A_287 : i32
        %add3A_289 = arith.addi %mul3A_2, %mul3A_288 : i32
        %dma_start3A_290 = arith.constant 0 : i32
        %dma_start3A_291 = tpu.memref_slice %arg2[%add3A_289, %dma_start3A_290] : memref<168960x128xf32, #tpu.memory_space<hbm>> -> memref<80x128xf32, #tpu.memory_space<hbm>>
        %dma_start3A_292 = arith.constant 0 : i32
        %dma_start3A_293 = tpu.memref_slice %arg2[%add3A_289, %dma_start3A_292] : memref<168960x128xf32, #tpu.memory_space<hbm>> -> memref<80x128xf32, #tpu.memory_space<hbm>>
        tpu.enqueue_dma source(%dma_start3A_293 : memref<80x128xf32, #tpu.memory_space<hbm>>) target(%arg11 : memref<80x128xf32, #tpu.memory_space<vmem>>) target_semaphore(%arg16 : memref<!tpu.dma_semaphore, #tpu.memory_space<semaphore_mem>>)
        %add3A_294 = arith.constant 0 : i32
        %add3A_295 = arith.addi %add3A_294, %mul3A_2 : i32
        %mul3A_296 = arith.constant 80 : i32
        %mul3A_297 = arith.muli %add3A_286, %mul3A_296 : i32
        %add3A_298 = arith.addi %add3A_295, %mul3A_297 : i32
        %dma_start3A_299 = tpu.memref_slice %arg3[%add3A_298] : memref<320000xi32, #tpu.memory_space<hbm>> -> memref<80xi32, #tpu.memory_space<hbm>>
        %dma_start3A_300 = tpu.memref_slice %arg3[%add3A_298] : memref<320000xi32, #tpu.memory_space<hbm>> -> memref<80xi32, #tpu.memory_space<hbm>>
        tpu.enqueue_dma source(%dma_start3A_300 : memref<80xi32, #tpu.memory_space<hbm>>) target(%arg7 : memref<80xi32, #tpu.memory_space<vmem>>) target_semaphore(%arg16 : memref<!tpu.dma_semaphore, #tpu.memory_space<semaphore_mem>>)
      } else {
      }
      %dma_wait3A_272 = arith.constant 0 : i32
      %dma_wait3A_273 = arith.constant 0 : i32
      %dma_wait3A_274 = tpu.memref_slice %arg2[%dma_wait3A_272, %dma_wait3A_273] : memref<168960x128xf32, #tpu.memory_space<hbm>> -> memref<80x128xf32, #tpu.memory_space<hbm>>
      %dma_wait3A_275 = arith.constant 0 : i32
      %dma_wait3A_276 = arith.constant 0 : i32
      %dma_wait3A_277 = tpu.memref_slice %arg2[%dma_wait3A_275, %dma_wait3A_276] : memref<168960x128xf32, #tpu.memory_space<hbm>> -> memref<80x128xf32, #tpu.memory_space<hbm>>
      tpu.wait_dma2 semaphore(%arg17 : memref<!tpu.dma_semaphore, #tpu.memory_space<semaphore_mem>>) src(%dma_wait3A_277 : memref<80x128xf32, #tpu.memory_space<hbm>>) dst(%arg12 : memref<80x128xf32, #tpu.memory_space<vmem>>)
      %dma_wait3A_278 = arith.constant 0 : i32
      %dma_wait3A_279 = tpu.memref_slice %arg3[%dma_wait3A_278] : memref<320000xi32, #tpu.memory_space<hbm>> -> memref<80xi32, #tpu.memory_space<hbm>>
      %dma_wait3A_280 = arith.constant 0 : i32
      %dma_wait3A_281 = tpu.memref_slice %arg3[%dma_wait3A_280] : memref<320000xi32, #tpu.memory_space<hbm>> -> memref<80xi32, #tpu.memory_space<hbm>>
      tpu.wait_dma2 semaphore(%arg17 : memref<!tpu.dma_semaphore, #tpu.memory_space<semaphore_mem>>) src(%dma_wait3A_281 : memref<80xi32, #tpu.memory_space<hbm>>) dst(%arg8 : memref<80xi32, #tpu.memory_space<vmem>>)
      %dma_start3A_282 = arith.constant 0 : i32
      %dma_start3A_283 = arith.constant 0 : i32
      %dma_start3A_284 = tpu.memref_slice %arg13[%dma_start3A_282, %dma_start3A_283] : memref<10240x128xf32, #tpu.memory_space<vmem_shared>> -> memref<10240x128xf32, #tpu.memory_space<vmem_shared>>
      tpu.enqueue_indirect_dma source(%arg12 : memref<80x128xf32, #tpu.memory_space<vmem>>) target(%dma_start3A_284 : memref<10240x128xf32, #tpu.memory_space<vmem_shared>>) offsets(%arg8 : memref<80xi32, #tpu.memory_space<vmem>>) semaphore(%arg21 : memref<!tpu.dma_semaphore, #tpu.memory_space<semaphore_mem>>) {add = true}
    }
    %scan3A_80 = arith.constant 16 : i32
    %dma_wait3A = arith.constant 0 : i32
    %dma_wait3A_81 = arith.constant 0 : i32
    %dma_wait3A_82 = tpu.memref_slice %arg13[%dma_wait3A, %dma_wait3A_81] : memref<10240x128xf32, #tpu.memory_space<vmem_shared>> -> memref<10240x128xf32, #tpu.memory_space<vmem_shared>>
    tpu.wait_indirect_dma semaphore(%arg21 : memref<!tpu.dma_semaphore, #tpu.memory_space<semaphore_mem>>) src(%arg12 : memref<80x128xf32, #tpu.memory_space<vmem>>) dst(%dma_wait3A_82 : memref<10240x128xf32, #tpu.memory_space<vmem_shared>>)
    %dma_wait3A_83 = arith.constant 0 : i32
    %dma_wait3A_84 = arith.constant 0 : i32
    %dma_wait3A_85 = tpu.memref_slice %arg2[%dma_wait3A_83, %dma_wait3A_84] : memref<168960x128xf32, #tpu.memory_space<hbm>> -> memref<80x128xf32, #tpu.memory_space<hbm>>
    %dma_wait3A_86 = arith.constant 0 : i32
    %dma_wait3A_87 = arith.constant 0 : i32
    %dma_wait3A_88 = tpu.memref_slice %arg2[%dma_wait3A_86, %dma_wait3A_87] : memref<168960x128xf32, #tpu.memory_space<hbm>> -> memref<80x128xf32, #tpu.memory_space<hbm>>
    tpu.wait_dma2 semaphore(%arg14 : memref<!tpu.dma_semaphore, #tpu.memory_space<semaphore_mem>>) src(%dma_wait3A_88 : memref<80x128xf32, #tpu.memory_space<hbm>>) dst(%arg9 : memref<80x128xf32, #tpu.memory_space<vmem>>)
    %dma_wait3A_89 = arith.constant 0 : i32
    %dma_wait3A_90 = tpu.memref_slice %arg3[%dma_wait3A_89] : memref<320000xi32, #tpu.memory_space<hbm>> -> memref<80xi32, #tpu.memory_space<hbm>>
    %dma_wait3A_91 = arith.constant 0 : i32
    %dma_wait3A_92 = tpu.memref_slice %arg3[%dma_wait3A_91] : memref<320000xi32, #tpu.memory_space<hbm>> -> memref<80xi32, #tpu.memory_space<hbm>>
    tpu.wait_dma2 semaphore(%arg14 : memref<!tpu.dma_semaphore, #tpu.memory_space<semaphore_mem>>) src(%dma_wait3A_92 : memref<80xi32, #tpu.memory_space<hbm>>) dst(%arg5 : memref<80xi32, #tpu.memory_space<vmem>>)
    %dma_start3A_93 = arith.constant 0 : i32
    %dma_start3A_94 = arith.constant 0 : i32
    %dma_start3A_95 = tpu.memref_slice %arg13[%dma_start3A_93, %dma_start3A_94] : memref<10240x128xf32, #tpu.memory_space<vmem_shared>> -> memref<10240x128xf32, #tpu.memory_space<vmem_shared>>
    tpu.enqueue_indirect_dma source(%arg9 : memref<80x128xf32, #tpu.memory_space<vmem>>) target(%dma_start3A_95 : memref<10240x128xf32, #tpu.memory_space<vmem_shared>>) offsets(%arg5 : memref<80xi32, #tpu.memory_space<vmem>>) semaphore(%arg18 : memref<!tpu.dma_semaphore, #tpu.memory_space<semaphore_mem>>) {add = true}
    %dma_wait3A_96 = arith.constant 0 : i32
    %dma_wait3A_97 = arith.constant 0 : i32
    %dma_wait3A_98 = tpu.memref_slice %arg13[%dma_wait3A_96, %dma_wait3A_97] : memref<10240x128xf32, #tpu.memory_space<vmem_shared>> -> memref<10240x128xf32, #tpu.memory_space<vmem_shared>>
    tpu.wait_indirect_dma semaphore(%arg18 : memref<!tpu.dma_semaphore, #tpu.memory_space<semaphore_mem>>) src(%arg9 : memref<80x128xf32, #tpu.memory_space<vmem>>) dst(%dma_wait3A_98 : memref<10240x128xf32, #tpu.memory_space<vmem_shared>>)
    %dma_wait3A_99 = arith.constant 0 : i32
    %dma_wait3A_100 = arith.constant 0 : i32
    %dma_wait3A_101 = tpu.memref_slice %arg2[%dma_wait3A_99, %dma_wait3A_100] : memref<168960x128xf32, #tpu.memory_space<hbm>> -> memref<80x128xf32, #tpu.memory_space<hbm>>
    %dma_wait3A_102 = arith.constant 0 : i32
    %dma_wait3A_103 = arith.constant 0 : i32
    %dma_wait3A_104 = tpu.memref_slice %arg2[%dma_wait3A_102, %dma_wait3A_103] : memref<168960x128xf32, #tpu.memory_space<hbm>> -> memref<80x128xf32, #tpu.memory_space<hbm>>
    tpu.wait_dma2 semaphore(%arg15 : memref<!tpu.dma_semaphore, #tpu.memory_space<semaphore_mem>>) src(%dma_wait3A_104 : memref<80x128xf32, #tpu.memory_space<hbm>>) dst(%arg10 : memref<80x128xf32, #tpu.memory_space<vmem>>)
    %dma_wait3A_105 = arith.constant 0 : i32
    %dma_wait3A_106 = tpu.memref_slice %arg3[%dma_wait3A_105] : memref<320000xi32, #tpu.memory_space<hbm>> -> memref<80xi32, #tpu.memory_space<hbm>>
    %dma_wait3A_107 = arith.constant 0 : i32
    %dma_wait3A_108 = tpu.memref_slice %arg3[%dma_wait3A_107] : memref<320000xi32, #tpu.memory_space<hbm>> -> memref<80xi32, #tpu.memory_space<hbm>>
    tpu.wait_dma2 semaphore(%arg15 : memref<!tpu.dma_semaphore, #tpu.memory_space<semaphore_mem>>) src(%dma_wait3A_108 : memref<80xi32, #tpu.memory_space<hbm>>) dst(%arg6 : memref<80xi32, #tpu.memory_space<vmem>>)
    %dma_start3A_109 = arith.constant 0 : i32
    %dma_start3A_110 = arith.constant 0 : i32
    %dma_start3A_111 = tpu.memref_slice %arg13[%dma_start3A_109, %dma_start3A_110] : memref<10240x128xf32, #tpu.memory_space<vmem_shared>> -> memref<10240x128xf32, #tpu.memory_space<vmem_shared>>
    tpu.enqueue_indirect_dma source(%arg10 : memref<80x128xf32, #tpu.memory_space<vmem>>) target(%dma_start3A_111 : memref<10240x128xf32, #tpu.memory_space<vmem_shared>>) offsets(%arg6 : memref<80xi32, #tpu.memory_space<vmem>>) semaphore(%arg19 : memref<!tpu.dma_semaphore, #tpu.memory_space<semaphore_mem>>) {add = true}
    %dma_wait3A_112 = arith.constant 0 : i32
    %dma_wait3A_113 = arith.constant 0 : i32
    %dma_wait3A_114 = tpu.memref_slice %arg13[%dma_wait3A_112, %dma_wait3A_113] : memref<10240x128xf32, #tpu.memory_space<vmem_shared>> -> memref<10240x128xf32, #tpu.memory_space<vmem_shared>>
    tpu.wait_indirect_dma semaphore(%arg19 : memref<!tpu.dma_semaphore, #tpu.memory_space<semaphore_mem>>) src(%arg10 : memref<80x128xf32, #tpu.memory_space<vmem>>) dst(%dma_wait3A_114 : memref<10240x128xf32, #tpu.memory_space<vmem_shared>>)
    %barrier3A_115 = arith.constant 0 : index
    tpu.barrier barrier_id(%barrier3A_115)
    %mul3A_116 = arith.constant 640 : i32
    %mul3A_117 = arith.muli %arg1, %mul3A_116 : i32
    %add3A_118 = arith.constant 0 : i32
    %add3A_119 = arith.addi %mul3A_117, %add3A_118 : i32
    %mul3A_120 = arith.constant 10240 : i32
    %mul3A_121 = arith.muli %arg0, %mul3A_120 : i32
    %add3A_122 = arith.addi %mul3A_121, %add3A_119 : i32
    "tpu.region"() ({
      %run_scoped3A = tpu.sem_alloc : memref<!tpu.dma_semaphore, #tpu.memory_space<semaphore_mem>>
      %dma_start3A_172 = arith.constant 0 : i32
      %dma_start3A_173 = tpu.memref_slice %arg4[%add3A_122, %dma_start3A_172] : memref<20480x128xf32, #tpu.memory_space<hbm>> -> memref<80x128xf32, #tpu.memory_space<hbm>>
      %dma_start3A_174 = arith.constant 0 : i32
      %dma_start3A_175 = tpu.memref_slice %arg13[%add3A_119, %dma_start3A_174] : memref<10240x128xf32, #tpu.memory_space<vmem_shared>> -> memref<80x128xf32, #tpu.memory_space<vmem_shared>>
      tpu.enqueue_dma source(%dma_start3A_175 : memref<80x128xf32, #tpu.memory_space<vmem_shared>>) target(%dma_start3A_173 : memref<80x128xf32, #tpu.memory_space<hbm>>) target_semaphore(%run_scoped3A : memref<!tpu.dma_semaphore, #tpu.memory_space<semaphore_mem>>)
      %dma_wait3A_176 = arith.constant 0 : i32
      %dma_wait3A_177 = tpu.memref_slice %arg4[%add3A_122, %dma_wait3A_176] : memref<20480x128xf32, #tpu.memory_space<hbm>> -> memref<80x128xf32, #tpu.memory_space<hbm>>
      %dma_wait3A_178 = arith.constant 0 : i32
      %dma_wait3A_179 = tpu.memref_slice %arg13[%add3A_119, %dma_wait3A_178] : memref<10240x128xf32, #tpu.memory_space<vmem_shared>> -> memref<80x128xf32, #tpu.memory_space<vmem_shared>>
      tpu.wait_dma2 semaphore(%run_scoped3A : memref<!tpu.dma_semaphore, #tpu.memory_space<semaphore_mem>>) src(%dma_wait3A_179 : memref<80x128xf32, #tpu.memory_space<vmem_shared>>) dst(%dma_wait3A_177 : memref<80x128xf32, #tpu.memory_space<hbm>>)
      tpu.yield
    }) : () -> ()
    %mul3A_123 = arith.constant 640 : i32
    %mul3A_124 = arith.muli %arg1, %mul3A_123 : i32
    %add3A_125 = arith.constant 80 : i32
    %add3A_126 = arith.addi %mul3A_124, %add3A_125 : i32
    %mul3A_127 = arith.constant 10240 : i32
    %mul3A_128 = arith.muli %arg0, %mul3A_127 : i32
    %add3A_129 = arith.addi %mul3A_128, %add3A_126 : i32
    "tpu.region"() ({
      %run_scoped3A = tpu.sem_alloc : memref<!tpu.dma_semaphore, #tpu.memory_space<semaphore_mem>>
      %dma_start3A_172 = arith.constant 0 : i32
      %dma_start3A_173 = tpu.memref_slice %arg4[%add3A_129, %dma_start3A_172] : memref<20480x128xf32, #tpu.memory_space<hbm>> -> memref<80x128xf32, #tpu.memory_space<hbm>>
      %dma_start3A_174 = arith.constant 0 : i32
      %dma_start3A_175 = tpu.memref_slice %arg13[%add3A_126, %dma_start3A_174] : memref<10240x128xf32, #tpu.memory_space<vmem_shared>> -> memref<80x128xf32, #tpu.memory_space<vmem_shared>>
      tpu.enqueue_dma source(%dma_start3A_175 : memref<80x128xf32, #tpu.memory_space<vmem_shared>>) target(%dma_start3A_173 : memref<80x128xf32, #tpu.memory_space<hbm>>) target_semaphore(%run_scoped3A : memref<!tpu.dma_semaphore, #tpu.memory_space<semaphore_mem>>)
      %dma_wait3A_176 = arith.constant 0 : i32
      %dma_wait3A_177 = tpu.memref_slice %arg4[%add3A_129, %dma_wait3A_176] : memref<20480x128xf32, #tpu.memory_space<hbm>> -> memref<80x128xf32, #tpu.memory_space<hbm>>
      %dma_wait3A_178 = arith.constant 0 : i32
      %dma_wait3A_179 = tpu.memref_slice %arg13[%add3A_126, %dma_wait3A_178] : memref<10240x128xf32, #tpu.memory_space<vmem_shared>> -> memref<80x128xf32, #tpu.memory_space<vmem_shared>>
      tpu.wait_dma2 semaphore(%run_scoped3A : memref<!tpu.dma_semaphore, #tpu.memory_space<semaphore_mem>>) src(%dma_wait3A_179 : memref<80x128xf32, #tpu.memory_space<vmem_shared>>) dst(%dma_wait3A_177 : memref<80x128xf32, #tpu.memory_space<hbm>>)
      tpu.yield
    }) : () -> ()
    %mul3A_130 = arith.constant 640 : i32
    %mul3A_131 = arith.muli %arg1, %mul3A_130 : i32
    %add3A_132 = arith.constant 160 : i32
    %add3A_133 = arith.addi %mul3A_131, %add3A_132 : i32
    %mul3A_134 = arith.constant 10240 : i32
    %mul3A_135 = arith.muli %arg0, %mul3A_134 : i32
    %add3A_136 = arith.addi %mul3A_135, %add3A_133 : i32
    "tpu.region"() ({
      %run_scoped3A = tpu.sem_alloc : memref<!tpu.dma_semaphore, #tpu.memory_space<semaphore_mem>>
      %dma_start3A_172 = arith.constant 0 : i32
      %dma_start3A_173 = tpu.memref_slice %arg4[%add3A_136, %dma_start3A_172] : memref<20480x128xf32, #tpu.memory_space<hbm>> -> memref<80x128xf32, #tpu.memory_space<hbm>>
      %dma_start3A_174 = arith.constant 0 : i32
      %dma_start3A_175 = tpu.memref_slice %arg13[%add3A_133, %dma_start3A_174] : memref<10240x128xf32, #tpu.memory_space<vmem_shared>> -> memref<80x128xf32, #tpu.memory_space<vmem_shared>>
      tpu.enqueue_dma source(%dma_start3A_175 : memref<80x128xf32, #tpu.memory_space<vmem_shared>>) target(%dma_start3A_173 : memref<80x128xf32, #tpu.memory_space<hbm>>) target_semaphore(%run_scoped3A : memref<!tpu.dma_semaphore, #tpu.memory_space<semaphore_mem>>)
      %dma_wait3A_176 = arith.constant 0 : i32
      %dma_wait3A_177 = tpu.memref_slice %arg4[%add3A_136, %dma_wait3A_176] : memref<20480x128xf32, #tpu.memory_space<hbm>> -> memref<80x128xf32, #tpu.memory_space<hbm>>
      %dma_wait3A_178 = arith.constant 0 : i32
      %dma_wait3A_179 = tpu.memref_slice %arg13[%add3A_133, %dma_wait3A_178] : memref<10240x128xf32, #tpu.memory_space<vmem_shared>> -> memref<80x128xf32, #tpu.memory_space<vmem_shared>>
      tpu.wait_dma2 semaphore(%run_scoped3A : memref<!tpu.dma_semaphore, #tpu.memory_space<semaphore_mem>>) src(%dma_wait3A_179 : memref<80x128xf32, #tpu.memory_space<vmem_shared>>) dst(%dma_wait3A_177 : memref<80x128xf32, #tpu.memory_space<hbm>>)
      tpu.yield
    }) : () -> ()
    %mul3A_137 = arith.constant 640 : i32
    %mul3A_138 = arith.muli %arg1, %mul3A_137 : i32
    %add3A_139 = arith.constant 240 : i32
    %add3A_140 = arith.addi %mul3A_138, %add3A_139 : i32
    %mul3A_141 = arith.constant 10240 : i32
    %mul3A_142 = arith.muli %arg0, %mul3A_141 : i32
    %add3A_143 = arith.addi %mul3A_142, %add3A_140 : i32
    "tpu.region"() ({
      %run_scoped3A = tpu.sem_alloc : memref<!tpu.dma_semaphore, #tpu.memory_space<semaphore_mem>>
      %dma_start3A_172 = arith.constant 0 : i32
      %dma_start3A_173 = tpu.memref_slice %arg4[%add3A_143, %dma_start3A_172] : memref<20480x128xf32, #tpu.memory_space<hbm>> -> memref<80x128xf32, #tpu.memory_space<hbm>>
      %dma_start3A_174 = arith.constant 0 : i32
      %dma_start3A_175 = tpu.memref_slice %arg13[%add3A_140, %dma_start3A_174] : memref<10240x128xf32, #tpu.memory_space<vmem_shared>> -> memref<80x128xf32, #tpu.memory_space<vmem_shared>>
      tpu.enqueue_dma source(%dma_start3A_175 : memref<80x128xf32, #tpu.memory_space<vmem_shared>>) target(%dma_start3A_173 : memref<80x128xf32, #tpu.memory_space<hbm>>) target_semaphore(%run_scoped3A : memref<!tpu.dma_semaphore, #tpu.memory_space<semaphore_mem>>)
      %dma_wait3A_176 = arith.constant 0 : i32
      %dma_wait3A_177 = tpu.memref_slice %arg4[%add3A_143, %dma_wait3A_176] : memref<20480x128xf32, #tpu.memory_space<hbm>> -> memref<80x128xf32, #tpu.memory_space<hbm>>
      %dma_wait3A_178 = arith.constant 0 : i32
      %dma_wait3A_179 = tpu.memref_slice %arg13[%add3A_140, %dma_wait3A_178] : memref<10240x128xf32, #tpu.memory_space<vmem_shared>> -> memref<80x128xf32, #tpu.memory_space<vmem_shared>>
      tpu.wait_dma2 semaphore(%run_scoped3A : memref<!tpu.dma_semaphore, #tpu.memory_space<semaphore_mem>>) src(%dma_wait3A_179 : memref<80x128xf32, #tpu.memory_space<vmem_shared>>) dst(%dma_wait3A_177 : memref<80x128xf32, #tpu.memory_space<hbm>>)
      tpu.yield
    }) : () -> ()
    %mul3A_144 = arith.constant 640 : i32
    %mul3A_145 = arith.muli %arg1, %mul3A_144 : i32
    %add3A_146 = arith.constant 320 : i32
    %add3A_147 = arith.addi %mul3A_145, %add3A_146 : i32
    %mul3A_148 = arith.constant 10240 : i32
    %mul3A_149 = arith.muli %arg0, %mul3A_148 : i32
    %add3A_150 = arith.addi %mul3A_149, %add3A_147 : i32
    "tpu.region"() ({
      %run_scoped3A = tpu.sem_alloc : memref<!tpu.dma_semaphore, #tpu.memory_space<semaphore_mem>>
      %dma_start3A_172 = arith.constant 0 : i32
      %dma_start3A_173 = tpu.memref_slice %arg4[%add3A_150, %dma_start3A_172] : memref<20480x128xf32, #tpu.memory_space<hbm>> -> memref<80x128xf32, #tpu.memory_space<hbm>>
      %dma_start3A_174 = arith.constant 0 : i32
      %dma_start3A_175 = tpu.memref_slice %arg13[%add3A_147, %dma_start3A_174] : memref<10240x128xf32, #tpu.memory_space<vmem_shared>> -> memref<80x128xf32, #tpu.memory_space<vmem_shared>>
      tpu.enqueue_dma source(%dma_start3A_175 : memref<80x128xf32, #tpu.memory_space<vmem_shared>>) target(%dma_start3A_173 : memref<80x128xf32, #tpu.memory_space<hbm>>) target_semaphore(%run_scoped3A : memref<!tpu.dma_semaphore, #tpu.memory_space<semaphore_mem>>)
      %dma_wait3A_176 = arith.constant 0 : i32
      %dma_wait3A_177 = tpu.memref_slice %arg4[%add3A_150, %dma_wait3A_176] : memref<20480x128xf32, #tpu.memory_space<hbm>> -> memref<80x128xf32, #tpu.memory_space<hbm>>
      %dma_wait3A_178 = arith.constant 0 : i32
      %dma_wait3A_179 = tpu.memref_slice %arg13[%add3A_147, %dma_wait3A_178] : memref<10240x128xf32, #tpu.memory_space<vmem_shared>> -> memref<80x128xf32, #tpu.memory_space<vmem_shared>>
      tpu.wait_dma2 semaphore(%run_scoped3A : memref<!tpu.dma_semaphore, #tpu.memory_space<semaphore_mem>>) src(%dma_wait3A_179 : memref<80x128xf32, #tpu.memory_space<vmem_shared>>) dst(%dma_wait3A_177 : memref<80x128xf32, #tpu.memory_space<hbm>>)
      tpu.yield
    }) : () -> ()
    %mul3A_151 = arith.constant 640 : i32
    %mul3A_152 = arith.muli %arg1, %mul3A_151 : i32
    %add3A_153 = arith.constant 400 : i32
    %add3A_154 = arith.addi %mul3A_152, %add3A_153 : i32
    %mul3A_155 = arith.constant 10240 : i32
    %mul3A_156 = arith.muli %arg0, %mul3A_155 : i32
    %add3A_157 = arith.addi %mul3A_156, %add3A_154 : i32
    "tpu.region"() ({
      %run_scoped3A = tpu.sem_alloc : memref<!tpu.dma_semaphore, #tpu.memory_space<semaphore_mem>>
      %dma_start3A_172 = arith.constant 0 : i32
      %dma_start3A_173 = tpu.memref_slice %arg4[%add3A_157, %dma_start3A_172] : memref<20480x128xf32, #tpu.memory_space<hbm>> -> memref<80x128xf32, #tpu.memory_space<hbm>>
      %dma_start3A_174 = arith.constant 0 : i32
      %dma_start3A_175 = tpu.memref_slice %arg13[%add3A_154, %dma_start3A_174] : memref<10240x128xf32, #tpu.memory_space<vmem_shared>> -> memref<80x128xf32, #tpu.memory_space<vmem_shared>>
      tpu.enqueue_dma source(%dma_start3A_175 : memref<80x128xf32, #tpu.memory_space<vmem_shared>>) target(%dma_start3A_173 : memref<80x128xf32, #tpu.memory_space<hbm>>) target_semaphore(%run_scoped3A : memref<!tpu.dma_semaphore, #tpu.memory_space<semaphore_mem>>)
      %dma_wait3A_176 = arith.constant 0 : i32
      %dma_wait3A_177 = tpu.memref_slice %arg4[%add3A_157, %dma_wait3A_176] : memref<20480x128xf32, #tpu.memory_space<hbm>> -> memref<80x128xf32, #tpu.memory_space<hbm>>
      %dma_wait3A_178 = arith.constant 0 : i32
      %dma_wait3A_179 = tpu.memref_slice %arg13[%add3A_154, %dma_wait3A_178] : memref<10240x128xf32, #tpu.memory_space<vmem_shared>> -> memref<80x128xf32, #tpu.memory_space<vmem_shared>>
      tpu.wait_dma2 semaphore(%run_scoped3A : memref<!tpu.dma_semaphore, #tpu.memory_space<semaphore_mem>>) src(%dma_wait3A_179 : memref<80x128xf32, #tpu.memory_space<vmem_shared>>) dst(%dma_wait3A_177 : memref<80x128xf32, #tpu.memory_space<hbm>>)
      tpu.yield
    }) : () -> ()
    %mul3A_158 = arith.constant 640 : i32
    %mul3A_159 = arith.muli %arg1, %mul3A_158 : i32
    %add3A_160 = arith.constant 480 : i32
    %add3A_161 = arith.addi %mul3A_159, %add3A_160 : i32
    %mul3A_162 = arith.constant 10240 : i32
    %mul3A_163 = arith.muli %arg0, %mul3A_162 : i32
    %add3A_164 = arith.addi %mul3A_163, %add3A_161 : i32
    "tpu.region"() ({
      %run_scoped3A = tpu.sem_alloc : memref<!tpu.dma_semaphore, #tpu.memory_space<semaphore_mem>>
      %dma_start3A_172 = arith.constant 0 : i32
      %dma_start3A_173 = tpu.memref_slice %arg4[%add3A_164, %dma_start3A_172] : memref<20480x128xf32, #tpu.memory_space<hbm>> -> memref<80x128xf32, #tpu.memory_space<hbm>>
      %dma_start3A_174 = arith.constant 0 : i32
      %dma_start3A_175 = tpu.memref_slice %arg13[%add3A_161, %dma_start3A_174] : memref<10240x128xf32, #tpu.memory_space<vmem_shared>> -> memref<80x128xf32, #tpu.memory_space<vmem_shared>>
      tpu.enqueue_dma source(%dma_start3A_175 : memref<80x128xf32, #tpu.memory_space<vmem_shared>>) target(%dma_start3A_173 : memref<80x128xf32, #tpu.memory_space<hbm>>) target_semaphore(%run_scoped3A : memref<!tpu.dma_semaphore, #tpu.memory_space<semaphore_mem>>)
      %dma_wait3A_176 = arith.constant 0 : i32
      %dma_wait3A_177 = tpu.memref_slice %arg4[%add3A_164, %dma_wait3A_176] : memref<20480x128xf32, #tpu.memory_space<hbm>> -> memref<80x128xf32, #tpu.memory_space<hbm>>
      %dma_wait3A_178 = arith.constant 0 : i32
      %dma_wait3A_179 = tpu.memref_slice %arg13[%add3A_161, %dma_wait3A_178] : memref<10240x128xf32, #tpu.memory_space<vmem_shared>> -> memref<80x128xf32, #tpu.memory_space<vmem_shared>>
      tpu.wait_dma2 semaphore(%run_scoped3A : memref<!tpu.dma_semaphore, #tpu.memory_space<semaphore_mem>>) src(%dma_wait3A_179 : memref<80x128xf32, #tpu.memory_space<vmem_shared>>) dst(%dma_wait3A_177 : memref<80x128xf32, #tpu.memory_space<hbm>>)
      tpu.yield
    }) : () -> ()
    %mul3A_165 = arith.constant 640 : i32
    %mul3A_166 = arith.muli %arg1, %mul3A_165 : i32
    %add3A_167 = arith.constant 560 : i32
    %add3A_168 = arith.addi %mul3A_166, %add3A_167 : i32
    %mul3A_169 = arith.constant 10240 : i32
    %mul3A_170 = arith.muli %arg0, %mul3A_169 : i32
    %add3A_171 = arith.addi %mul3A_170, %add3A_168 : i32
    "tpu.region"() ({
      %run_scoped3A = tpu.sem_alloc : memref<!tpu.dma_semaphore, #tpu.memory_space<semaphore_mem>>
      %dma_start3A_172 = arith.constant 0 : i32
      %dma_start3A_173 = tpu.memref_slice %arg4[%add3A_171, %dma_start3A_172] : memref<20480x128xf32, #tpu.memory_space<hbm>> -> memref<80x128xf32, #tpu.memory_space<hbm>>
      %dma_start3A_174 = arith.constant 0 : i32
      %dma_start3A_175 = tpu.memref_slice %arg13[%add3A_168, %dma_start3A_174] : memref<10240x128xf32, #tpu.memory_space<vmem_shared>> -> memref<80x128xf32, #tpu.memory_space<vmem_shared>>
      tpu.enqueue_dma source(%dma_start3A_175 : memref<80x128xf32, #tpu.memory_space<vmem_shared>>) target(%dma_start3A_173 : memref<80x128xf32, #tpu.memory_space<hbm>>) target_semaphore(%run_scoped3A : memref<!tpu.dma_semaphore, #tpu.memory_space<semaphore_mem>>)
      %dma_wait3A_176 = arith.constant 0 : i32
      %dma_wait3A_177 = tpu.memref_slice %arg4[%add3A_171, %dma_wait3A_176] : memref<20480x128xf32, #tpu.memory_space<hbm>> -> memref<80x128xf32, #tpu.memory_space<hbm>>
      %dma_wait3A_178 = arith.constant 0 : i32
      %dma_wait3A_179 = tpu.memref_slice %arg13[%add3A_168, %dma_wait3A_178] : memref<10240x128xf32, #tpu.memory_space<vmem_shared>> -> memref<80x128xf32, #tpu.memory_space<vmem_shared>>
      tpu.wait_dma2 semaphore(%run_scoped3A : memref<!tpu.dma_semaphore, #tpu.memory_space<semaphore_mem>>) src(%dma_wait3A_179 : memref<80x128xf32, #tpu.memory_space<vmem_shared>>) dst(%dma_wait3A_177 : memref<80x128xf32, #tpu.memory_space<hbm>>)
      tpu.yield
    }) : () -> ()
    return
  }
}

module attributes {stable_mosaic.version = 14 : i64} {
  func.func @_pq_body(%arg0: i32, %arg1: memref<2000x128xf32, #tpu.memory_space<vmem>>, %arg2: memref<128x256xf32, #tpu.memory_space<vmem>>, %arg3: memref<128x256xf32, #tpu.memory_space<vmem>>, %arg4: memref<1x256xf32, #tpu.memory_space<vmem>>, %arg5: memref<2000x128xi32, #tpu.memory_space<vmem>>, %arg6: memref<2000x128xi32, #tpu.memory_space<vmem>>) attributes {dimension_semantics = [#tpu.dimension_semantics<arbitrary>], iteration_bounds = array<i64: 5>, scalar_prefetch = 0 : i64, scratch_operands = 0 : i64, tpu.core_type = #tpu.core_type<tc>, window_params = [{transform_indices = @transform_0, window_bounds = array<i64: 2000, 128>}, {pipeline_mode = #tpu.pipeline_mode<synchronous>, transform_indices = @transform_1, window_bounds = array<i64: 128, 256>}, {pipeline_mode = #tpu.pipeline_mode<synchronous>, transform_indices = @transform_2, window_bounds = array<i64: 128, 256>}, {pipeline_mode = #tpu.pipeline_mode<synchronous>, transform_indices = @transform_3, window_bounds = array<i64: 1, 256>}, {transform_indices = @transform_4, window_bounds = array<i64: 2000, 128>}, {transform_indices = @transform_5, window_bounds = array<i64: 2000, 128>}]} {
    %get3A = arith.constant 0 : index
    %get3A_0 = arith.constant 0 : index
    %get3A_1 = vector.load %arg1[%get3A, %get3A_0] : memref<2000x128xf32, #tpu.memory_space<vmem>>, vector<2000x128xf32>
    %get3A_2 = arith.constant 0 : index
    %get3A_3 = arith.constant 0 : index
    %get3A_4 = vector.load %arg2[%get3A_2, %get3A_3] : memref<128x256xf32, #tpu.memory_space<vmem>>, vector<128x256xf32>
    %dot_general3A = arith.constant dense<0.000000e+00> : vector<2000x256xf32>
    %dot_general3A_5 = tpu.matmul %get3A_1, %get3A_4, %dot_general3A {dimension_numbers = #tpu.dot_dimension_numbers<[1], [0], [0], [1], [0, 0, 1, 1], [], []>, transpose_lhs_hint = false} : vector<2000x128xf32>, vector<128x256xf32>, vector<2000x256xf32> -> vector<2000x256xf32>
    %get3A_6 = arith.constant 0 : index
    %get3A_7 = arith.constant 0 : index
    %get3A_8 = vector.load %arg4[%get3A_6, %get3A_7] : memref<1x256xf32, #tpu.memory_space<vmem>>, vector<1x256xf32>
    %add3A = vector.broadcast %get3A_8 : vector<1x256xf32> to vector<2000x256xf32>
    %add3A_9 = arith.addf %dot_general3A_5, %add3A : vector<2000x256xf32>
    %get3A_10 = arith.constant 0 : index
    %get3A_11 = arith.constant 0 : index
    %get3A_12 = vector.load %arg3[%get3A_10, %get3A_11] : memref<128x256xf32, #tpu.memory_space<vmem>>, vector<128x256xf32>
    %dot_general3A_13 = arith.constant dense<0.000000e+00> : vector<2000x256xf32>
    %dot_general3A_14 = tpu.matmul %get3A_1, %get3A_12, %dot_general3A_13 {dimension_numbers = #tpu.dot_dimension_numbers<[1], [0], [0], [1], [0, 0, 1, 1], [], []>, transpose_lhs_hint = false} : vector<2000x128xf32>, vector<128x256xf32>, vector<2000x256xf32> -> vector<2000x256xf32>
    %slice3A = vector.extract_strided_slice %add3A_9 {offsets = [0, 0], sizes = [2000, 128], strides = [1, 1]} : vector<2000x256xf32> to vector<2000x128xf32>
    %convert_element_type3A = arith.truncf %slice3A : vector<2000x128xf32> to vector<2000x128xbf16>
    %bitcast_convert_type3A = tpu.bitcast %convert_element_type3A : vector<2000x128xbf16> -> vector<2000x128xi16>
    %slice3A_15 = vector.extract_strided_slice %add3A_9 {offsets = [0, 128], sizes = [2000, 128], strides = [1, 1]} : vector<2000x256xf32> to vector<2000x128xf32>
    %convert_element_type3A_16 = arith.truncf %slice3A_15 : vector<2000x128xf32> to vector<2000x128xbf16>
    %bitcast_convert_type3A_17 = tpu.bitcast %convert_element_type3A_16 : vector<2000x128xbf16> -> vector<2000x128xi16>
    %convert_element_type3A_18 = arith.extui %bitcast_convert_type3A : vector<2000x128xi16> to vector<2000x128xi32>
    %convert_element_type3A_19 = arith.extui %bitcast_convert_type3A_17 : vector<2000x128xi16> to vector<2000x128xi32>
    %shift_left3A = arith.constant 16 : i32
    %shift_left3A_20 = vector.broadcast %shift_left3A : i32 to vector<2000x128xi32>
    %shift_left3A_21 = arith.shli %convert_element_type3A_19, %shift_left3A_20 : vector<2000x128xi32>
    %or3A = arith.ori %convert_element_type3A_18, %shift_left3A_21 : vector<2000x128xi32>
    %bitcast_convert_type3A_22 = tpu.bitcast %or3A : vector<2000x128xi32> -> vector<2000x128xi32>
    %swap3A = arith.constant 0 : index
    %swap3A_23 = arith.constant 0 : index
    %swap3A_24 = vector.load %arg5[%swap3A, %swap3A_23] : memref<2000x128xi32, #tpu.memory_space<vmem>>, vector<2000x128xi32>
    tpu.vector_store %arg5[%swap3A, %swap3A_23], %bitcast_convert_type3A_22 {strides = array<i32>} : memref<2000x128xi32, #tpu.memory_space<vmem>>, vector<2000x128xi32>,
    %slice3A_25 = vector.extract_strided_slice %dot_general3A_14 {offsets = [0, 0], sizes = [2000, 128], strides = [1, 1]} : vector<2000x256xf32> to vector<2000x128xf32>
    %convert_element_type3A_26 = arith.truncf %slice3A_25 : vector<2000x128xf32> to vector<2000x128xbf16>
    %bitcast_convert_type3A_27 = tpu.bitcast %convert_element_type3A_26 : vector<2000x128xbf16> -> vector<2000x128xi16>
    %slice3A_28 = vector.extract_strided_slice %dot_general3A_14 {offsets = [0, 128], sizes = [2000, 128], strides = [1, 1]} : vector<2000x256xf32> to vector<2000x128xf32>
    %convert_element_type3A_29 = arith.truncf %slice3A_28 : vector<2000x128xf32> to vector<2000x128xbf16>
    %bitcast_convert_type3A_30 = tpu.bitcast %convert_element_type3A_29 : vector<2000x128xbf16> -> vector<2000x128xi16>
    %convert_element_type3A_31 = arith.extui %bitcast_convert_type3A_27 : vector<2000x128xi16> to vector<2000x128xi32>
    %convert_element_type3A_32 = arith.extui %bitcast_convert_type3A_30 : vector<2000x128xi16> to vector<2000x128xi32>
    %shift_left3A_33 = arith.constant 16 : i32
    %shift_left3A_34 = vector.broadcast %shift_left3A_33 : i32 to vector<2000x128xi32>
    %shift_left3A_35 = arith.shli %convert_element_type3A_32, %shift_left3A_34 : vector<2000x128xi32>
    %or3A_36 = arith.ori %convert_element_type3A_31, %shift_left3A_35 : vector<2000x128xi32>
    %bitcast_convert_type3A_37 = tpu.bitcast %or3A_36 : vector<2000x128xi32> -> vector<2000x128xi32>
    %swap3A_38 = arith.constant 0 : index
    %swap3A_39 = arith.constant 0 : index
    %swap3A_40 = vector.load %arg6[%swap3A_38, %swap3A_39] : memref<2000x128xi32, #tpu.memory_space<vmem>>, vector<2000x128xi32>
    tpu.vector_store %arg6[%swap3A_38, %swap3A_39], %bitcast_convert_type3A_37 {strides = array<i32>} : memref<2000x128xi32, #tpu.memory_space<vmem>>, vector<2000x128xi32>,
    return
  }
  func.func @transform_0(%arg0: i32) -> (i32, i32) {
    %c0_i32 = arith.constant 0 : i32
    %c0_i32_0 = arith.constant 0 : i32
    return %arg0, %c0_i32 : i32, i32
  }
  func.func @transform_1(%arg0: i32) -> (i32, i32) {
    %c0_i32 = arith.constant 0 : i32
    %c0_i32_0 = arith.constant 0 : i32
    %c0_i32_1 = arith.constant 0 : i32
    return %c0_i32, %c0_i32_0 : i32, i32
  }
  func.func @transform_2(%arg0: i32) -> (i32, i32) {
    %c0_i32 = arith.constant 0 : i32
    %c0_i32_0 = arith.constant 0 : i32
    %c0_i32_1 = arith.constant 0 : i32
    return %c0_i32, %c0_i32_0 : i32, i32
  }
  func.func @transform_3(%arg0: i32) -> (i32, i32) {
    %c0_i32 = arith.constant 0 : i32
    %c0_i32_0 = arith.constant 0 : i32
    %c0_i32_1 = arith.constant 0 : i32
    return %c0_i32, %c0_i32_0 : i32, i32
  }
  func.func @transform_4(%arg0: i32) -> (i32, i32) {
    %c0_i32 = arith.constant 0 : i32
    %c0_i32_0 = arith.constant 0 : i32
    return %arg0, %c0_i32 : i32, i32
  }
  func.func @transform_5(%arg0: i32) -> (i32, i32) {
    %c0_i32 = arith.constant 0 : i32
    %c0_i32_0 = arith.constant 0 : i32
    return %arg0, %c0_i32 : i32, i32
  }
}

module attributes {stable_mosaic.version = 14 : i64} {
  func.func @_edge_body(%arg0: i32, %arg1: memref<2560x128xf32, #tpu.memory_space<vmem>>, %arg2: memref<2560x128xi32, #tpu.memory_space<vmem>>, %arg3: memref<2560x128xi32, #tpu.memory_space<vmem>>, %arg4: memref<128x256xf32, #tpu.memory_space<vmem>>, %arg5: memref<2560x128xf32, #tpu.memory_space<vmem>>) attributes {dimension_semantics = [#tpu.dimension_semantics<arbitrary>], iteration_bounds = array<i64: 66>, scalar_prefetch = 0 : i64, scratch_operands = 0 : i64, tpu.core_type = #tpu.core_type<tc>, window_params = [{transform_indices = @transform_0, window_bounds = array<i64: 2560, 128>}, {transform_indices = @transform_1, window_bounds = array<i64: 2560, 128>}, {transform_indices = @transform_2, window_bounds = array<i64: 2560, 128>}, {pipeline_mode = #tpu.pipeline_mode<synchronous>, transform_indices = @transform_3, window_bounds = array<i64: 128, 256>}, {transform_indices = @transform_4, window_bounds = array<i64: 2560, 128>}]} {
    %get3A = arith.constant 0 : index
    %get3A_0 = arith.constant 0 : index
    %get3A_1 = vector.load %arg1[%get3A, %get3A_0] : memref<2560x128xf32, #tpu.memory_space<vmem>>, vector<2560x128xf32>
    %get3A_2 = arith.constant 0 : index
    %get3A_3 = arith.constant 0 : index
    %get3A_4 = vector.load %arg4[%get3A_2, %get3A_3] : memref<128x256xf32, #tpu.memory_space<vmem>>, vector<128x256xf32>
    %dot_general3A = arith.constant dense<0.000000e+00> : vector<2560x256xf32>
    %dot_general3A_5 = tpu.matmul %get3A_1, %get3A_4, %dot_general3A {dimension_numbers = #tpu.dot_dimension_numbers<[1], [0], [0], [1], [0, 0, 1, 1], [], []>, transpose_lhs_hint = false} : vector<2560x128xf32>, vector<128x256xf32>, vector<2560x256xf32> -> vector<2560x256xf32>
    %get3A_6 = arith.constant 0 : index
    %get3A_7 = arith.constant 0 : index
    %get3A_8 = vector.load %arg2[%get3A_6, %get3A_7] : memref<2560x128xi32, #tpu.memory_space<vmem>>, vector<2560x128xi32>
    %get3A_9 = arith.constant 0 : index
    %get3A_10 = arith.constant 0 : index
    %get3A_11 = vector.load %arg3[%get3A_9, %get3A_10] : memref<2560x128xi32, #tpu.memory_space<vmem>>, vector<2560x128xi32>
    %shift_left3A = arith.constant 16 : i32
    %shift_left3A_12 = vector.broadcast %shift_left3A : i32 to vector<2560x128xi32>
    %shift_left3A_13 = arith.shli %get3A_8, %shift_left3A_12 : vector<2560x128xi32>
    %bitcast_convert_type3A = tpu.bitcast %shift_left3A_13 : vector<2560x128xi32> -> vector<2560x128xf32>
    %shift_left3A_14 = arith.constant 16 : i32
    %shift_left3A_15 = vector.broadcast %shift_left3A_14 : i32 to vector<2560x128xi32>
    %shift_left3A_16 = arith.shli %get3A_11, %shift_left3A_15 : vector<2560x128xi32>
    %bitcast_convert_type3A_17 = tpu.bitcast %shift_left3A_16 : vector<2560x128xi32> -> vector<2560x128xf32>
    %add3A = arith.addf %bitcast_convert_type3A, %bitcast_convert_type3A_17 : vector<2560x128xf32>
    %and3A = arith.constant -65536 : i32
    %and3A_18 = vector.broadcast %and3A : i32 to vector<2560x128xi32>
    %and3A_19 = arith.andi %get3A_8, %and3A_18 : vector<2560x128xi32>
    %bitcast_convert_type3A_20 = tpu.bitcast %and3A_19 : vector<2560x128xi32> -> vector<2560x128xf32>
    %and3A_21 = arith.constant -65536 : i32
    %and3A_22 = vector.broadcast %and3A_21 : i32 to vector<2560x128xi32>
    %and3A_23 = arith.andi %get3A_11, %and3A_22 : vector<2560x128xi32>
    %bitcast_convert_type3A_24 = tpu.bitcast %and3A_23 : vector<2560x128xi32> -> vector<2560x128xf32>
    %add3A_25 = arith.addf %bitcast_convert_type3A_20, %bitcast_convert_type3A_24 : vector<2560x128xf32>
    %slice3A = vector.extract_strided_slice %dot_general3A_5 {offsets = [0, 0], sizes = [2560, 128], strides = [1, 1]} : vector<2560x256xf32> to vector<2560x128xf32>
    %add3A_26 = arith.addf %slice3A, %add3A : vector<2560x128xf32>
    %neg3A = arith.constant 0.000000e+00 : f32
    %neg3A_27 = vector.broadcast %neg3A : f32 to vector<2560x128xf32>
    %neg3A_28 = arith.subf %neg3A_27, %add3A_26 : vector<2560x128xf32>
    %exp3A = math.exp %neg3A_28 : vector<2560x128xf32>
    %add3A_29 = arith.constant 1.000000e+00 : f32
    %add3A_30 = vector.broadcast %add3A_29 : f32 to vector<2560x128xf32>
    %add3A_31 = arith.addf %add3A_30, %exp3A : vector<2560x128xf32>
    %div3A = arith.constant 1.000000e+00 : f32
    %div3A_32 = vector.broadcast %div3A : f32 to vector<2560x128xf32>
    %div3A_33 = arith.divf %div3A_32, %add3A_31 : vector<2560x128xf32>
    %slice3A_34 = vector.extract_strided_slice %dot_general3A_5 {offsets = [0, 128], sizes = [2560, 128], strides = [1, 1]} : vector<2560x256xf32> to vector<2560x128xf32>
    %add3A_35 = arith.addf %slice3A_34, %add3A_25 : vector<2560x128xf32>
    %max3A = arith.constant 0.000000e+00 : f32
    %max3A_36 = vector.broadcast %max3A : f32 to vector<2560x128xf32>
    %max3A_37 = arith.maximumf %add3A_35, %max3A_36 : vector<2560x128xf32>
    %abs3A = math.absf %add3A_35 : vector<2560x128xf32>
    %neg3A_38 = arith.constant 0.000000e+00 : f32
    %neg3A_39 = vector.broadcast %neg3A_38 : f32 to vector<2560x128xf32>
    %neg3A_40 = arith.subf %neg3A_39, %abs3A : vector<2560x128xf32>
    %exp3A_41 = math.exp %neg3A_40 : vector<2560x128xf32>
    %add3A_42 = arith.constant 1.000000e+00 : f32
    %add3A_43 = vector.broadcast %add3A_42 : f32 to vector<2560x128xf32>
    %add3A_44 = arith.addf %add3A_43, %exp3A_41 : vector<2560x128xf32>
    %log3A = math.log %add3A_44 : vector<2560x128xf32>
    %add3A_45 = arith.addf %max3A_37, %log3A : vector<2560x128xf32>
    %mul3A = arith.mulf %div3A_33, %add3A_45 : vector<2560x128xf32>
    %swap3A = arith.constant 0 : index
    %swap3A_46 = arith.constant 0 : index
    %swap3A_47 = vector.load %arg5[%swap3A, %swap3A_46] : memref<2560x128xf32, #tpu.memory_space<vmem>>, vector<2560x128xf32>
    tpu.vector_store %arg5[%swap3A, %swap3A_46], %mul3A {strides = array<i32>} : memref<2560x128xf32, #tpu.memory_space<vmem>>, vector<2560x128xf32>,
    return
  }
  func.func @transform_0(%arg0: i32) -> (i32, i32) {
    %add3A = arith.constant 0 : i32
    %add3A_0 = arith.addi %arg0, %add3A : i32
    %c0_i32 = arith.constant 0 : i32
    %c0_i32_1 = arith.constant 0 : i32
    return %add3A_0, %c0_i32 : i32, i32
  }
  func.func @transform_1(%arg0: i32) -> (i32, i32) {
    %c0_i32 = arith.constant 0 : i32
    %c0_i32_0 = arith.constant 0 : i32
    return %arg0, %c0_i32 : i32, i32
  }
  func.func @transform_2(%arg0: i32) -> (i32, i32) {
    %c0_i32 = arith.constant 0 : i32
    %c0_i32_0 = arith.constant 0 : i32
    return %arg0, %c0_i32 : i32, i32
  }
  func.func @transform_3(%arg0: i32) -> (i32, i32) {
    %c0_i32 = arith.constant 0 : i32
    %c0_i32_0 = arith.constant 0 : i32
    %c0_i32_1 = arith.constant 0 : i32
    return %c0_i32, %c0_i32_0 : i32, i32
  }
  func.func @transform_4(%arg0: i32) -> (i32, i32) {
    %c0_i32 = arith.constant 0 : i32
    %c0_i32_0 = arith.constant 0 : i32
    return %arg0, %c0_i32 : i32, i32
  }
}

module attributes {stable_mosaic.version = 14 : i64} {
  func.func @_final_body(%arg0: memref<20480x128xf32, #tpu.memory_space<vmem>>, %arg1: memref<20480x128xf32, #tpu.memory_space<vmem>>, %arg2: memref<10000x128xf32, #tpu.memory_space<vmem>>, %arg3: memref<1x128xf32, #tpu.memory_space<vmem>>, %arg4: memref<1x128xf32, #tpu.memory_space<vmem>>, %arg5: memref<10000x128xf32, #tpu.memory_space<vmem>>) attributes {dimension_semantics = [], scalar_prefetch = 0 : i64, scratch_operands = 0 : i64, tpu.core_type = #tpu.core_type<tc>} {
    %get3A = arith.constant 0 : index
    %get3A_0 = arith.constant 0 : index
    %get3A_1 = vector.load %arg0[%get3A, %get3A_0] : memref<20480x128xf32, #tpu.memory_space<vmem>>, vector<10000x128xf32>
    %get3A_2 = arith.constant 10240 : index
    %get3A_3 = arith.constant 0 : index
    %get3A_4 = vector.load %arg0[%get3A_2, %get3A_3] : memref<20480x128xf32, #tpu.memory_space<vmem>>, vector<10000x128xf32>
    %add3A = arith.addf %get3A_1, %get3A_4 : vector<10000x128xf32>
    %get3A_5 = arith.constant 0 : index
    %get3A_6 = arith.constant 0 : index
    %get3A_7 = vector.load %arg1[%get3A_5, %get3A_6] : memref<20480x128xf32, #tpu.memory_space<vmem>>, vector<10000x128xf32>
    %add3A_8 = arith.addf %add3A, %get3A_7 : vector<10000x128xf32>
    %get3A_9 = arith.constant 10240 : index
    %get3A_10 = arith.constant 0 : index
    %get3A_11 = vector.load %arg1[%get3A_9, %get3A_10] : memref<20480x128xf32, #tpu.memory_space<vmem>>, vector<10000x128xf32>
    %add3A_12 = arith.addf %add3A_8, %get3A_11 : vector<10000x128xf32>
    %reduce_sum3A = arith.constant dense<0.000000e+00> : vector<128xf32>
    %reduce_sum3A_13 = vector.multi_reduction <add>, %add3A_12, %reduce_sum3A [0] : vector<10000x128xf32> to vector<128xf32>
    %broadcast_in_dim3A = vector.shape_cast %reduce_sum3A_13 : vector<128xf32> to vector<1x128xf32>
    %div3A = arith.constant 1.000000e+04 : f32
    %div3A_14 = vector.broadcast %div3A : f32 to vector<1x128xf32>
    %div3A_15 = arith.divf %broadcast_in_dim3A, %div3A_14 : vector<1x128xf32>
    %sub3A = vector.broadcast %div3A_15 : vector<1x128xf32> to vector<10000x128xf32>
    %sub3A_16 = arith.subf %add3A_12, %sub3A : vector<10000x128xf32>
    %integer_pow3A = arith.mulf %sub3A_16, %sub3A_16 : vector<10000x128xf32>
    %reduce_sum3A_17 = arith.constant dense<0.000000e+00> : vector<128xf32>
    %reduce_sum3A_18 = vector.multi_reduction <add>, %integer_pow3A, %reduce_sum3A_17 [0] : vector<10000x128xf32> to vector<128xf32>
    %broadcast_in_dim3A_19 = vector.shape_cast %reduce_sum3A_18 : vector<128xf32> to vector<1x128xf32>
    %div3A_20 = arith.constant 1.000000e+04 : f32
    %div3A_21 = vector.broadcast %div3A_20 : f32 to vector<1x128xf32>
    %div3A_22 = arith.divf %broadcast_in_dim3A_19, %div3A_21 : vector<1x128xf32>
    %sub3A_23 = vector.broadcast %div3A_15 : vector<1x128xf32> to vector<10000x128xf32>
    %sub3A_24 = arith.subf %add3A_12, %sub3A_23 : vector<10000x128xf32>
    %add3A_25 = arith.constant 9.99999974E-6 : f32
    %add3A_26 = vector.broadcast %add3A_25 : f32 to vector<1x128xf32>
    %add3A_27 = arith.addf %div3A_22, %add3A_26 : vector<1x128xf32>
    %sqrt3A = math.sqrt %add3A_27 : vector<1x128xf32>
    %div3A_28 = vector.broadcast %sqrt3A : vector<1x128xf32> to vector<10000x128xf32>
    %div3A_29 = arith.divf %sub3A_24, %div3A_28 : vector<10000x128xf32>
    %get3A_30 = arith.constant 0 : index
    %get3A_31 = arith.constant 0 : index
    %get3A_32 = vector.load %arg3[%get3A_30, %get3A_31] : memref<1x128xf32, #tpu.memory_space<vmem>>, vector<1x128xf32>
    %mul3A = vector.broadcast %get3A_32 : vector<1x128xf32> to vector<10000x128xf32>
    %mul3A_33 = arith.mulf %div3A_29, %mul3A : vector<10000x128xf32>
    %get3A_34 = arith.constant 0 : index
    %get3A_35 = arith.constant 0 : index
    %get3A_36 = vector.load %arg4[%get3A_34, %get3A_35] : memref<1x128xf32, #tpu.memory_space<vmem>>, vector<1x128xf32>
    %add3A_37 = vector.broadcast %get3A_36 : vector<1x128xf32> to vector<10000x128xf32>
    %add3A_38 = arith.addf %mul3A_33, %add3A_37 : vector<10000x128xf32>
    %get3A_39 = arith.constant 0 : index
    %get3A_40 = arith.constant 0 : index
    %get3A_41 = vector.load %arg2[%get3A_39, %get3A_40] : memref<10000x128xf32, #tpu.memory_space<vmem>>, vector<10000x128xf32>
    %add3A_42 = arith.addf %get3A_41, %add3A_38 : vector<10000x128xf32>
    %max3A = arith.constant 0.000000e+00 : f32
    %max3A_43 = vector.broadcast %max3A : f32 to vector<10000x128xf32>
    %max3A_44 = arith.maximumf %add3A_42, %max3A_43 : vector<10000x128xf32>
    %abs3A = math.absf %add3A_42 : vector<10000x128xf32>
    %neg3A = arith.constant 0.000000e+00 : f32
    %neg3A_45 = vector.broadcast %neg3A : f32 to vector<10000x128xf32>
    %neg3A_46 = arith.subf %neg3A_45, %abs3A : vector<10000x128xf32>
    %exp3A = math.exp %neg3A_46 : vector<10000x128xf32>
    %add3A_47 = arith.constant 1.000000e+00 : f32
    %add3A_48 = vector.broadcast %add3A_47 : f32 to vector<10000x128xf32>
    %add3A_49 = arith.addf %add3A_48, %exp3A : vector<10000x128xf32>
    %log3A = math.log %add3A_49 : vector<10000x128xf32>
    %add3A_50 = arith.addf %max3A_44, %log3A : vector<10000x128xf32>
    %swap3A = arith.constant 0 : index
    %swap3A_51 = arith.constant 0 : index
    %swap3A_52 = vector.load %arg5[%swap3A, %swap3A_51] : memref<10000x128xf32, #tpu.memory_space<vmem>>, vector<10000x128xf32>
    tpu.vector_store %arg5[%swap3A, %swap3A_51], %add3A_50 {strides = array<i32>} : memref<10000x128xf32, #tpu.memory_space<vmem>>, vector<10000x128xf32>,
    return
  }
}

module attributes {stable_mosaic.version = 14 : i64} {
  func.func @_edge_body(%arg0: i32, %arg1: memref<2560x128xf32, #tpu.memory_space<vmem>>, %arg2: memref<2560x128xi32, #tpu.memory_space<vmem>>, %arg3: memref<2560x128xi32, #tpu.memory_space<vmem>>, %arg4: memref<128x256xf32, #tpu.memory_space<vmem>>, %arg5: memref<2560x128xf32, #tpu.memory_space<vmem>>) attributes {dimension_semantics = [#tpu.dimension_semantics<arbitrary>], iteration_bounds = array<i64: 59>, scalar_prefetch = 0 : i64, scratch_operands = 0 : i64, tpu.core_type = #tpu.core_type<tc>, window_params = [{transform_indices = @transform_0, window_bounds = array<i64: 2560, 128>}, {transform_indices = @transform_1, window_bounds = array<i64: 2560, 128>}, {transform_indices = @transform_2, window_bounds = array<i64: 2560, 128>}, {pipeline_mode = #tpu.pipeline_mode<synchronous>, transform_indices = @transform_3, window_bounds = array<i64: 128, 256>}, {transform_indices = @transform_4, window_bounds = array<i64: 2560, 128>}]} {
    %get3A = arith.constant 0 : index
    %get3A_0 = arith.constant 0 : index
    %get3A_1 = vector.load %arg1[%get3A, %get3A_0] : memref<2560x128xf32, #tpu.memory_space<vmem>>, vector<2560x128xf32>
    %get3A_2 = arith.constant 0 : index
    %get3A_3 = arith.constant 0 : index
    %get3A_4 = vector.load %arg4[%get3A_2, %get3A_3] : memref<128x256xf32, #tpu.memory_space<vmem>>, vector<128x256xf32>
    %dot_general3A = arith.constant dense<0.000000e+00> : vector<2560x256xf32>
    %dot_general3A_5 = tpu.matmul %get3A_1, %get3A_4, %dot_general3A {dimension_numbers = #tpu.dot_dimension_numbers<[1], [0], [0], [1], [0, 0, 1, 1], [], []>, transpose_lhs_hint = false} : vector<2560x128xf32>, vector<128x256xf32>, vector<2560x256xf32> -> vector<2560x256xf32>
    %get3A_6 = arith.constant 0 : index
    %get3A_7 = arith.constant 0 : index
    %get3A_8 = vector.load %arg2[%get3A_6, %get3A_7] : memref<2560x128xi32, #tpu.memory_space<vmem>>, vector<2560x128xi32>
    %get3A_9 = arith.constant 0 : index
    %get3A_10 = arith.constant 0 : index
    %get3A_11 = vector.load %arg3[%get3A_9, %get3A_10] : memref<2560x128xi32, #tpu.memory_space<vmem>>, vector<2560x128xi32>
    %shift_left3A = arith.constant 16 : i32
    %shift_left3A_12 = vector.broadcast %shift_left3A : i32 to vector<2560x128xi32>
    %shift_left3A_13 = arith.shli %get3A_8, %shift_left3A_12 : vector<2560x128xi32>
    %bitcast_convert_type3A = tpu.bitcast %shift_left3A_13 : vector<2560x128xi32> -> vector<2560x128xf32>
    %shift_left3A_14 = arith.constant 16 : i32
    %shift_left3A_15 = vector.broadcast %shift_left3A_14 : i32 to vector<2560x128xi32>
    %shift_left3A_16 = arith.shli %get3A_11, %shift_left3A_15 : vector<2560x128xi32>
    %bitcast_convert_type3A_17 = tpu.bitcast %shift_left3A_16 : vector<2560x128xi32> -> vector<2560x128xf32>
    %add3A = arith.addf %bitcast_convert_type3A, %bitcast_convert_type3A_17 : vector<2560x128xf32>
    %and3A = arith.constant -65536 : i32
    %and3A_18 = vector.broadcast %and3A : i32 to vector<2560x128xi32>
    %and3A_19 = arith.andi %get3A_8, %and3A_18 : vector<2560x128xi32>
    %bitcast_convert_type3A_20 = tpu.bitcast %and3A_19 : vector<2560x128xi32> -> vector<2560x128xf32>
    %and3A_21 = arith.constant -65536 : i32
    %and3A_22 = vector.broadcast %and3A_21 : i32 to vector<2560x128xi32>
    %and3A_23 = arith.andi %get3A_11, %and3A_22 : vector<2560x128xi32>
    %bitcast_convert_type3A_24 = tpu.bitcast %and3A_23 : vector<2560x128xi32> -> vector<2560x128xf32>
    %add3A_25 = arith.addf %bitcast_convert_type3A_20, %bitcast_convert_type3A_24 : vector<2560x128xf32>
    %slice3A = vector.extract_strided_slice %dot_general3A_5 {offsets = [0, 0], sizes = [2560, 128], strides = [1, 1]} : vector<2560x256xf32> to vector<2560x128xf32>
    %add3A_26 = arith.addf %slice3A, %add3A : vector<2560x128xf32>
    %neg3A = arith.constant 0.000000e+00 : f32
    %neg3A_27 = vector.broadcast %neg3A : f32 to vector<2560x128xf32>
    %neg3A_28 = arith.subf %neg3A_27, %add3A_26 : vector<2560x128xf32>
    %exp3A = math.exp %neg3A_28 : vector<2560x128xf32>
    %add3A_29 = arith.constant 1.000000e+00 : f32
    %add3A_30 = vector.broadcast %add3A_29 : f32 to vector<2560x128xf32>
    %add3A_31 = arith.addf %add3A_30, %exp3A : vector<2560x128xf32>
    %div3A = arith.constant 1.000000e+00 : f32
    %div3A_32 = vector.broadcast %div3A : f32 to vector<2560x128xf32>
    %div3A_33 = arith.divf %div3A_32, %add3A_31 : vector<2560x128xf32>
    %slice3A_34 = vector.extract_strided_slice %dot_general3A_5 {offsets = [0, 128], sizes = [2560, 128], strides = [1, 1]} : vector<2560x256xf32> to vector<2560x128xf32>
    %add3A_35 = arith.addf %slice3A_34, %add3A_25 : vector<2560x128xf32>
    %max3A = arith.constant 0.000000e+00 : f32
    %max3A_36 = vector.broadcast %max3A : f32 to vector<2560x128xf32>
    %max3A_37 = arith.maximumf %add3A_35, %max3A_36 : vector<2560x128xf32>
    %abs3A = math.absf %add3A_35 : vector<2560x128xf32>
    %neg3A_38 = arith.constant 0.000000e+00 : f32
    %neg3A_39 = vector.broadcast %neg3A_38 : f32 to vector<2560x128xf32>
    %neg3A_40 = arith.subf %neg3A_39, %abs3A : vector<2560x128xf32>
    %exp3A_41 = math.exp %neg3A_40 : vector<2560x128xf32>
    %add3A_42 = arith.constant 1.000000e+00 : f32
    %add3A_43 = vector.broadcast %add3A_42 : f32 to vector<2560x128xf32>
    %add3A_44 = arith.addf %add3A_43, %exp3A_41 : vector<2560x128xf32>
    %log3A = math.log %add3A_44 : vector<2560x128xf32>
    %add3A_45 = arith.addf %max3A_37, %log3A : vector<2560x128xf32>
    %mul3A = arith.mulf %div3A_33, %add3A_45 : vector<2560x128xf32>
    %swap3A = arith.constant 0 : index
    %swap3A_46 = arith.constant 0 : index
    %swap3A_47 = vector.load %arg5[%swap3A, %swap3A_46] : memref<2560x128xf32, #tpu.memory_space<vmem>>, vector<2560x128xf32>
    tpu.vector_store %arg5[%swap3A, %swap3A_46], %mul3A {strides = array<i32>} : memref<2560x128xf32, #tpu.memory_space<vmem>>, vector<2560x128xf32>,
    return
  }
  func.func @transform_0(%arg0: i32) -> (i32, i32) {
    %add3A = arith.constant 66 : i32
    %add3A_0 = arith.addi %arg0, %add3A : i32
    %c0_i32 = arith.constant 0 : i32
    %c0_i32_1 = arith.constant 0 : i32
    return %add3A_0, %c0_i32 : i32, i32
  }
  func.func @transform_1(%arg0: i32) -> (i32, i32) {
    %c0_i32 = arith.constant 0 : i32
    %c0_i32_0 = arith.constant 0 : i32
    return %arg0, %c0_i32 : i32, i32
  }
  func.func @transform_2(%arg0: i32) -> (i32, i32) {
    %c0_i32 = arith.constant 0 : i32
    %c0_i32_0 = arith.constant 0 : i32
    return %arg0, %c0_i32 : i32, i32
  }
  func.func @transform_3(%arg0: i32) -> (i32, i32) {
    %c0_i32 = arith.constant 0 : i32
    %c0_i32_0 = arith.constant 0 : i32
    %c0_i32_1 = arith.constant 0 : i32
    return %c0_i32, %c0_i32_0 : i32, i32
  }
  func.func @transform_4(%arg0: i32) -> (i32, i32) {
    %c0_i32 = arith.constant 0 : i32
    %c0_i32_0 = arith.constant 0 : i32
    return %arg0, %c0_i32 : i32, i32
  }
}

</mosaic_0001>

<sc_bundles>
// kernel: kernel.10.cloned.1.call-start
scs
__scs_entry_jumppad:
0x0: {  	(pc) =	sbr.rel $0x88, $3  }
0x1: {  	(tag) =	ssettag $0x0;
	lr =	simm.s32 $0x1  }
0x2: {  	[smem:$0x3F97] =	sst lr;
	_ =	strace $0xD0000000  }
0x3: {  	_ = 	snop  }
0x4: {  	_ = 	snop  }
0x5: {  	_ = 	snop  }
0x6: {  	_ = 	snop  }
0x7: {  	_ = 	snop  }
__scs_overlays_trampoline_lowered:
0x8: {  	[smem:$0x3FA6] =	sst s0  }
0x9: {  	[smem:$0x3FA7] =	sst s1  }
0xa: {  	[smem:$0x3FA8] =	sst s2  }
0xb: {  	[smem:$0x3FA9] =	sst s3  }
0xc: {  	[smem:$0x3FAA] =	sst s4  }
0xd: {  	[smem:$0x3FAB] =	sst s5  }
0xe: {  	[smem:$0x3FAC] =	sst s6  }
0xf: {  	[smem:$0x3FAD] =	sst s7  }
0x10: {  	[smem:$0x3FAE] =	sst s8  }
0x11: {  	[smem:$0x3FAF] =	sst s9;
	s0 =	simm.s32 @!p0 $0x0  }
0x12: {  	s1 =	sld [smem:$0x3F95];
	s0 =	simm.s32 @p0 $0x1  }
0x13: {  	[smem:$0x3FB0] =	sst s0;
	s0 =	simm.s32 @!p1 $0x0  }
0x14: {  	s2 =	sld [smem:$0x3F94];
	s0 =	simm.s32 @p1 $0x1  }
0x15: {  	[smem:$0x3FB1] =	sst s0;
	s0 =	simm.s32 @!p2 $0x0  }
0x16: {  	s3 =	sld [smem:$0x3FDB];
	s0 =	simm.s32 @p2 $0x1  }
0x17: {  	s4 =	simm.s32 $0x1BF5;
	[smem:$0x3FB3] =	sst s0  }
0x18: {  	s0 =	sld [smem:$0x3F96];
	_ =	swait.ge [sflag:s4], $0x0  }
0x19: {  	s7 =	sld [smem:$0x3F97]  }
0x1a: {  	s8 =	sadd.s32 $0xFFFFE003, lr  }
0x1b: {  	s9 =	sadd.s32 $0xFFFFFEF7, lr;
	s5 =	simm.s32 $0xFFFFFFFF;
	p2 =	slt.u32 s8, $0xFFFFF086  }
0x1c: {  	p1 =	slt.u32 s9, $0xF7A;
	s5 =	simm.s32 @!p2 $0x0  }
0x1d: {  	s5 =	simm.s32 @p1 $0x1;
	p0 =	seq.s32 s7, s2  }
0x1e: {  	s7 =	smul.u32 @!p0 $0xF7A, s2;
	p2 =	seq.s32 @!p0 s5, $0x0  }
0x1f: {  	s9 =	smul.u32 $0xF7A, s1;
	s8 =	simm.s32 @!p0 $0x1BF5;
	p2 =	por !p2, p0  }
0x20: {  	[sflag:s8] =	ssyncset.s32 @!p0 $0xFFFFF086;
	s6 =	sadd.s32 @!p0 s3, s7;
	s7 =	simm.s32 @!p0 $0x108  }
0x21: {  	s3 =	sadd.s32 s3, s9;
	s6 =	sadd.s32 @!p0 $0x88, s6;
	s7 =	simm.s32 @p2 $0x1082  }
0x22: {  	[simem:s7], [sflag:s8] =	dma.local @!p0 [hbm:s6], $0xF7A  }
0x23: {  	s9 =	sor.u32 $0xD0000000, s2;
	s6 =	simm.s32 $0x108;
	_ =	swait.ge @!p0 [sflag:s8], $0x0  }
0x24: {  	s3 =	sadd.s32 $0x88, s3;
	s6 =	simm.s32 @!p1 $0x1082;
	[sflag:s4] =	ssyncset.s32 $0xFFFFF086  }
0x25: {  	[simem:s6], [sflag:s4] =	dma.local [hbm:s3], $0xF7A  }
0x26: {  	[smem:$0x3F97] =	sst s1;
	(tag) =	ssettag s2;
	_ =	strace s9  }
0x27: {  	s1 =	sld [smem:$0x3FA7]  }
0x28: {  	s2 =	sld [smem:$0x3FA8]  }
0x29: {  	s4 =	sld [smem:$0x3FAA]  }
0x2a: {  	p0 =	seq.s32 s5, $0x0;
	s5 =	sld [smem:$0x3FAB]  }
0x2b: {  	s6 =	sld [smem:$0x3FAC]  }
0x2c: {  	s7 =	sld [smem:$0x3FAD]  }
0x2d: {  	s3 =	simm.s32 $0x108;
	s8 =	sld [smem:$0x3FAE]  }
0x2e: {  	s3 =	simm.s32 @!p0 $0x1082;
	s9 =	sld [smem:$0x3FAF]  }
0x2f: {  	lr =	sadd.s32 s0, s3;
	s0 =	sld [smem:$0x3FA6]  }
0x30: {  	s3 =	sld [smem:$0x3FA9]  }
0x31: {  	[smem:$0x3FB2] =	sst s10  }
0x32: {  	s10 =	sld [smem:$0x3FB0];
	_ =	sdelay $0x3  }
0x33: {  	p0 =	seq.s32 s10, $0x1;
	s10 =	sld [smem:$0x3FB2];
	_ =	sdelay $0x3  }
0x34: {  	[smem:$0x3FB2] =	sst s10  }
0x35: {  	s10 =	sld [smem:$0x3FB1];
	_ =	sdelay $0x3  }
0x36: {  	p1 =	seq.s32 s10, $0x1;
	s10 =	sld [smem:$0x3FB2];
	_ =	sdelay $0x3  }
0x37: {  	[smem:$0x3FB2] =	sst s10  }
0x38: {  	s10 =	sld [smem:$0x3FB3]  }
0x39: {  	_ = 	snop;
	(pc) =	sbr.ind lr, $3  }
0x3a: {  	_ = 	snop  }
0x3b: {  	_ = 	snop  }
0x3c: {  	p2 =	seq.s32 s10, $0x1;
	s10 =	sld [smem:$0x3FB2]  }
0x3d: {  	_ =	shalt  }
0x3e: {  	_ =	shalt  }
0x3f: {  	_ =	shalt  }
0x40: {  	_ =	shalt  }
0x41: {  	_ =	shalt  }
0x42: {  	_ =	shalt  }
0x43: {  	_ =	shalt  }
0x44: {  	_ =	shalt  }
0x45: {  	_ =	shalt  }
0x46: {  	_ =	shalt  }
0x47: {  	_ =	shalt  }
0x48: {  	_ =	shalt  }
0x49: {  	_ =	shalt  }
0x4a: {  	_ =	shalt  }
0x4b: {  	_ =	shalt  }
0x4c: {  	_ =	shalt  }
0x4d: {  	_ =	shalt  }
0x4e: {  	_ =	shalt  }
0x4f: {  	_ =	shalt  }
0x50: {  	_ =	shalt  }
0x51: {  	_ =	shalt  }
0x52: {  	_ =	shalt  }
0x53: {  	_ =	shalt  }
0x54: {  	_ =	shalt  }
0x55: {  	_ =	shalt  }
0x56: {  	_ =	shalt  }
0x57: {  	_ =	shalt  }
0x58: {  	_ =	shalt  }
0x59: {  	_ =	shalt  }
0x5a: {  	_ =	shalt  }
0x5b: {  	_ =	shalt  }
0x5c: {  	_ =	shalt  }
0x5d: {  	_ =	shalt  }
0x5e: {  	_ =	shalt  }
0x5f: {  	_ =	shalt  }
0x60: {  	_ =	shalt  }
0x61: {  	_ =	shalt  }
0x62: {  	_ =	shalt  }
0x63: {  	_ =	shalt  }
0x64: {  	_ =	shalt  }
0x65: {  	_ =	shalt  }
0x66: {  	_ =	shalt  }
0x67: {  	_ =	shalt  }
0x68: {  	_ =	shalt  }
0x69: {  	_ =	shalt  }
0x6a: {  	_ =	shalt  }
0x6b: {  	_ =	shalt  }
0x6c: {  	_ =	shalt  }
0x6d: {  	_ =	shalt  }
0x6e: {  	_ =	shalt  }
0x6f: {  	_ =	shalt  }
0x70: {  	_ =	shalt  }
0x71: {  	_ =	shalt  }
0x72: {  	_ =	shalt  }
0x73: {  	_ =	shalt  }
0x74: {  	_ =	shalt  }
0x75: {  	_ =	shalt  }
0x76: {  	_ =	shalt  }
0x77: {  	_ =	shalt  }
0x78: {  	_ =	shalt  }
0x79: {  	_ =	shalt  }
0x7a: {  	_ =	shalt  }
0x7b: {  	_ =	shalt  }
0x7c: {  	_ =	shalt  }
0x7d: {  	_ =	shalt  }
0x7e: {  	_ =	shalt  }
0x7f: {  	_ =	shalt  }
0x80: {  	_ =	shalt  }
0x81: {  	_ =	shalt  }
0x82: {  	_ =	shalt  }
0x83: {  	_ =	shalt  }
0x84: {  	_ =	shalt  }
0x85: {  	_ =	shalt  }
0x86: {  	_ =	shalt  }
0x87: {  	_ =	shalt  }
.Lfunc_end0:
.L_simem_size_0:
called_computation_lowered:
.L_overlay_start_0:
0x88: {  	s2 =	sld [smem:$0x3FD9]  }
0x89: {  	s3 =	sld [smem:$0x3FFE];
	_ =	sdelay $0x1  }
0x8a: {  	s1 =	srdreg.scid  }
0x8b: {  	s0 =	sand.u32 $0x1, s1  }
0x8c: {  	s17 =	sshll.u32 s0, $0xA;
	s2 =	sadd.s32 s3, s2  }
0x8d: {  	s2 =	sadd.s32 s2, s17  }
0x8e: {  	[smem:$0x3FBE] =	sst s2  }
0x8f: {  	_ = 	snop  }
0x90: {  	s2 =	sld [smem:$0x3FC7]  }
0x91: {  	s18 =	sld [smem:$0x3FC6]  }
0x92: {  	s4 =	sld [smem:$0x3FD0];
	(tm) =	ssettm $0x1  }
0x93: {  	s5 =	sld [smem:$0x3FFB];
	_ =	sdelay $0x3  }
0x94: {  	_ =	strace s5  }
0x95: {  	s5 =	sld [smem:$0x3FFC];
	_ =	sdelay $0x3  }
0x96: {  	_ =	strace s5  }
0x97: {  	s5 =	sld [smem:$0x3FFD];
	_ =	sdelay $0x3  }
0x98: {  	_ =	strace s5  }
0x99: {  	_ =	strace $0x8FFFFFFF  }
0x9a: {  	s19 =	sld [smem:$0x3FDB];
	_ =	sdelay $0x1  }
0x9b: {  	s6 =	simm.s32 $_scs_section_size  }
0x9c: {  	s7 =	simm.s32 $_size__tile_overlayer_lowered;
	s8 =	simm.s32 $_tile_overlayer_lowered  }
0x9d: {  	s22 =	simm.s32 $0x1BFF;
	s21 =	sshll.u32 s8, $0x1;
	s5 =	sadd.s32 s6, s19  }
0x9e: {  	s9 =	simm.s32 $0x0;
	s20 =	sshll.u32 s7, $0x1;
	s7 =	sadd.s32 s21, s5  }
0x9f: {  	[timem:s9], [sflag:s22] =	dma.local [hbm:s7], s20  }
0xa0: {  	_ =	swait.ge [sflag:s22], s20  }
0xa1: {  	s6 =	ssub.s32 $0x0, s20;
	[sflag:s22] =	ssyncset.done $0x0  }
0xa2: {  	[sflag:s22] =	ssyncadd.s32 s6;
	_ =	sdelay $0x1  }
0xa3: {  	s23 =	simm.s32 $0x1B8B  }
0xa4: {  	_ =	swait.ge [sflag:s23], $0x1  }
0xa5: {  	[sflag:s23] =	ssyncset.done $0x0  }
0xa6: {  	s25 =	simm.s32 $0x1B8E;
	s24 =	sld [smem:$0x3FFE];
	[sflag:s23] =	ssyncadd.s32 $0xFFFFFFFF  }
0xa7: {  	s26 =	simm.s32 $execute0_lowered;
	[smem:$0x3FD2] =	sst s25  }
0xa8: {  	s7 =	sshll.u32 s26, $0x1;
	_ =	strace $0x80000046;
	[dreg:$0x1] =	wrdreg $0xFFFFFFFF  }
0xa9: {  	s28 =	simm.s32 $_size_execute0_lowered;
	s5 =	sadd.s32 s5, s7;
	[dreg:$0x0] =	wrdreg $0x0  }
0xaa: {  	s7 =	sshll.u32 s28, $0x1;
	[dreg:$0x2] =	wrdreg s5  }
0xab: {  	[dreg:$0x3] =	wrdreg s7  }
0xac: {  	[dreg:$0x4] =	wrdreg $0xC0  }
0xad: {  	_ =	task [dreg:s9], $0x5FFFF  }
0xae: {  	[dreg:$0x1] =	wrdreg $0xFFFFFFFF  }
0xaf: {  	[dreg:$0x0] =	wrdreg $0x60  }
0xb0: {  	[dreg:$0x2] =	wrdreg s4  }
0xb1: {  	[dreg:$0x3] =	wrdreg s24  }
0xb2: {  	[dreg:$0x4] =	wrdreg s2  }
0xb3: {  	[dreg:$0x5] =	wrdreg s18  }
0xb4: {  	[dreg:$0x6] =	wrdreg $0xA  }
0xb5: {  	_ =	task.clear_ibuf [dreg:s9], $0x7FFFF;
	_ =	strace $0x90000046  }
0xb6: {  	s29 =	simm.s32 $0xA;
	_ =	strace $0x80000048  }
0xb7: {  	_ =	swait.ge [sflag:s29], $0x1  }
0xb8: {  	[sflag:s29] =	ssyncadd.s32 $0xFFFFFFFF  }
0xb9: {  	_ =	strace $0x90000048  }
0xba: {  	_ =	sfence  }
0xbb: {  	s30 =	sld [smem:$0x0];
	_ =	sdelay $0x2  }
0xbc: {  	s31 =	sshll.u32 s1, $0xD;
	s1 =	sshrl.u32 s1, $0x2  }
0xbd: {  	s3 =	sand.u32 $0x4000, s31;
	s1 =	sadd.s32 s1, s30  }
0xbe: {  	s0 =	sor.u32 s3, s0;
	s1 =	sshll.u32 s1, $0x11  }
0xbf: {  	s0 =	sor.u32 s1, s0  }
0xc0: {  	s0 =	sadd.s32 $0x8F2B, s0  }
0xc1: {  	[sflag:s0] =	ssyncadd.remote.s32 $0x1  }
0xc2: {  	_ =	sfence.sel $0xFFFF  }
0xc3: {  	[dreg:$0x0] =	wrdreg $0xFFFFFFFF;
	(pc) =	sbr.abs _section_cstart, $3  }
0xc4: {  	[dreg:$0x1] =	wrdreg $0xFFFFFFFF  }
0xc5: {  	_ =	task.clear_ibuf [dreg:s9], $0x2FFFF;
	_ =	strace $0x9FFFFFFF  }
0xc6: {  	(tm) =	ssettm $0x7FFFFFFF  }
0xc7: {  	_ =	shalt  }
tec
execute0_lowered:
.L_overlay_start_1:
0x0: {  	(tag) =	ssettag $0x1  }
0x1: {  	s1 =	rddreg [dreg:$0x0]  }
0x2: {  	s0 =	rddreg [dreg:$0x1]  }
0x3: {  	s2 =	rddreg [dreg:$0x2]  }
0x4: {  	s8 =	rddreg [dreg:$0x3];
	s4 =	srdreg.scid  }
0x5: {  	s5 =	stileid.u32;
	s3 =	simm.s32 $0x0;
	s28 =	simm.s32 $0xA200  }
0x6: {  	s29 =	simm.s32 $0x14200;
	s30 =	simm.s32 $0x1;
	s31 =	simm.s32 $0x5  }
0x7: {  	s7 =	sand.u32 $0x1, s4;
	s17 =	sshll.u32 s5, $0x1;
	[smem:$0x7FF] =	sst s3  }
0x8: {  	s5 =	sadd.s32 $0x2E00, s0;
	s6 =	sadd.s32 $0x2A000, s0;
	s9 =	sor.u32 s7, s17  }
0x9: {  	_ =	strace $0x80000047;
	s10 =	ssub.s32 $0x2, s7;
	s4 =	smul.u32 $0x14A0, s9  }
0xa: {  	s7 =	sadd.s32 $0x2BE000, s0;
	s11 =	sshrl.u32 s10, $0x1;
	s9 =	smul.u32 $0xA5000, s9  }
0xb: {  	s17 =	simm.s32 $0x50;
	s18 =	ssub.s32 s10, s11;
	s12 =	sshrl.u32 s4, $0x3  }
0xc: {  	s20 =	sadd.s32 $0x50, s4;
	s21 =	sshrl.u32 s9, $0x3;
	s22 =	sadd.s32 $0xA0, s4  }
0xd: {  	s0 =	smax.u32 s18, $0x1;
	s18 =	simm.s32 $0x2A00;
	[dreg:$0x5] =	wrdreg s20  }
0xe: {  	s2 =	sadd.s32 s2, s12;
	s19 =	sadd.s32 s8, s12;
	[dreg:$0x6] =	wrdreg s22  }
0xf: {  	s9 =	sadd.s32 $0x14000, s21;
	s24 =	sadd.s32 $0x14500, s21;
	[dreg:$0xd] =	wrdreg s0  }
0x10: {  	s20 =	simm.s32 $0x5200;
	s22 =	simm.s32 $0xF200;
	[dreg:$0x7] =	wrdreg s2  }
0x11: {  	s0 =	simm.s32 $0x2;
	[dreg:$0x8] =	wrdreg s19;
	s23 =	sadd.s32 s6, s9  }
0x12: {  	s21 =	simm.s32 $0x3;
	s25 =	sadd.s32 s7, s9;
	[dreg:$0x9] =	wrdreg s23  }
0x13: {  	s26 =	sadd.s32 s6, s24;
	s2 =	sadd.s32 s7, s24;
	[dreg:$0xa] =	wrdreg s25  }
0x14: {  	s19 =	simm.s32 $0xCA00;
	s24 =	simm.s32 $0x7A00;
	[dreg:$0xb] =	wrdreg s26  }
0x15: {  	s9 =	simm.s32 $0x0;
	[dreg:$0xc] =	wrdreg s2;
	s26 =	simm.s32 $0x11A00  }
0x16: {  	s2 =	simm.s32 $0x6;
	s23 =	simm.s32 $0x7;
	s25 =	simm.s32 $0x4  }
.LBB2_1:
0x17: {  	s8 =	rddreg [dreg:$0x7];
	s10 =	simm.s32 $0x9  }
0x18: {  	[tilespmem:s3], [sflag:$0x9] =	stream.linear.gather [hbm4b:s8+s3], $0x14A0, $0x38;
	[tilespmem:$0x16A00] =	vst v63  }
0x19: {  	_ =	swait.ge [sflag:s10], $0x14A0  }
0x1a: {  	[sflag:s10] =	ssyncset.done $0x0  }
0x1b: {  	s11 =	simm.s32 $0x1500;
	s15 =	rddreg [dreg:$0x8];
	[sflag:s10] =	ssyncadd.s32 $0xFFFFEB60  }
0x1c: {  	[tilespmem:s11], [sflag:$0x9] =	stream.linear.gather [hbm4b:s15+s3], $0x14A0, $0x38;
	[tilespmem:$0x16A00] =	vst v63  }
0x1d: {  	_ =	swait.ge [sflag:s10], $0x14A0  }
0x1e: {  	[sflag:s10] =	ssyncset.done $0x0  }
0x1f: {  	[sflag:s10] =	ssyncadd.s32 $0xFFFFEB60  }
0x20: {  	[tilespmem:s18], [sflag:$0x1] =	stream.indirect.gather [hbm4b:s1+s17], $0x80, s3, s17, $0xb8;
	[tilespmem:$0x16A00] =	vst v63  }
0x21: {  	_ = 	snop  }
0x22: {  	[tilespmem:s19], [sflag:$0x1] =	stream.indirect.gather [hbm4b:s5+s17], $0x80, s11, s17, $0xb8;
	[tilespmem:$0x16A00] =	vst v63  }
0x23: {  	_ = 	snop  }
0x24: {  	[tilespmem:s20], [sflag:$0x2] =	stream.indirect.gather [hbm4b:s1+s17], $0x80, s17, s17, $0xb8;
	[tilespmem:$0x16A00] =	vst v63  }
0x25: {  	s16 =	simm.s32 $0x1550  }
0x26: {  	[tilespmem:s22], [sflag:$0x2] =	stream.indirect.gather [hbm4b:s5+s17], $0x80, s16, s17, $0xb8;
	[tilespmem:$0x16A00] =	vst v63  }
0x27: {  	s10 =	simm.s32 $0xA0  }
0x28: {  	[tilespmem:s24], [sflag:$0x3] =	stream.indirect.gather [hbm4b:s1+s17], $0x80, s10, s17, $0xb8;
	[tilespmem:$0x16A00] =	vst v63  }
0x29: {  	p0 =	por $0x1, $0x1;
	s11 =	simm.s32 $0x15A0  }
0x2a: {  	[tilespmem:s26], [sflag:$0x3] =	stream.indirect.gather [hbm4b:s5+s17], $0x80, s11, s17, $0xb8;
	[tilespmem:$0x16A00] =	vst v63  }
0x2b: {  	s11 =	simm.s32 @!p0 $0x8  }
0x2c: {  	_ =	swait.ge @!p0 [sflag:s11], $0x2800  }
0x2d: {  	[sflag:s11] =	ssyncset.done @!p0 $0x0  }
0x2e: {  	[sflag:s11] =	ssyncadd.s32 @!p0 $0xFFFFD800  }
0x2f: {  	_ =	swait.ge @!p0 [sflag:s11], $0x2800  }
0x30: {  	s10 =	simm.s32 @!p0 $0xF0;
	[sflag:s11] =	ssyncset.done @!p0 $0x0  }
0x31: {  	s10 =	simm.s32 @p0 $0xF0;
	[sflag:s11] =	ssyncadd.s32 @!p0 $0xFFFFD800  }
0x32: {  	[tilespmem:s28], [sflag:$0x4] =	stream.indirect.gather [hbm4b:s1+s17], $0x80, s10, s17, $0xb8;
	[tilespmem:$0x16A00] =	vst v63  }
0x33: {  	s12 =	sadd.s32 $0x1500, s10  }
0x34: {  	[tilespmem:s29], [sflag:$0x4] =	stream.indirect.gather [hbm4b:s5+s17], $0x80, s12, s17, $0xb8;
	[tilespmem:$0x16A00] =	vst v63  }
0x35: {  	_ =	swait.ge [sflag:s30], $0x2800  }
0x36: {  	s11 =	simm.s32 $0x0;
	[sflag:s30] =	ssyncset.done $0x0  }
0x37: {  	s11 =	simm.s32 @p0 $0x0;
	[sflag:s30] =	ssyncadd.s32 $0xFFFFD800  }
0x38: {  	s12 =	sadd.s32 s4, s11;
	_ =	swait.ge [sflag:s30], $0x2800  }
0x39: {  	s12 =	sshll.u32 s12, $0x4;
	[sflag:s30] =	ssyncset.done $0x0  }
0x3a: {  	s13 =	sadd.s32 s6, s12;
	[sflag:s30] =	ssyncadd.s32 $0xFFFFD800  }
0x3b: {  	[hbm4b:s13+s3] =	stream.linear.scatter [tilespmem:s18], [sflag:$0x5], $0x2800, $0x38;
	[tilespmem:$0x16A00] =	vst v63  }
0x3c: {  	s12 =	sadd.s32 s7, s12  }
0x3d: {  	[hbm4b:s12+s3] =	stream.linear.scatter [tilespmem:s19], [sflag:$0x5], $0x2800, $0x38;
	[tilespmem:$0x16A00] =	vst v63  }
0x3e: {  	_ =	swait.ge [sflag:s31], $0x2800  }
0x3f: {  	[sflag:s31] =	ssyncset.done $0x0  }
0x40: {  	[sflag:s31] =	ssyncadd.s32 $0xFFFFD800  }
0x41: {  	_ =	swait.ge [sflag:s31], $0x2800  }
0x42: {  	[sflag:s31] =	ssyncset.done $0x0  }
0x43: {  	s13 =	sadd.s32 $0x140, s11;
	[sflag:s31] =	ssyncadd.s32 $0xFFFFD800  }
0x44: {  	[tilespmem:s18], [sflag:$0x1] =	stream.indirect.gather [hbm4b:s1+s17], $0x80, s13, s17, $0xb8;
	[tilespmem:$0x16A00] =	vst v63  }
0x45: {  	s14 =	sadd.s32 $0x1640, s11  }
0x46: {  	[tilespmem:s19], [sflag:$0x1] =	stream.indirect.gather [hbm4b:s5+s17], $0x80, s14, s17, $0xb8;
	[tilespmem:$0x16A00] =	vst v63  }
0x47: {  	_ =	swait.ge [sflag:s0], $0x2800  }
0x48: {  	[sflag:s0] =	ssyncset.done $0x0  }
0x49: {  	[sflag:s0] =	ssyncadd.s32 $0xFFFFD800  }
0x4a: {  	_ =	swait.ge [sflag:s0], $0x2800  }
0x4b: {  	s15 =	rddreg [dreg:$0x5]  }
0x4c: {  	s12 =	sadd.s32 s11, s15  }
0x4d: {  	[sflag:s0] =	ssyncset.done $0x0;
	s12 =	sshll.u32 s12, $0x4  }
0x4e: {  	[sflag:s0] =	ssyncadd.s32 $0xFFFFD800;
	s16 =	sadd.s32 s6, s12  }
0x4f: {  	[hbm4b:s16+s3] =	stream.linear.scatter [tilespmem:s20], [sflag:$0x6], $0x2800, $0x38;
	[tilespmem:$0x16A00] =	vst v63  }
0x50: {  	s12 =	sadd.s32 s7, s12  }
0x51: {  	[hbm4b:s12+s3] =	stream.linear.scatter [tilespmem:s22], [sflag:$0x6], $0x2800, $0x38;
	[tilespmem:$0x16A00] =	vst v63  }
0x52: {  	_ =	swait.ge [sflag:s2], $0x2800  }
0x53: {  	[sflag:s2] =	ssyncset.done $0x0  }
0x54: {  	[sflag:s2] =	ssyncadd.s32 $0xFFFFD800  }
0x55: {  	_ =	swait.ge [sflag:s2], $0x2800  }
0x56: {  	[sflag:s2] =	ssyncset.done $0x0  }
0x57: {  	s8 =	sadd.s32 $0x190, s11;
	[sflag:s2] =	ssyncadd.s32 $0xFFFFD800  }
0x58: {  	[tilespmem:s20], [sflag:$0x2] =	stream.indirect.gather [hbm4b:s1+s17], $0x80, s8, s17, $0xb8;
	[tilespmem:$0x16A00] =	vst v63  }
0x59: {  	s13 =	sadd.s32 $0x1690, s11  }
0x5a: {  	[tilespmem:s22], [sflag:$0x2] =	stream.indirect.gather [hbm4b:s5+s17], $0x80, s13, s17, $0xb8;
	[tilespmem:$0x16A00] =	vst v63  }
0x5b: {  	_ =	swait.ge [sflag:s21], $0x2800  }
0x5c: {  	[sflag:s21] =	ssyncset.done $0x0  }
0x5d: {  	[sflag:s21] =	ssyncadd.s32 $0xFFFFD800  }
0x5e: {  	_ =	swait.ge [sflag:s21], $0x2800  }
0x5f: {  	s14 =	rddreg [dreg:$0x6]  }
0x60: {  	s12 =	sadd.s32 s11, s14  }
0x61: {  	[sflag:s21] =	ssyncset.done $0x0;
	s12 =	sshll.u32 s12, $0x4  }
0x62: {  	[sflag:s21] =	ssyncadd.s32 $0xFFFFD800;
	s15 =	sadd.s32 s6, s12  }
0x63: {  	[hbm4b:s15+s3] =	stream.linear.scatter [tilespmem:s24], [sflag:$0x7], $0x2800, $0x38;
	[tilespmem:$0x16A00] =	vst v63  }
0x64: {  	s12 =	sadd.s32 s7, s12  }
0x65: {  	[hbm4b:s12+s3] =	stream.linear.scatter [tilespmem:s26], [sflag:$0x7], $0x2800, $0x38;
	[tilespmem:$0x16A00] =	vst v63  }
0x66: {  	_ =	swait.ge [sflag:s23], $0x2800  }
0x67: {  	[sflag:s23] =	ssyncset.done $0x0  }
0x68: {  	[sflag:s23] =	ssyncadd.s32 $0xFFFFD800  }
0x69: {  	p0 =	por $0x0, $0x0;
	_ =	swait.ge [sflag:s23], $0x2800  }
0x6a: {  	s13 =	simm.s32 @!p0 $0x50;
	[sflag:s23] =	ssyncset.done $0x0  }
0x6b: {  	s14 =	simm.s32 @!p0 $0x7A00;
	s12 =	sadd.s32 @!p0 $0x1E0, s11;
	[sflag:s23] =	ssyncadd.s32 $0xFFFFD800  }
0x6c: {  	[tilespmem:s14], [sflag:$0x3] =	stream.indirect.gather @!p0 [hbm4b:s1+s13], $0x80, s12, s13, $0xb8;
	[tilespmem:$0x16A00] =	vst v63  }
0x6d: {  	s11 =	sadd.s32 @!p0 $0x16E0, s11;
	s12 =	simm.s32 @!p0 $0x11A00  }
0x6e: {  	[tilespmem:s12], [sflag:$0x3] =	stream.indirect.gather @!p0 [hbm4b:s5+s13], $0x80, s11, s13, $0xb8;
	[tilespmem:$0x16A00] =	vst v63  }
0x6f: {  	_ =	swait.ge [sflag:s25], $0x2800  }
0x70: {  	[sflag:s25] =	ssyncset.done $0x0  }
0x71: {  	p1 =	por $0x0, $0x0;
	s16 =	sadd.s32 s4, s10;
	[sflag:s25] =	ssyncadd.s32 $0xFFFFD800  }
0x72: {  	s10 =	simm.s32 $0x280;
	s13 =	simm.s32 $0x140;
	_ =	swait.ge [sflag:s25], $0x2800  }
0x73: {  	s11 =	sshll.u32 s16, $0x4;
	s16 =	simm.s32 @!p1 $0x230;
	[sflag:s25] =	ssyncset.done $0x0  }
0x74: {  	s14 =	sadd.s32 s7, s11;
	s11 =	sadd.s32 s6, s11;
	[sflag:s25] =	ssyncadd.s32 $0xFFFFD800  }
.LBB2_2:
0x75: {  	[hbm4b:s11+s3] =	stream.linear.scatter [tilespmem:s28], [sflag:$0x8], $0x2800, $0x38;
	[tilespmem:$0x16A00] =	vst v63  }
0x76: {  	s15 =	simm.s32 @!p1 $0x8  }
0x77: {  	[hbm4b:s14+s3] =	stream.linear.scatter [tilespmem:s29], [sflag:$0x8], $0x2800, $0x38;
	[tilespmem:$0x16A00] =	vst v63  }
0x78: {  	_ =	swait.ge @!p1 [sflag:s15], $0x2800  }
0x79: {  	[sflag:s15] =	ssyncset.done @!p1 $0x0  }
0x7a: {  	[sflag:s15] =	ssyncadd.s32 @!p1 $0xFFFFD800  }
0x7b: {  	_ =	swait.ge @!p1 [sflag:s15], $0x2800  }
0x7c: {  	[sflag:s15] =	ssyncset.done @!p1 $0x0  }
0x7d: {  	s16 =	simm.s32 @p1 $0xF0;
	[sflag:s15] =	ssyncadd.s32 @!p1 $0xFFFFD800  }
0x7e: {  	[tilespmem:s28], [sflag:$0x4] =	stream.indirect.gather [hbm4b:s1+s17], $0x80, s16, s17, $0xb8;
	[tilespmem:$0x16A00] =	vst v63  }
0x7f: {  	s8 =	sadd.s32 $0x1500, s16  }
0x80: {  	[tilespmem:s29], [sflag:$0x4] =	stream.indirect.gather [hbm4b:s5+s17], $0x80, s8, s17, $0xb8;
	[tilespmem:$0x16A00] =	vst v63  }
0x81: {  	_ =	swait.ge [sflag:s30], $0x2800  }
0x82: {  	s14 =	sadd.s32 s4, s16;
	s16 =	smov.u32 s13;
	[sflag:s30] =	ssyncset.done $0x0  }
0x83: {  	s16 =	simm.s32 @p1 $0x0;
	[sflag:s30] =	ssyncadd.s32 $0xFFFFD800  }
0x84: {  	s15 =	sadd.s32 s4, s16;
	_ =	swait.ge [sflag:s30], $0x2800  }
0x85: {  	s11 =	sshll.u32 s14, $0x4;
	s14 =	sshll.u32 s15, $0x4;
	[sflag:s30] =	ssyncset.done $0x0  }
0x86: {  	s8 =	sadd.s32 s6, s14;
	[sflag:s30] =	ssyncadd.s32 $0xFFFFD800  }
0x87: {  	[hbm4b:s8+s3] =	stream.linear.scatter [tilespmem:s18], [sflag:$0x5], $0x2800, $0x38;
	[tilespmem:$0x16A00] =	vst v63  }
0x88: {  	s14 =	sadd.s32 s7, s14  }
0x89: {  	[hbm4b:s14+s3] =	stream.linear.scatter [tilespmem:s19], [sflag:$0x5], $0x2800, $0x38;
	[tilespmem:$0x16A00] =	vst v63  }
0x8a: {  	_ =	swait.ge [sflag:s31], $0x2800  }
0x8b: {  	[sflag:s31] =	ssyncset.done $0x0  }
0x8c: {  	[sflag:s31] =	ssyncadd.s32 $0xFFFFD800  }
0x8d: {  	_ =	swait.ge [sflag:s31], $0x2800  }
0x8e: {  	[sflag:s31] =	ssyncset.done $0x0  }
0x8f: {  	s15 =	sadd.s32 $0x140, s16;
	[sflag:s31] =	ssyncadd.s32 $0xFFFFD800  }
0x90: {  	[tilespmem:s18], [sflag:$0x1] =	stream.indirect.gather [hbm4b:s1+s17], $0x80, s15, s17, $0xb8;
	[tilespmem:$0x16A00] =	vst v63  }
0x91: {  	s8 =	sadd.s32 $0x1640, s16  }
0x92: {  	[tilespmem:s19], [sflag:$0x1] =	stream.indirect.gather [hbm4b:s5+s17], $0x80, s8, s17, $0xb8;
	[tilespmem:$0x16A00] =	vst v63  }
0x93: {  	_ =	swait.ge [sflag:s0], $0x2800  }
0x94: {  	[sflag:s0] =	ssyncset.done $0x0  }
0x95: {  	[sflag:s0] =	ssyncadd.s32 $0xFFFFD800  }
0x96: {  	_ =	swait.ge [sflag:s0], $0x2800  }
0x97: {  	s15 =	rddreg [dreg:$0x5]  }
0x98: {  	s14 =	sadd.s32 s16, s15  }
0x99: {  	[sflag:s0] =	ssyncset.done $0x0;
	s14 =	sshll.u32 s14, $0x4  }
0x9a: {  	[sflag:s0] =	ssyncadd.s32 $0xFFFFD800;
	s8 =	sadd.s32 s6, s14  }
0x9b: {  	[hbm4b:s8+s3] =	stream.linear.scatter [tilespmem:s20], [sflag:$0x6], $0x2800, $0x38;
	[tilespmem:$0x16A00] =	vst v63  }
0x9c: {  	s14 =	sadd.s32 s7, s14  }
0x9d: {  	[hbm4b:s14+s3] =	stream.linear.scatter [tilespmem:s22], [sflag:$0x6], $0x2800, $0x38;
	[tilespmem:$0x16A00] =	vst v63  }
0x9e: {  	_ =	swait.ge [sflag:s2], $0x2800  }
0x9f: {  	[sflag:s2] =	ssyncset.done $0x0  }
0xa0: {  	[sflag:s2] =	ssyncadd.s32 $0xFFFFD800  }
0xa1: {  	_ =	swait.ge [sflag:s2], $0x2800  }
0xa2: {  	[sflag:s2] =	ssyncset.done $0x0  }
0xa3: {  	s15 =	sadd.s32 $0x190, s16;
	[sflag:s2] =	ssyncadd.s32 $0xFFFFD800  }
0xa4: {  	[tilespmem:s20], [sflag:$0x2] =	stream.indirect.gather [hbm4b:s1+s17], $0x80, s15, s17, $0xb8;
	[tilespmem:$0x16A00] =	vst v63  }
0xa5: {  	s8 =	sadd.s32 $0x1690, s16  }
0xa6: {  	[tilespmem:s22], [sflag:$0x2] =	stream.indirect.gather [hbm4b:s5+s17], $0x80, s8, s17, $0xb8;
	[tilespmem:$0x16A00] =	vst v63  }
0xa7: {  	_ =	swait.ge [sflag:s21], $0x2800  }
0xa8: {  	[sflag:s21] =	ssyncset.done $0x0  }
0xa9: {  	[sflag:s21] =	ssyncadd.s32 $0xFFFFD800  }
0xaa: {  	_ =	swait.ge [sflag:s21], $0x2800  }
0xab: {  	s15 =	rddreg [dreg:$0x6]  }
0xac: {  	s14 =	sadd.s32 s16, s15  }
0xad: {  	[sflag:s21] =	ssyncset.done $0x0;
	s14 =	sshll.u32 s14, $0x4  }
0xae: {  	[sflag:s21] =	ssyncadd.s32 $0xFFFFD800;
	s8 =	sadd.s32 s6, s14  }
0xaf: {  	[hbm4b:s8+s3] =	stream.linear.scatter [tilespmem:s24], [sflag:$0x7], $0x2800, $0x38;
	[tilespmem:$0x16A00] =	vst v63  }
0xb0: {  	s14 =	sadd.s32 s7, s14  }
0xb1: {  	[hbm4b:s14+s3] =	stream.linear.scatter [tilespmem:s26], [sflag:$0x7], $0x2800, $0x38;
	[tilespmem:$0x16A00] =	vst v63  }
0xb2: {  	_ =	swait.ge [sflag:s23], $0x2800  }
0xb3: {  	[sflag:s23] =	ssyncset.done $0x0  }
0xb4: {  	[sflag:s23] =	ssyncadd.s32 $0xFFFFD800  }
0xb5: {  	s12 =	smov.u32 s10;
	p1 =	seq.s32 s13, $0x12C0;
	_ =	swait.ge [sflag:s23], $0x2800  }
0xb6: {  	s13 =	smov.u32 s12;
	s12 =	sadd.s32 @!p1 $0x1E0, s16;
	[sflag:s23] =	ssyncset.done $0x0  }
0xb7: {  	s15 =	simm.s32 @!p1 $0x7A00;
	s14 =	simm.s32 @!p1 $0x50;
	[sflag:s23] =	ssyncadd.s32 $0xFFFFD800  }
0xb8: {  	[tilespmem:s15], [sflag:$0x3] =	stream.indirect.gather @!p1 [hbm4b:s1+s14], $0x80, s12, s14, $0xb8;
	[tilespmem:$0x16A00] =	vst v63  }
0xb9: {  	s10 =	sadd.s32 $0x140, s10;
	s8 =	simm.s32 @!p1 $0x11A00;
	s12 =	sadd.s32 @!p1 $0x16E0, s16  }
0xba: {  	[tilespmem:s8], [sflag:$0x3] =	stream.indirect.gather @!p1 [hbm4b:s5+s14], $0x80, s12, s14, $0xb8;
	[tilespmem:$0x16A00] =	vst v63  }
0xbb: {  	p0 =	sne.s32 s10, $0x1400;
	_ =	swait.ge [sflag:s25], $0x2800  }
.Ltmp0:
0xbc: {  	[sflag:s25] =	ssyncset.done $0x0;
	(pc) =	sbr.rel @p0 .LBB2_2-.Ltmp0, $4  }
0xbd: {  	[sflag:s25] =	ssyncadd.s32 $0xFFFFD800  }
0xbe: {  	_ =	swait.ge [sflag:s25], $0x2800  }
0xbf: {  	s14 =	sadd.s32 s7, s11;
	p1 =	seq.s32 s13, $0x0;
	[sflag:s25] =	ssyncset.done $0x0  }
0xc0: {  	s11 =	sadd.s32 s6, s11;
	s16 =	sadd.s32 @!p1 $0xF0, s13;
	[sflag:s25] =	ssyncadd.s32 $0xFFFFD800  }
0xc1: {  	[hbm4b:s11+s3] =	stream.linear.scatter [tilespmem:s28], [sflag:$0x8], $0x2800, $0x38;
	[tilespmem:$0x16A00] =	vst v63  }
0xc2: {  	s8 =	simm.s32 @!p1 $0x8  }
0xc3: {  	[hbm4b:s14+s3] =	stream.linear.scatter [tilespmem:s29], [sflag:$0x8], $0x2800, $0x38;
	[tilespmem:$0x16A00] =	vst v63  }
0xc4: {  	_ =	swait.ge @!p1 [sflag:s8], $0x2800  }
0xc5: {  	[sflag:s8] =	ssyncset.done @!p1 $0x0  }
0xc6: {  	[sflag:s8] =	ssyncadd.s32 @!p1 $0xFFFFD800  }
0xc7: {  	_ =	swait.ge @!p1 [sflag:s8], $0x2800  }
0xc8: {  	[sflag:s8] =	ssyncset.done @!p1 $0x0  }
0xc9: {  	s16 =	simm.s32 @p1 $0xF0;
	[sflag:s8] =	ssyncadd.s32 @!p1 $0xFFFFD800  }
0xca: {  	[tilespmem:s28], [sflag:$0x4] =	stream.indirect.gather [hbm4b:s1+s17], $0x80, s16, s17, $0xb8;
	[tilespmem:$0x16A00] =	vst v63  }
0xcb: {  	s11 =	sadd.s32 $0x1500, s16  }
0xcc: {  	[tilespmem:s29], [sflag:$0x4] =	stream.indirect.gather [hbm4b:s5+s17], $0x80, s11, s17, $0xb8;
	[tilespmem:$0x16A00] =	vst v63  }
0xcd: {  	_ =	swait.ge [sflag:s30], $0x2800  }
0xce: {  	s10 =	smov.u32 s13;
	[sflag:s30] =	ssyncset.done $0x0  }
0xcf: {  	s10 =	simm.s32 @p1 $0x0;
	[sflag:s30] =	ssyncadd.s32 $0xFFFFD800  }
0xd0: {  	s12 =	sadd.s32 s4, s10;
	_ =	swait.ge [sflag:s30], $0x2800  }
0xd1: {  	s8 =	sshll.u32 s12, $0x4;
	[sflag:s30] =	ssyncset.done $0x0  }
0xd2: {  	s14 =	sadd.s32 s6, s8;
	[sflag:s30] =	ssyncadd.s32 $0xFFFFD800  }
0xd3: {  	[hbm4b:s14+s3] =	stream.linear.scatter [tilespmem:s18], [sflag:$0x5], $0x2800, $0x38;
	[tilespmem:$0x16A00] =	vst v63  }
0xd4: {  	s8 =	sadd.s32 s7, s8  }
0xd5: {  	[hbm4b:s8+s3] =	stream.linear.scatter [tilespmem:s19], [sflag:$0x5], $0x2800, $0x38;
	[tilespmem:$0x16A00] =	vst v63  }
0xd6: {  	_ =	swait.ge [sflag:s31], $0x2800  }
0xd7: {  	[sflag:s31] =	ssyncset.done $0x0  }
0xd8: {  	[sflag:s31] =	ssyncadd.s32 $0xFFFFD800  }
0xd9: {  	_ =	swait.ge [sflag:s31], $0x2800  }
0xda: {  	[sflag:s31] =	ssyncset.done $0x0  }
0xdb: {  	s15 =	sadd.s32 $0x140, s10;
	[sflag:s31] =	ssyncadd.s32 $0xFFFFD800  }
0xdc: {  	[tilespmem:s18], [sflag:$0x1] =	stream.indirect.gather [hbm4b:s1+s17], $0x80, s15, s17, $0xb8;
	[tilespmem:$0x16A00] =	vst v63  }
0xdd: {  	s11 =	sadd.s32 $0x1640, s10  }
0xde: {  	[tilespmem:s19], [sflag:$0x1] =	stream.indirect.gather [hbm4b:s5+s17], $0x80, s11, s17, $0xb8;
	[tilespmem:$0x16A00] =	vst v63  }
0xdf: {  	_ =	swait.ge [sflag:s0], $0x2800  }
0xe0: {  	[sflag:s0] =	ssyncset.done $0x0  }
0xe1: {  	[sflag:s0] =	ssyncadd.s32 $0xFFFFD800  }
0xe2: {  	_ =	swait.ge [sflag:s0], $0x2800  }
0xe3: {  	s12 =	rddreg [dreg:$0x5]  }
0xe4: {  	s8 =	sadd.s32 s10, s12  }
0xe5: {  	[sflag:s0] =	ssyncset.done $0x0;
	s8 =	sshll.u32 s8, $0x4  }
0xe6: {  	[sflag:s0] =	ssyncadd.s32 $0xFFFFD800;
	s14 =	sadd.s32 s6, s8  }
0xe7: {  	[hbm4b:s14+s3] =	stream.linear.scatter [tilespmem:s20], [sflag:$0x6], $0x2800, $0x38;
	[tilespmem:$0x16A00] =	vst v63  }
0xe8: {  	s8 =	sadd.s32 s7, s8  }
0xe9: {  	[hbm4b:s8+s3] =	stream.linear.scatter [tilespmem:s22], [sflag:$0x6], $0x2800, $0x38;
	[tilespmem:$0x16A00] =	vst v63  }
0xea: {  	_ =	swait.ge [sflag:s2], $0x2800  }
0xeb: {  	[sflag:s2] =	ssyncset.done $0x0  }
0xec: {  	[sflag:s2] =	ssyncadd.s32 $0xFFFFD800  }
0xed: {  	_ =	swait.ge [sflag:s2], $0x2800  }
0xee: {  	[sflag:s2] =	ssyncset.done $0x0  }
0xef: {  	s15 =	sadd.s32 $0x190, s10;
	[sflag:s2] =	ssyncadd.s32 $0xFFFFD800  }
0xf0: {  	[tilespmem:s20], [sflag:$0x2] =	stream.indirect.gather [hbm4b:s1+s17], $0x80, s15, s17, $0xb8;
	[tilespmem:$0x16A00] =	vst v63  }
0xf1: {  	s11 =	sadd.s32 $0x1690, s10  }
0xf2: {  	[tilespmem:s22], [sflag:$0x2] =	stream.indirect.gather [hbm4b:s5+s17], $0x80, s11, s17, $0xb8;
	[tilespmem:$0x16A00] =	vst v63  }
0xf3: {  	_ =	swait.ge [sflag:s21], $0x2800  }
0xf4: {  	[sflag:s21] =	ssyncset.done $0x0  }
0xf5: {  	[sflag:s21] =	ssyncadd.s32 $0xFFFFD800  }
0xf6: {  	_ =	swait.ge [sflag:s21], $0x2800  }
0xf7: {  	s12 =	rddreg [dreg:$0x6]  }
0xf8: {  	s8 =	sadd.s32 s10, s12  }
0xf9: {  	[sflag:s21] =	ssyncset.done $0x0;
	s8 =	sshll.u32 s8, $0x4  }
0xfa: {  	[sflag:s21] =	ssyncadd.s32 $0xFFFFD800;
	s14 =	sadd.s32 s6, s8  }
0xfb: {  	[hbm4b:s14+s3] =	stream.linear.scatter [tilespmem:s24], [sflag:$0x7], $0x2800, $0x38;
	[tilespmem:$0x16A00] =	vst v63  }
0xfc: {  	s8 =	sadd.s32 s7, s8  }
0xfd: {  	[hbm4b:s8+s3] =	stream.linear.scatter [tilespmem:s26], [sflag:$0x7], $0x2800, $0x38;
	[tilespmem:$0x16A00] =	vst v63  }
0xfe: {  	_ =	swait.ge [sflag:s23], $0x2800  }
0xff: {  	[sflag:s23] =	ssyncset.done $0x0  }
0x100: {  	[sflag:s23] =	ssyncadd.s32 $0xFFFFD800  }
0x101: {  	p0 =	seq.s32 s13, $0x12C0;
	_ =	swait.ge [sflag:s23], $0x2800  }
0x102: {  	s11 =	simm.s32 @!p0 $0x50;
	[sflag:s23] =	ssyncset.done $0x0  }
0x103: {  	s12 =	simm.s32 @!p0 $0x7A00;
	s8 =	sadd.s32 @!p0 $0x1E0, s10;
	[sflag:s23] =	ssyncadd.s32 $0xFFFFD800  }
0x104: {  	[tilespmem:s12], [sflag:$0x3] =	stream.indirect.gather @!p0 [hbm4b:s1+s11], $0x80, s8, s11, $0xb8;
	[tilespmem:$0x16A00] =	vst v63  }
0x105: {  	s10 =	sadd.s32 @!p0 $0x16E0, s10;
	s8 =	simm.s32 @!p0 $0x11A00  }
0x106: {  	[tilespmem:s8], [sflag:$0x3] =	stream.indirect.gather @!p0 [hbm4b:s5+s11], $0x80, s10, s11, $0xb8;
	[tilespmem:$0x16A00] =	vst v63  }
0x107: {  	_ =	swait.ge [sflag:s25], $0x2800  }
0x108: {  	[sflag:s25] =	ssyncset.done $0x0  }
0x109: {  	[sflag:s25] =	ssyncadd.s32 $0xFFFFD800  }
0x10a: {  	s15 =	sadd.s32 s4, s16;
	_ =	swait.ge [sflag:s25], $0x2800  }
0x10b: {  	s8 =	sshll.u32 s15, $0x4;
	[sflag:s25] =	ssyncset.done $0x0  }
0x10c: {  	s16 =	sadd.s32 s6, s8;
	[sflag:s25] =	ssyncadd.s32 $0xFFFFD800  }
0x10d: {  	[hbm4b:s16+s3] =	stream.linear.scatter [tilespmem:s28], [sflag:$0x8], $0x2800, $0x38;
	[tilespmem:$0x16A00] =	vst v63  }
0x10e: {  	s11 =	simm.s32 $0x8;
	s8 =	sadd.s32 s7, s8  }
0x10f: {  	[hbm4b:s8+s3] =	stream.linear.scatter [tilespmem:s29], [sflag:$0x8], $0x2800, $0x38;
	[tilespmem:$0x16A00] =	vst v63  }
0x110: {  	_ =	swait.ge [sflag:s11], $0x2800  }
0x111: {  	[sflag:s11] =	ssyncset.done $0x0  }
0x112: {  	[sflag:s11] =	ssyncadd.s32 $0xFFFFD800  }
0x113: {  	_ =	swait.ge [sflag:s11], $0x2800  }
0x114: {  	[sflag:s11] =	ssyncset.done $0x0  }
0x115: {  	[sflag:s11] =	ssyncadd.s32 $0xFFFFD800  }
0x116: {  	_ =	swait.ge [sflag:s30], $0x2800  }
0x117: {  	[sflag:s30] =	ssyncset.done $0x0  }
0x118: {  	[sflag:s30] =	ssyncadd.s32 $0xFFFFD800  }
0x119: {  	_ =	swait.ge [sflag:s30], $0x2800  }
0x11a: {  	[sflag:s30] =	ssyncset.done $0x0  }
0x11b: {  	s12 =	rddreg [dreg:$0x9];
	[sflag:s30] =	ssyncadd.s32 $0xFFFFD800  }
0x11c: {  	[hbm4b:s12+s3] =	stream.linear.scatter [tilespmem:s18], [sflag:$0x5], $0x2800, $0x38;
	[tilespmem:$0x16A00] =	vst v63  }
0x11d: {  	s13 =	rddreg [dreg:$0xa]  }
0x11e: {  	[hbm4b:s13+s3] =	stream.linear.scatter [tilespmem:s19], [sflag:$0x5], $0x2800, $0x38;
	[tilespmem:$0x16A00] =	vst v63  }
0x11f: {  	_ =	swait.ge [sflag:s31], $0x2800  }
0x120: {  	[sflag:s31] =	ssyncset.done $0x0  }
0x121: {  	[sflag:s31] =	ssyncadd.s32 $0xFFFFD800  }
0x122: {  	_ =	swait.ge [sflag:s31], $0x2800  }
0x123: {  	[sflag:s31] =	ssyncset.done $0x0  }
0x124: {  	[sflag:s31] =	ssyncadd.s32 $0xFFFFD800  }
0x125: {  	_ =	swait.ge [sflag:s0], $0x2800  }
0x126: {  	[sflag:s0] =	ssyncset.done $0x0  }
0x127: {  	[sflag:s0] =	ssyncadd.s32 $0xFFFFD800  }
0x128: {  	_ =	swait.ge [sflag:s0], $0x2800  }
0x129: {  	[sflag:s0] =	ssyncset.done $0x0  }
0x12a: {  	s14 =	rddreg [dreg:$0xb];
	[sflag:s0] =	ssyncadd.s32 $0xFFFFD800  }
0x12b: {  	[hbm4b:s14+s3] =	stream.linear.scatter [tilespmem:s20], [sflag:$0x6], $0x2800, $0x38;
	[tilespmem:$0x16A00] =	vst v63  }
0x12c: {  	s15 =	rddreg [dreg:$0xc]  }
0x12d: {  	[hbm4b:s15+s3] =	stream.linear.scatter [tilespmem:s22], [sflag:$0x6], $0x2800, $0x38;
	[tilespmem:$0x16A00] =	vst v63  }
0x12e: {  	_ =	swait.ge [sflag:s2], $0x2800  }
0x12f: {  	[sflag:s2] =	ssyncset.done $0x0  }
0x130: {  	[sflag:s2] =	ssyncadd.s32 $0xFFFFD800  }
0x131: {  	_ =	swait.ge [sflag:s2], $0x2800  }
0x132: {  	s9 =	sadd.s32 $0x1, s9;
	s16 =	rddreg [dreg:$0xd]  }
0x133: {  	p0 =	sne.s32 s9, s16  }
.Ltmp1:
0x134: {  	_ = 	snop;
	(pc) =	sbr.rel @p0 .LBB2_1-.Ltmp1, $3  }
0x135: {  	_ =	sdelay $0x1  }
0x136: {  	[sflag:s2] =	ssyncset.done $0x0  }
0x137: {  	[sflag:s2] =	ssyncadd.s32 $0xFFFFD800  }
0x138: {  	_ =	sfence.sel $0x180000  }
0x139: {  	[bflag:$0x0] =	sbarrier.arrive $0xFFFF  }
0x13a: {  	_ =	strace $0x90000047  }
0x13b: {  	s0 =	stileid.u32;
	[bflag:$0x2] =	sbarrier.arrive $0xFFFF  }
0x13c: {  	p0 =	sne.s32 s0, $0x0;
	s0 =	rddreg [dreg:$0x4]  }
0x13d: {  	s0 =	sadd.s32 @!p0 $0x100000, s0  }
0x13e: {  	[sflag:s0] =	ssyncadd.tile.s32 @!p0 $0x1;
	_ =	shalt  }
.Lfunc_end2:
_tile_overlayer_lowered:
.L_overlay_start_2:
0x13f: {  	(tag) =	ssettag $0x2  }
0x140: {  	s0 =	rddreg [dreg:$0x0];
	s2 =	stileid.u32  }
0x141: {  	s1 =	rddreg [dreg:$0x1];
	p0 =	sne.s32 s2, $0x0  }
0x142: {  	s3 =	rddreg [dreg:$0x2];
	[bflag:$0x3] =	sbarrier.arrive $0xFFFF;
	s2 =	simm.s32 @!p0 $0x1C09  }
0x143: {  	[timem:s3], [sflag:s2] =	dma.local @!p0 [hbm:s0], s1  }
0x144: {  	s0 =	simm.s32 @!p0 $0x9  }
0x145: {  	_ =	swait.ge @!p0 [sflag:s0], s1  }
0x146: {  	s1 =	ssub.s32 @!p0 $0x0, s1;
	[sflag:s0] =	ssyncset.done @!p0 $0x0  }
0x147: {  	[sflag:s0] =	ssyncadd.s32 @!p0 s1  }
0x148: {  	[bflag:$0x3] =	sbarrier.arrive $0xFFFF  }
0x149: {  	_ =	shalt  }

// kernel: kernel.13.cloned.1.call-start
scs
__scs_entry_jumppad:
0x0: {  	(pc) =	sbr.rel $0x88, $3  }
0x1: {  	(tag) =	ssettag $0x0;
	lr =	simm.s32 $0x1  }
0x2: {  	[smem:$0x3F97] =	sst lr;
	_ =	strace $0xD0000000  }
0x3: {  	_ = 	snop  }
0x4: {  	_ = 	snop  }
0x5: {  	_ = 	snop  }
0x6: {  	_ = 	snop  }
0x7: {  	_ = 	snop  }
__scs_overlays_trampoline_lowered:
0x8: {  	[smem:$0x3FA6] =	sst s0  }
0x9: {  	[smem:$0x3FA7] =	sst s1  }
0xa: {  	[smem:$0x3FA8] =	sst s2  }
0xb: {  	[smem:$0x3FA9] =	sst s3  }
0xc: {  	[smem:$0x3FAA] =	sst s4  }
0xd: {  	[smem:$0x3FAB] =	sst s5  }
0xe: {  	[smem:$0x3FAC] =	sst s6  }
0xf: {  	[smem:$0x3FAD] =	sst s7  }
0x10: {  	[smem:$0x3FAE] =	sst s8  }
0x11: {  	[smem:$0x3FAF] =	sst s9;
	s0 =	simm.s32 @!p0 $0x0  }
0x12: {  	s1 =	sld [smem:$0x3F95];
	s0 =	simm.s32 @p0 $0x1  }
0x13: {  	[smem:$0x3FB0] =	sst s0;
	s0 =	simm.s32 @!p1 $0x0  }
0x14: {  	s2 =	sld [smem:$0x3F94];
	s0 =	simm.s32 @p1 $0x1  }
0x15: {  	[smem:$0x3FB1] =	sst s0;
	s0 =	simm.s32 @!p2 $0x0  }
0x16: {  	s3 =	sld [smem:$0x3FDB];
	s0 =	simm.s32 @p2 $0x1  }
0x17: {  	s4 =	simm.s32 $0x1BF5;
	[smem:$0x3FB3] =	sst s0  }
0x18: {  	s0 =	sld [smem:$0x3F96];
	_ =	swait.ge [sflag:s4], $0x0  }
0x19: {  	s7 =	sld [smem:$0x3F97]  }
0x1a: {  	s8 =	sadd.s32 $0xFFFFE003, lr  }
0x1b: {  	s9 =	sadd.s32 $0xFFFFFEF7, lr;
	s5 =	simm.s32 $0xFFFFFFFF;
	p2 =	slt.u32 s8, $0xFFFFF086  }
0x1c: {  	p1 =	slt.u32 s9, $0xF7A;
	s5 =	simm.s32 @!p2 $0x0  }
0x1d: {  	s5 =	simm.s32 @p1 $0x1;
	p0 =	seq.s32 s7, s2  }
0x1e: {  	s7 =	smul.u32 @!p0 $0xF7A, s2;
	p2 =	seq.s32 @!p0 s5, $0x0  }
0x1f: {  	s9 =	smul.u32 $0xF7A, s1;
	s8 =	simm.s32 @!p0 $0x1BF5;
	p2 =	por !p2, p0  }
0x20: {  	[sflag:s8] =	ssyncset.s32 @!p0 $0xFFFFF086;
	s6 =	sadd.s32 @!p0 s3, s7;
	s7 =	simm.s32 @!p0 $0x108  }
0x21: {  	s3 =	sadd.s32 s3, s9;
	s6 =	sadd.s32 @!p0 $0x88, s6;
	s7 =	simm.s32 @p2 $0x1082  }
0x22: {  	[simem:s7], [sflag:s8] =	dma.local @!p0 [hbm:s6], $0xF7A  }
0x23: {  	s9 =	sor.u32 $0xD0000000, s2;
	s6 =	simm.s32 $0x108;
	_ =	swait.ge @!p0 [sflag:s8], $0x0  }
0x24: {  	s3 =	sadd.s32 $0x88, s3;
	s6 =	simm.s32 @!p1 $0x1082;
	[sflag:s4] =	ssyncset.s32 $0xFFFFF086  }
0x25: {  	[simem:s6], [sflag:s4] =	dma.local [hbm:s3], $0xF7A  }
0x26: {  	[smem:$0x3F97] =	sst s1;
	(tag) =	ssettag s2;
	_ =	strace s9  }
0x27: {  	s1 =	sld [smem:$0x3FA7]  }
0x28: {  	s2 =	sld [smem:$0x3FA8]  }
0x29: {  	s4 =	sld [smem:$0x3FAA]  }
0x2a: {  	p0 =	seq.s32 s5, $0x0;
	s5 =	sld [smem:$0x3FAB]  }
0x2b: {  	s6 =	sld [smem:$0x3FAC]  }
0x2c: {  	s7 =	sld [smem:$0x3FAD]  }
0x2d: {  	s3 =	simm.s32 $0x108;
	s8 =	sld [smem:$0x3FAE]  }
0x2e: {  	s3 =	simm.s32 @!p0 $0x1082;
	s9 =	sld [smem:$0x3FAF]  }
0x2f: {  	lr =	sadd.s32 s0, s3;
	s0 =	sld [smem:$0x3FA6]  }
0x30: {  	s3 =	sld [smem:$0x3FA9]  }
0x31: {  	[smem:$0x3FB2] =	sst s10  }
0x32: {  	s10 =	sld [smem:$0x3FB0];
	_ =	sdelay $0x3  }
0x33: {  	p0 =	seq.s32 s10, $0x1;
	s10 =	sld [smem:$0x3FB2];
	_ =	sdelay $0x3  }
0x34: {  	[smem:$0x3FB2] =	sst s10  }
0x35: {  	s10 =	sld [smem:$0x3FB1];
	_ =	sdelay $0x3  }
0x36: {  	p1 =	seq.s32 s10, $0x1;
	s10 =	sld [smem:$0x3FB2];
	_ =	sdelay $0x3  }
0x37: {  	[smem:$0x3FB2] =	sst s10  }
0x38: {  	s10 =	sld [smem:$0x3FB3]  }
0x39: {  	_ = 	snop;
	(pc) =	sbr.ind lr, $3  }
0x3a: {  	_ = 	snop  }
0x3b: {  	_ = 	snop  }
0x3c: {  	p2 =	seq.s32 s10, $0x1;
	s10 =	sld [smem:$0x3FB2]  }
0x3d: {  	_ =	shalt  }
0x3e: {  	_ =	shalt  }
0x3f: {  	_ =	shalt  }
0x40: {  	_ =	shalt  }
0x41: {  	_ =	shalt  }
0x42: {  	_ =	shalt  }
0x43: {  	_ =	shalt  }
0x44: {  	_ =	shalt  }
0x45: {  	_ =	shalt  }
0x46: {  	_ =	shalt  }
0x47: {  	_ =	shalt  }
0x48: {  	_ =	shalt  }
0x49: {  	_ =	shalt  }
0x4a: {  	_ =	shalt  }
0x4b: {  	_ =	shalt  }
0x4c: {  	_ =	shalt  }
0x4d: {  	_ =	shalt  }
0x4e: {  	_ =	shalt  }
0x4f: {  	_ =	shalt  }
0x50: {  	_ =	shalt  }
0x51: {  	_ =	shalt  }
0x52: {  	_ =	shalt  }
0x53: {  	_ =	shalt  }
0x54: {  	_ =	shalt  }
0x55: {  	_ =	shalt  }
0x56: {  	_ =	shalt  }
0x57: {  	_ =	shalt  }
0x58: {  	_ =	shalt  }
0x59: {  	_ =	shalt  }
0x5a: {  	_ =	shalt  }
0x5b: {  	_ =	shalt  }
0x5c: {  	_ =	shalt  }
0x5d: {  	_ =	shalt  }
0x5e: {  	_ =	shalt  }
0x5f: {  	_ =	shalt  }
0x60: {  	_ =	shalt  }
0x61: {  	_ =	shalt  }
0x62: {  	_ =	shalt  }
0x63: {  	_ =	shalt  }
0x64: {  	_ =	shalt  }
0x65: {  	_ =	shalt  }
0x66: {  	_ =	shalt  }
0x67: {  	_ =	shalt  }
0x68: {  	_ =	shalt  }
0x69: {  	_ =	shalt  }
0x6a: {  	_ =	shalt  }
0x6b: {  	_ =	shalt  }
0x6c: {  	_ =	shalt  }
0x6d: {  	_ =	shalt  }
0x6e: {  	_ =	shalt  }
0x6f: {  	_ =	shalt  }
0x70: {  	_ =	shalt  }
0x71: {  	_ =	shalt  }
0x72: {  	_ =	shalt  }
0x73: {  	_ =	shalt  }
0x74: {  	_ =	shalt  }
0x75: {  	_ =	shalt  }
0x76: {  	_ =	shalt  }
0x77: {  	_ =	shalt  }
0x78: {  	_ =	shalt  }
0x79: {  	_ =	shalt  }
0x7a: {  	_ =	shalt  }
0x7b: {  	_ =	shalt  }
0x7c: {  	_ =	shalt  }
0x7d: {  	_ =	shalt  }
0x7e: {  	_ =	shalt  }
0x7f: {  	_ =	shalt  }
0x80: {  	_ =	shalt  }
0x81: {  	_ =	shalt  }
0x82: {  	_ =	shalt  }
0x83: {  	_ =	shalt  }
0x84: {  	_ =	shalt  }
0x85: {  	_ =	shalt  }
0x86: {  	_ =	shalt  }
0x87: {  	_ =	shalt  }
.Lfunc_end0:
.L_simem_size_0:
called_computation.1_lowered:
.L_overlay_start_0:
0x88: {  	s2 =	sld [smem:$0x3FD9]  }
0x89: {  	s3 =	sld [smem:$0x3FFE];
	_ =	sdelay $0x1  }
0x8a: {  	s1 =	srdreg.scid  }
0x8b: {  	s0 =	sand.u32 $0x1, s1  }
0x8c: {  	s17 =	sshll.u32 s0, $0xA;
	s2 =	sadd.s32 s3, s2  }
0x8d: {  	s2 =	sadd.s32 s2, s17  }
0x8e: {  	[smem:$0x3FBE] =	sst s2  }
0x8f: {  	_ = 	snop  }
0x90: {  	s18 =	sld [smem:$0x3FC7]  }
0x91: {  	s4 =	sld [smem:$0x3FC6]  }
0x92: {  	s5 =	sld [smem:$0x3FD0];
	(tm) =	ssettm $0x1  }
0x93: {  	s19 =	sld [smem:$0x3FFB];
	_ =	sdelay $0x3  }
0x94: {  	_ =	strace s19  }
0x95: {  	s2 =	sld [smem:$0x3FFC];
	_ =	sdelay $0x3  }
0x96: {  	_ =	strace s2  }
0x97: {  	s2 =	sld [smem:$0x3FFD];
	_ =	sdelay $0x3  }
0x98: {  	_ =	strace s2  }
0x99: {  	_ =	strace $0x8FFFFFFF  }
0x9a: {  	s20 =	sld [smem:$0x3FDB];
	_ =	sdelay $0x1  }
0x9b: {  	s6 =	simm.s32 $_scs_section_size  }
0x9c: {  	s7 =	simm.s32 $_size__tile_overlayer_lowered;
	s8 =	simm.s32 $_tile_overlayer_lowered  }
0x9d: {  	s9 =	simm.s32 $0x1BFF;
	s21 =	sshll.u32 s8, $0x1;
	s6 =	sadd.s32 s6, s20  }
0x9e: {  	s22 =	simm.s32 $0x0;
	s7 =	sshll.u32 s7, $0x1;
	s8 =	sadd.s32 s21, s6  }
0x9f: {  	[timem:s22], [sflag:s9] =	dma.local [hbm:s8], s7  }
0xa0: {  	_ =	swait.ge [sflag:s9], s7  }
0xa1: {  	s7 =	ssub.s32 $0x0, s7;
	[sflag:s9] =	ssyncset.done $0x0  }
0xa2: {  	[sflag:s9] =	ssyncadd.s32 s7;
	_ =	sdelay $0x1  }
0xa3: {  	s23 =	simm.s32 $0x1B8B  }
0xa4: {  	_ =	swait.ge [sflag:s23], $0x1  }
0xa5: {  	[sflag:s23] =	ssyncset.done $0x0  }
0xa6: {  	[sflag:s23] =	ssyncadd.s32 $0xFFFFFFFF  }
0xa7: {  	s7 =	sld [smem:$0x0]  }
0xa8: {  	s8 =	sand.u32 $0xFFFFFFFE, s1  }
0xa9: {  	p0 =	sne.s32 s1, s8  }
0xaa: {  	s8 =	sshll.u32 @p0 s8, $0xE  }
0xab: {  	s8 =	sadd.s32 @p0 $0x11B8D, s8;
	s9 =	sshll.u32 @p0 s7, $0x11  }
0xac: {  	s8 =	sor.u32 @p0 s9, s8  }
0xad: {  	[sflag:s8] =	ssyncadd.remote.s32 @p0 $0x1;
	_ =	sdelay $0x1  }
0xae: {  	s8 =	simm.s32 @p0 $0x1B8D  }
0xaf: {  	_ =	swait.eq @p0 [sflag:s8], $0x1  }
0xb0: {  	[sflag:s8] =	ssyncadd.s32 @p0 $0xFFFFFFFF  }
0xb1: {  	s9 =	sshll.u32 @!p0 s1, $0xE  }
0xb2: {  	s9 =	sor.u32 @!p0 $0x4000, s9;
	s8 =	simm.s32 @!p0 $0x1B8D  }
0xb3: {  	s7 =	sshll.u32 @!p0 s7, $0x11;
	s9 =	sadd.s32 @!p0 $0x11B8D, s9;
	_ =	swait.eq @!p0 [sflag:s8], $0x1  }
0xb4: {  	s7 =	sor.u32 @!p0 s7, s9;
	[sflag:s8] =	ssyncadd.s32 @!p0 $0xFFFFFFFF  }
0xb5: {  	s25 =	simm.s32 $0x1B8E;
	s24 =	sld [smem:$0x3FFE];
	[sflag:s7] =	ssyncadd.remote.s32 @!p0 $0x1  }
0xb6: {  	s26 =	simm.s32 $execute0_lowered;
	[smem:$0x3FD2] =	sst s25  }
0xb7: {  	s8 =	sshll.u32 s26, $0x1;
	_ =	strace $0x80000049;
	[dreg:$0x1] =	wrdreg $0xFFFFFFFF  }
0xb8: {  	s28 =	simm.s32 $_size_execute0_lowered;
	s6 =	sadd.s32 s6, s8;
	[dreg:$0x0] =	wrdreg $0x0  }
0xb9: {  	s8 =	sshll.u32 s28, $0x1;
	[dreg:$0x2] =	wrdreg s6  }
0xba: {  	[dreg:$0x3] =	wrdreg s8  }
0xbb: {  	[dreg:$0x4] =	wrdreg $0xC0  }
0xbc: {  	_ =	task [dreg:s22], $0x5FFFF  }
0xbd: {  	[dreg:$0x1] =	wrdreg $0xFFFFFFFF  }
0xbe: {  	[dreg:$0x0] =	wrdreg $0x60  }
0xbf: {  	[dreg:$0x2] =	wrdreg s5  }
0xc0: {  	[dreg:$0x3] =	wrdreg s24  }
0xc1: {  	[dreg:$0x4] =	wrdreg s18  }
0xc2: {  	[dreg:$0x5] =	wrdreg s4  }
0xc3: {  	[dreg:$0x6] =	wrdreg $0x9  }
0xc4: {  	_ =	task.clear_ibuf [dreg:s22], $0x7FFFF;
	_ =	strace $0x90000049  }
0xc5: {  	s29 =	simm.s32 $0x9;
	_ =	strace $0x8000004B  }
0xc6: {  	_ =	swait.ge [sflag:s29], $0x1  }
0xc7: {  	[sflag:s29] =	ssyncadd.s32 $0xFFFFFFFF  }
0xc8: {  	_ =	strace $0x9000004B  }
0xc9: {  	_ =	sfence  }
0xca: {  	s30 =	sld [smem:$0x0];
	_ =	sdelay $0x2  }
0xcb: {  	s31 =	sshll.u32 s1, $0xD;
	s1 =	sshrl.u32 s1, $0x2  }
0xcc: {  	s4 =	sand.u32 $0x4000, s31;
	s1 =	sadd.s32 s1, s30  }
0xcd: {  	s0 =	sor.u32 s4, s0;
	s1 =	sshll.u32 s1, $0x11  }
0xce: {  	s0 =	sor.u32 s1, s0  }
0xcf: {  	s0 =	sadd.s32 $0x8F2B, s0  }
0xd0: {  	[sflag:s0] =	ssyncadd.remote.s32 $0x1  }
0xd1: {  	_ =	sfence.sel $0xFFFF  }
0xd2: {  	[dreg:$0x0] =	wrdreg $0xFFFFFFFF;
	(pc) =	sbr.abs _section_cstart, $3  }
0xd3: {  	[dreg:$0x1] =	wrdreg $0xFFFFFFFF  }
0xd4: {  	_ =	task.clear_ibuf [dreg:s22], $0x2FFFF;
	_ =	strace $0x9FFFFFFF  }
0xd5: {  	(tm) =	ssettm $0x7FFFFFFF  }
tec
execute0_lowered:
.L_overlay_start_1:
0x0: {  	(tag) =	ssettag $0x1  }
0x1: {  	s1 =	rddreg [dreg:$0x0]  }
0x2: {  	s0 =	rddreg [dreg:$0x1]  }
0x3: {  	s2 =	rddreg [dreg:$0x2];
	s3 =	srdreg.scid  }
0x4: {  	s4 =	stileid.u32;
	s8 =	rddreg [dreg:$0x3]  }
0x5: {  	s29 =	simm.s32 $0x11500;
	s30 =	simm.s32 $0x9D00;
	s31 =	simm.s32 $0x13D00  }
0x6: {  	s28 =	simm.s32 $0x3;
	s7 =	sand.u32 $0x1, s3;
	s4 =	sshll.u32 s4, $0x1  }
0x7: {  	s3 =	simm.s32 $0x0;
	s5 =	sadd.s32 $0x2E00, s0;
	s6 =	sadd.s32 $0x552000, s0  }
0x8: {  	s9 =	sor.u32 s7, s4;
	[smem:$0x7FF] =	sst s3;
	s10 =	ssub.s32 $0x2, s7  }
0x9: {  	s7 =	sadd.s32 $0x7A0000, s0;
	s4 =	smul.u32 $0x1270, s9;
	s11 =	sshrl.u32 s10, $0x1  }
0xa: {  	_ =	strace $0x8000004A;
	s9 =	smul.u32 $0x93800, s9;
	s17 =	ssub.s32 s10, s11  }
0xb: {  	s10 =	simm.s32 $0x8;
	s11 =	simm.s32 $0x0;
	s16 =	sshrl.u32 s4, $0x3  }
0xc: {  	s19 =	sadd.s32 $0x50, s4;
	s20 =	sshrl.u32 s9, $0x3;
	s21 =	sadd.s32 $0xA0, s4  }
0xd: {  	s0 =	smax.u32 s17, $0x1;
	s12 =	sadd.s32 $0x5280, s16;
	[dreg:$0x5] =	wrdreg s19  }
0xe: {  	s9 =	sadd.s32 $0x11800, s20;
	[dreg:$0x6] =	wrdreg s21;
	s23 =	sadd.s32 $0x11D00, s20  }
0xf: {  	[dreg:$0xf] =	wrdreg s0;
	s19 =	simm.s32 $0x50;
	s2 =	sadd.s32 s2, s12  }
0x10: {  	s21 =	simm.s32 $0xC500;
	s18 =	sadd.s32 s8, s12;
	[dreg:$0x7] =	wrdreg s2  }
0x11: {  	s0 =	simm.s32 $0x5;
	s22 =	sadd.s32 s6, s9;
	[dreg:$0x8] =	wrdreg s18  }
0x12: {  	s9 =	sadd.s32 s7, s9;
	s24 =	sadd.s32 s6, s23;
	[dreg:$0x9] =	wrdreg s22  }
0x13: {  	s8 =	sadd.s32 $0x12200, s20;
	s20 =	simm.s32 $0x2500;
	[dreg:$0xa] =	wrdreg s9  }
0x14: {  	[dreg:$0xb] =	wrdreg s24;
	s2 =	sadd.s32 s7, s23;
	s25 =	sadd.s32 s6, s8  }
0x15: {  	s26 =	sadd.s32 s7, s8;
	s22 =	simm.s32 $0x4D00;
	[dreg:$0xc] =	wrdreg s2  }
0x16: {  	s24 =	simm.s32 $0xED00;
	s23 =	simm.s32 $0x2;
	[dreg:$0xd] =	wrdreg s25  }
0x17: {  	s8 =	simm.s32 $0x7;
	s9 =	simm.s32 $0x4;
	[dreg:$0xe] =	wrdreg s26  }
0x18: {  	s26 =	simm.s32 $0x7500;
	s2 =	simm.s32 $0x1;
	s25 =	simm.s32 $0x6  }
.LBB2_1:
0x19: {  	s12 =	rddreg [dreg:$0x7];
	s13 =	simm.s32 $0x9  }
0x1a: {  	[tilespmem:s3], [sflag:$0x9] =	stream.linear.gather [hbm4b:s12+s3], $0x1270, $0x38;
	[tilespmem:$0x16500] =	vst v63  }
0x1b: {  	_ =	swait.ge [sflag:s13], $0x1270  }
0x1c: {  	[sflag:s13] =	ssyncset.done $0x0  }
0x1d: {  	s14 =	simm.s32 $0x1280;
	s17 =	rddreg [dreg:$0x8];
	[sflag:s13] =	ssyncadd.s32 $0xFFFFED90  }
0x1e: {  	[tilespmem:s14], [sflag:$0x9] =	stream.linear.gather [hbm4b:s17+s3], $0x1270, $0x38;
	[tilespmem:$0x16500] =	vst v63  }
0x1f: {  	_ =	swait.ge [sflag:s13], $0x1270  }
0x20: {  	[sflag:s13] =	ssyncset.done $0x0  }
0x21: {  	[sflag:s13] =	ssyncadd.s32 $0xFFFFED90  }
0x22: {  	[tilespmem:s20], [sflag:$0x1] =	stream.indirect.gather [hbm4b:s1+s19], $0x80, s3, s19, $0xb8;
	[tilespmem:$0x16500] =	vst v63  }
0x23: {  	_ = 	snop  }
0x24: {  	[tilespmem:s21], [sflag:$0x1] =	stream.indirect.gather [hbm4b:s5+s19], $0x80, s14, s19, $0xb8;
	[tilespmem:$0x16500] =	vst v63  }
0x25: {  	_ = 	snop  }
0x26: {  	[tilespmem:s22], [sflag:$0x2] =	stream.indirect.gather [hbm4b:s1+s19], $0x80, s19, s19, $0xb8;
	[tilespmem:$0x16500] =	vst v63  }
0x27: {  	s18 =	simm.s32 $0x12D0  }
0x28: {  	[tilespmem:s24], [sflag:$0x2] =	stream.indirect.gather [hbm4b:s5+s19], $0x80, s18, s19, $0xb8;
	[tilespmem:$0x16500] =	vst v63  }
0x29: {  	p0 =	por $0x1, $0x1;
	s13 =	simm.s32 $0xA0  }
0x2a: {  	[tilespmem:s26], [sflag:$0x3] =	stream.indirect.gather [hbm4b:s1+s19], $0x80, s13, s19, $0xb8;
	[tilespmem:$0x16500] =	vst v63  }
0x2b: {  	s14 =	simm.s32 $0x1320;
	s13 =	simm.s32 @!p0 $0x8  }
0x2c: {  	[tilespmem:s29], [sflag:$0x3] =	stream.indirect.gather [hbm4b:s5+s19], $0x80, s14, s19, $0xb8;
	[tilespmem:$0x16500] =	vst v63  }
0x2d: {  	_ =	swait.ge @!p0 [sflag:s13], $0x2800  }
0x2e: {  	[sflag:s13] =	ssyncset.done @!p0 $0x0  }
0x2f: {  	[sflag:s13] =	ssyncadd.s32 @!p0 $0xFFFFD800  }
0x30: {  	_ =	swait.ge @!p0 [sflag:s13], $0x2800  }
0x31: {  	s12 =	simm.s32 @!p0 $0xF0;
	[sflag:s13] =	ssyncset.done @!p0 $0x0  }
0x32: {  	s12 =	simm.s32 @p0 $0xF0;
	[sflag:s13] =	ssyncadd.s32 @!p0 $0xFFFFD800  }
0x33: {  	[tilespmem:s30], [sflag:$0x4] =	stream.indirect.gather [hbm4b:s1+s19], $0x80, s12, s19, $0xb8;
	[tilespmem:$0x16500] =	vst v63  }
0x34: {  	s15 =	sadd.s32 $0x1280, s12  }
0x35: {  	[tilespmem:s31], [sflag:$0x4] =	stream.indirect.gather [hbm4b:s5+s19], $0x80, s15, s19, $0xb8;
	[tilespmem:$0x16500] =	vst v63  }
0x36: {  	_ =	swait.ge [sflag:s2], $0x2800  }
0x37: {  	s13 =	simm.s32 $0x0;
	[sflag:s2] =	ssyncset.done $0x0  }
0x38: {  	s13 =	simm.s32 @p0 $0x0;
	[sflag:s2] =	ssyncadd.s32 $0xFFFFD800  }
0x39: {  	s16 =	sadd.s32 s4, s13;
	_ =	swait.ge [sflag:s2], $0x2800  }
0x3a: {  	s14 =	sshll.u32 s16, $0x4;
	[sflag:s2] =	ssyncset.done $0x0  }
0x3b: {  	s18 =	sadd.s32 s6, s14;
	[sflag:s2] =	ssyncadd.s32 $0xFFFFD800  }
0x3c: {  	[hbm4b:s18+s3] =	stream.linear.scatter [tilespmem:s20], [sflag:$0x5], $0x2800, $0x38;
	[tilespmem:$0x16500] =	vst v63  }
0x3d: {  	s14 =	sadd.s32 s7, s14  }
0x3e: {  	[hbm4b:s14+s3] =	stream.linear.scatter [tilespmem:s21], [sflag:$0x5], $0x2800, $0x38;
	[tilespmem:$0x16500] =	vst v63  }
0x3f: {  	_ =	swait.ge [sflag:s0], $0x2800  }
0x40: {  	[sflag:s0] =	ssyncset.done $0x0  }
0x41: {  	[sflag:s0] =	ssyncadd.s32 $0xFFFFD800  }
0x42: {  	_ =	swait.ge [sflag:s0], $0x2800  }
0x43: {  	[sflag:s0] =	ssyncset.done $0x0  }
0x44: {  	s17 =	sadd.s32 $0x140, s13;
	[sflag:s0] =	ssyncadd.s32 $0xFFFFD800  }
0x45: {  	[tilespmem:s20], [sflag:$0x1] =	stream.indirect.gather [hbm4b:s1+s19], $0x80, s17, s19, $0xb8;
	[tilespmem:$0x16500] =	vst v63  }
0x46: {  	s18 =	sadd.s32 $0x13C0, s13  }
0x47: {  	[tilespmem:s21], [sflag:$0x1] =	stream.indirect.gather [hbm4b:s5+s19], $0x80, s18, s19, $0xb8;
	[tilespmem:$0x16500] =	vst v63  }
0x48: {  	_ =	swait.ge [sflag:s23], $0x2800  }
0x49: {  	[sflag:s23] =	ssyncset.done $0x0  }
0x4a: {  	[sflag:s23] =	ssyncadd.s32 $0xFFFFD800  }
0x4b: {  	_ =	swait.ge [sflag:s23], $0x2800  }
0x4c: {  	s15 =	rddreg [dreg:$0x5]  }
0x4d: {  	s14 =	sadd.s32 s13, s15  }
0x4e: {  	[sflag:s23] =	ssyncset.done $0x0;
	s14 =	sshll.u32 s14, $0x4  }
0x4f: {  	[sflag:s23] =	ssyncadd.s32 $0xFFFFD800;
	s16 =	sadd.s32 s6, s14  }
0x50: {  	[hbm4b:s16+s3] =	stream.linear.scatter [tilespmem:s22], [sflag:$0x6], $0x2800, $0x38;
	[tilespmem:$0x16500] =	vst v63  }
0x51: {  	s14 =	sadd.s32 s7, s14  }
0x52: {  	[hbm4b:s14+s3] =	stream.linear.scatter [tilespmem:s24], [sflag:$0x6], $0x2800, $0x38;
	[tilespmem:$0x16500] =	vst v63  }
0x53: {  	_ =	swait.ge [sflag:s25], $0x2800  }
0x54: {  	[sflag:s25] =	ssyncset.done $0x0  }
0x55: {  	[sflag:s25] =	ssyncadd.s32 $0xFFFFD800  }
0x56: {  	_ =	swait.ge [sflag:s25], $0x2800  }
0x57: {  	[sflag:s25] =	ssyncset.done $0x0  }
0x58: {  	s17 =	sadd.s32 $0x190, s13;
	[sflag:s25] =	ssyncadd.s32 $0xFFFFD800  }
0x59: {  	[tilespmem:s22], [sflag:$0x2] =	stream.indirect.gather [hbm4b:s1+s19], $0x80, s17, s19, $0xb8;
	[tilespmem:$0x16500] =	vst v63  }
0x5a: {  	s18 =	sadd.s32 $0x1410, s13  }
0x5b: {  	[tilespmem:s24], [sflag:$0x2] =	stream.indirect.gather [hbm4b:s5+s19], $0x80, s18, s19, $0xb8;
	[tilespmem:$0x16500] =	vst v63  }
0x5c: {  	_ =	swait.ge [sflag:s28], $0x2800  }
0x5d: {  	[sflag:s28] =	ssyncset.done $0x0  }
0x5e: {  	[sflag:s28] =	ssyncadd.s32 $0xFFFFD800  }
0x5f: {  	_ =	swait.ge [sflag:s28], $0x2800  }
0x60: {  	s15 =	rddreg [dreg:$0x6]  }
0x61: {  	s14 =	sadd.s32 s13, s15  }
0x62: {  	[sflag:s28] =	ssyncset.done $0x0;
	s14 =	sshll.u32 s14, $0x4  }
0x63: {  	[sflag:s28] =	ssyncadd.s32 $0xFFFFD800;
	s16 =	sadd.s32 s6, s14  }
0x64: {  	[hbm4b:s16+s3] =	stream.linear.scatter [tilespmem:s26], [sflag:$0x7], $0x2800, $0x38;
	[tilespmem:$0x16500] =	vst v63  }
0x65: {  	s14 =	sadd.s32 s7, s14  }
0x66: {  	[hbm4b:s14+s3] =	stream.linear.scatter [tilespmem:s29], [sflag:$0x7], $0x2800, $0x38;
	[tilespmem:$0x16500] =	vst v63  }
0x67: {  	_ =	swait.ge [sflag:s8], $0x2800  }
0x68: {  	[sflag:s8] =	ssyncset.done $0x0  }
0x69: {  	[sflag:s8] =	ssyncadd.s32 $0xFFFFD800  }
0x6a: {  	_ =	swait.ge [sflag:s8], $0x2800  }
0x6b: {  	[sflag:s8] =	ssyncset.done $0x0  }
0x6c: {  	s17 =	sadd.s32 $0x1E0, s13;
	[sflag:s8] =	ssyncadd.s32 $0xFFFFD800  }
0x6d: {  	[tilespmem:s26], [sflag:$0x3] =	stream.indirect.gather [hbm4b:s1+s19], $0x80, s17, s19, $0xb8;
	[tilespmem:$0x16500] =	vst v63  }
0x6e: {  	s13 =	sadd.s32 $0x1460, s13  }
0x6f: {  	[tilespmem:s29], [sflag:$0x3] =	stream.indirect.gather [hbm4b:s5+s19], $0x80, s13, s19, $0xb8;
	[tilespmem:$0x16500] =	vst v63  }
0x70: {  	_ =	swait.ge [sflag:s9], $0x2800  }
0x71: {  	[sflag:s9] =	ssyncset.done $0x0  }
0x72: {  	[sflag:s9] =	ssyncadd.s32 $0xFFFFD800  }
0x73: {  	s12 =	sadd.s32 s4, s12;
	_ =	swait.ge [sflag:s9], $0x2800  }
0x74: {  	s18 =	sshll.u32 s12, $0x4;
	[sflag:s9] =	ssyncset.done $0x0  }
0x75: {  	p1 =	por $0x0, $0x0;
	s12 =	sadd.s32 s6, s18;
	[sflag:s9] =	ssyncadd.s32 $0xFFFFD800  }
0x76: {  	[hbm4b:s12+s3] =	stream.linear.scatter [tilespmem:s30], [sflag:$0x8], $0x2800, $0x38;
	[tilespmem:$0x16500] =	vst v63  }
0x77: {  	s18 =	sadd.s32 s7, s18;
	s14 =	simm.s32 $0x140;
	s12 =	simm.s32 $0x280  }
.LBB2_2:
0x78: {  	s15 =	simm.s32 @!p1 $0x8  }
0x79: {  	[hbm4b:s18+s3] =	stream.linear.scatter [tilespmem:s31], [sflag:$0x8], $0x2800, $0x38;
	[tilespmem:$0x16500] =	vst v63  }
0x7a: {  	_ =	swait.ge @!p1 [sflag:s15], $0x2800  }
0x7b: {  	[sflag:s15] =	ssyncset.done @!p1 $0x0  }
0x7c: {  	[sflag:s15] =	ssyncadd.s32 @!p1 $0xFFFFD800  }
0x7d: {  	_ =	swait.ge @!p1 [sflag:s15], $0x2800  }
0x7e: {  	s16 =	sadd.s32 @!p1 $0xF0, s14;
	[sflag:s15] =	ssyncset.done @!p1 $0x0  }
0x7f: {  	s16 =	simm.s32 @p1 $0xF0;
	[sflag:s15] =	ssyncadd.s32 @!p1 $0xFFFFD800  }
0x80: {  	[tilespmem:s30], [sflag:$0x4] =	stream.indirect.gather [hbm4b:s1+s19], $0x80, s16, s19, $0xb8;
	[tilespmem:$0x16500] =	vst v63  }
0x81: {  	s18 =	sadd.s32 $0x1280, s16  }
0x82: {  	[tilespmem:s31], [sflag:$0x4] =	stream.indirect.gather [hbm4b:s5+s19], $0x80, s18, s19, $0xb8;
	[tilespmem:$0x16500] =	vst v63  }
0x83: {  	_ =	swait.ge [sflag:s2], $0x2800  }
0x84: {  	s18 =	smov.u32 s14;
	[sflag:s2] =	ssyncset.done $0x0  }
0x85: {  	s18 =	simm.s32 @p1 $0x0;
	[sflag:s2] =	ssyncadd.s32 $0xFFFFD800  }
0x86: {  	s13 =	sadd.s32 s4, s16;
	s16 =	sadd.s32 s4, s18;
	_ =	swait.ge [sflag:s2], $0x2800  }
0x87: {  	s17 =	smov.u32 s12;
	s15 =	sshll.u32 s16, $0x4;
	[sflag:s2] =	ssyncset.done $0x0  }
0x88: {  	s14 =	smov.u32 s17;
	s17 =	sadd.s32 s6, s15;
	[sflag:s2] =	ssyncadd.s32 $0xFFFFD800  }
0x89: {  	[hbm4b:s17+s3] =	stream.linear.scatter [tilespmem:s20], [sflag:$0x5], $0x2800, $0x38;
	[tilespmem:$0x16500] =	vst v63  }
0x8a: {  	s15 =	sadd.s32 s7, s15  }
0x8b: {  	[hbm4b:s15+s3] =	stream.linear.scatter [tilespmem:s21], [sflag:$0x5], $0x2800, $0x38;
	[tilespmem:$0x16500] =	vst v63  }
0x8c: {  	_ =	swait.ge [sflag:s0], $0x2800  }
0x8d: {  	[sflag:s0] =	ssyncset.done $0x0  }
0x8e: {  	[sflag:s0] =	ssyncadd.s32 $0xFFFFD800  }
0x8f: {  	_ =	swait.ge [sflag:s0], $0x2800  }
0x90: {  	[sflag:s0] =	ssyncset.done $0x0  }
0x91: {  	s16 =	sadd.s32 $0x140, s18;
	[sflag:s0] =	ssyncadd.s32 $0xFFFFD800  }
0x92: {  	[tilespmem:s20], [sflag:$0x1] =	stream.indirect.gather [hbm4b:s1+s19], $0x80, s16, s19, $0xb8;
	[tilespmem:$0x16500] =	vst v63  }
0x93: {  	s17 =	sadd.s32 $0x13C0, s18  }
0x94: {  	[tilespmem:s21], [sflag:$0x1] =	stream.indirect.gather [hbm4b:s5+s19], $0x80, s17, s19, $0xb8;
	[tilespmem:$0x16500] =	vst v63  }
0x95: {  	_ =	swait.ge [sflag:s23], $0x2800  }
0x96: {  	[sflag:s23] =	ssyncset.done $0x0  }
0x97: {  	[sflag:s23] =	ssyncadd.s32 $0xFFFFD800  }
0x98: {  	_ =	swait.ge [sflag:s23], $0x2800  }
0x99: {  	s16 =	rddreg [dreg:$0x5]  }
0x9a: {  	s15 =	sadd.s32 s18, s16  }
0x9b: {  	[sflag:s23] =	ssyncset.done $0x0;
	s15 =	sshll.u32 s15, $0x4  }
0x9c: {  	[sflag:s23] =	ssyncadd.s32 $0xFFFFD800;
	s17 =	sadd.s32 s6, s15  }
0x9d: {  	[hbm4b:s17+s3] =	stream.linear.scatter [tilespmem:s22], [sflag:$0x6], $0x2800, $0x38;
	[tilespmem:$0x16500] =	vst v63  }
0x9e: {  	s15 =	sadd.s32 s7, s15  }
0x9f: {  	[hbm4b:s15+s3] =	stream.linear.scatter [tilespmem:s24], [sflag:$0x6], $0x2800, $0x38;
	[tilespmem:$0x16500] =	vst v63  }
0xa0: {  	_ =	swait.ge [sflag:s25], $0x2800  }
0xa1: {  	[sflag:s25] =	ssyncset.done $0x0  }
0xa2: {  	[sflag:s25] =	ssyncadd.s32 $0xFFFFD800  }
0xa3: {  	_ =	swait.ge [sflag:s25], $0x2800  }
0xa4: {  	[sflag:s25] =	ssyncset.done $0x0  }
0xa5: {  	s16 =	sadd.s32 $0x190, s18;
	[sflag:s25] =	ssyncadd.s32 $0xFFFFD800  }
0xa6: {  	[tilespmem:s22], [sflag:$0x2] =	stream.indirect.gather [hbm4b:s1+s19], $0x80, s16, s19, $0xb8;
	[tilespmem:$0x16500] =	vst v63  }
0xa7: {  	s17 =	sadd.s32 $0x1410, s18  }
0xa8: {  	[tilespmem:s24], [sflag:$0x2] =	stream.indirect.gather [hbm4b:s5+s19], $0x80, s17, s19, $0xb8;
	[tilespmem:$0x16500] =	vst v63  }
0xa9: {  	_ =	swait.ge [sflag:s28], $0x2800  }
0xaa: {  	[sflag:s28] =	ssyncset.done $0x0  }
0xab: {  	[sflag:s28] =	ssyncadd.s32 $0xFFFFD800  }
0xac: {  	_ =	swait.ge [sflag:s28], $0x2800  }
0xad: {  	s16 =	rddreg [dreg:$0x6]  }
0xae: {  	s15 =	sadd.s32 s18, s16  }
0xaf: {  	[sflag:s28] =	ssyncset.done $0x0;
	s15 =	sshll.u32 s15, $0x4  }
0xb0: {  	[sflag:s28] =	ssyncadd.s32 $0xFFFFD800;
	s17 =	sadd.s32 s6, s15  }
0xb1: {  	[hbm4b:s17+s3] =	stream.linear.scatter [tilespmem:s26], [sflag:$0x7], $0x2800, $0x38;
	[tilespmem:$0x16500] =	vst v63  }
0xb2: {  	s15 =	sadd.s32 s7, s15  }
0xb3: {  	[hbm4b:s15+s3] =	stream.linear.scatter [tilespmem:s29], [sflag:$0x7], $0x2800, $0x38;
	[tilespmem:$0x16500] =	vst v63  }
0xb4: {  	_ =	swait.ge [sflag:s8], $0x2800  }
0xb5: {  	[sflag:s8] =	ssyncset.done $0x0  }
0xb6: {  	[sflag:s8] =	ssyncadd.s32 $0xFFFFD800  }
0xb7: {  	_ =	swait.ge [sflag:s8], $0x2800  }
0xb8: {  	[sflag:s8] =	ssyncset.done $0x0  }
0xb9: {  	s17 =	sadd.s32 $0x1E0, s18;
	[sflag:s8] =	ssyncadd.s32 $0xFFFFD800  }
0xba: {  	[tilespmem:s26], [sflag:$0x3] =	stream.indirect.gather [hbm4b:s1+s19], $0x80, s17, s19, $0xb8;
	[tilespmem:$0x16500] =	vst v63  }
0xbb: {  	s18 =	sadd.s32 $0x1460, s18  }
0xbc: {  	[tilespmem:s29], [sflag:$0x3] =	stream.indirect.gather [hbm4b:s5+s19], $0x80, s18, s19, $0xb8;
	[tilespmem:$0x16500] =	vst v63  }
0xbd: {  	s12 =	sadd.s32 $0x140, s12;
	_ =	swait.ge [sflag:s9], $0x2800  }
0xbe: {  	p0 =	sne.s32 s12, $0x1180;
	[sflag:s9] =	ssyncset.done $0x0  }
.Ltmp0:
0xbf: {  	[sflag:s9] =	ssyncadd.s32 $0xFFFFD800;
	(pc) =	sbr.rel @p0 .LBB2_2-.Ltmp0, $4  }
0xc0: {  	_ =	swait.ge [sflag:s9], $0x2800  }
0xc1: {  	s13 =	sshll.u32 s13, $0x4;
	p1 =	seq.s32 s14, $0x0;
	[sflag:s9] =	ssyncset.done $0x0  }
0xc2: {  	s18 =	sadd.s32 s7, s13;
	s13 =	sadd.s32 s6, s13;
	[sflag:s9] =	ssyncadd.s32 $0xFFFFD800  }
0xc3: {  	[hbm4b:s13+s3] =	stream.linear.scatter [tilespmem:s30], [sflag:$0x8], $0x2800, $0x38;
	[tilespmem:$0x16500] =	vst v63  }
0xc4: {  	s13 =	simm.s32 @!p1 $0x8  }
0xc5: {  	[hbm4b:s18+s3] =	stream.linear.scatter [tilespmem:s31], [sflag:$0x8], $0x2800, $0x38;
	[tilespmem:$0x16500] =	vst v63  }
0xc6: {  	_ =	swait.ge @!p1 [sflag:s13], $0x2800  }
0xc7: {  	[sflag:s13] =	ssyncset.done @!p1 $0x0  }
0xc8: {  	[sflag:s13] =	ssyncadd.s32 @!p1 $0xFFFFD800  }
0xc9: {  	_ =	swait.ge @!p1 [sflag:s13], $0x2800  }
0xca: {  	s12 =	sadd.s32 @!p1 $0xF0, s14;
	[sflag:s13] =	ssyncset.done @!p1 $0x0  }
0xcb: {  	s12 =	simm.s32 @p1 $0xF0;
	[sflag:s13] =	ssyncadd.s32 @!p1 $0xFFFFD800  }
0xcc: {  	[tilespmem:s30], [sflag:$0x4] =	stream.indirect.gather [hbm4b:s1+s19], $0x80, s12, s19, $0xb8;
	[tilespmem:$0x16500] =	vst v63  }
0xcd: {  	s17 =	sadd.s32 $0x1280, s12  }
0xce: {  	[tilespmem:s31], [sflag:$0x4] =	stream.indirect.gather [hbm4b:s5+s19], $0x80, s17, s19, $0xb8;
	[tilespmem:$0x16500] =	vst v63  }
0xcf: {  	_ =	swait.ge [sflag:s2], $0x2800  }
0xd0: {  	[sflag:s2] =	ssyncset.done $0x0  }
0xd1: {  	s14 =	simm.s32 @p1 $0x0;
	[sflag:s2] =	ssyncadd.s32 $0xFFFFD800  }
0xd2: {  	s18 =	sadd.s32 s4, s14;
	_ =	swait.ge [sflag:s2], $0x2800  }
0xd3: {  	s13 =	sshll.u32 s18, $0x4;
	[sflag:s2] =	ssyncset.done $0x0  }
0xd4: {  	s15 =	sadd.s32 s6, s13;
	[sflag:s2] =	ssyncadd.s32 $0xFFFFD800  }
0xd5: {  	[hbm4b:s15+s3] =	stream.linear.scatter [tilespmem:s20], [sflag:$0x5], $0x2800, $0x38;
	[tilespmem:$0x16500] =	vst v63  }
0xd6: {  	s13 =	sadd.s32 s7, s13  }
0xd7: {  	[hbm4b:s13+s3] =	stream.linear.scatter [tilespmem:s21], [sflag:$0x5], $0x2800, $0x38;
	[tilespmem:$0x16500] =	vst v63  }
0xd8: {  	_ =	swait.ge [sflag:s0], $0x2800  }
0xd9: {  	[sflag:s0] =	ssyncset.done $0x0  }
0xda: {  	[sflag:s0] =	ssyncadd.s32 $0xFFFFD800  }
0xdb: {  	_ =	swait.ge [sflag:s0], $0x2800  }
0xdc: {  	[sflag:s0] =	ssyncset.done $0x0  }
0xdd: {  	s15 =	sadd.s32 $0x140, s14;
	[sflag:s0] =	ssyncadd.s32 $0xFFFFD800  }
0xde: {  	[tilespmem:s20], [sflag:$0x1] =	stream.indirect.gather [hbm4b:s1+s19], $0x80, s15, s19, $0xb8;
	[tilespmem:$0x16500] =	vst v63  }
0xdf: {  	s16 =	sadd.s32 $0x13C0, s14  }
0xe0: {  	[tilespmem:s21], [sflag:$0x1] =	stream.indirect.gather [hbm4b:s5+s19], $0x80, s16, s19, $0xb8;
	[tilespmem:$0x16500] =	vst v63  }
0xe1: {  	_ =	swait.ge [sflag:s23], $0x2800  }
0xe2: {  	[sflag:s23] =	ssyncset.done $0x0  }
0xe3: {  	[sflag:s23] =	ssyncadd.s32 $0xFFFFD800  }
0xe4: {  	_ =	swait.ge [sflag:s23], $0x2800  }
0xe5: {  	s17 =	rddreg [dreg:$0x5]  }
0xe6: {  	s13 =	sadd.s32 s14, s17  }
0xe7: {  	[sflag:s23] =	ssyncset.done $0x0;
	s13 =	sshll.u32 s13, $0x4  }
0xe8: {  	[sflag:s23] =	ssyncadd.s32 $0xFFFFD800;
	s18 =	sadd.s32 s6, s13  }
0xe9: {  	[hbm4b:s18+s3] =	stream.linear.scatter [tilespmem:s22], [sflag:$0x6], $0x2800, $0x38;
	[tilespmem:$0x16500] =	vst v63  }
0xea: {  	s13 =	sadd.s32 s7, s13  }
0xeb: {  	[hbm4b:s13+s3] =	stream.linear.scatter [tilespmem:s24], [sflag:$0x6], $0x2800, $0x38;
	[tilespmem:$0x16500] =	vst v63  }
0xec: {  	_ =	swait.ge [sflag:s25], $0x2800  }
0xed: {  	[sflag:s25] =	ssyncset.done $0x0  }
0xee: {  	[sflag:s25] =	ssyncadd.s32 $0xFFFFD800  }
0xef: {  	_ =	swait.ge [sflag:s25], $0x2800  }
0xf0: {  	[sflag:s25] =	ssyncset.done $0x0  }
0xf1: {  	s15 =	sadd.s32 $0x190, s14;
	[sflag:s25] =	ssyncadd.s32 $0xFFFFD800  }
0xf2: {  	[tilespmem:s22], [sflag:$0x2] =	stream.indirect.gather [hbm4b:s1+s19], $0x80, s15, s19, $0xb8;
	[tilespmem:$0x16500] =	vst v63  }
0xf3: {  	s16 =	sadd.s32 $0x1410, s14  }
0xf4: {  	[tilespmem:s24], [sflag:$0x2] =	stream.indirect.gather [hbm4b:s5+s19], $0x80, s16, s19, $0xb8;
	[tilespmem:$0x16500] =	vst v63  }
0xf5: {  	_ =	swait.ge [sflag:s28], $0x2800  }
0xf6: {  	[sflag:s28] =	ssyncset.done $0x0  }
0xf7: {  	[sflag:s28] =	ssyncadd.s32 $0xFFFFD800  }
0xf8: {  	_ =	swait.ge [sflag:s28], $0x2800  }
0xf9: {  	s17 =	rddreg [dreg:$0x6]  }
0xfa: {  	s13 =	sadd.s32 s14, s17  }
0xfb: {  	[sflag:s28] =	ssyncset.done $0x0;
	s13 =	sshll.u32 s13, $0x4  }
0xfc: {  	[sflag:s28] =	ssyncadd.s32 $0xFFFFD800;
	s18 =	sadd.s32 s6, s13  }
0xfd: {  	[hbm4b:s18+s3] =	stream.linear.scatter [tilespmem:s26], [sflag:$0x7], $0x2800, $0x38;
	[tilespmem:$0x16500] =	vst v63  }
0xfe: {  	s13 =	sadd.s32 s7, s13  }
0xff: {  	[hbm4b:s13+s3] =	stream.linear.scatter [tilespmem:s29], [sflag:$0x7], $0x2800, $0x38;
	[tilespmem:$0x16500] =	vst v63  }
0x100: {  	_ =	swait.ge [sflag:s8], $0x2800  }
0x101: {  	[sflag:s8] =	ssyncset.done $0x0  }
0x102: {  	[sflag:s8] =	ssyncadd.s32 $0xFFFFD800  }
0x103: {  	_ =	swait.ge [sflag:s8], $0x2800  }
0x104: {  	[sflag:s8] =	ssyncset.done $0x0  }
0x105: {  	s15 =	sadd.s32 $0x1E0, s14;
	[sflag:s8] =	ssyncadd.s32 $0xFFFFD800  }
0x106: {  	[tilespmem:s26], [sflag:$0x3] =	stream.indirect.gather [hbm4b:s1+s19], $0x80, s15, s19, $0xb8;
	[tilespmem:$0x16500] =	vst v63  }
0x107: {  	s16 =	sadd.s32 $0x1460, s14  }
0x108: {  	[tilespmem:s29], [sflag:$0x3] =	stream.indirect.gather [hbm4b:s5+s19], $0x80, s16, s19, $0xb8;
	[tilespmem:$0x16500] =	vst v63  }
0x109: {  	_ =	swait.ge [sflag:s9], $0x2800  }
0x10a: {  	[sflag:s9] =	ssyncset.done $0x0  }
0x10b: {  	[sflag:s9] =	ssyncadd.s32 $0xFFFFD800  }
0x10c: {  	s12 =	sadd.s32 s4, s12;
	_ =	swait.ge [sflag:s9], $0x2800  }
0x10d: {  	s12 =	sshll.u32 s12, $0x4;
	[sflag:s9] =	ssyncset.done $0x0  }
0x10e: {  	s17 =	sadd.s32 s6, s12;
	[sflag:s9] =	ssyncadd.s32 $0xFFFFD800  }
0x10f: {  	[hbm4b:s17+s3] =	stream.linear.scatter [tilespmem:s30], [sflag:$0x8], $0x2800, $0x38;
	[tilespmem:$0x16500] =	vst v63  }
0x110: {  	s12 =	sadd.s32 s7, s12  }
0x111: {  	[hbm4b:s12+s3] =	stream.linear.scatter [tilespmem:s31], [sflag:$0x8], $0x2800, $0x38;
	[tilespmem:$0x16500] =	vst v63  }
0x112: {  	_ =	swait.ge [sflag:s10], $0x2800  }
0x113: {  	[sflag:s10] =	ssyncset.done $0x0  }
0x114: {  	[sflag:s10] =	ssyncadd.s32 $0xFFFFD800  }
0x115: {  	_ =	swait.ge [sflag:s10], $0x2800  }
0x116: {  	[sflag:s10] =	ssyncset.done $0x0  }
0x117: {  	[sflag:s10] =	ssyncadd.s32 $0xFFFFD800  }
0x118: {  	_ =	swait.ge [sflag:s2], $0x2800  }
0x119: {  	[sflag:s2] =	ssyncset.done $0x0  }
0x11a: {  	[sflag:s2] =	ssyncadd.s32 $0xFFFFD800  }
0x11b: {  	_ =	swait.ge [sflag:s2], $0x2800  }
0x11c: {  	[sflag:s2] =	ssyncset.done $0x0  }
0x11d: {  	s18 =	rddreg [dreg:$0x9];
	[sflag:s2] =	ssyncadd.s32 $0xFFFFD800  }
0x11e: {  	[hbm4b:s18+s3] =	stream.linear.scatter [tilespmem:s20], [sflag:$0x5], $0x2800, $0x38;
	[tilespmem:$0x16500] =	vst v63  }
0x11f: {  	s13 =	rddreg [dreg:$0xa]  }
0x120: {  	[hbm4b:s13+s3] =	stream.linear.scatter [tilespmem:s21], [sflag:$0x5], $0x2800, $0x38;
	[tilespmem:$0x16500] =	vst v63  }
0x121: {  	_ =	swait.ge [sflag:s0], $0x2800  }
0x122: {  	[sflag:s0] =	ssyncset.done $0x0  }
0x123: {  	[sflag:s0] =	ssyncadd.s32 $0xFFFFD800  }
0x124: {  	_ =	swait.ge [sflag:s0], $0x2800  }
0x125: {  	[sflag:s0] =	ssyncset.done $0x0  }
0x126: {  	[sflag:s0] =	ssyncadd.s32 $0xFFFFD800  }
0x127: {  	_ =	swait.ge [sflag:s23], $0x2800  }
0x128: {  	[sflag:s23] =	ssyncset.done $0x0  }
0x129: {  	[sflag:s23] =	ssyncadd.s32 $0xFFFFD800  }
0x12a: {  	_ =	swait.ge [sflag:s23], $0x2800  }
0x12b: {  	[sflag:s23] =	ssyncset.done $0x0  }
0x12c: {  	s14 =	rddreg [dreg:$0xb];
	[sflag:s23] =	ssyncadd.s32 $0xFFFFD800  }
0x12d: {  	[hbm4b:s14+s3] =	stream.linear.scatter [tilespmem:s22], [sflag:$0x6], $0x2800, $0x38;
	[tilespmem:$0x16500] =	vst v63  }
0x12e: {  	s15 =	rddreg [dreg:$0xc]  }
0x12f: {  	[hbm4b:s15+s3] =	stream.linear.scatter [tilespmem:s24], [sflag:$0x6], $0x2800, $0x38;
	[tilespmem:$0x16500] =	vst v63  }
0x130: {  	_ =	swait.ge [sflag:s25], $0x2800  }
0x131: {  	[sflag:s25] =	ssyncset.done $0x0  }
0x132: {  	[sflag:s25] =	ssyncadd.s32 $0xFFFFD800  }
0x133: {  	_ =	swait.ge [sflag:s25], $0x2800  }
0x134: {  	[sflag:s25] =	ssyncset.done $0x0  }
0x135: {  	[sflag:s25] =	ssyncadd.s32 $0xFFFFD800  }
0x136: {  	_ =	swait.ge [sflag:s28], $0x2800  }
0x137: {  	[sflag:s28] =	ssyncset.done $0x0  }
0x138: {  	[sflag:s28] =	ssyncadd.s32 $0xFFFFD800  }
0x139: {  	_ =	swait.ge [sflag:s28], $0x2800  }
0x13a: {  	[sflag:s28] =	ssyncset.done $0x0  }
0x13b: {  	s16 =	rddreg [dreg:$0xd];
	[sflag:s28] =	ssyncadd.s32 $0xFFFFD800  }
0x13c: {  	[hbm4b:s16+s3] =	stream.linear.scatter [tilespmem:s26], [sflag:$0x7], $0x2800, $0x38;
	[tilespmem:$0x16500] =	vst v63  }
0x13d: {  	s17 =	rddreg [dreg:$0xe]  }
0x13e: {  	[hbm4b:s17+s3] =	stream.linear.scatter [tilespmem:s29], [sflag:$0x7], $0x2800, $0x38;
	[tilespmem:$0x16500] =	vst v63  }
0x13f: {  	_ =	swait.ge [sflag:s8], $0x2800  }
0x140: {  	[sflag:s8] =	ssyncset.done $0x0  }
0x141: {  	[sflag:s8] =	ssyncadd.s32 $0xFFFFD800  }
0x142: {  	_ =	swait.ge [sflag:s8], $0x2800  }
0x143: {  	s11 =	sadd.s32 $0x1, s11;
	s18 =	rddreg [dreg:$0xf]  }
0x144: {  	p0 =	sne.s32 s11, s18  }
.Ltmp1:
0x145: {  	_ = 	snop;
	(pc) =	sbr.rel @p0 .LBB2_1-.Ltmp1, $3  }
0x146: {  	_ =	sdelay $0x1  }
0x147: {  	[sflag:s8] =	ssyncset.done $0x0  }
0x148: {  	[sflag:s8] =	ssyncadd.s32 $0xFFFFD800  }
0x149: {  	_ =	sfence.sel $0x180000  }
0x14a: {  	[bflag:$0x0] =	sbarrier.arrive $0xFFFF  }
0x14b: {  	_ =	strace $0x9000004A  }
0x14c: {  	s0 =	stileid.u32;
	[bflag:$0x2] =	sbarrier.arrive $0xFFFF  }
0x14d: {  	p0 =	sne.s32 s0, $0x0;
	s0 =	rddreg [dreg:$0x4]  }
0x14e: {  	s0 =	sadd.s32 @!p0 $0x100000, s0  }
0x14f: {  	[sflag:s0] =	ssyncadd.tile.s32 @!p0 $0x1;
	_ =	shalt  }
.Lfunc_end2:
_tile_overlayer_lowered:
.L_overlay_start_2:
0x150: {  	(tag) =	ssettag $0x2  }
0x151: {  	s0 =	rddreg [dreg:$0x0];
	s2 =	stileid.u32  }
0x152: {  	s1 =	rddreg [dreg:$0x1];
	p0 =	sne.s32 s2, $0x0  }
0x153: {  	s3 =	rddreg [dreg:$0x2];
	[bflag:$0x3] =	sbarrier.arrive $0xFFFF;
	s2 =	simm.s32 @!p0 $0x1C09  }
0x154: {  	[timem:s3], [sflag:s2] =	dma.local @!p0 [hbm:s0], s1  }
0x155: {  	s0 =	simm.s32 @!p0 $0x9  }
0x156: {  	_ =	swait.ge @!p0 [sflag:s0], s1  }
0x157: {  	s1 =	ssub.s32 @!p0 $0x0, s1;
	[sflag:s0] =	ssyncset.done @!p0 $0x0  }
0x158: {  	[sflag:s0] =	ssyncadd.s32 @!p0 s1  }
0x159: {  	[bflag:$0x3] =	sbarrier.arrive $0xFFFF  }
0x15a: {  	_ =	shalt  }

// kernel: kernel.16.cloned.1.call-start
scs
__scs_entry_jumppad:
0x0: {  	(pc) =	sbr.rel $0x88, $3  }
0x1: {  	(tag) =	ssettag $0x0;
	lr =	simm.s32 $0x1  }
0x2: {  	[smem:$0x3F97] =	sst lr;
	_ =	strace $0xD0000000  }
0x3: {  	_ = 	snop  }
0x4: {  	_ = 	snop  }
0x5: {  	_ = 	snop  }
0x6: {  	_ = 	snop  }
0x7: {  	_ = 	snop  }
__scs_overlays_trampoline_lowered:
0x8: {  	[smem:$0x3FA6] =	sst s0  }
0x9: {  	[smem:$0x3FA7] =	sst s1  }
0xa: {  	[smem:$0x3FA8] =	sst s2  }
0xb: {  	[smem:$0x3FA9] =	sst s3  }
0xc: {  	[smem:$0x3FAA] =	sst s4  }
0xd: {  	[smem:$0x3FAB] =	sst s5  }
0xe: {  	[smem:$0x3FAC] =	sst s6  }
0xf: {  	[smem:$0x3FAD] =	sst s7  }
0x10: {  	[smem:$0x3FAE] =	sst s8  }
0x11: {  	[smem:$0x3FAF] =	sst s9;
	s0 =	simm.s32 @!p0 $0x0  }
0x12: {  	s1 =	sld [smem:$0x3F95];
	s0 =	simm.s32 @p0 $0x1  }
0x13: {  	[smem:$0x3FB0] =	sst s0;
	s0 =	simm.s32 @!p1 $0x0  }
0x14: {  	s2 =	sld [smem:$0x3F94];
	s0 =	simm.s32 @p1 $0x1  }
0x15: {  	[smem:$0x3FB1] =	sst s0;
	s0 =	simm.s32 @!p2 $0x0  }
0x16: {  	s3 =	sld [smem:$0x3FDB];
	s0 =	simm.s32 @p2 $0x1  }
0x17: {  	s4 =	simm.s32 $0x1BF5;
	[smem:$0x3FB3] =	sst s0  }
0x18: {  	s0 =	sld [smem:$0x3F96];
	_ =	swait.ge [sflag:s4], $0x0  }
0x19: {  	s7 =	sld [smem:$0x3F97]  }
0x1a: {  	s8 =	sadd.s32 $0xFFFFE003, lr  }
0x1b: {  	s9 =	sadd.s32 $0xFFFFFEF7, lr;
	s5 =	simm.s32 $0xFFFFFFFF;
	p2 =	slt.u32 s8, $0xFFFFF086  }
0x1c: {  	p1 =	slt.u32 s9, $0xF7A;
	s5 =	simm.s32 @!p2 $0x0  }
0x1d: {  	s5 =	simm.s32 @p1 $0x1;
	p0 =	seq.s32 s7, s2  }
0x1e: {  	s7 =	smul.u32 @!p0 $0xF7A, s2;
	p2 =	seq.s32 @!p0 s5, $0x0  }
0x1f: {  	s9 =	smul.u32 $0xF7A, s1;
	s8 =	simm.s32 @!p0 $0x1BF5;
	p2 =	por !p2, p0  }
0x20: {  	[sflag:s8] =	ssyncset.s32 @!p0 $0xFFFFF086;
	s6 =	sadd.s32 @!p0 s3, s7;
	s7 =	simm.s32 @!p0 $0x108  }
0x21: {  	s3 =	sadd.s32 s3, s9;
	s6 =	sadd.s32 @!p0 $0x88, s6;
	s7 =	simm.s32 @p2 $0x1082  }
0x22: {  	[simem:s7], [sflag:s8] =	dma.local @!p0 [hbm:s6], $0xF7A  }
0x23: {  	s9 =	sor.u32 $0xD0000000, s2;
	s6 =	simm.s32 $0x108;
	_ =	swait.ge @!p0 [sflag:s8], $0x0  }
0x24: {  	s3 =	sadd.s32 $0x88, s3;
	s6 =	simm.s32 @!p1 $0x1082;
	[sflag:s4] =	ssyncset.s32 $0xFFFFF086  }
0x25: {  	[simem:s6], [sflag:s4] =	dma.local [hbm:s3], $0xF7A  }
0x26: {  	[smem:$0x3F97] =	sst s1;
	(tag) =	ssettag s2;
	_ =	strace s9  }
0x27: {  	s1 =	sld [smem:$0x3FA7]  }
0x28: {  	s2 =	sld [smem:$0x3FA8]  }
0x29: {  	s4 =	sld [smem:$0x3FAA]  }
0x2a: {  	p0 =	seq.s32 s5, $0x0;
	s5 =	sld [smem:$0x3FAB]  }
0x2b: {  	s6 =	sld [smem:$0x3FAC]  }
0x2c: {  	s7 =	sld [smem:$0x3FAD]  }
0x2d: {  	s3 =	simm.s32 $0x108;
	s8 =	sld [smem:$0x3FAE]  }
0x2e: {  	s3 =	simm.s32 @!p0 $0x1082;
	s9 =	sld [smem:$0x3FAF]  }
0x2f: {  	lr =	sadd.s32 s0, s3;
	s0 =	sld [smem:$0x3FA6]  }
0x30: {  	s3 =	sld [smem:$0x3FA9]  }
0x31: {  	[smem:$0x3FB2] =	sst s10  }
0x32: {  	s10 =	sld [smem:$0x3FB0];
	_ =	sdelay $0x3  }
0x33: {  	p0 =	seq.s32 s10, $0x1;
	s10 =	sld [smem:$0x3FB2];
	_ =	sdelay $0x3  }
0x34: {  	[smem:$0x3FB2] =	sst s10  }
0x35: {  	s10 =	sld [smem:$0x3FB1];
	_ =	sdelay $0x3  }
0x36: {  	p1 =	seq.s32 s10, $0x1;
	s10 =	sld [smem:$0x3FB2];
	_ =	sdelay $0x3  }
0x37: {  	[smem:$0x3FB2] =	sst s10  }
0x38: {  	s10 =	sld [smem:$0x3FB3]  }
0x39: {  	_ = 	snop;
	(pc) =	sbr.ind lr, $3  }
0x3a: {  	_ = 	snop  }
0x3b: {  	_ = 	snop  }
0x3c: {  	p2 =	seq.s32 s10, $0x1;
	s10 =	sld [smem:$0x3FB2]  }
0x3d: {  	_ =	shalt  }
0x3e: {  	_ =	shalt  }
0x3f: {  	_ =	shalt  }
0x40: {  	_ =	shalt  }
0x41: {  	_ =	shalt  }
0x42: {  	_ =	shalt  }
0x43: {  	_ =	shalt  }
0x44: {  	_ =	shalt  }
0x45: {  	_ =	shalt  }
0x46: {  	_ =	shalt  }
0x47: {  	_ =	shalt  }
0x48: {  	_ =	shalt  }
0x49: {  	_ =	shalt  }
0x4a: {  	_ =	shalt  }
0x4b: {  	_ =	shalt  }
0x4c: {  	_ =	shalt  }
0x4d: {  	_ =	shalt  }
0x4e: {  	_ =	shalt  }
0x4f: {  	_ =	shalt  }
0x50: {  	_ =	shalt  }
0x51: {  	_ =	shalt  }
0x52: {  	_ =	shalt  }
0x53: {  	_ =	shalt  }
0x54: {  	_ =	shalt  }
0x55: {  	_ =	shalt  }
0x56: {  	_ =	shalt  }
0x57: {  	_ =	shalt  }
0x58: {  	_ =	shalt  }
0x59: {  	_ =	shalt  }
0x5a: {  	_ =	shalt  }
0x5b: {  	_ =	shalt  }
0x5c: {  	_ =	shalt  }
0x5d: {  	_ =	shalt  }
0x5e: {  	_ =	shalt  }
0x5f: {  	_ =	shalt  }
0x60: {  	_ =	shalt  }
0x61: {  	_ =	shalt  }
0x62: {  	_ =	shalt  }
0x63: {  	_ =	shalt  }
0x64: {  	_ =	shalt  }
0x65: {  	_ =	shalt  }
0x66: {  	_ =	shalt  }
0x67: {  	_ =	shalt  }
0x68: {  	_ =	shalt  }
0x69: {  	_ =	shalt  }
0x6a: {  	_ =	shalt  }
0x6b: {  	_ =	shalt  }
0x6c: {  	_ =	shalt  }
0x6d: {  	_ =	shalt  }
0x6e: {  	_ =	shalt  }
0x6f: {  	_ =	shalt  }
0x70: {  	_ =	shalt  }
0x71: {  	_ =	shalt  }
0x72: {  	_ =	shalt  }
0x73: {  	_ =	shalt  }
0x74: {  	_ =	shalt  }
0x75: {  	_ =	shalt  }
0x76: {  	_ =	shalt  }
0x77: {  	_ =	shalt  }
0x78: {  	_ =	shalt  }
0x79: {  	_ =	shalt  }
0x7a: {  	_ =	shalt  }
0x7b: {  	_ =	shalt  }
0x7c: {  	_ =	shalt  }
0x7d: {  	_ =	shalt  }
0x7e: {  	_ =	shalt  }
0x7f: {  	_ =	shalt  }
0x80: {  	_ =	shalt  }
0x81: {  	_ =	shalt  }
0x82: {  	_ =	shalt  }
0x83: {  	_ =	shalt  }
0x84: {  	_ =	shalt  }
0x85: {  	_ =	shalt  }
0x86: {  	_ =	shalt  }
0x87: {  	_ =	shalt  }
.Lfunc_end0:
.L_simem_size_0:
called_computation.2_lowered:
.L_overlay_start_0:
0x88: {  	s2 =	sld [smem:$0x3FD9]  }
0x89: {  	s3 =	sld [smem:$0x3FFE];
	_ =	sdelay $0x1  }
0x8a: {  	s1 =	srdreg.scid  }
0x8b: {  	s0 =	sand.u32 $0x1, s1  }
0x8c: {  	s17 =	sshll.u32 s0, $0xA;
	s2 =	sadd.s32 s3, s2  }
0x8d: {  	s2 =	sadd.s32 s2, s17  }
0x8e: {  	[smem:$0x3FBE] =	sst s2  }
0x8f: {  	_ = 	snop  }
0x90: {  	s18 =	sld [smem:$0x3FC7];
	(tm) =	ssettm $0x1  }
0x91: {  	s19 =	sld [smem:$0x3FFB];
	_ =	sdelay $0x3  }
0x92: {  	_ =	strace s19  }
0x93: {  	s2 =	sld [smem:$0x3FFC];
	_ =	sdelay $0x3  }
0x94: {  	_ =	strace s2  }
0x95: {  	s2 =	sld [smem:$0x3FFD];
	_ =	sdelay $0x3  }
0x96: {  	_ =	strace s2  }
0x97: {  	_ =	strace $0x8FFFFFFF  }
0x98: {  	s20 =	sld [smem:$0x3FDB];
	_ =	sdelay $0x1  }
0x99: {  	s4 =	simm.s32 $_scs_section_size  }
0x9a: {  	s5 =	simm.s32 $_size__tile_overlayer_lowered;
	s6 =	simm.s32 $_tile_overlayer_lowered  }
0x9b: {  	s7 =	simm.s32 $0x1BFF;
	s21 =	sshll.u32 s6, $0x1;
	s4 =	sadd.s32 s4, s20  }
0x9c: {  	s22 =	simm.s32 $0x0;
	s5 =	sshll.u32 s5, $0x1;
	s6 =	sadd.s32 s21, s4  }
0x9d: {  	[timem:s22], [sflag:s7] =	dma.local [hbm:s6], s5  }
0x9e: {  	_ =	swait.ge [sflag:s7], s5  }
0x9f: {  	s5 =	ssub.s32 $0x0, s5;
	[sflag:s7] =	ssyncset.done $0x0  }
0xa0: {  	[sflag:s7] =	ssyncadd.s32 s5;
	_ =	sdelay $0x1  }
0xa1: {  	s23 =	simm.s32 $0x1B8B  }
0xa2: {  	_ =	swait.ge [sflag:s23], $0x1  }
0xa3: {  	[sflag:s23] =	ssyncset.done $0x0  }
0xa4: {  	[sflag:s23] =	ssyncadd.s32 $0xFFFFFFFF  }
0xa5: {  	s5 =	sld [smem:$0x0]  }
0xa6: {  	s6 =	sand.u32 $0xFFFFFFFE, s1  }
0xa7: {  	p0 =	sne.s32 s1, s6  }
0xa8: {  	s6 =	sshll.u32 @p0 s6, $0xE  }
0xa9: {  	s6 =	sadd.s32 @p0 $0x11B8D, s6;
	s7 =	sshll.u32 @p0 s5, $0x11  }
0xaa: {  	s6 =	sor.u32 @p0 s7, s6  }
0xab: {  	[sflag:s6] =	ssyncadd.remote.s32 @p0 $0x1;
	_ =	sdelay $0x1  }
0xac: {  	s6 =	simm.s32 @p0 $0x1B8D  }
0xad: {  	_ =	swait.eq @p0 [sflag:s6], $0x1  }
0xae: {  	[sflag:s6] =	ssyncadd.s32 @p0 $0xFFFFFFFF  }
0xaf: {  	s7 =	sshll.u32 @!p0 s1, $0xE  }
0xb0: {  	s7 =	sor.u32 @!p0 $0x4000, s7;
	s6 =	simm.s32 @!p0 $0x1B8D  }
0xb1: {  	s5 =	sshll.u32 @!p0 s5, $0x11;
	s7 =	sadd.s32 @!p0 $0x11B8D, s7;
	_ =	swait.eq @!p0 [sflag:s6], $0x1  }
0xb2: {  	s5 =	sor.u32 @!p0 s5, s7;
	[sflag:s6] =	ssyncadd.s32 @!p0 $0xFFFFFFFF  }
0xb3: {  	s25 =	simm.s32 $0x1B8E;
	s24 =	sld [smem:$0x3FFE];
	[sflag:s5] =	ssyncadd.remote.s32 @!p0 $0x1  }
0xb4: {  	s26 =	simm.s32 $execute0_lowered;
	[smem:$0x3FD2] =	sst s25  }
0xb5: {  	s6 =	sshll.u32 s26, $0x1;
	_ =	strace $0x8000004C;
	[dreg:$0x1] =	wrdreg $0xFFFFFFFF  }
0xb6: {  	s28 =	simm.s32 $_size_execute0_lowered;
	s4 =	sadd.s32 s4, s6;
	[dreg:$0x0] =	wrdreg $0x0  }
0xb7: {  	s6 =	sshll.u32 s28, $0x1;
	[dreg:$0x2] =	wrdreg s4  }
0xb8: {  	[dreg:$0x3] =	wrdreg s6  }
0xb9: {  	[dreg:$0x4] =	wrdreg $0xC0  }
0xba: {  	_ =	task [dreg:s22], $0x5FFFF  }
0xbb: {  	[dreg:$0x1] =	wrdreg $0xFFFFFFFF  }
0xbc: {  	[dreg:$0x0] =	wrdreg $0x60  }
0xbd: {  	[dreg:$0x2] =	wrdreg s24  }
0xbe: {  	[dreg:$0x3] =	wrdreg s18  }
0xbf: {  	[dreg:$0x4] =	wrdreg $0xA2000  }
0xc0: {  	[dreg:$0x5] =	wrdreg $0xA  }
0xc1: {  	_ =	task.clear_ibuf [dreg:s22], $0x6FFFF;
	_ =	strace $0x9000004C  }
0xc2: {  	s29 =	simm.s32 $0xA;
	_ =	strace $0x8000004E  }
0xc3: {  	_ =	swait.ge [sflag:s29], $0x1  }
0xc4: {  	[sflag:s29] =	ssyncadd.s32 $0xFFFFFFFF  }
0xc5: {  	_ =	strace $0x9000004E  }
0xc6: {  	_ =	sfence  }
0xc7: {  	s30 =	sld [smem:$0x0];
	_ =	sdelay $0x2  }
0xc8: {  	s31 =	sshll.u32 s1, $0xD;
	s1 =	sshrl.u32 s1, $0x2  }
0xc9: {  	s4 =	sand.u32 $0x4000, s31;
	s1 =	sadd.s32 s1, s30  }
0xca: {  	s0 =	sor.u32 s4, s0;
	s1 =	sshll.u32 s1, $0x11  }
0xcb: {  	s0 =	sor.u32 s1, s0  }
0xcc: {  	s0 =	sadd.s32 $0x8F2B, s0  }
0xcd: {  	[sflag:s0] =	ssyncadd.remote.s32 $0x1  }
0xce: {  	_ =	sfence.sel $0xFFFF  }
0xcf: {  	[dreg:$0x0] =	wrdreg $0xFFFFFFFF;
	(pc) =	sbr.abs _section_cstart, $3  }
0xd0: {  	[dreg:$0x1] =	wrdreg $0xFFFFFFFF  }
0xd1: {  	_ =	task.clear_ibuf [dreg:s22], $0x2FFFF;
	_ =	strace $0x9FFFFFFF  }
0xd2: {  	(tm) =	ssettm $0x7FFFFFFF  }
0xd3: {  	_ =	shalt  }
tec
execute0_lowered:
.L_overlay_start_1:
0x0: {  	(tag) =	ssettag $0x1  }
0x1: {  	s0 =	rddreg [dreg:$0x0]  }
0x2: {  	s1 =	rddreg [dreg:$0x1]  }
0x3: {  	s2 =	rddreg [dreg:$0x2];
	s3 =	simm.s32 $0x0;
	s4 =	srdreg.scid  }
0x4: {  	s10 =	stileid.u32;
	s31 =	simm.s32 $0x200;
	s28 =	simm.s32 $0x4  }
0x5: {  	s30 =	simm.s32 $0x0;
	[smem:$0x7FF] =	sst s3;
	s5 =	sadd.s32 $0x9EE000, s0  }
0x6: {  	s4 =	sand.u32 $0x1, s4;
	s7 =	sshll.u32 s10, $0x1;
	s8 =	smul.u32 $0x280, s10  }
0x7: {  	s10 =	smul.u32 $0x50000, s10;
	s15 =	sadd.s32 $0x2A000, s0;
	_ =	strace $0x8000004D  }
0x8: {  	s6 =	ssub.s32 $0x2, s4;
	s7 =	sor.u32 s4, s7;
	s4 =	smul.u32 $0x2800, s4  }
0x9: {  	s9 =	sshrl.u32 s6, $0x1;
	s22 =	sshrl.u32 s10, $0x2;
	s13 =	sor.u32 $0x50, s8  }
0xa: {  	s14 =	sadd.s32 $0xA0, s8;
	s26 =	sadd.s32 $0xF0, s8;
	s16 =	sadd.s32 $0x140, s8  }
0xb: {  	s17 =	sadd.s32 $0x190, s8;
	s19 =	sadd.s32 $0x1E0, s8;
	s0 =	ssub.s32 s6, s9  }
0xc: {  	s6 =	smul.u32 $0x14A0, s7;
	s29 =	sadd.s32 s22, s2;
	s23 =	sshll.u32 s13, $0x7  }
0xd: {  	s24 =	sshll.u32 s14, $0x7;
	s20 =	sshll.u32 s26, $0x7;
	s11 =	sshll.u32 s16, $0x7  }
0xe: {  	s12 =	sshll.u32 s17, $0x7;
	s16 =	sadd.s32 s4, s16;
	s17 =	sadd.s32 s4, s17  }
0xf: {  	s7 =	smul.u32 $0x14A00, s7;
	s9 =	sadd.s32 s23, s2;
	s25 =	sadd.s32 s24, s2  }
0x10: {  	s10 =	sadd.s32 s20, s2;
	s11 =	sadd.s32 s11, s2;
	s12 =	sadd.s32 s12, s2  }
0x11: {  	s20 =	sshll.u32 s19, $0x7;
	s23 =	sadd.s32 $0x230, s8;
	s8 =	sadd.s32 s8, s4  }
0x12: {  	s19 =	sadd.s32 s4, s19;
	s16 =	sshll.u32 s16, $0x4;
	[dreg:$0x7] =	wrdreg s9  }
0x13: {  	s17 =	sshll.u32 s17, $0x4;
	s0 =	smax.u32 s0, $0x1;
	[dreg:$0x8] =	wrdreg s25  }
0x14: {  	[dreg:$0x9] =	wrdreg s12;
	s18 =	sadd.s32 $0x140, s6;
	s21 =	sadd.s32 $0x190, s6  }
0x15: {  	s22 =	sadd.s32 $0x1E0, s6;
	s9 =	sadd.s32 s4, s26;
	[dreg:$0x1a] =	wrdreg s0  }
0x16: {  	s24 =	sshll.u32 s23, $0x7;
	s25 =	sadd.s32 s20, s2;
	[dreg:$0x4] =	wrdreg s18  }
0x17: {  	s8 =	sshll.u32 s8, $0x4;
	s20 =	sshrl.u32 s6, $0x3;
	[dreg:$0x5] =	wrdreg s21  }
0x18: {  	s7 =	sadd.s32 s5, s7;
	s0 =	simm.s32 $0x9;
	[dreg:$0x6] =	wrdreg s22  }
0x19: {  	s21 =	sadd.s32 s4, s13;
	s22 =	sadd.s32 s4, s14;
	[dreg:$0xa] =	wrdreg s25  }
0x1a: {  	s4 =	sadd.s32 s4, s23;
	s26 =	sadd.s32 s24, s2;
	[dreg:$0x14] =	wrdreg s7  }
0x1b: {  	s8 =	sadd.s32 s15, s8;
	s9 =	sshll.u32 s9, $0x4;
	[dreg:$0xb] =	wrdreg s26  }
0x1c: {  	s18 =	sshll.u32 s19, $0x4;
	s24 =	sadd.s32 $0xA0, s6;
	[dreg:$0xc] =	wrdreg s8  }
0x1d: {  	s12 =	sshll.u32 s21, $0x4;
	s13 =	sshll.u32 s22, $0x4;
	s14 =	sadd.s32 s15, s9  }
0x1e: {  	s19 =	sadd.s32 s15, s18;
	s4 =	sshll.u32 s4, $0x4;
	s21 =	sadd.s32 $0x50, s6  }
0x1f: {  	s25 =	sshll.u32 s24, $0x4;
	s7 =	sshrl.u32 s24, $0x3;
	s18 =	simm.s32 $0x7A00  }
0x20: {  	s24 =	simm.s32 $0x6;
	s8 =	sadd.s32 s15, s12;
	[dreg:$0xf] =	wrdreg s14  }
0x21: {  	[dreg:$0x12] =	wrdreg s19;
	s4 =	sadd.s32 s15, s4;
	s22 =	sshll.u32 s21, $0x4  }
0x22: {  	s23 =	sshrl.u32 s21, $0x3;
	s26 =	sadd.s32 s1, s7;
	[dreg:$0xd] =	wrdreg s8  }
0x23: {  	s19 =	simm.s32 $0x180;
	s21 =	simm.s32 $0x50;
	[dreg:$0x13] =	wrdreg s4  }
0x24: {  	s8 =	sadd.s32 s15, s13;
	s4 =	sadd.s32 s1, s20;
	[dreg:$0x19] =	wrdreg s26  }
0x25: {  	s20 =	simm.s32 $0x1;
	s26 =	simm.s32 $0x7;
	[dreg:$0xe] =	wrdreg s8  }
0x26: {  	s8 =	sadd.s32 s15, s16;
	[dreg:$0x15] =	wrdreg s4;
	s4 =	sadd.s32 s5, s22  }
0x27: {  	s16 =	simm.s32 $0x5200;
	s22 =	simm.s32 $0x5;
	[dreg:$0x10] =	wrdreg s8  }
0x28: {  	s8 =	sadd.s32 s15, s17;
	[dreg:$0x16] =	wrdreg s4;
	s4 =	sadd.s32 s1, s23  }
0x29: {  	s15 =	simm.s32 $0x80;
	s17 =	simm.s32 $0x100;
	[dreg:$0x11] =	wrdreg s8  }
0x2a: {  	s23 =	simm.s32 $0x2;
	[dreg:$0x17] =	wrdreg s4;
	s4 =	sadd.s32 s5, s25  }
0x2b: {  	v0 =	vimm.f32 $0.0e+00;
	s25 =	simm.s32 $0x3;
	[dreg:$0x18] =	wrdreg s4;
	s4 =	simm.s32 $0x2A00  }
.LBB2_1:
0x2c: {  	s7 =	simm.s32 $0x0;
	s8 =	simm.s32 $0x200  }
.LBB2_2:
0x2d: {  	p0 =	sne.s32 s8, $0x9E00;
	[tilespmem:s7+$0x270] =	vst v0  }
0x2e: {  	[tilespmem:s7+$0x200] =	vst v0  }
0x2f: {  	[tilespmem:s7+$0x210] =	vst v0  }
.Ltmp0:
0x30: {  	[tilespmem:s7+$0x220] =	vst v0;
	(pc) =	sbr.rel @p0 .LBB2_2-.Ltmp0, $4  }
0x31: {  	[tilespmem:s7+$0x230] =	vst v0  }
0x32: {  	[tilespmem:s7+$0x240] =	vst v0  }
0x33: {  	[tilespmem:s7+$0x250] =	vst v0  }
0x34: {  	[tilespmem:s7+$0x260] =	vst v0;
	s7 =	sshra.s32 s8, $0x2;
	s8 =	sadd.s32 $0x200, s8  }
0x35: {  	[tilespmem:s7+$0x270] =	vst v0  }
0x36: {  	[tilespmem:s7+$0x200] =	vst v0  }
0x37: {  	[tilespmem:s7+$0x210] =	vst v0  }
0x38: {  	[tilespmem:s7+$0x220] =	vst v0  }
0x39: {  	[tilespmem:s7+$0x230] =	vst v0  }
0x3a: {  	[tilespmem:s7+$0x240] =	vst v0  }
0x3b: {  	[tilespmem:s7+$0x250] =	vst v0  }
0x3c: {  	[tilespmem:s7+$0x260] =	vst v0  }
0x3d: {  	[spmem:s29] =	stream.linear.scatter [tilespmem:s31], [sflag:$0x9], $0x2800, $0x38;
	[tilespmem:$0x1E200] =	vst v63  }
0x3e: {  	_ =	swait.ge [sflag:s0], $0x2800  }
0x3f: {  	[sflag:s0] =	ssyncset.done $0x0  }
0x40: {  	s13 =	rddreg [dreg:$0x7];
	[sflag:s0] =	ssyncadd.s32 $0xFFFFD800  }
0x41: {  	[spmem:s13] =	stream.linear.scatter [tilespmem:s31], [sflag:$0x9], $0x2800, $0x38;
	[tilespmem:$0x1E200] =	vst v63  }
0x42: {  	_ =	swait.ge [sflag:s0], $0x2800  }
0x43: {  	[sflag:s0] =	ssyncset.done $0x0  }
0x44: {  	s14 =	rddreg [dreg:$0x8];
	[sflag:s0] =	ssyncadd.s32 $0xFFFFD800  }
0x45: {  	[spmem:s14] =	stream.linear.scatter [tilespmem:s31], [sflag:$0x9], $0x2800, $0x38;
	[tilespmem:$0x1E200] =	vst v63  }
0x46: {  	_ =	swait.ge [sflag:s0], $0x2800  }
0x47: {  	[sflag:s0] =	ssyncset.done $0x0  }
0x48: {  	[sflag:s0] =	ssyncadd.s32 $0xFFFFD800  }
0x49: {  	[spmem:s10] =	stream.linear.scatter [tilespmem:s31], [sflag:$0x9], $0x2800, $0x38;
	[tilespmem:$0x1E200] =	vst v63  }
0x4a: {  	_ =	swait.ge [sflag:s0], $0x2800  }
0x4b: {  	[sflag:s0] =	ssyncset.done $0x0  }
0x4c: {  	[sflag:s0] =	ssyncadd.s32 $0xFFFFD800  }
0x4d: {  	[spmem:s11] =	stream.linear.scatter [tilespmem:s31], [sflag:$0x9], $0x2800, $0x38;
	[tilespmem:$0x1E200] =	vst v63  }
0x4e: {  	_ =	swait.ge [sflag:s0], $0x2800  }
0x4f: {  	[sflag:s0] =	ssyncset.done $0x0  }
0x50: {  	s12 =	smov.u32 s29;
	s29 =	rddreg [dreg:$0x9];
	[sflag:s0] =	ssyncadd.s32 $0xFFFFD800  }
0x51: {  	[spmem:s29] =	stream.linear.scatter [tilespmem:s31], [sflag:$0x9], $0x2800, $0x38;
	[tilespmem:$0x1E200] =	vst v63  }
0x52: {  	_ =	swait.ge [sflag:s0], $0x2800  }
0x53: {  	[sflag:s0] =	ssyncset.done $0x0  }
0x54: {  	s8 =	rddreg [dreg:$0xa];
	[sflag:s0] =	ssyncadd.s32 $0xFFFFD800  }
0x55: {  	[spmem:s8] =	stream.linear.scatter [tilespmem:s31], [sflag:$0x9], $0x2800, $0x38;
	[tilespmem:$0x1E200] =	vst v63  }
0x56: {  	_ =	swait.ge [sflag:s0], $0x2800  }
0x57: {  	[sflag:s0] =	ssyncset.done $0x0  }
0x58: {  	s9 =	rddreg [dreg:$0xb];
	[sflag:s0] =	ssyncadd.s32 $0xFFFFD800  }
0x59: {  	[spmem:s9] =	stream.linear.scatter [tilespmem:s31], [sflag:$0x9], $0x2800, $0x38;
	[tilespmem:$0x1E200] =	vst v63  }
0x5a: {  	_ =	swait.ge [sflag:s0], $0x2800  }
0x5b: {  	[sflag:s0] =	ssyncset.done $0x0  }
0x5c: {  	[sflag:s0] =	ssyncadd.s32 $0xFFFFD800  }
0x5d: {  	[bflag:$0x0] =	sbarrier.arrive $0xFFFF  }
0x5e: {  	s7 =	simm.s32 $0x0;
	s8 =	rddreg [dreg:$0x14]  }
0x5f: {  	[tilespmem:s31], [sflag:$0x1] =	stream.linear.gather [hbm4b:s8+s7], $0x2800, $0x38;
	[tilespmem:$0x1E200] =	vst v63  }
0x60: {  	s13 =	smov.u32 s10;
	s10 =	rddreg [dreg:$0x15]  }
0x61: {  	[tilespmem:s7], [sflag:$0x1] =	stream.linear.gather [hbm4b:s10+s7], $0x50, $0x38;
	[tilespmem:$0x1E200] =	vst v63  }
0x62: {  	s14 =	smov.u32 s11;
	s11 =	rddreg [dreg:$0x16]  }
0x63: {  	[tilespmem:s4], [sflag:$0x2] =	stream.linear.gather [hbm4b:s11+s7], $0x2800, $0x38;
	[tilespmem:$0x1E200] =	vst v63  }
0x64: {  	p0 =	por $0x1, $0x1;
	s29 =	rddreg [dreg:$0x17]  }
0x65: {  	[tilespmem:s15], [sflag:$0x2] =	stream.linear.gather [hbm4b:s29+s7], $0x50, $0x38;
	[tilespmem:$0x1E200] =	vst v63  }
0x66: {  	s9 =	rddreg [dreg:$0x18];
	s8 =	simm.s32 @!p0 $0xF0  }
0x67: {  	[tilespmem:s16], [sflag:$0x3] =	stream.linear.gather [hbm4b:s9+s7], $0x2800, $0x38;
	[tilespmem:$0x1E200] =	vst v63  }
0x68: {  	s8 =	simm.s32 @p0 $0xF0;
	s10 =	rddreg [dreg:$0x19];
	s9 =	simm.s32 @!p0 $0x8  }
0x69: {  	[tilespmem:s17], [sflag:$0x3] =	stream.linear.gather [hbm4b:s10+s7], $0x50, $0x38;
	[tilespmem:$0x1E200] =	vst v63  }
0x6a: {  	s8 =	sadd.s32 s6, s8;
	_ =	swait.ge @!p0 [sflag:s9], $0x2800  }
0x6b: {  	s11 =	sshll.u32 s8, $0x4;
	[sflag:s9] =	ssyncset.done @!p0 $0x0  }
0x6c: {  	s8 =	sshrl.u32 s8, $0x3;
	s29 =	sadd.s32 s5, s11;
	[sflag:s9] =	ssyncadd.s32 @!p0 $0xFFFFD800  }
0x6d: {  	[tilespmem:s18], [sflag:$0x4] =	stream.linear.gather [hbm4b:s29+s3], $0x2800, $0x38;
	[tilespmem:$0x1E200] =	vst v63  }
0x6e: {  	s8 =	sadd.s32 s1, s8  }
0x6f: {  	[tilespmem:s19], [sflag:$0x4] =	stream.linear.gather [hbm4b:s8+s3], $0x50, $0x38;
	[tilespmem:$0x1E200] =	vst v63  }
0x70: {  	_ =	swait.ge [sflag:s20], $0x2800  }
0x71: {  	[sflag:s20] =	ssyncset.done $0x0  }
0x72: {  	[sflag:s20] =	ssyncadd.s32 $0xFFFFD800  }
0x73: {  	_ =	swait.ge [sflag:s20], $0x50  }
0x74: {  	[sflag:s20] =	ssyncset.done $0x0  }
0x75: {  	[sflag:s20] =	ssyncadd.s32 $0xFFFFFFB0  }
0x76: {  	[spmem:s2] =	stream.indirect.scatter.add.f32 [tilespmem:s31], [sflag:$0x5], $0x80, s3, s21, $0xb8;
	[tilespmem:$0x1E200] =	vst v63  }
0x77: {  	_ =	swait.ge [sflag:s22], $0x2800  }
0x78: {  	s7 =	simm.s32 @p0 $0x0;
	s9 =	rddreg [dreg:$0x4]  }
0x79: {  	s8 =	sadd.s32 s7, s9  }
0x7a: {  	[sflag:s22] =	ssyncset.done $0x0;
	s10 =	sshll.u32 s8, $0x4  }
0x7b: {  	[sflag:s22] =	ssyncadd.s32 $0xFFFFD800;
	s8 =	sshrl.u32 s8, $0x3;
	s9 =	sadd.s32 s5, s10  }
0x7c: {  	[tilespmem:s31], [sflag:$0x1] =	stream.linear.gather [hbm4b:s9+s3], $0x2800, $0x38;
	[tilespmem:$0x1E200] =	vst v63  }
0x7d: {  	s8 =	sadd.s32 s1, s8  }
0x7e: {  	[tilespmem:s3], [sflag:$0x1] =	stream.linear.gather [hbm4b:s8+s3], $0x50, $0x38;
	[tilespmem:$0x1E200] =	vst v63  }
0x7f: {  	_ =	swait.ge [sflag:s23], $0x2800  }
0x80: {  	[sflag:s23] =	ssyncset.done $0x0  }
0x81: {  	[sflag:s23] =	ssyncadd.s32 $0xFFFFD800  }
0x82: {  	_ =	swait.ge [sflag:s23], $0x50  }
0x83: {  	[sflag:s23] =	ssyncset.done $0x0  }
0x84: {  	[sflag:s23] =	ssyncadd.s32 $0xFFFFFFB0  }
0x85: {  	[spmem:s2] =	stream.indirect.scatter.add.f32 [tilespmem:s4], [sflag:$0x6], $0x80, s15, s21, $0xb8;
	[tilespmem:$0x1E200] =	vst v63  }
0x86: {  	_ =	swait.ge [sflag:s24], $0x2800  }
0x87: {  	s11 =	rddreg [dreg:$0x5]  }
0x88: {  	s8 =	sadd.s32 s7, s11  }
0x89: {  	[sflag:s24] =	ssyncset.done $0x0;
	s29 =	sshll.u32 s8, $0x4  }
0x8a: {  	[sflag:s24] =	ssyncadd.s32 $0xFFFFD800;
	s8 =	sshrl.u32 s8, $0x3;
	s9 =	sadd.s32 s5, s29  }
0x8b: {  	[tilespmem:s4], [sflag:$0x2] =	stream.linear.gather [hbm4b:s9+s3], $0x2800, $0x38;
	[tilespmem:$0x1E200] =	vst v63  }
0x8c: {  	s8 =	sadd.s32 s1, s8  }
0x8d: {  	[tilespmem:s15], [sflag:$0x2] =	stream.linear.gather [hbm4b:s8+s3], $0x50, $0x38;
	[tilespmem:$0x1E200] =	vst v63  }
0x8e: {  	_ =	swait.ge [sflag:s25], $0x2800  }
0x8f: {  	[sflag:s25] =	ssyncset.done $0x0  }
0x90: {  	[sflag:s25] =	ssyncadd.s32 $0xFFFFD800  }
0x91: {  	_ =	swait.ge [sflag:s25], $0x50  }
0x92: {  	[sflag:s25] =	ssyncset.done $0x0  }
0x93: {  	[sflag:s25] =	ssyncadd.s32 $0xFFFFFFB0  }
0x94: {  	[spmem:s2] =	stream.indirect.scatter.add.f32 [tilespmem:s16], [sflag:$0x7], $0x80, s17, s21, $0xb8;
	[tilespmem:$0x1E200] =	vst v63  }
0x95: {  	_ =	swait.ge [sflag:s26], $0x2800  }
0x96: {  	p0 =	por $0x0, $0x0;
	s8 =	rddreg [dreg:$0x6]  }
0x97: {  	s29 =	simm.s32 @!p0 $0x0;
	s7 =	sadd.s32 @!p0 s7, s8  }
0x98: {  	[sflag:s26] =	ssyncset.done $0x0;
	s8 =	simm.s32 @!p0 $0x5200;
	s9 =	sshll.u32 @!p0 s7, $0x4  }
0x99: {  	[sflag:s26] =	ssyncadd.s32 $0xFFFFD800;
	s7 =	sshrl.u32 @!p0 s7, $0x3;
	s9 =	sadd.s32 @!p0 s5, s9  }
0x9a: {  	[tilespmem:s8], [sflag:$0x3] =	stream.linear.gather @!p0 [hbm4b:s9+s29], $0x2800, $0x38;
	[tilespmem:$0x1E200] =	vst v63  }
0x9b: {  	s7 =	sadd.s32 @!p0 s1, s7;
	s8 =	simm.s32 @!p0 $0x100  }
0x9c: {  	[tilespmem:s8], [sflag:$0x3] =	stream.linear.gather @!p0 [hbm4b:s7+s29], $0x50, $0x38;
	[tilespmem:$0x1E200] =	vst v63  }
0x9d: {  	_ =	swait.ge [sflag:s28], $0x2800  }
0x9e: {  	p1 =	por $0x0, $0x0;
	[sflag:s28] =	ssyncset.done $0x0  }
0x9f: {  	s9 =	simm.s32 $0x140;
	s7 =	simm.s32 $0x280;
	[sflag:s28] =	ssyncadd.s32 $0xFFFFD800  }
.LBB2_4:
0xa0: {  	_ =	swait.ge [sflag:s28], $0x50  }
0xa1: {  	s29 =	sadd.s32 @!p1 $0xF0, s9;
	[sflag:s28] =	ssyncset.done $0x0  }
0xa2: {  	s10 =	simm.s32 @!p1 $0x8;
	s29 =	simm.s32 @p1 $0xF0;
	[sflag:s28] =	ssyncadd.s32 $0xFFFFFFB0  }
0xa3: {  	[spmem:s2] =	stream.indirect.scatter.add.f32 [tilespmem:s18], [sflag:$0x8], $0x80, s19, s21, $0xb8;
	[tilespmem:$0x1E200] =	vst v63  }
0xa4: {  	s29 =	sadd.s32 s6, s29;
	_ =	swait.ge @!p1 [sflag:s10], $0x2800  }
0xa5: {  	s11 =	sshll.u32 s29, $0x4;
	[sflag:s10] =	ssyncset.done @!p1 $0x0  }
0xa6: {  	s29 =	sshrl.u32 s29, $0x3;
	s11 =	sadd.s32 s5, s11;
	[sflag:s10] =	ssyncadd.s32 @!p1 $0xFFFFD800  }
0xa7: {  	[tilespmem:s18], [sflag:$0x4] =	stream.linear.gather [hbm4b:s11+s3], $0x2800, $0x38;
	[tilespmem:$0x1E200] =	vst v63  }
0xa8: {  	s29 =	sadd.s32 s1, s29  }
0xa9: {  	[tilespmem:s19], [sflag:$0x4] =	stream.linear.gather [hbm4b:s29+s3], $0x50, $0x38;
	[tilespmem:$0x1E200] =	vst v63  }
0xaa: {  	_ =	swait.ge [sflag:s20], $0x2800  }
0xab: {  	[sflag:s20] =	ssyncset.done $0x0  }
0xac: {  	[sflag:s20] =	ssyncadd.s32 $0xFFFFD800  }
0xad: {  	_ =	swait.ge [sflag:s20], $0x50  }
0xae: {  	[sflag:s20] =	ssyncset.done $0x0  }
0xaf: {  	[sflag:s20] =	ssyncadd.s32 $0xFFFFFFB0  }
0xb0: {  	[spmem:s2] =	stream.indirect.scatter.add.f32 [tilespmem:s31], [sflag:$0x5], $0x80, s3, s21, $0xb8;
	[tilespmem:$0x1E200] =	vst v63  }
0xb1: {  	s29 =	smov.u32 s9;
	_ =	swait.ge [sflag:s22], $0x2800  }
0xb2: {  	s29 =	simm.s32 @p1 $0x0;
	s11 =	rddreg [dreg:$0x4]  }
0xb3: {  	s10 =	sadd.s32 s29, s11  }
0xb4: {  	[sflag:s22] =	ssyncset.done $0x0;
	s11 =	sshll.u32 s10, $0x4  }
0xb5: {  	[sflag:s22] =	ssyncadd.s32 $0xFFFFD800;
	s10 =	sshrl.u32 s10, $0x3;
	s11 =	sadd.s32 s5, s11  }
0xb6: {  	[tilespmem:s31], [sflag:$0x1] =	stream.linear.gather [hbm4b:s11+s3], $0x2800, $0x38;
	[tilespmem:$0x1E200] =	vst v63  }
0xb7: {  	s10 =	sadd.s32 s1, s10  }
0xb8: {  	[tilespmem:s3], [sflag:$0x1] =	stream.linear.gather [hbm4b:s10+s3], $0x50, $0x38;
	[tilespmem:$0x1E200] =	vst v63  }
0xb9: {  	_ =	swait.ge [sflag:s23], $0x2800  }
0xba: {  	[sflag:s23] =	ssyncset.done $0x0  }
0xbb: {  	[sflag:s23] =	ssyncadd.s32 $0xFFFFD800  }
0xbc: {  	_ =	swait.ge [sflag:s23], $0x50  }
0xbd: {  	[sflag:s23] =	ssyncset.done $0x0  }
0xbe: {  	[sflag:s23] =	ssyncadd.s32 $0xFFFFFFB0  }
0xbf: {  	[spmem:s2] =	stream.indirect.scatter.add.f32 [tilespmem:s4], [sflag:$0x6], $0x80, s15, s21, $0xb8;
	[tilespmem:$0x1E200] =	vst v63  }
0xc0: {  	_ =	swait.ge [sflag:s24], $0x2800  }
0xc1: {  	s11 =	rddreg [dreg:$0x5]  }
0xc2: {  	s10 =	sadd.s32 s29, s11  }
0xc3: {  	[sflag:s24] =	ssyncset.done $0x0;
	s11 =	sshll.u32 s10, $0x4  }
0xc4: {  	[sflag:s24] =	ssyncadd.s32 $0xFFFFD800;
	s10 =	sshrl.u32 s10, $0x3;
	s11 =	sadd.s32 s5, s11  }
0xc5: {  	[tilespmem:s4], [sflag:$0x2] =	stream.linear.gather [hbm4b:s11+s3], $0x2800, $0x38;
	[tilespmem:$0x1E200] =	vst v63  }
0xc6: {  	s10 =	sadd.s32 s1, s10  }
0xc7: {  	[tilespmem:s15], [sflag:$0x2] =	stream.linear.gather [hbm4b:s10+s3], $0x50, $0x38;
	[tilespmem:$0x1E200] =	vst v63  }
0xc8: {  	_ =	swait.ge [sflag:s25], $0x2800  }
0xc9: {  	[sflag:s25] =	ssyncset.done $0x0  }
0xca: {  	[sflag:s25] =	ssyncadd.s32 $0xFFFFD800  }
0xcb: {  	_ =	swait.ge [sflag:s25], $0x50  }
0xcc: {  	[sflag:s25] =	ssyncset.done $0x0  }
0xcd: {  	[sflag:s25] =	ssyncadd.s32 $0xFFFFFFB0  }
0xce: {  	[spmem:s2] =	stream.indirect.scatter.add.f32 [tilespmem:s16], [sflag:$0x7], $0x80, s17, s21, $0xb8;
	[tilespmem:$0x1E200] =	vst v63  }
0xcf: {  	s8 =	smov.u32 s7;
	s7 =	sadd.s32 $0x140, s7;
	_ =	swait.ge [sflag:s26], $0x2800  }
0xd0: {  	p0 =	sne.s32 s7, $0x1400;
	p1 =	seq.s32 s9, $0x12C0;
	s10 =	rddreg [dreg:$0x6]  }
0xd1: {  	s9 =	smov.u32 s8;
	[sflag:s26] =	ssyncset.done $0x0;
	s8 =	sadd.s32 @!p1 s29, s10  }
0xd2: {  	s10 =	simm.s32 @!p1 $0x5200;
	[sflag:s26] =	ssyncadd.s32 $0xFFFFD800;
	s11 =	sshll.u32 @!p1 s8, $0x4  }
0xd3: {  	s29 =	simm.s32 @!p1 $0x0;
	s8 =	sshrl.u32 @!p1 s8, $0x3;
	s11 =	sadd.s32 @!p1 s5, s11  }
0xd4: {  	[tilespmem:s10], [sflag:$0x3] =	stream.linear.gather @!p1 [hbm4b:s11+s29], $0x2800, $0x38;
	[tilespmem:$0x1E200] =	vst v63  }
.Ltmp1:
0xd5: {  	s8 =	sadd.s32 @!p1 s1, s8;
	s10 =	simm.s32 @!p1 $0x100;
	(pc) =	sbr.rel @p0 .LBB2_4-.Ltmp1, $4  }
0xd6: {  	[tilespmem:s10], [sflag:$0x3] =	stream.linear.gather @!p1 [hbm4b:s8+s29], $0x50, $0x38;
	[tilespmem:$0x1E200] =	vst v63  }
0xd7: {  	_ =	swait.ge [sflag:s28], $0x2800  }
0xd8: {  	[sflag:s28] =	ssyncset.done $0x0  }
0xd9: {  	p1 =	seq.s32 s9, $0x0;
	[sflag:s28] =	ssyncadd.s32 $0xFFFFD800  }
0xda: {  	_ =	swait.ge [sflag:s28], $0x50  }
0xdb: {  	s7 =	sadd.s32 @!p1 $0xF0, s9;
	[sflag:s28] =	ssyncset.done $0x0  }
0xdc: {  	s8 =	simm.s32 @!p1 $0x8;
	s7 =	simm.s32 @p1 $0xF0;
	[sflag:s28] =	ssyncadd.s32 $0xFFFFFFB0  }
0xdd: {  	[spmem:s2] =	stream.indirect.scatter.add.f32 [tilespmem:s18], [sflag:$0x8], $0x80, s19, s21, $0xb8;
	[tilespmem:$0x1E200] =	vst v63  }
0xde: {  	s7 =	sadd.s32 s6, s7;
	_ =	swait.ge @!p1 [sflag:s8], $0x2800  }
0xdf: {  	s10 =	sshll.u32 s7, $0x4;
	[sflag:s8] =	ssyncset.done @!p1 $0x0  }
0xe0: {  	s7 =	sshrl.u32 s7, $0x3;
	s11 =	sadd.s32 s5, s10;
	[sflag:s8] =	ssyncadd.s32 @!p1 $0xFFFFD800  }
0xe1: {  	[tilespmem:s18], [sflag:$0x4] =	stream.linear.gather [hbm4b:s11+s3], $0x2800, $0x38;
	[tilespmem:$0x1E200] =	vst v63  }
0xe2: {  	s7 =	sadd.s32 s1, s7  }
0xe3: {  	[tilespmem:s19], [sflag:$0x4] =	stream.linear.gather [hbm4b:s7+s3], $0x50, $0x38;
	[tilespmem:$0x1E200] =	vst v63  }
0xe4: {  	_ =	swait.ge [sflag:s20], $0x2800  }
0xe5: {  	[sflag:s20] =	ssyncset.done $0x0  }
0xe6: {  	[sflag:s20] =	ssyncadd.s32 $0xFFFFD800  }
0xe7: {  	_ =	swait.ge [sflag:s20], $0x50  }
0xe8: {  	[sflag:s20] =	ssyncset.done $0x0  }
0xe9: {  	[sflag:s20] =	ssyncadd.s32 $0xFFFFFFB0  }
0xea: {  	[spmem:s2] =	stream.indirect.scatter.add.f32 [tilespmem:s31], [sflag:$0x5], $0x80, s3, s21, $0xb8;
	[tilespmem:$0x1E200] =	vst v63  }
0xeb: {  	s8 =	smov.u32 s9;
	_ =	swait.ge [sflag:s22], $0x2800  }
0xec: {  	s8 =	simm.s32 @p1 $0x0;
	s10 =	rddreg [dreg:$0x4]  }
0xed: {  	s7 =	sadd.s32 s8, s10  }
0xee: {  	[sflag:s22] =	ssyncset.done $0x0;
	s11 =	sshll.u32 s7, $0x4  }
0xef: {  	[sflag:s22] =	ssyncadd.s32 $0xFFFFD800;
	s7 =	sshrl.u32 s7, $0x3;
	s10 =	sadd.s32 s5, s11  }
0xf0: {  	[tilespmem:s31], [sflag:$0x1] =	stream.linear.gather [hbm4b:s10+s3], $0x2800, $0x38;
	[tilespmem:$0x1E200] =	vst v63  }
0xf1: {  	s7 =	sadd.s32 s1, s7  }
0xf2: {  	[tilespmem:s3], [sflag:$0x1] =	stream.linear.gather [hbm4b:s7+s3], $0x50, $0x38;
	[tilespmem:$0x1E200] =	vst v63  }
0xf3: {  	_ =	swait.ge [sflag:s23], $0x2800  }
0xf4: {  	[sflag:s23] =	ssyncset.done $0x0  }
0xf5: {  	[sflag:s23] =	ssyncadd.s32 $0xFFFFD800  }
0xf6: {  	_ =	swait.ge [sflag:s23], $0x50  }
0xf7: {  	[sflag:s23] =	ssyncset.done $0x0  }
0xf8: {  	[sflag:s23] =	ssyncadd.s32 $0xFFFFFFB0  }
0xf9: {  	[spmem:s2] =	stream.indirect.scatter.add.f32 [tilespmem:s4], [sflag:$0x6], $0x80, s15, s21, $0xb8;
	[tilespmem:$0x1E200] =	vst v63  }
0xfa: {  	_ =	swait.ge [sflag:s24], $0x2800  }
0xfb: {  	s10 =	rddreg [dreg:$0x5]  }
0xfc: {  	s7 =	sadd.s32 s8, s10  }
0xfd: {  	[sflag:s24] =	ssyncset.done $0x0;
	s11 =	sshll.u32 s7, $0x4  }
0xfe: {  	[sflag:s24] =	ssyncadd.s32 $0xFFFFD800;
	s7 =	sshrl.u32 s7, $0x3;
	s10 =	sadd.s32 s5, s11  }
0xff: {  	[tilespmem:s4], [sflag:$0x2] =	stream.linear.gather [hbm4b:s10+s3], $0x2800, $0x38;
	[tilespmem:$0x1E200] =	vst v63  }
0x100: {  	s7 =	sadd.s32 s1, s7  }
0x101: {  	[tilespmem:s15], [sflag:$0x2] =	stream.linear.gather [hbm4b:s7+s3], $0x50, $0x38;
	[tilespmem:$0x1E200] =	vst v63  }
0x102: {  	_ =	swait.ge [sflag:s25], $0x2800  }
0x103: {  	[sflag:s25] =	ssyncset.done $0x0  }
0x104: {  	[sflag:s25] =	ssyncadd.s32 $0xFFFFD800  }
0x105: {  	_ =	swait.ge [sflag:s25], $0x50  }
0x106: {  	[sflag:s25] =	ssyncset.done $0x0  }
0x107: {  	[sflag:s25] =	ssyncadd.s32 $0xFFFFFFB0  }
0x108: {  	[spmem:s2] =	stream.indirect.scatter.add.f32 [tilespmem:s16], [sflag:$0x7], $0x80, s17, s21, $0xb8;
	[tilespmem:$0x1E200] =	vst v63  }
0x109: {  	_ =	swait.ge [sflag:s26], $0x2800  }
0x10a: {  	p0 =	seq.s32 s9, $0x12C0;
	s7 =	rddreg [dreg:$0x6]  }
0x10b: {  	s10 =	simm.s32 @!p0 $0x0;
	s7 =	sadd.s32 @!p0 s8, s7  }
0x10c: {  	[sflag:s26] =	ssyncset.done $0x0;
	s8 =	simm.s32 @!p0 $0x5200;
	s9 =	sshll.u32 @!p0 s7, $0x4  }
0x10d: {  	[sflag:s26] =	ssyncadd.s32 $0xFFFFD800;
	s7 =	sshrl.u32 @!p0 s7, $0x3;
	s9 =	sadd.s32 @!p0 s5, s9  }
0x10e: {  	[tilespmem:s8], [sflag:$0x3] =	stream.linear.gather @!p0 [hbm4b:s9+s10], $0x2800, $0x38;
	[tilespmem:$0x1E200] =	vst v63  }
0x10f: {  	s7 =	sadd.s32 @!p0 s1, s7;
	s8 =	simm.s32 @!p0 $0x100  }
0x110: {  	[tilespmem:s8], [sflag:$0x3] =	stream.linear.gather @!p0 [hbm4b:s7+s10], $0x50, $0x38;
	[tilespmem:$0x1E200] =	vst v63  }
0x111: {  	_ =	swait.ge [sflag:s28], $0x2800  }
0x112: {  	[sflag:s28] =	ssyncset.done $0x0  }
0x113: {  	[sflag:s28] =	ssyncadd.s32 $0xFFFFD800  }
0x114: {  	_ =	swait.ge [sflag:s28], $0x50  }
0x115: {  	[sflag:s28] =	ssyncset.done $0x0  }
0x116: {  	s11 =	simm.s32 $0x8;
	[sflag:s28] =	ssyncadd.s32 $0xFFFFFFB0  }
0x117: {  	[spmem:s2] =	stream.indirect.scatter.add.f32 [tilespmem:s18], [sflag:$0x8], $0x80, s19, s21, $0xb8;
	[tilespmem:$0x1E200] =	vst v63  }
0x118: {  	_ =	swait.ge [sflag:s11], $0x2800  }
0x119: {  	[sflag:s11] =	ssyncset.done $0x0  }
0x11a: {  	[sflag:s11] =	ssyncadd.s32 $0xFFFFD800  }
0x11b: {  	_ =	swait.ge [sflag:s20], $0x2800  }
0x11c: {  	[sflag:s20] =	ssyncset.done $0x0  }
0x11d: {  	[sflag:s20] =	ssyncadd.s32 $0xFFFFD800  }
0x11e: {  	_ =	swait.ge [sflag:s20], $0x50  }
0x11f: {  	[sflag:s20] =	ssyncset.done $0x0  }
0x120: {  	[sflag:s20] =	ssyncadd.s32 $0xFFFFFFB0  }
0x121: {  	[spmem:s2] =	stream.indirect.scatter.add.f32 [tilespmem:s31], [sflag:$0x5], $0x80, s3, s21, $0xb8;
	[tilespmem:$0x1E200] =	vst v63  }
0x122: {  	_ =	swait.ge [sflag:s22], $0x2800  }
0x123: {  	[sflag:s22] =	ssyncset.done $0x0  }
0x124: {  	[sflag:s22] =	ssyncadd.s32 $0xFFFFD800  }
0x125: {  	_ =	swait.ge [sflag:s23], $0x2800  }
0x126: {  	[sflag:s23] =	ssyncset.done $0x0  }
0x127: {  	[sflag:s23] =	ssyncadd.s32 $0xFFFFD800  }
0x128: {  	_ =	swait.ge [sflag:s23], $0x50  }
0x129: {  	[sflag:s23] =	ssyncset.done $0x0  }
0x12a: {  	[sflag:s23] =	ssyncadd.s32 $0xFFFFFFB0  }
0x12b: {  	[spmem:s2] =	stream.indirect.scatter.add.f32 [tilespmem:s4], [sflag:$0x6], $0x80, s15, s21, $0xb8;
	[tilespmem:$0x1E200] =	vst v63  }
0x12c: {  	_ =	swait.ge [sflag:s24], $0x2800  }
0x12d: {  	[sflag:s24] =	ssyncset.done $0x0  }
0x12e: {  	s8 =	stileid.u32;
	[sflag:s24] =	ssyncadd.s32 $0xFFFFD800  }
0x12f: {  	s7 =	sshll.u32 s8, $0x6;
	[bflag:$0x0] =	sbarrier.arrive $0xFFFF  }
0x130: {  	s9 =	sshrl.u32 s12, $0x3;
	s7 =	sor.u32 $0x1C09, s7;
	s10 =	rddreg [dreg:$0xc]  }
0x131: {  	[hbm:s10], [sflag:s7] =	dma.local [spmem:s9], $0x500  }
0x132: {  	_ =	swait.ge [sflag:s0], $0x500  }
0x133: {  	s29 =	smov.u32 s12;
	[sflag:s0] =	ssyncset.done $0x0;
	s11 =	rddreg [dreg:$0x7]  }
0x134: {  	s12 =	rddreg [dreg:$0xd];
	[sflag:s0] =	ssyncadd.s32 $0xFFFFFB00;
	s8 =	sshrl.u32 s11, $0x3  }
0x135: {  	[hbm:s12], [sflag:s7] =	dma.local [spmem:s8], $0x500  }
0x136: {  	_ =	swait.ge [sflag:s0], $0x500  }
0x137: {  	[sflag:s0] =	ssyncset.done $0x0;
	s9 =	rddreg [dreg:$0x8]  }
0x138: {  	s10 =	rddreg [dreg:$0xe];
	[sflag:s0] =	ssyncadd.s32 $0xFFFFFB00;
	s8 =	sshrl.u32 s9, $0x3  }
0x139: {  	[hbm:s10], [sflag:s7] =	dma.local [spmem:s8], $0x500  }
0x13a: {  	_ =	swait.ge [sflag:s0], $0x500  }
0x13b: {  	[sflag:s0] =	ssyncset.done $0x0  }
0x13c: {  	s11 =	sshrl.u32 s13, $0x3;
	s12 =	rddreg [dreg:$0xf];
	[sflag:s0] =	ssyncadd.s32 $0xFFFFFB00  }
0x13d: {  	[hbm:s12], [sflag:s7] =	dma.local [spmem:s11], $0x500  }
0x13e: {  	_ =	swait.ge [sflag:s0], $0x500  }
0x13f: {  	s10 =	smov.u32 s13;
	s13 =	sshrl.u32 s14, $0x3;
	[sflag:s0] =	ssyncset.done $0x0  }
0x140: {  	s11 =	smov.u32 s14;
	s14 =	rddreg [dreg:$0x10];
	[sflag:s0] =	ssyncadd.s32 $0xFFFFFB00  }
0x141: {  	[hbm:s14], [sflag:s7] =	dma.local [spmem:s13], $0x500  }
0x142: {  	_ =	swait.ge [sflag:s0], $0x500  }
0x143: {  	[sflag:s0] =	ssyncset.done $0x0;
	s9 =	rddreg [dreg:$0x9]  }
0x144: {  	s12 =	rddreg [dreg:$0x11];
	[sflag:s0] =	ssyncadd.s32 $0xFFFFFB00;
	s8 =	sshrl.u32 s9, $0x3  }
0x145: {  	[hbm:s12], [sflag:s7] =	dma.local [spmem:s8], $0x500  }
0x146: {  	_ =	swait.ge [sflag:s0], $0x500  }
0x147: {  	[sflag:s0] =	ssyncset.done $0x0;
	s13 =	rddreg [dreg:$0xa]  }
0x148: {  	s14 =	rddreg [dreg:$0x12];
	[sflag:s0] =	ssyncadd.s32 $0xFFFFFB00;
	s8 =	sshrl.u32 s13, $0x3  }
0x149: {  	[hbm:s14], [sflag:s7] =	dma.local [spmem:s8], $0x500  }
0x14a: {  	_ =	swait.ge [sflag:s0], $0x500  }
0x14b: {  	[sflag:s0] =	ssyncset.done $0x0;
	s12 =	rddreg [dreg:$0xb]  }
0x14c: {  	s13 =	rddreg [dreg:$0x13];
	[sflag:s0] =	ssyncadd.s32 $0xFFFFFB00;
	s8 =	sshrl.u32 s12, $0x3  }
0x14d: {  	[hbm:s13], [sflag:s7] =	dma.local [spmem:s8], $0x500  }
0x14e: {  	_ =	swait.ge [sflag:s0], $0x500  }
0x14f: {  	s30 =	sadd.s32 $0x1, s30;
	s14 =	rddreg [dreg:$0x1a]  }
0x150: {  	p0 =	sne.s32 s30, s14  }
.Ltmp2:
0x151: {  	_ = 	snop;
	(pc) =	sbr.rel @p0 .LBB2_1-.Ltmp2, $3  }
0x152: {  	_ =	sdelay $0x1  }
0x153: {  	[sflag:s0] =	ssyncset.done $0x0  }
0x154: {  	[sflag:s0] =	ssyncadd.s32 $0xFFFFFB00  }
0x155: {  	_ =	sfence.sel $0x180000  }
0x156: {  	[bflag:$0x0] =	sbarrier.arrive $0xFFFF  }
0x157: {  	_ =	strace $0x9000004D  }
0x158: {  	s0 =	stileid.u32;
	[bflag:$0x2] =	sbarrier.arrive $0xFFFF  }
0x159: {  	p0 =	sne.s32 s0, $0x0;
	s0 =	rddreg [dreg:$0x3]  }
0x15a: {  	s0 =	sadd.s32 @!p0 $0x100000, s0  }
0x15b: {  	[sflag:s0] =	ssyncadd.tile.s32 @!p0 $0x1;
	_ =	shalt  }
.Lfunc_end2:
_tile_overlayer_lowered:
.L_overlay_start_2:
0x15c: {  	(tag) =	ssettag $0x2  }
0x15d: {  	s0 =	rddreg [dreg:$0x0];
	s2 =	stileid.u32  }
0x15e: {  	s1 =	rddreg [dreg:$0x1];
	p0 =	sne.s32 s2, $0x0  }
0x15f: {  	s3 =	rddreg [dreg:$0x2];
	[bflag:$0x3] =	sbarrier.arrive $0xFFFF;
	s2 =	simm.s32 @!p0 $0x1C09  }
0x160: {  	[timem:s3], [sflag:s2] =	dma.local @!p0 [hbm:s0], s1  }
0x161: {  	s0 =	simm.s32 @!p0 $0x9  }
0x162: {  	_ =	swait.ge @!p0 [sflag:s0], s1  }
0x163: {  	s1 =	ssub.s32 @!p0 $0x0, s1;
	[sflag:s0] =	ssyncset.done @!p0 $0x0  }
0x164: {  	[sflag:s0] =	ssyncadd.s32 @!p0 s1  }
0x165: {  	[bflag:$0x3] =	sbarrier.arrive $0xFFFF  }
0x166: {  	_ =	shalt  }

// kernel: kernel.19.cloned.1.call-start
scs
__scs_entry_jumppad:
0x0: {  	(pc) =	sbr.rel $0x88, $3  }
0x1: {  	(tag) =	ssettag $0x0;
	lr =	simm.s32 $0x1  }
0x2: {  	[smem:$0x3F97] =	sst lr;
	_ =	strace $0xD0000000  }
0x3: {  	_ = 	snop  }
0x4: {  	_ = 	snop  }
0x5: {  	_ = 	snop  }
0x6: {  	_ = 	snop  }
0x7: {  	_ = 	snop  }
__scs_overlays_trampoline_lowered:
0x8: {  	[smem:$0x3FA6] =	sst s0  }
0x9: {  	[smem:$0x3FA7] =	sst s1  }
0xa: {  	[smem:$0x3FA8] =	sst s2  }
0xb: {  	[smem:$0x3FA9] =	sst s3  }
0xc: {  	[smem:$0x3FAA] =	sst s4  }
0xd: {  	[smem:$0x3FAB] =	sst s5  }
0xe: {  	[smem:$0x3FAC] =	sst s6  }
0xf: {  	[smem:$0x3FAD] =	sst s7  }
0x10: {  	[smem:$0x3FAE] =	sst s8  }
0x11: {  	[smem:$0x3FAF] =	sst s9;
	s0 =	simm.s32 @!p0 $0x0  }
0x12: {  	s1 =	sld [smem:$0x3F95];
	s0 =	simm.s32 @p0 $0x1  }
0x13: {  	[smem:$0x3FB0] =	sst s0;
	s0 =	simm.s32 @!p1 $0x0  }
0x14: {  	s2 =	sld [smem:$0x3F94];
	s0 =	simm.s32 @p1 $0x1  }
0x15: {  	[smem:$0x3FB1] =	sst s0;
	s0 =	simm.s32 @!p2 $0x0  }
0x16: {  	s3 =	sld [smem:$0x3FDB];
	s0 =	simm.s32 @p2 $0x1  }
0x17: {  	s4 =	simm.s32 $0x1BF5;
	[smem:$0x3FB3] =	sst s0  }
0x18: {  	s0 =	sld [smem:$0x3F96];
	_ =	swait.ge [sflag:s4], $0x0  }
0x19: {  	s7 =	sld [smem:$0x3F97]  }
0x1a: {  	s8 =	sadd.s32 $0xFFFFE003, lr  }
0x1b: {  	s9 =	sadd.s32 $0xFFFFFEF7, lr;
	s5 =	simm.s32 $0xFFFFFFFF;
	p2 =	slt.u32 s8, $0xFFFFF086  }
0x1c: {  	p1 =	slt.u32 s9, $0xF7A;
	s5 =	simm.s32 @!p2 $0x0  }
0x1d: {  	s5 =	simm.s32 @p1 $0x1;
	p0 =	seq.s32 s7, s2  }
0x1e: {  	s7 =	smul.u32 @!p0 $0xF7A, s2;
	p2 =	seq.s32 @!p0 s5, $0x0  }
0x1f: {  	s9 =	smul.u32 $0xF7A, s1;
	s8 =	simm.s32 @!p0 $0x1BF5;
	p2 =	por !p2, p0  }
0x20: {  	[sflag:s8] =	ssyncset.s32 @!p0 $0xFFFFF086;
	s6 =	sadd.s32 @!p0 s3, s7;
	s7 =	simm.s32 @!p0 $0x108  }
0x21: {  	s3 =	sadd.s32 s3, s9;
	s6 =	sadd.s32 @!p0 $0x88, s6;
	s7 =	simm.s32 @p2 $0x1082  }
0x22: {  	[simem:s7], [sflag:s8] =	dma.local @!p0 [hbm:s6], $0xF7A  }
0x23: {  	s9 =	sor.u32 $0xD0000000, s2;
	s6 =	simm.s32 $0x108;
	_ =	swait.ge @!p0 [sflag:s8], $0x0  }
0x24: {  	s3 =	sadd.s32 $0x88, s3;
	s6 =	simm.s32 @!p1 $0x1082;
	[sflag:s4] =	ssyncset.s32 $0xFFFFF086  }
0x25: {  	[simem:s6], [sflag:s4] =	dma.local [hbm:s3], $0xF7A  }
0x26: {  	[smem:$0x3F97] =	sst s1;
	(tag) =	ssettag s2;
	_ =	strace s9  }
0x27: {  	s1 =	sld [smem:$0x3FA7]  }
0x28: {  	s2 =	sld [smem:$0x3FA8]  }
0x29: {  	s4 =	sld [smem:$0x3FAA]  }
0x2a: {  	p0 =	seq.s32 s5, $0x0;
	s5 =	sld [smem:$0x3FAB]  }
0x2b: {  	s6 =	sld [smem:$0x3FAC]  }
0x2c: {  	s7 =	sld [smem:$0x3FAD]  }
0x2d: {  	s3 =	simm.s32 $0x108;
	s8 =	sld [smem:$0x3FAE]  }
0x2e: {  	s3 =	simm.s32 @!p0 $0x1082;
	s9 =	sld [smem:$0x3FAF]  }
0x2f: {  	lr =	sadd.s32 s0, s3;
	s0 =	sld [smem:$0x3FA6]  }
0x30: {  	s3 =	sld [smem:$0x3FA9]  }
0x31: {  	[smem:$0x3FB2] =	sst s10  }
0x32: {  	s10 =	sld [smem:$0x3FB0];
	_ =	sdelay $0x3  }
0x33: {  	p0 =	seq.s32 s10, $0x1;
	s10 =	sld [smem:$0x3FB2];
	_ =	sdelay $0x3  }
0x34: {  	[smem:$0x3FB2] =	sst s10  }
0x35: {  	s10 =	sld [smem:$0x3FB1];
	_ =	sdelay $0x3  }
0x36: {  	p1 =	seq.s32 s10, $0x1;
	s10 =	sld [smem:$0x3FB2];
	_ =	sdelay $0x3  }
0x37: {  	[smem:$0x3FB2] =	sst s10  }
0x38: {  	s10 =	sld [smem:$0x3FB3]  }
0x39: {  	_ = 	snop;
	(pc) =	sbr.ind lr, $3  }
0x3a: {  	_ = 	snop  }
0x3b: {  	_ = 	snop  }
0x3c: {  	p2 =	seq.s32 s10, $0x1;
	s10 =	sld [smem:$0x3FB2]  }
0x3d: {  	_ =	shalt  }
0x3e: {  	_ =	shalt  }
0x3f: {  	_ =	shalt  }
0x40: {  	_ =	shalt  }
0x41: {  	_ =	shalt  }
0x42: {  	_ =	shalt  }
0x43: {  	_ =	shalt  }
0x44: {  	_ =	shalt  }
0x45: {  	_ =	shalt  }
0x46: {  	_ =	shalt  }
0x47: {  	_ =	shalt  }
0x48: {  	_ =	shalt  }
0x49: {  	_ =	shalt  }
0x4a: {  	_ =	shalt  }
0x4b: {  	_ =	shalt  }
0x4c: {  	_ =	shalt  }
0x4d: {  	_ =	shalt  }
0x4e: {  	_ =	shalt  }
0x4f: {  	_ =	shalt  }
0x50: {  	_ =	shalt  }
0x51: {  	_ =	shalt  }
0x52: {  	_ =	shalt  }
0x53: {  	_ =	shalt  }
0x54: {  	_ =	shalt  }
0x55: {  	_ =	shalt  }
0x56: {  	_ =	shalt  }
0x57: {  	_ =	shalt  }
0x58: {  	_ =	shalt  }
0x59: {  	_ =	shalt  }
0x5a: {  	_ =	shalt  }
0x5b: {  	_ =	shalt  }
0x5c: {  	_ =	shalt  }
0x5d: {  	_ =	shalt  }
0x5e: {  	_ =	shalt  }
0x5f: {  	_ =	shalt  }
0x60: {  	_ =	shalt  }
0x61: {  	_ =	shalt  }
0x62: {  	_ =	shalt  }
0x63: {  	_ =	shalt  }
0x64: {  	_ =	shalt  }
0x65: {  	_ =	shalt  }
0x66: {  	_ =	shalt  }
0x67: {  	_ =	shalt  }
0x68: {  	_ =	shalt  }
0x69: {  	_ =	shalt  }
0x6a: {  	_ =	shalt  }
0x6b: {  	_ =	shalt  }
0x6c: {  	_ =	shalt  }
0x6d: {  	_ =	shalt  }
0x6e: {  	_ =	shalt  }
0x6f: {  	_ =	shalt  }
0x70: {  	_ =	shalt  }
0x71: {  	_ =	shalt  }
0x72: {  	_ =	shalt  }
0x73: {  	_ =	shalt  }
0x74: {  	_ =	shalt  }
0x75: {  	_ =	shalt  }
0x76: {  	_ =	shalt  }
0x77: {  	_ =	shalt  }
0x78: {  	_ =	shalt  }
0x79: {  	_ =	shalt  }
0x7a: {  	_ =	shalt  }
0x7b: {  	_ =	shalt  }
0x7c: {  	_ =	shalt  }
0x7d: {  	_ =	shalt  }
0x7e: {  	_ =	shalt  }
0x7f: {  	_ =	shalt  }
0x80: {  	_ =	shalt  }
0x81: {  	_ =	shalt  }
0x82: {  	_ =	shalt  }
0x83: {  	_ =	shalt  }
0x84: {  	_ =	shalt  }
0x85: {  	_ =	shalt  }
0x86: {  	_ =	shalt  }
0x87: {  	_ =	shalt  }
.Lfunc_end0:
.L_simem_size_0:
called_computation.3_lowered:
.L_overlay_start_0:
0x88: {  	s2 =	sld [smem:$0x3FD9]  }
0x89: {  	s3 =	sld [smem:$0x3FFE];
	_ =	sdelay $0x1  }
0x8a: {  	s1 =	srdreg.scid  }
0x8b: {  	s0 =	sand.u32 $0x1, s1  }
0x8c: {  	s17 =	sshll.u32 s0, $0xA;
	s2 =	sadd.s32 s3, s2  }
0x8d: {  	s2 =	sadd.s32 s2, s17  }
0x8e: {  	[smem:$0x3FBE] =	sst s2  }
0x8f: {  	_ = 	snop  }
0x90: {  	s18 =	sld [smem:$0x3FC7];
	(tm) =	ssettm $0x1  }
0x91: {  	s19 =	sld [smem:$0x3FFB];
	_ =	sdelay $0x3  }
0x92: {  	_ =	strace s19  }
0x93: {  	s2 =	sld [smem:$0x3FFC];
	_ =	sdelay $0x3  }
0x94: {  	_ =	strace s2  }
0x95: {  	s2 =	sld [smem:$0x3FFD];
	_ =	sdelay $0x3  }
0x96: {  	_ =	strace s2  }
0x97: {  	_ =	strace $0x8FFFFFFF  }
0x98: {  	s20 =	sld [smem:$0x3FDB];
	_ =	sdelay $0x1  }
0x99: {  	s4 =	simm.s32 $_scs_section_size  }
0x9a: {  	s5 =	simm.s32 $_size__tile_overlayer_lowered;
	s6 =	simm.s32 $_tile_overlayer_lowered  }
0x9b: {  	s7 =	simm.s32 $0x1BFF;
	s21 =	sshll.u32 s6, $0x1;
	s4 =	sadd.s32 s4, s20  }
0x9c: {  	s22 =	simm.s32 $0x0;
	s5 =	sshll.u32 s5, $0x1;
	s6 =	sadd.s32 s21, s4  }
0x9d: {  	[timem:s22], [sflag:s7] =	dma.local [hbm:s6], s5  }
0x9e: {  	_ =	swait.ge [sflag:s7], s5  }
0x9f: {  	s5 =	ssub.s32 $0x0, s5;
	[sflag:s7] =	ssyncset.done $0x0  }
0xa0: {  	[sflag:s7] =	ssyncadd.s32 s5;
	_ =	sdelay $0x1  }
0xa1: {  	s23 =	simm.s32 $0x1B8B  }
0xa2: {  	_ =	swait.ge [sflag:s23], $0x1  }
0xa3: {  	[sflag:s23] =	ssyncset.done $0x0  }
0xa4: {  	[sflag:s23] =	ssyncadd.s32 $0xFFFFFFFF  }
0xa5: {  	s5 =	sld [smem:$0x0]  }
0xa6: {  	s6 =	sand.u32 $0xFFFFFFFE, s1  }
0xa7: {  	p0 =	sne.s32 s1, s6  }
0xa8: {  	s6 =	sshll.u32 @p0 s6, $0xE  }
0xa9: {  	s6 =	sadd.s32 @p0 $0x11B8D, s6;
	s7 =	sshll.u32 @p0 s5, $0x11  }
0xaa: {  	s6 =	sor.u32 @p0 s7, s6  }
0xab: {  	[sflag:s6] =	ssyncadd.remote.s32 @p0 $0x1;
	_ =	sdelay $0x1  }
0xac: {  	s6 =	simm.s32 @p0 $0x1B8D  }
0xad: {  	_ =	swait.eq @p0 [sflag:s6], $0x1  }
0xae: {  	[sflag:s6] =	ssyncadd.s32 @p0 $0xFFFFFFFF  }
0xaf: {  	s7 =	sshll.u32 @!p0 s1, $0xE  }
0xb0: {  	s7 =	sor.u32 @!p0 $0x4000, s7;
	s6 =	simm.s32 @!p0 $0x1B8D  }
0xb1: {  	s5 =	sshll.u32 @!p0 s5, $0x11;
	s7 =	sadd.s32 @!p0 $0x11B8D, s7;
	_ =	swait.eq @!p0 [sflag:s6], $0x1  }
0xb2: {  	s5 =	sor.u32 @!p0 s5, s7;
	[sflag:s6] =	ssyncadd.s32 @!p0 $0xFFFFFFFF  }
0xb3: {  	s25 =	simm.s32 $0x1B8E;
	s24 =	sld [smem:$0x3FFE];
	[sflag:s5] =	ssyncadd.remote.s32 @!p0 $0x1  }
0xb4: {  	s26 =	simm.s32 $execute0_lowered;
	[smem:$0x3FD2] =	sst s25  }
0xb5: {  	s6 =	sshll.u32 s26, $0x1;
	_ =	strace $0x8000004F;
	[dreg:$0x1] =	wrdreg $0xFFFFFFFF  }
0xb6: {  	s28 =	simm.s32 $_size_execute0_lowered;
	s4 =	sadd.s32 s4, s6;
	[dreg:$0x0] =	wrdreg $0x0  }
0xb7: {  	s6 =	sshll.u32 s28, $0x1;
	[dreg:$0x2] =	wrdreg s4  }
0xb8: {  	[dreg:$0x3] =	wrdreg s6  }
0xb9: {  	[dreg:$0x4] =	wrdreg $0xC0  }
0xba: {  	_ =	task [dreg:s22], $0x5FFFF  }
0xbb: {  	[dreg:$0x1] =	wrdreg $0xFFFFFFFF  }
0xbc: {  	[dreg:$0x0] =	wrdreg $0x60  }
0xbd: {  	[dreg:$0x2] =	wrdreg s24  }
0xbe: {  	[dreg:$0x3] =	wrdreg s18  }
0xbf: {  	[dreg:$0x4] =	wrdreg $0xA2000  }
0xc0: {  	[dreg:$0x5] =	wrdreg $0x9  }
0xc1: {  	_ =	task.clear_ibuf [dreg:s22], $0x6FFFF;
	_ =	strace $0x9000004F  }
0xc2: {  	s29 =	simm.s32 $0x9;
	_ =	strace $0x80000051  }
0xc3: {  	_ =	swait.ge [sflag:s29], $0x1  }
0xc4: {  	[sflag:s29] =	ssyncadd.s32 $0xFFFFFFFF  }
0xc5: {  	_ =	strace $0x90000051  }
0xc6: {  	_ =	sfence  }
0xc7: {  	s30 =	sld [smem:$0x0];
	_ =	sdelay $0x2  }
0xc8: {  	s31 =	sshll.u32 s1, $0xD;
	s1 =	sshrl.u32 s1, $0x2  }
0xc9: {  	s4 =	sand.u32 $0x4000, s31;
	s1 =	sadd.s32 s1, s30  }
0xca: {  	s0 =	sor.u32 s4, s0;
	s1 =	sshll.u32 s1, $0x11  }
0xcb: {  	s0 =	sor.u32 s1, s0  }
0xcc: {  	s0 =	sadd.s32 $0x8F2B, s0  }
0xcd: {  	[sflag:s0] =	ssyncadd.remote.s32 $0x1  }
0xce: {  	_ =	sfence.sel $0xFFFF  }
0xcf: {  	[dreg:$0x0] =	wrdreg $0xFFFFFFFF;
	(pc) =	sbr.abs _section_cstart, $3  }
0xd0: {  	[dreg:$0x1] =	wrdreg $0xFFFFFFFF  }
0xd1: {  	_ =	task.clear_ibuf [dreg:s22], $0x2FFFF;
	_ =	strace $0x9FFFFFFF  }
0xd2: {  	(tm) =	ssettm $0x7FFFFFFF  }
0xd3: {  	_ =	shalt  }
tec
execute0_lowered:
.L_overlay_start_1:
0x0: {  	(tag) =	ssettag $0x1  }
0x1: {  	s0 =	rddreg [dreg:$0x0]  }
0x2: {  	s1 =	rddreg [dreg:$0x1]  }
0x3: {  	s2 =	rddreg [dreg:$0x2];
	s3 =	simm.s32 $0x0  }
0x4: {  	s4 =	srdreg.scid;
	s10 =	stileid.u32;
	s28 =	simm.s32 $0x3  }
0x5: {  	s29 =	simm.s32 $0x7;
	s30 =	simm.s32 $0x4;
	s31 =	simm.s32 $0x0  }
0x6: {  	[smem:$0x7FF] =	sst s3;
	s5 =	sadd.s32 $0x7A000, s0;
	s8 =	smul.u32 $0x280, s10  }
0x7: {  	s4 =	sand.u32 $0x1, s4;
	s7 =	sshll.u32 s10, $0x1;
	s10 =	smul.u32 $0x50000, s10  }
0x8: {  	s13 =	sadd.s32 $0x2C8000, s0;
	_ =	strace $0x80000050;
	s6 =	ssub.s32 $0x2, s4  }
0x9: {  	s7 =	sor.u32 s4, s7;
	s4 =	smul.u32 $0x2800, s4;
	s9 =	sshrl.u32 s6, $0x1  }
0xa: {  	s25 =	sshrl.u32 s10, $0x2;
	s26 =	sor.u32 $0x50, s8;
	s14 =	sadd.s32 $0xA0, s8  }
0xb: {  	s19 =	sadd.s32 $0xF0, s8;
	s15 =	sadd.s32 $0x140, s8;
	s16 =	sadd.s32 $0x190, s8  }
0xc: {  	s22 =	sadd.s32 $0x1E0, s8;
	s0 =	ssub.s32 s6, s9;
	s6 =	smul.u32 $0x1270, s7  }
0xd: {  	s21 =	sadd.s32 s25, s2;
	s17 =	sshll.u32 s26, $0x7;
	s11 =	sshll.u32 s14, $0x7  }
0xe: {  	s20 =	sshll.u32 s19, $0x7;
	s12 =	sshll.u32 s15, $0x7;
	s10 =	sadd.s32 s4, s26  }
0xf: {  	s23 =	sadd.s32 s4, s14;
	s24 =	sadd.s32 s4, s15;
	s14 =	sadd.s32 s4, s22  }
0x10: {  	s9 =	sadd.s32 s17, s2;
	s18 =	sadd.s32 s11, s2;
	s17 =	sshll.u32 s16, $0x7  }
0x11: {  	s11 =	sadd.s32 s20, s2;
	s12 =	sadd.s32 s12, s2;
	s10 =	sshll.u32 s10, $0x4  }
0x12: {  	s25 =	sshll.u32 s24, $0x4;
	s15 =	sshll.u32 s14, $0x4;
	[dreg:$0x4] =	wrdreg s9  }
0x13: {  	s0 =	smax.u32 s0, $0x1;
	s14 =	simm.s32 $0x80;
	[dreg:$0x5] =	wrdreg s18  }
0x14: {  	s17 =	sadd.s32 s17, s2;
	s18 =	sadd.s32 s8, s4;
	[dreg:$0x19] =	wrdreg s0  }
0x15: {  	s8 =	sadd.s32 $0x230, s8;
	s10 =	sadd.s32 s13, s10;
	[dreg:$0x6] =	wrdreg s11  }
0x16: {  	s9 =	sadd.s32 s4, s19;
	s26 =	sadd.s32 s13, s25;
	[dreg:$0x7] =	wrdreg s12  }
0x17: {  	s0 =	simm.s32 $0x200;
	[dreg:$0x8] =	wrdreg s17;
	s18 =	sshll.u32 s18, $0x4  }
0x18: {  	[dreg:$0xa] =	wrdreg s10;
	s10 =	sshll.u32 s23, $0x4;
	s9 =	sshll.u32 s9, $0x4  }
0x19: {  	[dreg:$0xd] =	wrdreg s26;
	s23 =	sadd.s32 $0x29400, s6;
	s18 =	sadd.s32 s13, s18  }
0x1a: {  	s17 =	simm.s32 $0x7A00;
	s10 =	sadd.s32 s13, s10;
	[dreg:$0x9] =	wrdreg s18  }
0x1b: {  	s9 =	sadd.s32 s13, s9;
	s20 =	sshrl.u32 s23, $0x3;
	[dreg:$0xb] =	wrdreg s10  }
0x1c: {  	[dreg:$0xc] =	wrdreg s9;
	s10 =	sadd.s32 s4, s16;
	s4 =	sadd.s32 s4, s8  }
0x1d: {  	s16 =	smul.u32 $0x12700, s7;
	s18 =	sshll.u32 s22, $0x7;
	s8 =	sshll.u32 s8, $0x7  }
0x1e: {  	s7 =	smul.u32 $0x93800, s7;
	s22 =	sshrl.u32 s6, $0x3;
	s9 =	sshll.u32 s10, $0x4  }
0x1f: {  	s4 =	sshll.u32 s4, $0x4;
	s10 =	sadd.s32 s18, s2;
	s8 =	sadd.s32 s8, s2  }
0x20: {  	s18 =	simm.s32 $0x180;
	s9 =	sadd.s32 s13, s9;
	[dreg:$0x12] =	wrdreg s8  }
0x21: {  	s4 =	sadd.s32 s13, s4;
	s19 =	sshrl.u32 s7, $0x3;
	[dreg:$0x11] =	wrdreg s10  }
0x22: {  	s7 =	sadd.s32 s1, s20;
	s20 =	simm.s32 $0x50;
	[dreg:$0xe] =	wrdreg s9  }
0x23: {  	s9 =	sadd.s32 s13, s15;
	[dreg:$0x10] =	wrdreg s4;
	s4 =	sadd.s32 s5, s16  }
0x24: {  	[dreg:$0x14] =	wrdreg s7;
	s7 =	sadd.s32 s1, s22;
	s13 =	simm.s32 $0x2A00  }
0x25: {  	s15 =	simm.s32 $0x5200;
	s16 =	simm.s32 $0x100;
	[dreg:$0xf] =	wrdreg s9  }
0x26: {  	[dreg:$0x13] =	wrdreg s4;
	s4 =	sadd.s32 s5, s19;
	s25 =	sadd.s32 $0x528A, s7  }
0x27: {  	s26 =	sadd.s32 $0x5294, s7;
	s19 =	simm.s32 $0x1;
	[dreg:$0x17] =	wrdreg s25  }
0x28: {  	s24 =	sadd.s32 $0x500, s4;
	s4 =	sadd.s32 $0xA00, s4;
	[dreg:$0x18] =	wrdreg s26  }
0x29: {  	s25 =	simm.s32 $0x2;
	s26 =	simm.s32 $0x6;
	[dreg:$0x15] =	wrdreg s24  }
0x2a: {  	v0 =	vimm.f32 $0.0e+00;
	[dreg:$0x16] =	wrdreg s4;
	s4 =	simm.s32 $0x9;
	s24 =	simm.s32 $0x5  }
.LBB2_1:
0x2b: {  	s7 =	simm.s32 $0x0;
	s8 =	simm.s32 $0x200  }
.LBB2_2:
0x2c: {  	p0 =	sne.s32 s8, $0x9E00;
	[tilespmem:s7+$0x270] =	vst v0  }
0x2d: {  	[tilespmem:s7+$0x200] =	vst v0  }
0x2e: {  	[tilespmem:s7+$0x210] =	vst v0  }
.Ltmp0:
0x2f: {  	[tilespmem:s7+$0x220] =	vst v0;
	(pc) =	sbr.rel @p0 .LBB2_2-.Ltmp0, $4  }
0x30: {  	[tilespmem:s7+$0x230] =	vst v0  }
0x31: {  	[tilespmem:s7+$0x240] =	vst v0  }
0x32: {  	[tilespmem:s7+$0x250] =	vst v0  }
0x33: {  	[tilespmem:s7+$0x260] =	vst v0;
	s7 =	sshra.s32 s8, $0x2;
	s8 =	sadd.s32 $0x200, s8  }
0x34: {  	[tilespmem:s7+$0x270] =	vst v0  }
0x35: {  	[tilespmem:s7+$0x200] =	vst v0  }
0x36: {  	[tilespmem:s7+$0x210] =	vst v0  }
0x37: {  	[tilespmem:s7+$0x220] =	vst v0  }
0x38: {  	[tilespmem:s7+$0x230] =	vst v0  }
0x39: {  	[tilespmem:s7+$0x240] =	vst v0  }
0x3a: {  	[tilespmem:s7+$0x250] =	vst v0  }
0x3b: {  	[tilespmem:s7+$0x260] =	vst v0  }
0x3c: {  	[spmem:s21] =	stream.linear.scatter [tilespmem:s0], [sflag:$0x9], $0x2800, $0x38;
	[tilespmem:$0x1E200] =	vst v63  }
0x3d: {  	_ =	swait.ge [sflag:s4], $0x2800  }
0x3e: {  	[sflag:s4] =	ssyncset.done $0x0  }
0x3f: {  	s22 =	smov.u32 s21;
	s21 =	rddreg [dreg:$0x4];
	[sflag:s4] =	ssyncadd.s32 $0xFFFFD800  }
0x40: {  	[spmem:s21] =	stream.linear.scatter [tilespmem:s0], [sflag:$0x9], $0x2800, $0x38;
	[tilespmem:$0x1E200] =	vst v63  }
0x41: {  	_ =	swait.ge [sflag:s4], $0x2800  }
0x42: {  	[sflag:s4] =	ssyncset.done $0x0  }
0x43: {  	s8 =	rddreg [dreg:$0x5];
	[sflag:s4] =	ssyncadd.s32 $0xFFFFD800  }
0x44: {  	[spmem:s8] =	stream.linear.scatter [tilespmem:s0], [sflag:$0x9], $0x2800, $0x38;
	[tilespmem:$0x1E200] =	vst v63  }
0x45: {  	_ =	swait.ge [sflag:s4], $0x2800  }
0x46: {  	[sflag:s4] =	ssyncset.done $0x0  }
0x47: {  	[sflag:s4] =	ssyncadd.s32 $0xFFFFD800  }
0x48: {  	[spmem:s11] =	stream.linear.scatter [tilespmem:s0], [sflag:$0x9], $0x2800, $0x38;
	[tilespmem:$0x1E200] =	vst v63  }
0x49: {  	_ =	swait.ge [sflag:s4], $0x2800  }
0x4a: {  	[sflag:s4] =	ssyncset.done $0x0  }
0x4b: {  	[sflag:s4] =	ssyncadd.s32 $0xFFFFD800  }
0x4c: {  	[spmem:s12] =	stream.linear.scatter [tilespmem:s0], [sflag:$0x9], $0x2800, $0x38;
	[tilespmem:$0x1E200] =	vst v63  }
0x4d: {  	_ =	swait.ge [sflag:s4], $0x2800  }
0x4e: {  	[sflag:s4] =	ssyncset.done $0x0  }
0x4f: {  	s9 =	rddreg [dreg:$0x8];
	[sflag:s4] =	ssyncadd.s32 $0xFFFFD800  }
0x50: {  	[spmem:s9] =	stream.linear.scatter [tilespmem:s0], [sflag:$0x9], $0x2800, $0x38;
	[tilespmem:$0x1E200] =	vst v63  }
0x51: {  	_ =	swait.ge [sflag:s4], $0x2800  }
0x52: {  	[sflag:s4] =	ssyncset.done $0x0  }
0x53: {  	[sflag:s4] =	ssyncadd.s32 $0xFFFFD800  }
0x54: {  	[spmem:s10] =	stream.linear.scatter [tilespmem:s0], [sflag:$0x9], $0x2800, $0x38;
	[tilespmem:$0x1E200] =	vst v63  }
0x55: {  	_ =	swait.ge [sflag:s4], $0x2800  }
0x56: {  	[sflag:s4] =	ssyncset.done $0x0  }
0x57: {  	s11 =	rddreg [dreg:$0x12];
	[sflag:s4] =	ssyncadd.s32 $0xFFFFD800  }
0x58: {  	[spmem:s11] =	stream.linear.scatter [tilespmem:s0], [sflag:$0x9], $0x2800, $0x38;
	[tilespmem:$0x1E200] =	vst v63  }
0x59: {  	_ =	swait.ge [sflag:s4], $0x2800  }
0x5a: {  	[sflag:s4] =	ssyncset.done $0x0  }
0x5b: {  	[sflag:s4] =	ssyncadd.s32 $0xFFFFD800  }
0x5c: {  	[bflag:$0x0] =	sbarrier.arrive $0xFFFF  }
0x5d: {  	s7 =	simm.s32 $0x0;
	s8 =	rddreg [dreg:$0x13]  }
0x5e: {  	[tilespmem:s0], [sflag:$0x1] =	stream.linear.gather [hbm4b:s8+s7], $0x2800, $0x38;
	[tilespmem:$0x1E200] =	vst v63  }
0x5f: {  	s12 =	rddreg [dreg:$0x14]  }
0x60: {  	[tilespmem:s7], [sflag:$0x1] =	stream.linear.gather [hbm4b:s12+s7], $0x50, $0x38;
	[tilespmem:$0x1E200] =	vst v63  }
0x61: {  	s21 =	rddreg [dreg:$0x15]  }
0x62: {  	[tilespmem:s13], [sflag:$0x2] =	stream.linear.gather [hbm4b:s21+s7], $0x2800, $0x38;
	[tilespmem:$0x1E200] =	vst v63  }
0x63: {  	p0 =	por $0x1, $0x1;
	s9 =	rddreg [dreg:$0x17]  }
0x64: {  	[tilespmem:s14], [sflag:$0x2] =	stream.linear.gather [hbm4b:s9+s7], $0x50, $0x38;
	[tilespmem:$0x1E200] =	vst v63  }
0x65: {  	s10 =	rddreg [dreg:$0x16];
	s8 =	simm.s32 @!p0 $0xF0  }
0x66: {  	[tilespmem:s15], [sflag:$0x3] =	stream.linear.gather [hbm4b:s10+s7], $0x2800, $0x38;
	[tilespmem:$0x1E200] =	vst v63  }
0x67: {  	s11 =	rddreg [dreg:$0x18];
	s8 =	simm.s32 @p0 $0xF0;
	s9 =	simm.s32 @!p0 $0x8  }
0x68: {  	[tilespmem:s16], [sflag:$0x3] =	stream.linear.gather [hbm4b:s11+s7], $0x50, $0x38;
	[tilespmem:$0x1E200] =	vst v63  }
0x69: {  	s12 =	sadd.s32 s6, s8;
	_ =	swait.ge @!p0 [sflag:s9], $0x2800  }
0x6a: {  	s8 =	sadd.s32 s23, s8;
	s10 =	sshll.u32 s12, $0x4;
	[sflag:s9] =	ssyncset.done @!p0 $0x0  }
0x6b: {  	s8 =	sshrl.u32 s8, $0x3;
	s21 =	sadd.s32 s5, s10;
	[sflag:s9] =	ssyncadd.s32 @!p0 $0xFFFFD800  }
0x6c: {  	[tilespmem:s17], [sflag:$0x4] =	stream.linear.gather [hbm4b:s21+s3], $0x2800, $0x38;
	[tilespmem:$0x1E200] =	vst v63  }
0x6d: {  	s8 =	sadd.s32 s1, s8  }
0x6e: {  	[tilespmem:s18], [sflag:$0x4] =	stream.linear.gather [hbm4b:s8+s3], $0x50, $0x38;
	[tilespmem:$0x1E200] =	vst v63  }
0x6f: {  	_ =	swait.ge [sflag:s19], $0x2800  }
0x70: {  	[sflag:s19] =	ssyncset.done $0x0  }
0x71: {  	[sflag:s19] =	ssyncadd.s32 $0xFFFFD800  }
0x72: {  	_ =	swait.ge [sflag:s19], $0x50  }
0x73: {  	s7 =	simm.s32 @p0 $0x0;
	[sflag:s19] =	ssyncset.done $0x0  }
0x74: {  	s9 =	sadd.s32 $0x140, s7;
	[sflag:s19] =	ssyncadd.s32 $0xFFFFFFB0  }
0x75: {  	[spmem:s2] =	stream.indirect.scatter.add.f32 [tilespmem:s0], [sflag:$0x5], $0x80, s3, s20, $0xb8;
	[tilespmem:$0x1E200] =	vst v63  }
0x76: {  	s10 =	sadd.s32 s6, s9;
	_ =	swait.ge [sflag:s24], $0x2800  }
0x77: {  	s8 =	sadd.s32 s23, s9;
	s9 =	sshll.u32 s10, $0x4;
	[sflag:s24] =	ssyncset.done $0x0  }
0x78: {  	s8 =	sshrl.u32 s8, $0x3;
	s9 =	sadd.s32 s5, s9;
	[sflag:s24] =	ssyncadd.s32 $0xFFFFD800  }
0x79: {  	[tilespmem:s0], [sflag:$0x1] =	stream.linear.gather [hbm4b:s9+s3], $0x2800, $0x38;
	[tilespmem:$0x1E200] =	vst v63  }
0x7a: {  	s8 =	sadd.s32 s1, s8  }
0x7b: {  	[tilespmem:s3], [sflag:$0x1] =	stream.linear.gather [hbm4b:s8+s3], $0x50, $0x38;
	[tilespmem:$0x1E200] =	vst v63  }
0x7c: {  	_ =	swait.ge [sflag:s25], $0x2800  }
0x7d: {  	[sflag:s25] =	ssyncset.done $0x0  }
0x7e: {  	[sflag:s25] =	ssyncadd.s32 $0xFFFFD800  }
0x7f: {  	_ =	swait.ge [sflag:s25], $0x50  }
0x80: {  	[sflag:s25] =	ssyncset.done $0x0  }
0x81: {  	s11 =	sadd.s32 $0x190, s7;
	[sflag:s25] =	ssyncadd.s32 $0xFFFFFFB0  }
0x82: {  	[spmem:s2] =	stream.indirect.scatter.add.f32 [tilespmem:s13], [sflag:$0x6], $0x80, s14, s20, $0xb8;
	[tilespmem:$0x1E200] =	vst v63  }
0x83: {  	s12 =	sadd.s32 s6, s11;
	_ =	swait.ge [sflag:s26], $0x2800  }
0x84: {  	s9 =	sshll.u32 s12, $0x4;
	s8 =	sadd.s32 s23, s11;
	[sflag:s26] =	ssyncset.done $0x0  }
0x85: {  	s9 =	sadd.s32 s5, s9;
	s8 =	sshrl.u32 s8, $0x3;
	[sflag:s26] =	ssyncadd.s32 $0xFFFFD800  }
0x86: {  	[tilespmem:s13], [sflag:$0x2] =	stream.linear.gather [hbm4b:s9+s3], $0x2800, $0x38;
	[tilespmem:$0x1E200] =	vst v63  }
0x87: {  	s8 =	sadd.s32 s1, s8  }
0x88: {  	[tilespmem:s14], [sflag:$0x2] =	stream.linear.gather [hbm4b:s8+s3], $0x50, $0x38;
	[tilespmem:$0x1E200] =	vst v63  }
0x89: {  	_ =	swait.ge [sflag:s28], $0x2800  }
0x8a: {  	[sflag:s28] =	ssyncset.done $0x0  }
0x8b: {  	[sflag:s28] =	ssyncadd.s32 $0xFFFFD800  }
0x8c: {  	_ =	swait.ge [sflag:s28], $0x50  }
0x8d: {  	[sflag:s28] =	ssyncset.done $0x0  }
0x8e: {  	s7 =	sadd.s32 $0x1E0, s7;
	[sflag:s28] =	ssyncadd.s32 $0xFFFFFFB0  }
0x8f: {  	[spmem:s2] =	stream.indirect.scatter.add.f32 [tilespmem:s15], [sflag:$0x7], $0x80, s16, s20, $0xb8;
	[tilespmem:$0x1E200] =	vst v63  }
0x90: {  	s21 =	sadd.s32 s6, s7;
	_ =	swait.ge [sflag:s29], $0x2800  }
0x91: {  	s7 =	sadd.s32 s23, s7;
	s8 =	sshll.u32 s21, $0x4;
	[sflag:s29] =	ssyncset.done $0x0  }
0x92: {  	s7 =	sshrl.u32 s7, $0x3;
	s8 =	sadd.s32 s5, s8;
	[sflag:s29] =	ssyncadd.s32 $0xFFFFD800  }
0x93: {  	[tilespmem:s15], [sflag:$0x3] =	stream.linear.gather [hbm4b:s8+s3], $0x2800, $0x38;
	[tilespmem:$0x1E200] =	vst v63  }
0x94: {  	s7 =	sadd.s32 s1, s7  }
0x95: {  	[tilespmem:s16], [sflag:$0x3] =	stream.linear.gather [hbm4b:s7+s3], $0x50, $0x38;
	[tilespmem:$0x1E200] =	vst v63  }
0x96: {  	_ =	swait.ge [sflag:s30], $0x2800  }
0x97: {  	[sflag:s30] =	ssyncset.done $0x0  }
0x98: {  	p1 =	por $0x0, $0x0;
	[sflag:s30] =	ssyncadd.s32 $0xFFFFD800  }
0x99: {  	s10 =	simm.s32 @!p1 $0x230;
	s9 =	simm.s32 @!p1 $0x8;
	_ =	swait.ge [sflag:s30], $0x50  }
0x9a: {  	s8 =	simm.s32 $0x280;
	s7 =	simm.s32 $0x140;
	[sflag:s30] =	ssyncset.done $0x0  }
.LBB2_4:
0x9b: {  	s10 =	simm.s32 @p1 $0xF0  }
0x9c: {  	[sflag:s30] =	ssyncadd.s32 $0xFFFFFFB0;
	s11 =	smov.u32 s8;
	s8 =	sadd.s32 $0x140, s8  }
0x9d: {  	[spmem:s2] =	stream.indirect.scatter.add.f32 [tilespmem:s17], [sflag:$0x8], $0x80, s18, s20, $0xb8;
	[tilespmem:$0x1E200] =	vst v63  }
0x9e: {  	s12 =	sadd.s32 s6, s10;
	s10 =	sadd.s32 s23, s10;
	_ =	swait.ge @!p1 [sflag:s9], $0x2800  }
0x9f: {  	s12 =	sshll.u32 s12, $0x4;
	s10 =	sshrl.u32 s10, $0x3;
	[sflag:s9] =	ssyncset.done @!p1 $0x0  }
0xa0: {  	s10 =	sadd.s32 s1, s10;
	[sflag:s9] =	ssyncadd.s32 @!p1 $0xFFFFD800;
	s9 =	sadd.s32 s5, s12  }
0xa1: {  	[tilespmem:s17], [sflag:$0x4] =	stream.linear.gather [hbm4b:s9+s3], $0x2800, $0x38;
	[tilespmem:$0x1E200] =	vst v63  }
0xa2: {  	p0 =	sne.s32 s8, $0x1180  }
0xa3: {  	[tilespmem:s18], [sflag:$0x4] =	stream.linear.gather [hbm4b:s10+s3], $0x50, $0x38;
	[tilespmem:$0x1E200] =	vst v63  }
0xa4: {  	_ =	swait.ge [sflag:s19], $0x2800  }
0xa5: {  	[sflag:s19] =	ssyncset.done $0x0  }
0xa6: {  	s9 =	smov.u32 s7;
	[sflag:s19] =	ssyncadd.s32 $0xFFFFD800  }
0xa7: {  	s7 =	smov.u32 s11;
	s9 =	simm.s32 @p1 $0x0;
	_ =	swait.ge [sflag:s19], $0x50  }
0xa8: {  	s10 =	sadd.s32 $0x140, s9;
	s11 =	sadd.s32 $0x190, s9;
	[sflag:s19] =	ssyncset.done $0x0  }
0xa9: {  	s12 =	sadd.s32 s6, s10;
	s10 =	sadd.s32 s23, s10;
	[sflag:s19] =	ssyncadd.s32 $0xFFFFFFB0  }
0xaa: {  	[spmem:s2] =	stream.indirect.scatter.add.f32 [tilespmem:s0], [sflag:$0x5], $0x80, s3, s20, $0xb8;
	[tilespmem:$0x1E200] =	vst v63  }
0xab: {  	s12 =	sshll.u32 s12, $0x4;
	s10 =	sshrl.u32 s10, $0x3;
	_ =	swait.ge [sflag:s24], $0x2800  }
0xac: {  	s21 =	sadd.s32 s6, s11;
	s12 =	sadd.s32 s5, s12;
	[sflag:s24] =	ssyncset.done $0x0  }
0xad: {  	s21 =	sshll.u32 s21, $0x4;
	s10 =	sadd.s32 s1, s10;
	[sflag:s24] =	ssyncadd.s32 $0xFFFFD800  }
0xae: {  	[tilespmem:s0], [sflag:$0x1] =	stream.linear.gather [hbm4b:s12+s3], $0x2800, $0x38;
	[tilespmem:$0x1E200] =	vst v63  }
0xaf: {  	s9 =	sadd.s32 $0x1E0, s9;
	s11 =	sadd.s32 s23, s11  }
0xb0: {  	[tilespmem:s3], [sflag:$0x1] =	stream.linear.gather [hbm4b:s10+s3], $0x50, $0x38;
	[tilespmem:$0x1E200] =	vst v63  }
0xb1: {  	s10 =	sshrl.u32 s11, $0x3;
	s11 =	sadd.s32 s6, s9;
	_ =	swait.ge [sflag:s25], $0x2800  }
0xb2: {  	s9 =	sadd.s32 s23, s9;
	s11 =	sshll.u32 s11, $0x4;
	[sflag:s25] =	ssyncset.done $0x0  }
0xb3: {  	s9 =	sshrl.u32 s9, $0x3;
	[sflag:s25] =	ssyncadd.s32 $0xFFFFD800  }
0xb4: {  	_ =	swait.ge [sflag:s25], $0x50  }
0xb5: {  	[sflag:s25] =	ssyncset.done $0x0  }
0xb6: {  	[sflag:s25] =	ssyncadd.s32 $0xFFFFFFB0  }
0xb7: {  	[spmem:s2] =	stream.indirect.scatter.add.f32 [tilespmem:s13], [sflag:$0x6], $0x80, s14, s20, $0xb8;
	[tilespmem:$0x1E200] =	vst v63  }
0xb8: {  	_ =	swait.ge [sflag:s26], $0x2800  }
0xb9: {  	s12 =	sadd.s32 s5, s21;
	[sflag:s26] =	ssyncset.done $0x0  }
0xba: {  	s10 =	sadd.s32 s1, s10;
	[sflag:s26] =	ssyncadd.s32 $0xFFFFD800  }
0xbb: {  	[tilespmem:s13], [sflag:$0x2] =	stream.linear.gather [hbm4b:s12+s3], $0x2800, $0x38;
	[tilespmem:$0x1E200] =	vst v63  }
0xbc: {  	_ = 	snop  }
0xbd: {  	[tilespmem:s14], [sflag:$0x2] =	stream.linear.gather [hbm4b:s10+s3], $0x50, $0x38;
	[tilespmem:$0x1E200] =	vst v63  }
0xbe: {  	_ =	swait.ge [sflag:s28], $0x2800  }
0xbf: {  	[sflag:s28] =	ssyncset.done $0x0  }
0xc0: {  	[sflag:s28] =	ssyncadd.s32 $0xFFFFD800  }
0xc1: {  	_ =	swait.ge [sflag:s28], $0x50  }
0xc2: {  	[sflag:s28] =	ssyncset.done $0x0  }
0xc3: {  	[sflag:s28] =	ssyncadd.s32 $0xFFFFFFB0  }
0xc4: {  	[spmem:s2] =	stream.indirect.scatter.add.f32 [tilespmem:s15], [sflag:$0x7], $0x80, s16, s20, $0xb8;
	[tilespmem:$0x1E200] =	vst v63  }
0xc5: {  	_ =	swait.ge [sflag:s29], $0x2800  }
0xc6: {  	s10 =	sadd.s32 s5, s11;
	[sflag:s29] =	ssyncset.done $0x0  }
0xc7: {  	s9 =	sadd.s32 s1, s9;
	[sflag:s29] =	ssyncadd.s32 $0xFFFFD800  }
0xc8: {  	[tilespmem:s15], [sflag:$0x3] =	stream.linear.gather [hbm4b:s10+s3], $0x2800, $0x38;
	[tilespmem:$0x1E200] =	vst v63  }
0xc9: {  	_ = 	snop  }
0xca: {  	[tilespmem:s16], [sflag:$0x3] =	stream.linear.gather [hbm4b:s9+s3], $0x50, $0x38;
	[tilespmem:$0x1E200] =	vst v63  }
.Ltmp1:
0xcb: {  	_ =	swait.ge [sflag:s30], $0x2800;
	(pc) =	sbr.rel @p0 .LBB2_4-.Ltmp1, $4  }
0xcc: {  	[sflag:s30] =	ssyncset.done $0x0  }
0xcd: {  	[sflag:s30] =	ssyncadd.s32 $0xFFFFD800  }
0xce: {  	p1 =	seq.s32 s7, $0x0;
	_ =	swait.ge [sflag:s30], $0x50  }
0xcf: {  	s10 =	sadd.s32 @!p1 $0xF0, s7;
	s9 =	simm.s32 @!p1 $0x8;
	[sflag:s30] =	ssyncset.done $0x0  }
0xd0: {  	s10 =	simm.s32 @p1 $0xF0;
	[sflag:s30] =	ssyncadd.s32 $0xFFFFFFB0  }
0xd1: {  	[spmem:s2] =	stream.indirect.scatter.add.f32 [tilespmem:s17], [sflag:$0x8], $0x80, s18, s20, $0xb8;
	[tilespmem:$0x1E200] =	vst v63  }
0xd2: {  	s8 =	sadd.s32 s6, s10;
	_ =	swait.ge @!p1 [sflag:s9], $0x2800  }
0xd3: {  	s10 =	sadd.s32 s23, s10;
	s8 =	sshll.u32 s8, $0x4;
	[sflag:s9] =	ssyncset.done @!p1 $0x0  }
0xd4: {  	s12 =	sshrl.u32 s10, $0x3;
	s8 =	sadd.s32 s5, s8;
	[sflag:s9] =	ssyncadd.s32 @!p1 $0xFFFFD800  }
0xd5: {  	[tilespmem:s17], [sflag:$0x4] =	stream.linear.gather [hbm4b:s8+s3], $0x2800, $0x38;
	[tilespmem:$0x1E200] =	vst v63  }
0xd6: {  	s21 =	sadd.s32 s1, s12  }
0xd7: {  	[tilespmem:s18], [sflag:$0x4] =	stream.linear.gather [hbm4b:s21+s3], $0x50, $0x38;
	[tilespmem:$0x1E200] =	vst v63  }
0xd8: {  	_ =	swait.ge [sflag:s19], $0x2800  }
0xd9: {  	[sflag:s19] =	ssyncset.done $0x0  }
0xda: {  	[sflag:s19] =	ssyncadd.s32 $0xFFFFD800  }
0xdb: {  	_ =	swait.ge [sflag:s19], $0x50  }
0xdc: {  	s7 =	simm.s32 @p1 $0x0;
	[sflag:s19] =	ssyncset.done $0x0  }
0xdd: {  	s9 =	sadd.s32 $0x140, s7;
	[sflag:s19] =	ssyncadd.s32 $0xFFFFFFB0  }
0xde: {  	[spmem:s2] =	stream.indirect.scatter.add.f32 [tilespmem:s0], [sflag:$0x5], $0x80, s3, s20, $0xb8;
	[tilespmem:$0x1E200] =	vst v63  }
0xdf: {  	s10 =	sadd.s32 s6, s9;
	_ =	swait.ge [sflag:s24], $0x2800  }
0xe0: {  	s8 =	sadd.s32 s23, s9;
	s9 =	sshll.u32 s10, $0x4;
	[sflag:s24] =	ssyncset.done $0x0  }
0xe1: {  	s8 =	sshrl.u32 s8, $0x3;
	s9 =	sadd.s32 s5, s9;
	[sflag:s24] =	ssyncadd.s32 $0xFFFFD800  }
0xe2: {  	[tilespmem:s0], [sflag:$0x1] =	stream.linear.gather [hbm4b:s9+s3], $0x2800, $0x38;
	[tilespmem:$0x1E200] =	vst v63  }
0xe3: {  	s8 =	sadd.s32 s1, s8  }
0xe4: {  	[tilespmem:s3], [sflag:$0x1] =	stream.linear.gather [hbm4b:s8+s3], $0x50, $0x38;
	[tilespmem:$0x1E200] =	vst v63  }
0xe5: {  	_ =	swait.ge [sflag:s25], $0x2800  }
0xe6: {  	[sflag:s25] =	ssyncset.done $0x0  }
0xe7: {  	[sflag:s25] =	ssyncadd.s32 $0xFFFFD800  }
0xe8: {  	_ =	swait.ge [sflag:s25], $0x50  }
0xe9: {  	[sflag:s25] =	ssyncset.done $0x0  }
0xea: {  	s11 =	sadd.s32 $0x190, s7;
	[sflag:s25] =	ssyncadd.s32 $0xFFFFFFB0  }
0xeb: {  	[spmem:s2] =	stream.indirect.scatter.add.f32 [tilespmem:s13], [sflag:$0x6], $0x80, s14, s20, $0xb8;
	[tilespmem:$0x1E200] =	vst v63  }
0xec: {  	s12 =	sadd.s32 s6, s11;
	_ =	swait.ge [sflag:s26], $0x2800  }
0xed: {  	s9 =	sshll.u32 s12, $0x4;
	s8 =	sadd.s32 s23, s11;
	[sflag:s26] =	ssyncset.done $0x0  }
0xee: {  	s9 =	sadd.s32 s5, s9;
	s8 =	sshrl.u32 s8, $0x3;
	[sflag:s26] =	ssyncadd.s32 $0xFFFFD800  }
0xef: {  	[tilespmem:s13], [sflag:$0x2] =	stream.linear.gather [hbm4b:s9+s3], $0x2800, $0x38;
	[tilespmem:$0x1E200] =	vst v63  }
0xf0: {  	s8 =	sadd.s32 s1, s8  }
0xf1: {  	[tilespmem:s14], [sflag:$0x2] =	stream.linear.gather [hbm4b:s8+s3], $0x50, $0x38;
	[tilespmem:$0x1E200] =	vst v63  }
0xf2: {  	_ =	swait.ge [sflag:s28], $0x2800  }
0xf3: {  	[sflag:s28] =	ssyncset.done $0x0  }
0xf4: {  	[sflag:s28] =	ssyncadd.s32 $0xFFFFD800  }
0xf5: {  	_ =	swait.ge [sflag:s28], $0x50  }
0xf6: {  	[sflag:s28] =	ssyncset.done $0x0  }
0xf7: {  	s7 =	sadd.s32 $0x1E0, s7;
	[sflag:s28] =	ssyncadd.s32 $0xFFFFFFB0  }
0xf8: {  	[spmem:s2] =	stream.indirect.scatter.add.f32 [tilespmem:s15], [sflag:$0x7], $0x80, s16, s20, $0xb8;
	[tilespmem:$0x1E200] =	vst v63  }
0xf9: {  	s21 =	sadd.s32 s6, s7;
	_ =	swait.ge [sflag:s29], $0x2800  }
0xfa: {  	s7 =	sadd.s32 s23, s7;
	s8 =	sshll.u32 s21, $0x4;
	[sflag:s29] =	ssyncset.done $0x0  }
0xfb: {  	s7 =	sshrl.u32 s7, $0x3;
	s8 =	sadd.s32 s5, s8;
	[sflag:s29] =	ssyncadd.s32 $0xFFFFD800  }
0xfc: {  	[tilespmem:s15], [sflag:$0x3] =	stream.linear.gather [hbm4b:s8+s3], $0x2800, $0x38;
	[tilespmem:$0x1E200] =	vst v63  }
0xfd: {  	s7 =	sadd.s32 s1, s7  }
0xfe: {  	[tilespmem:s16], [sflag:$0x3] =	stream.linear.gather [hbm4b:s7+s3], $0x50, $0x38;
	[tilespmem:$0x1E200] =	vst v63  }
0xff: {  	_ =	swait.ge [sflag:s30], $0x2800  }
0x100: {  	[sflag:s30] =	ssyncset.done $0x0  }
0x101: {  	[sflag:s30] =	ssyncadd.s32 $0xFFFFD800  }
0x102: {  	_ =	swait.ge [sflag:s30], $0x50  }
0x103: {  	[sflag:s30] =	ssyncset.done $0x0  }
0x104: {  	s8 =	simm.s32 $0x8;
	[sflag:s30] =	ssyncadd.s32 $0xFFFFFFB0  }
0x105: {  	[spmem:s2] =	stream.indirect.scatter.add.f32 [tilespmem:s17], [sflag:$0x8], $0x80, s18, s20, $0xb8;
	[tilespmem:$0x1E200] =	vst v63  }
0x106: {  	_ =	swait.ge [sflag:s8], $0x2800  }
0x107: {  	[sflag:s8] =	ssyncset.done $0x0  }
0x108: {  	[sflag:s8] =	ssyncadd.s32 $0xFFFFD800  }
0x109: {  	_ =	swait.ge [sflag:s19], $0x2800  }
0x10a: {  	[sflag:s19] =	ssyncset.done $0x0  }
0x10b: {  	[sflag:s19] =	ssyncadd.s32 $0xFFFFD800  }
0x10c: {  	_ =	swait.ge [sflag:s19], $0x50  }
0x10d: {  	[sflag:s19] =	ssyncset.done $0x0  }
0x10e: {  	[sflag:s19] =	ssyncadd.s32 $0xFFFFFFB0  }
0x10f: {  	[spmem:s2] =	stream.indirect.scatter.add.f32 [tilespmem:s0], [sflag:$0x5], $0x80, s3, s20, $0xb8;
	[tilespmem:$0x1E200] =	vst v63  }
0x110: {  	_ =	swait.ge [sflag:s24], $0x2800  }
0x111: {  	[sflag:s24] =	ssyncset.done $0x0  }
0x112: {  	[sflag:s24] =	ssyncadd.s32 $0xFFFFD800  }
0x113: {  	_ =	swait.ge [sflag:s25], $0x2800  }
0x114: {  	[sflag:s25] =	ssyncset.done $0x0  }
0x115: {  	[sflag:s25] =	ssyncadd.s32 $0xFFFFD800  }
0x116: {  	_ =	swait.ge [sflag:s25], $0x50  }
0x117: {  	[sflag:s25] =	ssyncset.done $0x0  }
0x118: {  	[sflag:s25] =	ssyncadd.s32 $0xFFFFFFB0  }
0x119: {  	[spmem:s2] =	stream.indirect.scatter.add.f32 [tilespmem:s13], [sflag:$0x6], $0x80, s14, s20, $0xb8;
	[tilespmem:$0x1E200] =	vst v63  }
0x11a: {  	_ =	swait.ge [sflag:s26], $0x2800  }
0x11b: {  	[sflag:s26] =	ssyncset.done $0x0  }
0x11c: {  	[sflag:s26] =	ssyncadd.s32 $0xFFFFD800  }
0x11d: {  	_ =	swait.ge [sflag:s28], $0x2800  }
0x11e: {  	[sflag:s28] =	ssyncset.done $0x0  }
0x11f: {  	[sflag:s28] =	ssyncadd.s32 $0xFFFFD800  }
0x120: {  	_ =	swait.ge [sflag:s28], $0x50  }
0x121: {  	[sflag:s28] =	ssyncset.done $0x0  }
0x122: {  	[sflag:s28] =	ssyncadd.s32 $0xFFFFFFB0  }
0x123: {  	[spmem:s2] =	stream.indirect.scatter.add.f32 [tilespmem:s15], [sflag:$0x7], $0x80, s16, s20, $0xb8;
	[tilespmem:$0x1E200] =	vst v63  }
0x124: {  	_ =	swait.ge [sflag:s29], $0x2800  }
0x125: {  	[sflag:s29] =	ssyncset.done $0x0  }
0x126: {  	s9 =	stileid.u32;
	[sflag:s29] =	ssyncadd.s32 $0xFFFFD800  }
0x127: {  	s7 =	sshll.u32 s9, $0x6;
	[bflag:$0x0] =	sbarrier.arrive $0xFFFF  }
0x128: {  	s10 =	sshrl.u32 s22, $0x3;
	s7 =	sor.u32 $0x1C09, s7;
	s11 =	rddreg [dreg:$0x9]  }
0x129: {  	[hbm:s11], [sflag:s7] =	dma.local [spmem:s10], $0x500  }
0x12a: {  	_ =	swait.ge [sflag:s4], $0x500  }
0x12b: {  	s21 =	smov.u32 s22;
	[sflag:s4] =	ssyncset.done $0x0;
	s12 =	rddreg [dreg:$0x4]  }
0x12c: {  	s22 =	rddreg [dreg:$0xa];
	[sflag:s4] =	ssyncadd.s32 $0xFFFFFB00;
	s8 =	sshrl.u32 s12, $0x3  }
0x12d: {  	[hbm:s22], [sflag:s7] =	dma.local [spmem:s8], $0x500  }
0x12e: {  	_ =	swait.ge [sflag:s4], $0x500  }
0x12f: {  	[sflag:s4] =	ssyncset.done $0x0;
	s10 =	rddreg [dreg:$0x5]  }
0x130: {  	s11 =	rddreg [dreg:$0xb];
	[sflag:s4] =	ssyncadd.s32 $0xFFFFFB00;
	s8 =	sshrl.u32 s10, $0x3  }
0x131: {  	[hbm:s11], [sflag:s7] =	dma.local [spmem:s8], $0x500  }
0x132: {  	_ =	swait.ge [sflag:s4], $0x500  }
0x133: {  	[sflag:s4] =	ssyncset.done $0x0;
	s11 =	rddreg [dreg:$0x6]  }
0x134: {  	s22 =	rddreg [dreg:$0xc];
	[sflag:s4] =	ssyncadd.s32 $0xFFFFFB00;
	s12 =	sshrl.u32 s11, $0x3  }
0x135: {  	[hbm:s22], [sflag:s7] =	dma.local [spmem:s12], $0x500  }
0x136: {  	_ =	swait.ge [sflag:s4], $0x500  }
0x137: {  	[sflag:s4] =	ssyncset.done $0x0;
	s12 =	rddreg [dreg:$0x7]  }
0x138: {  	s22 =	rddreg [dreg:$0xd];
	[sflag:s4] =	ssyncadd.s32 $0xFFFFFB00;
	s10 =	sshrl.u32 s12, $0x3  }
0x139: {  	[hbm:s22], [sflag:s7] =	dma.local [spmem:s10], $0x500  }
0x13a: {  	_ =	swait.ge [sflag:s4], $0x500  }
0x13b: {  	[sflag:s4] =	ssyncset.done $0x0;
	s10 =	rddreg [dreg:$0x8]  }
0x13c: {  	s22 =	rddreg [dreg:$0xe];
	[sflag:s4] =	ssyncadd.s32 $0xFFFFFB00;
	s8 =	sshrl.u32 s10, $0x3  }
0x13d: {  	[hbm:s22], [sflag:s7] =	dma.local [spmem:s8], $0x500  }
0x13e: {  	_ =	swait.ge [sflag:s4], $0x500  }
0x13f: {  	[sflag:s4] =	ssyncset.done $0x0;
	s10 =	rddreg [dreg:$0x11]  }
0x140: {  	s22 =	rddreg [dreg:$0xf];
	[sflag:s4] =	ssyncadd.s32 $0xFFFFFB00;
	s9 =	sshrl.u32 s10, $0x3  }
0x141: {  	[hbm:s22], [sflag:s7] =	dma.local [spmem:s9], $0x500  }
0x142: {  	_ =	swait.ge [sflag:s4], $0x500  }
0x143: {  	[sflag:s4] =	ssyncset.done $0x0;
	s9 =	rddreg [dreg:$0x12]  }
0x144: {  	s22 =	rddreg [dreg:$0x10];
	[sflag:s4] =	ssyncadd.s32 $0xFFFFFB00;
	s8 =	sshrl.u32 s9, $0x3  }
0x145: {  	[hbm:s22], [sflag:s7] =	dma.local [spmem:s8], $0x500  }
0x146: {  	_ =	swait.ge [sflag:s4], $0x500  }
0x147: {  	s31 =	sadd.s32 $0x1, s31;
	s22 =	rddreg [dreg:$0x19]  }
0x148: {  	p0 =	sne.s32 s31, s22  }
.Ltmp2:
0x149: {  	_ = 	snop;
	(pc) =	sbr.rel @p0 .LBB2_1-.Ltmp2, $3  }
0x14a: {  	_ =	sdelay $0x1  }
0x14b: {  	[sflag:s4] =	ssyncset.done $0x0  }
0x14c: {  	[sflag:s4] =	ssyncadd.s32 $0xFFFFFB00  }
0x14d: {  	_ =	sfence.sel $0x180000  }
0x14e: {  	[bflag:$0x0] =	sbarrier.arrive $0xFFFF  }
0x14f: {  	_ =	strace $0x90000050  }
0x150: {  	s0 =	stileid.u32;
	[bflag:$0x2] =	sbarrier.arrive $0xFFFF  }
0x151: {  	p0 =	sne.s32 s0, $0x0;
	s0 =	rddreg [dreg:$0x3]  }
0x152: {  	s0 =	sadd.s32 @!p0 $0x100000, s0  }
0x153: {  	[sflag:s0] =	ssyncadd.tile.s32 @!p0 $0x1;
	_ =	shalt  }
.Lfunc_end2:
_tile_overlayer_lowered:
.L_overlay_start_2:
0x154: {  	(tag) =	ssettag $0x2  }
0x155: {  	s0 =	rddreg [dreg:$0x0];
	s2 =	stileid.u32  }
0x156: {  	s1 =	rddreg [dreg:$0x1];
	p0 =	sne.s32 s2, $0x0  }
0x157: {  	s3 =	rddreg [dreg:$0x2];
	[bflag:$0x3] =	sbarrier.arrive $0xFFFF;
	s2 =	simm.s32 @!p0 $0x1C09  }
0x158: {  	[timem:s3], [sflag:s2] =	dma.local @!p0 [hbm:s0], s1  }
0x159: {  	s0 =	simm.s32 @!p0 $0x9  }
0x15a: {  	_ =	swait.ge @!p0 [sflag:s0], s1  }
0x15b: {  	s1 =	ssub.s32 @!p0 $0x0, s1;
	[sflag:s0] =	ssyncset.done @!p0 $0x0  }
0x15c: {  	[sflag:s0] =	ssyncadd.s32 @!p0 s1  }
0x15d: {  	[bflag:$0x3] =	sbarrier.arrive $0xFFFF  }
0x15e: {  	_ =	shalt  }

</sc_bundles>
